<compile_context>
chip_gen: v7x
topology: tpu7x:2x2x1
jax: 0.10.2.dev20260603
libtpu: 0.0.44.dev20260713+nightly
codegen_flags: <defaults>
</compile_context>

<pallas_src>
import functools

import jax
import jax.numpy as jnp
from jax import lax
from jax.experimental import pallas as pl
from jax.experimental.pallas import tpu as pltpu
from jax.experimental.pallas import tpu_sc as plsc

N = 10000
E = 320000
D = 128
DH = D // 2
NPAD = 10112
PADIDX = N
NC, NS = 2, 16
EPT = E // NS
K = 128
NCH = 160
NCHH = NCH // 2
NBUF = 4
RPT = NPAD // NS
ZR = N
ZRPT = ZR // NS
IB = 2
NBLK = NCH // IB
HBF = 6

_mesh = plsc.VectorSubcoreMesh(core_axis_name="c", subcore_axis_name="s",
                               num_cores=NC, num_subcores=NS)


@functools.partial(
    pl.kernel,
    out_type=(jax.ShapeDtypeStruct((NC, NPAD, 16), jnp.float32),
              jax.ShapeDtypeStruct((NC, NPAD, 16), jnp.float32)),
    mesh=_mesh,
    compiler_params=pltpu.CompilerParams(use_tc_tiling_on_sc=False),
    scratch_types=[
        pltpu.VMEM((NCHH, K), jnp.int32),
        pltpu.VMEM((NCHH, K), jnp.int32),
        pltpu.VMEM((K, 16), jnp.float32),
        pltpu.VMEM_SHARED((NPAD, 16), jnp.float32),
        pltpu.VMEM_SHARED((NPAD, 16), jnp.float32),
        pltpu.SemaphoreType.DMA,
    ],
)
def _sc_degrees(srcp_h, dstp_h, z16_h, osrc_h, odst_h,
                sidx, didx, ones_v, accs, accd, sem):
    c = lax.axis_index("c")
    s = lax.axis_index("s")
    ch0 = c * NCHH
    pltpu.async_copy(srcp_h.at[s, pl.ds(ch0, NCHH)], sidx, sem).wait()
    pltpu.async_copy(dstp_h.at[s, pl.ds(ch0, NCHH)], didx, sem).wait()

    @pl.loop(0, K)
    def _(r):
        ones_v[r] = jnp.full((16,), 1.0, jnp.float32)

    rs = s * RPT
    h0 = pltpu.async_copy(z16_h.at[pl.ds(rs, RPT)], accs.at[pl.ds(rs, RPT)],
                          sem)
    h1 = pltpu.async_copy(z16_h.at[pl.ds(rs, RPT)], accd.at[pl.ds(rs, RPT)],
                          sem)
    h0.wait()
    h1.wait()
    plsc.subcore_barrier()

    @pl.loop(0, NCHH, step=NBUF)
    def _(j0):
        hs = []
        for b in range(NBUF):
            hs.append(pltpu.async_copy(ones_v, accs.at[sidx.at[j0 + b]],
                                       sem, add=True))
            hs.append(pltpu.async_copy(ones_v, accd.at[didx.at[j0 + b]],
                                       sem, add=True))
        for h in hs:
            h.wait()

    plsc.subcore_barrier()
    pltpu.sync_copy(accs.at[pl.ds(rs, RPT)], osrc_h.at[c, pl.ds(rs, RPT)])
    pltpu.sync_copy(accd.at[pl.ds(rs, RPT)], odst_h.at[c, pl.ds(rs, RPT)])


@functools.partial(
    pl.kernel,
    out_type=jax.ShapeDtypeStruct((NC, NPAD, DH), jnp.float32),
    mesh=_mesh,
    compiler_params=pltpu.CompilerParams(use_tc_tiling_on_sc=False),
    scratch_types=[
        pltpu.VMEM((4, IB, K), jnp.int32),
        pltpu.VMEM((4, IB, K), jnp.int32),
        pltpu.VMEM((2 * IB, K, DH), jnp.float32),
        pltpu.VMEM_SHARED((ZR, DH), jnp.float32),
        pltpu.VMEM_SHARED((NPAD, DH), jnp.float32),
        pltpu.SemaphoreType.DMA,
        pltpu.SemaphoreType.DMA,
        pltpu.SemaphoreType.DMA,
    ],
)
def _sc_aggregate(z_h, srcp_h, dstp_h, z64_h, out_h,
                  sidx, didx, rows, ztab, acc, gsem, ssem, isem):
    c = lax.axis_index("c")
    s = lax.axis_index("s")
    rs = s * RPT
    zs = s * ZRPT
    h0 = pltpu.async_copy(z64_h.at[pl.ds(rs, RPT)], acc.at[pl.ds(rs, RPT)],
                          gsem)
    h1 = pltpu.async_copy(z_h.at[c, pl.ds(zs, ZRPT)],
                          ztab.at[pl.ds(zs, ZRPT)], gsem)
    h0.wait()
    h1.wait()
    for t in range(2):
        pltpu.async_copy(srcp_h.at[s, pl.ds(t * IB, IB)], sidx.at[t], isem)
        pltpu.async_copy(dstp_h.at[s, pl.ds(t * IB, IB)], didx.at[t], isem)
    plsc.subcore_barrier()

    @pl.loop(0, NBLK, step=4)
    def _(t0):
        for q in range(4):
            t = t0 + q
            rbase = (q % 2) * IB

            @pl.when(t >= 2)
            def _():
                for i in range(IB):
                    pltpu.make_async_copy(rows.at[rbase + i],
                                          acc.at[didx.at[q, i]], ssem).wait()

            @pl.when(t + 2 < NBLK)
            def _():
                pltpu.async_copy(srcp_h.at[s, pl.ds((t + 2) * IB, IB)],
                                 sidx.at[(q + 2) % 4], isem)
                pltpu.async_copy(dstp_h.at[s, pl.ds((t + 2) * IB, IB)],
                                 didx.at[(q + 2) % 4], isem)

            pltpu.make_async_copy(srcp_h.at[s, pl.ds(t * IB, IB)],
                                  sidx.at[q], isem).wait()
            pltpu.make_async_copy(dstp_h.at[s, pl.ds(t * IB, IB)],
                                  didx.at[q], isem).wait()

            gs = [pltpu.async_copy(ztab.at[sidx.at[q, i]], rows.at[rbase + i],
                                   gsem) for i in range(IB)]
            for i in range(IB):
                gs[i].wait()
                pltpu.async_copy(rows.at[rbase + i], acc.at[didx.at[q, i]],
                                 ssem, add=True)

    for _t in range(2):
        for i in range(IB):
            pltpu.make_async_copy(rows.at[i], acc.at[didx.at[0, i]],
                                  ssem).wait()

    plsc.subcore_barrier()
    pltpu.sync_copy(acc.at[pl.ds(rs, RPT)], out_h.at[c, pl.ds(rs, RPT)])


def _matmul(a, w):
    return lax.dot_general(a, w, (((1,), (0,)), ((), ())),
                           precision=lax.Precision.HIGHEST,
                           preferred_element_type=jnp.float32)


def _norms(deg):
    return jnp.where(deg > 0, lax.rsqrt(jnp.maximum(deg, 1.0)), 0.0)


def _elu(v):
    return jnp.where(v > 0, v, jnp.exp(v) - 1.0)


NB = 8
BR = NPAD // NB


def _split_cols(z):
    return jnp.stack([z[:, :DH], z[:, DH:]], axis=0)


PSPREAD = 96
PADC = NS * (NCH * K - EPT) // PSPREAD


def _tc_mm(x_ref, w1_ref, zu_ref):
    zu_ref[...] = _matmul(x_ref[...], w1_ref[...])


def _tc_pre(zu_ref, dsp_ref, ddp_ref, z_ref, ns_ref, nd_ref):
    parts = dsp_ref[...]
    ds_ = parts[0] + parts[1]
    rowid = lax.broadcasted_iota(jnp.int32, ds_.shape, 0)
    corr = jnp.where((rowid < PSPREAD) & (pl.program_id(0) == 0),
                     jnp.float32(PADC), 0.0)
    ns = _norms(ds_ - corr)
    ddp = ddp_ref[...]
    nd = _norms(ddp[0] + ddp[1])
    ns_ref[...] = ns
    nd_ref[...] = nd
    z = zu_ref[...] * ns[:, 0:1]
    z_ref[...] = _split_cols(z)


def _tc_mid(agg_ref, ns_ref, nd_ref, b1_ref, w2_ref, z2_ref):
    aggsum = jnp.concatenate([agg_ref[0], agg_ref[1]], axis=1)
    v = aggsum * nd_ref[:, 0:1] + b1_ref[...]
    h = _elu(v)
    z2 = _matmul(h, w2_ref[...]) * ns_ref[:, 0:1]
    z2_ref[...] = _split_cols(z2)


def _tc_post(agg_ref, nd_ref, b2_ref, out_ref):
    aggsum = jnp.concatenate([agg_ref[0], agg_ref[1]], axis=1)
    v = aggsum * nd_ref[:, 0:1] + b2_ref[...]
    out_ref[...] = _elu(v)


_row_spec = pl.BlockSpec((BR, D), lambda i: (i, 0))
_deg_spec = pl.BlockSpec((NC, BR, 16), lambda i: (0, i, 0))
_half_spec = pl.BlockSpec((NC, BR, DH), lambda i: (0, i, 0))
_n16_spec = pl.BlockSpec((BR, 16), lambda i: (i, 0))
_w_spec = pl.BlockSpec((D, D), lambda i: (0, 0))
_b_spec = pl.BlockSpec((1, D), lambda i: (0, 0))

_mm_call = pl.pallas_call(
    _tc_mm,
    grid=(NB,),
    in_specs=[_row_spec, _w_spec],
    out_specs=_row_spec,
    out_shape=jax.ShapeDtypeStruct((NPAD, D), jnp.float32))

_pre_call = pl.pallas_call(
    _tc_pre,
    grid=(NB,),
    in_specs=[_row_spec, _deg_spec, _deg_spec],
    out_specs=(_half_spec, _n16_spec, _n16_spec),
    out_shape=(jax.ShapeDtypeStruct((NC, NPAD, DH), jnp.float32),
               jax.ShapeDtypeStruct((NPAD, 16), jnp.float32),
               jax.ShapeDtypeStruct((NPAD, 16), jnp.float32)))

_mid_call = pl.pallas_call(
    _tc_mid,
    grid=(NB,),
    in_specs=[_half_spec, _n16_spec, _n16_spec, _b_spec, _w_spec],
    out_specs=_half_spec,
    out_shape=jax.ShapeDtypeStruct((NC, NPAD, DH), jnp.float32))

_post_call = pl.pallas_call(
    _tc_post,
    grid=(NB,),
    in_specs=[_half_spec, _n16_spec, _b_spec],
    out_specs=_row_spec,
    out_shape=jax.ShapeDtypeStruct((NPAD, D), jnp.float32))


def kernel(graph, features, W1, b1, W2, b2):
    src = graph[0].astype(jnp.int32)
    dst = graph[1].astype(jnp.int32)
    npad_e = NCH * K - EPT
    pads = jnp.tile(jnp.arange(npad_e, dtype=jnp.int32) % PSPREAD, (NS, 1))
    padd = PADIDX + jnp.tile(jnp.arange(npad_e, dtype=jnp.int32)
                             % (NPAD - N), (NS, 1))
    srcp = jnp.concatenate([src.reshape(NS, EPT), pads], axis=1)
    srcp = srcp.reshape(NS, NCH, K)
    dstp = jnp.concatenate([dst.reshape(NS, EPT), padd], axis=1)
    dstp = dstp.reshape(NS, NCH, K)
    zeros16 = jnp.zeros((NPAD, 16), jnp.float32)
    zeros64 = jnp.zeros((NPAD, DH), jnp.float32)
    xpad = jnp.concatenate(
        [features, jnp.zeros((NPAD - N, D), jnp.float32)], axis=0)

    dsrc_p, ddst_p = _sc_degrees(srcp, dstp, zeros16)
    zu = _mm_call(xpad, W1)
    z1, ns, nd = _pre_call(zu, dsrc_p, ddst_p)
    agg1 = _sc_aggregate(z1, srcp, dstp, zeros64)
    z2 = _mid_call(agg1, ns, nd, b1.reshape(1, D), W2)
    agg2 = _sc_aggregate(z2, srcp, dstp, zeros64)
    return _post_call(agg2, nd, b2.reshape(1, D))[:N]

# --- scband reference (transcript-rebuilt; emitter-appended) ---
"""Pipeline reference for scband-gnnmodel-dgl-41824391528457 (READ-ONLY COPY).

The authoritative reference and input builder live on the scoring server;
editing this copy changes nothing except your own understanding.
"""

import jax, jax.numpy as jnp
import numpy as np

N_NODES = 10000
N_EDGES = 320000
D_IN = 128
D_HID = 128
D_OUT = 128


def setup_inputs(seed: int = 0) -> dict:
    key = jax.random.key(seed)
    k1, k2, k3, k4, k5, k6 = jax.random.split(key, 6)
    features = jax.random.normal(k1, (N_NODES, D_IN), dtype=jnp.float32)
    graph = jax.random.randint(k2, (2, N_EDGES), 0, N_NODES)
    s1 = 1.0 / np.sqrt(D_IN)
    s2 = 1.0 / np.sqrt(D_HID)
    W1 = jax.random.normal(k3, (D_IN, D_HID), dtype=jnp.float32) * s1
    b1 = jnp.zeros((D_HID,), dtype=jnp.float32)
    W2 = jax.random.normal(k4, (D_HID, D_OUT), dtype=jnp.float32) * s2
    b2 = jnp.zeros((D_OUT,), dtype=jnp.float32)
    return {"graph": graph, "features": features, "W1": W1, "b1": b1, "W2": W2, "b2": b2}


def _gcn_layer(x, src, dst, W, b, n):
    # DGL GraphConv with norm='both': D_out^{-1/2} on source, sum-aggregate, D_in^{-1/2} on dest, then linear.
    ones = jnp.ones(src.shape[0], dtype=x.dtype)
    deg_out = jax.ops.segment_sum(ones, src, num_segments=n)
    deg_in = jax.ops.segment_sum(ones, dst, num_segments=n)
    norm_src = jnp.where(deg_out > 0, jax.lax.rsqrt(jnp.maximum(deg_out, 1.0)), 0.0)
    norm_dst = jnp.where(deg_in > 0, jax.lax.rsqrt(jnp.maximum(deg_in, 1.0)), 0.0)
    h = x * norm_src[:, None]
    msg = jnp.take(h, src, axis=0)
    agg = jax.ops.segment_sum(msg, dst, num_segments=n)
    agg = agg * norm_dst[:, None]
    return agg @ W + b


def reference(graph, features, W1, b1, W2, b2):
    src = graph[0]
    dst = graph[1]
    # dropout p=0.0 -> identity
    h = _gcn_layer(features, src, dst, W1, b1, N_NODES)
    h = jax.nn.elu(h)
    h = _gcn_layer(h, src, dst, W2, b2, N_NODES)
    logits = jax.nn.elu(h)
    return logits

if __name__ == "__main__":
    import jax
    _d = setup_inputs()
    print(jax.jit(kernel)(*tuple(_d.values())))

</pallas_src>

<mosaic_0001>
#map = affine_map<(d0, d1) -> (0, 0, 0)>
#map1 = affine_map<(d0, d1) -> (0, 0)>
module attributes {stable_mosaic.version = 14 : i64} {
  func.func @_sc_degrees(%arg0: i32, %arg1: i32, %arg2: memref<16x160x128xi32, #tpu.memory_space<hbm>>, %arg3: memref<16x160x128xi32, #tpu.memory_space<hbm>>, %arg4: memref<10112x16xf32, #tpu.memory_space<hbm>>, %arg5: memref<2x10112x16xf32, #tpu.memory_space<hbm>>, %arg6: memref<2x10112x16xf32, #tpu.memory_space<hbm>>, %arg7: memref<80x128xi32, #tpu.memory_space<vmem>>, %arg8: memref<80x128xi32, #tpu.memory_space<vmem>>, %arg9: memref<128x16xf32, #tpu.memory_space<vmem>>, %arg10: memref<10112x16xf32, #tpu.memory_space<vmem_shared>>, %arg11: memref<10112x16xf32, #tpu.memory_space<vmem_shared>>, %arg12: memref<!tpu.dma_semaphore, #tpu.memory_space<semaphore_mem>>) attributes {dimension_semantics = [#tpu.dimension_semantics<core_parallel>, #tpu.dimension_semantics<subcore_parallel>], iteration_bounds = array<i64: 2, 16>, scalar_prefetch = 0 : i64, scratch_operands = 6 : i64, tpu.core_type = #tpu.core_type<sc_vector_subcore>, window_params = [{transform_indices = #map}, {transform_indices = #map}, {transform_indices = #map1}, {transform_indices = #map}, {transform_indices = #map}]} {
    %mul3A = arith.constant 80 : i32
    %mul3A_0 = arith.muli %arg0, %mul3A : i32
    %dma_start3A = arith.constant 0 : i32
    %dma_start3A_1 = tpu.memref_slice %arg2[%arg1, %mul3A_0, %dma_start3A] : memref<16x160x128xi32, #tpu.memory_space<hbm>> -> memref<1x80x128xi32, #tpu.memory_space<hbm>>
    %dma_start3A_2 = tpu.memref_squeeze %dma_start3A_1 : memref<1x80x128xi32, #tpu.memory_space<hbm>> -> memref<80x128xi32, #tpu.memory_space<hbm>>
    %dma_start3A_3 = arith.constant 0 : i32
    %dma_start3A_4 = tpu.memref_slice %arg2[%arg1, %mul3A_0, %dma_start3A_3] : memref<16x160x128xi32, #tpu.memory_space<hbm>> -> memref<1x80x128xi32, #tpu.memory_space<hbm>>
    %dma_start3A_5 = tpu.memref_squeeze %dma_start3A_4 : memref<1x80x128xi32, #tpu.memory_space<hbm>> -> memref<80x128xi32, #tpu.memory_space<hbm>>
    tpu.enqueue_dma source(%dma_start3A_5 : memref<80x128xi32, #tpu.memory_space<hbm>>) target(%arg7 : memref<80x128xi32, #tpu.memory_space<vmem>>) target_semaphore(%arg12 : memref<!tpu.dma_semaphore, #tpu.memory_space<semaphore_mem>>)
    %dma_wait3A = arith.constant 0 : i32
    %dma_wait3A_6 = tpu.memref_slice %arg2[%arg1, %mul3A_0, %dma_wait3A] : memref<16x160x128xi32, #tpu.memory_space<hbm>> -> memref<1x80x128xi32, #tpu.memory_space<hbm>>
    %dma_wait3A_7 = tpu.memref_squeeze %dma_wait3A_6 : memref<1x80x128xi32, #tpu.memory_space<hbm>> -> memref<80x128xi32, #tpu.memory_space<hbm>>
    %dma_wait3A_8 = arith.constant 0 : i32
    %dma_wait3A_9 = tpu.memref_slice %arg2[%arg1, %mul3A_0, %dma_wait3A_8] : memref<16x160x128xi32, #tpu.memory_space<hbm>> -> memref<1x80x128xi32, #tpu.memory_space<hbm>>
    %dma_wait3A_10 = tpu.memref_squeeze %dma_wait3A_9 : memref<1x80x128xi32, #tpu.memory_space<hbm>> -> memref<80x128xi32, #tpu.memory_space<hbm>>
    tpu.wait_dma2 semaphore(%arg12 : memref<!tpu.dma_semaphore, #tpu.memory_space<semaphore_mem>>) src(%dma_wait3A_10 : memref<80x128xi32, #tpu.memory_space<hbm>>) dst(%arg7 : memref<80x128xi32, #tpu.memory_space<vmem>>)
    %dma_start3A_11 = arith.constant 0 : i32
    %dma_start3A_12 = tpu.memref_slice %arg3[%arg1, %mul3A_0, %dma_start3A_11] : memref<16x160x128xi32, #tpu.memory_space<hbm>> -> memref<1x80x128xi32, #tpu.memory_space<hbm>>
    %dma_start3A_13 = tpu.memref_squeeze %dma_start3A_12 : memref<1x80x128xi32, #tpu.memory_space<hbm>> -> memref<80x128xi32, #tpu.memory_space<hbm>>
    %dma_start3A_14 = arith.constant 0 : i32
    %dma_start3A_15 = tpu.memref_slice %arg3[%arg1, %mul3A_0, %dma_start3A_14] : memref<16x160x128xi32, #tpu.memory_space<hbm>> -> memref<1x80x128xi32, #tpu.memory_space<hbm>>
    %dma_start3A_16 = tpu.memref_squeeze %dma_start3A_15 : memref<1x80x128xi32, #tpu.memory_space<hbm>> -> memref<80x128xi32, #tpu.memory_space<hbm>>
    tpu.enqueue_dma source(%dma_start3A_16 : memref<80x128xi32, #tpu.memory_space<hbm>>) target(%arg8 : memref<80x128xi32, #tpu.memory_space<vmem>>) target_semaphore(%arg12 : memref<!tpu.dma_semaphore, #tpu.memory_space<semaphore_mem>>)
    %dma_wait3A_17 = arith.constant 0 : i32
    %dma_wait3A_18 = tpu.memref_slice %arg3[%arg1, %mul3A_0, %dma_wait3A_17] : memref<16x160x128xi32, #tpu.memory_space<hbm>> -> memref<1x80x128xi32, #tpu.memory_space<hbm>>
    %dma_wait3A_19 = tpu.memref_squeeze %dma_wait3A_18 : memref<1x80x128xi32, #tpu.memory_space<hbm>> -> memref<80x128xi32, #tpu.memory_space<hbm>>
    %dma_wait3A_20 = arith.constant 0 : i32
    %dma_wait3A_21 = tpu.memref_slice %arg3[%arg1, %mul3A_0, %dma_wait3A_20] : memref<16x160x128xi32, #tpu.memory_space<hbm>> -> memref<1x80x128xi32, #tpu.memory_space<hbm>>
    %dma_wait3A_22 = tpu.memref_squeeze %dma_wait3A_21 : memref<1x80x128xi32, #tpu.memory_space<hbm>> -> memref<80x128xi32, #tpu.memory_space<hbm>>
    tpu.wait_dma2 semaphore(%arg12 : memref<!tpu.dma_semaphore, #tpu.memory_space<semaphore_mem>>) src(%dma_wait3A_22 : memref<80x128xi32, #tpu.memory_space<hbm>>) dst(%arg8 : memref<80x128xi32, #tpu.memory_space<vmem>>)
    %scan3A = arith.constant 0 : i32
    %scan3A_23 = arith.constant 128 : i32
    %scan3A_24 = arith.addi %scan3A, %scan3A_23 : i32
    %scan3A_25 = arith.constant 1 : i32
    scf.for %scan3A_51 = %scan3A to %scan3A_24 step %scan3A_25  : i32 {
      %mul3A_52 = arith.constant 1 : i32
      %mul3A_53 = arith.muli %scan3A_51, %mul3A_52 : i32
      %add3A = arith.constant 0 : i32
      %add3A_54 = arith.addi %add3A, %mul3A_53 : i32
      %broadcast_in_dim3A = arith.constant 1.000000e+00 : f32
      %broadcast_in_dim3A_55 = vector.broadcast %broadcast_in_dim3A : f32 to vector<16xf32>
      %swap3A = arith.index_cast %add3A_54 : i32 to index
      %swap3A_56 = arith.constant 0 : index
      %swap3A_57 = tpu.vector_load %arg9[%swap3A, %swap3A_56] {strides = array<i32>} : memref<128x16xf32, #tpu.memory_space<vmem>>, vector<1x16xf32>,
      %swap3A_58 = vector.shape_cast %swap3A_57 : vector<1x16xf32> to vector<16xf32>
      %swap3A_59 = vector.shape_cast %broadcast_in_dim3A_55 : vector<16xf32> to vector<1x16xf32>
      tpu.vector_store %arg9[%swap3A, %swap3A_56], %swap3A_59 {strides = array<i32>} : memref<128x16xf32, #tpu.memory_space<vmem>>, vector<1x16xf32>,
    }
    %scan3A_26 = arith.constant 128 : i32
    %mul3A_27 = arith.constant 632 : i32
    %mul3A_28 = arith.muli %arg1, %mul3A_27 : i32
    %dma_start3A_29 = arith.constant 0 : i32
    %dma_start3A_30 = tpu.memref_slice %arg10[%mul3A_28, %dma_start3A_29] : memref<10112x16xf32, #tpu.memory_space<vmem_shared>> -> memref<632x16xf32, #tpu.memory_space<vmem_shared>>
    %dma_start3A_31 = arith.constant 0 : i32
    %dma_start3A_32 = tpu.memref_slice %arg4[%mul3A_28, %dma_start3A_31] : memref<10112x16xf32, #tpu.memory_space<hbm>> -> memref<632x16xf32, #tpu.memory_space<hbm>>
    tpu.enqueue_dma source(%dma_start3A_32 : memref<632x16xf32, #tpu.memory_space<hbm>>) target(%dma_start3A_30 : memref<632x16xf32, #tpu.memory_space<vmem_shared>>) target_semaphore(%arg12 : memref<!tpu.dma_semaphore, #tpu.memory_space<semaphore_mem>>)
    %dma_start3A_33 = arith.constant 0 : i32
    %dma_start3A_34 = tpu.memref_slice %arg11[%mul3A_28, %dma_start3A_33] : memref<10112x16xf32, #tpu.memory_space<vmem_shared>> -> memref<632x16xf32, #tpu.memory_space<vmem_shared>>
    %dma_start3A_35 = arith.constant 0 : i32
    %dma_start3A_36 = tpu.memref_slice %arg4[%mul3A_28, %dma_start3A_35] : memref<10112x16xf32, #tpu.memory_space<hbm>> -> memref<632x16xf32, #tpu.memory_space<hbm>>
    tpu.enqueue_dma source(%dma_start3A_36 : memref<632x16xf32, #tpu.memory_space<hbm>>) target(%dma_start3A_34 : memref<632x16xf32, #tpu.memory_space<vmem_shared>>) target_semaphore(%arg12 : memref<!tpu.dma_semaphore, #tpu.memory_space<semaphore_mem>>)
    %dma_wait3A_37 = arith.constant 0 : i32
    %dma_wait3A_38 = tpu.memref_slice %arg10[%mul3A_28, %dma_wait3A_37] : memref<10112x16xf32, #tpu.memory_space<vmem_shared>> -> memref<632x16xf32, #tpu.memory_space<vmem_shared>>
    %dma_wait3A_39 = arith.constant 0 : i32
    %dma_wait3A_40 = tpu.memref_slice %arg4[%mul3A_28, %dma_wait3A_39] : memref<10112x16xf32, #tpu.memory_space<hbm>> -> memref<632x16xf32, #tpu.memory_space<hbm>>
    tpu.wait_dma2 semaphore(%arg12 : memref<!tpu.dma_semaphore, #tpu.memory_space<semaphore_mem>>) src(%dma_wait3A_40 : memref<632x16xf32, #tpu.memory_space<hbm>>) dst(%dma_wait3A_38 : memref<632x16xf32, #tpu.memory_space<vmem_shared>>)
    %dma_wait3A_41 = arith.constant 0 : i32
    %dma_wait3A_42 = tpu.memref_slice %arg11[%mul3A_28, %dma_wait3A_41] : memref<10112x16xf32, #tpu.memory_space<vmem_shared>> -> memref<632x16xf32, #tpu.memory_space<vmem_shared>>
    %dma_wait3A_43 = arith.constant 0 : i32
    %dma_wait3A_44 = tpu.memref_slice %arg4[%mul3A_28, %dma_wait3A_43] : memref<10112x16xf32, #tpu.memory_space<hbm>> -> memref<632x16xf32, #tpu.memory_space<hbm>>
    tpu.wait_dma2 semaphore(%arg12 : memref<!tpu.dma_semaphore, #tpu.memory_space<semaphore_mem>>) src(%dma_wait3A_44 : memref<632x16xf32, #tpu.memory_space<hbm>>) dst(%dma_wait3A_42 : memref<632x16xf32, #tpu.memory_space<vmem_shared>>)
    %barrier3A = arith.constant 0 : index
    tpu.barrier barrier_id(%barrier3A)
    %scan3A_45 = arith.constant 0 : i32
    %scan3A_46 = arith.constant 20 : i32
    %scan3A_47 = arith.addi %scan3A_45, %scan3A_46 : i32
    %scan3A_48 = arith.constant 1 : i32
    scf.for %scan3A_51 = %scan3A_45 to %scan3A_47 step %scan3A_48  : i32 {
      %mul3A_52 = arith.constant 4 : i32
      %mul3A_53 = arith.muli %scan3A_51, %mul3A_52 : i32
      %add3A = arith.constant 0 : i32
      %add3A_54 = arith.addi %add3A, %mul3A_53 : i32
      %add3A_55 = arith.constant 0 : i32
      %add3A_56 = arith.addi %add3A_54, %add3A_55 : i32
      %dma_start3A_57 = arith.constant 0 : i32
      %dma_start3A_58 = tpu.memref_slice %arg7[%add3A_56, %dma_start3A_57] : memref<80x128xi32, #tpu.memory_space<vmem>> -> memref<1x128xi32, #tpu.memory_space<vmem>>
      %dma_start3A_59 = tpu.memref_squeeze %dma_start3A_58 : memref<1x128xi32, #tpu.memory_space<vmem>> -> memref<128xi32, #tpu.memory_space<vmem>>
      %dma_start3A_60 = arith.constant 0 : i32
      %dma_start3A_61 = arith.constant 0 : i32
      %dma_start3A_62 = tpu.memref_slice %arg10[%dma_start3A_60, %dma_start3A_61] : memref<10112x16xf32, #tpu.memory_space<vmem_shared>> -> memref<10112x16xf32, #tpu.memory_space<vmem_shared>>
      tpu.enqueue_indirect_dma source(%arg9 : memref<128x16xf32, #tpu.memory_space<vmem>>) target(%dma_start3A_62 : memref<10112x16xf32, #tpu.memory_space<vmem_shared>>) offsets(%dma_start3A_59 : memref<128xi32, #tpu.memory_space<vmem>>) semaphore(%arg12 : memref<!tpu.dma_semaphore, #tpu.memory_space<semaphore_mem>>) {add = true}
      %add3A_63 = arith.constant 0 : i32
      %add3A_64 = arith.addi %add3A_54, %add3A_63 : i32
      %dma_start3A_65 = arith.constant 0 : i32
      %dma_start3A_66 = tpu.memref_slice %arg8[%add3A_64, %dma_start3A_65] : memref<80x128xi32, #tpu.memory_space<vmem>> -> memref<1x128xi32, #tpu.memory_space<vmem>>
      %dma_start3A_67 = tpu.memref_squeeze %dma_start3A_66 : memref<1x128xi32, #tpu.memory_space<vmem>> -> memref<128xi32, #tpu.memory_space<vmem>>
      %dma_start3A_68 = arith.constant 0 : i32
      %dma_start3A_69 = arith.constant 0 : i32
      %dma_start3A_70 = tpu.memref_slice %arg11[%dma_start3A_68, %dma_start3A_69] : memref<10112x16xf32, #tpu.memory_space<vmem_shared>> -> memref<10112x16xf32, #tpu.memory_space<vmem_shared>>
      tpu.enqueue_indirect_dma source(%arg9 : memref<128x16xf32, #tpu.memory_space<vmem>>) target(%dma_start3A_70 : memref<10112x16xf32, #tpu.memory_space<vmem_shared>>) offsets(%dma_start3A_67 : memref<128xi32, #tpu.memory_space<vmem>>) semaphore(%arg12 : memref<!tpu.dma_semaphore, #tpu.memory_space<semaphore_mem>>) {add = true}
      %add3A_71 = arith.constant 1 : i32
      %add3A_72 = arith.addi %add3A_54, %add3A_71 : i32
      %dma_start3A_73 = arith.constant 0 : i32
      %dma_start3A_74 = tpu.memref_slice %arg7[%add3A_72, %dma_start3A_73] : memref<80x128xi32, #tpu.memory_space<vmem>> -> memref<1x128xi32, #tpu.memory_space<vmem>>
      %dma_start3A_75 = tpu.memref_squeeze %dma_start3A_74 : memref<1x128xi32, #tpu.memory_space<vmem>> -> memref<128xi32, #tpu.memory_space<vmem>>
      %dma_start3A_76 = arith.constant 0 : i32
      %dma_start3A_77 = arith.constant 0 : i32
      %dma_start3A_78 = tpu.memref_slice %arg10[%dma_start3A_76, %dma_start3A_77] : memref<10112x16xf32, #tpu.memory_space<vmem_shared>> -> memref<10112x16xf32, #tpu.memory_space<vmem_shared>>
      tpu.enqueue_indirect_dma source(%arg9 : memref<128x16xf32, #tpu.memory_space<vmem>>) target(%dma_start3A_78 : memref<10112x16xf32, #tpu.memory_space<vmem_shared>>) offsets(%dma_start3A_75 : memref<128xi32, #tpu.memory_space<vmem>>) semaphore(%arg12 : memref<!tpu.dma_semaphore, #tpu.memory_space<semaphore_mem>>) {add = true}
      %add3A_79 = arith.constant 1 : i32
      %add3A_80 = arith.addi %add3A_54, %add3A_79 : i32
      %dma_start3A_81 = arith.constant 0 : i32
      %dma_start3A_82 = tpu.memref_slice %arg8[%add3A_80, %dma_start3A_81] : memref<80x128xi32, #tpu.memory_space<vmem>> -> memref<1x128xi32, #tpu.memory_space<vmem>>
      %dma_start3A_83 = tpu.memref_squeeze %dma_start3A_82 : memref<1x128xi32, #tpu.memory_space<vmem>> -> memref<128xi32, #tpu.memory_space<vmem>>
      %dma_start3A_84 = arith.constant 0 : i32
      %dma_start3A_85 = arith.constant 0 : i32
      %dma_start3A_86 = tpu.memref_slice %arg11[%dma_start3A_84, %dma_start3A_85] : memref<10112x16xf32, #tpu.memory_space<vmem_shared>> -> memref<10112x16xf32, #tpu.memory_space<vmem_shared>>
      tpu.enqueue_indirect_dma source(%arg9 : memref<128x16xf32, #tpu.memory_space<vmem>>) target(%dma_start3A_86 : memref<10112x16xf32, #tpu.memory_space<vmem_shared>>) offsets(%dma_start3A_83 : memref<128xi32, #tpu.memory_space<vmem>>) semaphore(%arg12 : memref<!tpu.dma_semaphore, #tpu.memory_space<semaphore_mem>>) {add = true}
      %add3A_87 = arith.constant 2 : i32
      %add3A_88 = arith.addi %add3A_54, %add3A_87 : i32
      %dma_start3A_89 = arith.constant 0 : i32
      %dma_start3A_90 = tpu.memref_slice %arg7[%add3A_88, %dma_start3A_89] : memref<80x128xi32, #tpu.memory_space<vmem>> -> memref<1x128xi32, #tpu.memory_space<vmem>>
      %dma_start3A_91 = tpu.memref_squeeze %dma_start3A_90 : memref<1x128xi32, #tpu.memory_space<vmem>> -> memref<128xi32, #tpu.memory_space<vmem>>
      %dma_start3A_92 = arith.constant 0 : i32
      %dma_start3A_93 = arith.constant 0 : i32
      %dma_start3A_94 = tpu.memref_slice %arg10[%dma_start3A_92, %dma_start3A_93] : memref<10112x16xf32, #tpu.memory_space<vmem_shared>> -> memref<10112x16xf32, #tpu.memory_space<vmem_shared>>
      tpu.enqueue_indirect_dma source(%arg9 : memref<128x16xf32, #tpu.memory_space<vmem>>) target(%dma_start3A_94 : memref<10112x16xf32, #tpu.memory_space<vmem_shared>>) offsets(%dma_start3A_91 : memref<128xi32, #tpu.memory_space<vmem>>) semaphore(%arg12 : memref<!tpu.dma_semaphore, #tpu.memory_space<semaphore_mem>>) {add = true}
      %add3A_95 = arith.constant 2 : i32
      %add3A_96 = arith.addi %add3A_54, %add3A_95 : i32
      %dma_start3A_97 = arith.constant 0 : i32
      %dma_start3A_98 = tpu.memref_slice %arg8[%add3A_96, %dma_start3A_97] : memref<80x128xi32, #tpu.memory_space<vmem>> -> memref<1x128xi32, #tpu.memory_space<vmem>>
      %dma_start3A_99 = tpu.memref_squeeze %dma_start3A_98 : memref<1x128xi32, #tpu.memory_space<vmem>> -> memref<128xi32, #tpu.memory_space<vmem>>
      %dma_start3A_100 = arith.constant 0 : i32
      %dma_start3A_101 = arith.constant 0 : i32
      %dma_start3A_102 = tpu.memref_slice %arg11[%dma_start3A_100, %dma_start3A_101] : memref<10112x16xf32, #tpu.memory_space<vmem_shared>> -> memref<10112x16xf32, #tpu.memory_space<vmem_shared>>
      tpu.enqueue_indirect_dma source(%arg9 : memref<128x16xf32, #tpu.memory_space<vmem>>) target(%dma_start3A_102 : memref<10112x16xf32, #tpu.memory_space<vmem_shared>>) offsets(%dma_start3A_99 : memref<128xi32, #tpu.memory_space<vmem>>) semaphore(%arg12 : memref<!tpu.dma_semaphore, #tpu.memory_space<semaphore_mem>>) {add = true}
      %add3A_103 = arith.constant 3 : i32
      %add3A_104 = arith.addi %add3A_54, %add3A_103 : i32
      %dma_start3A_105 = arith.constant 0 : i32
      %dma_start3A_106 = tpu.memref_slice %arg7[%add3A_104, %dma_start3A_105] : memref<80x128xi32, #tpu.memory_space<vmem>> -> memref<1x128xi32, #tpu.memory_space<vmem>>
      %dma_start3A_107 = tpu.memref_squeeze %dma_start3A_106 : memref<1x128xi32, #tpu.memory_space<vmem>> -> memref<128xi32, #tpu.memory_space<vmem>>
      %dma_start3A_108 = arith.constant 0 : i32
      %dma_start3A_109 = arith.constant 0 : i32
      %dma_start3A_110 = tpu.memref_slice %arg10[%dma_start3A_108, %dma_start3A_109] : memref<10112x16xf32, #tpu.memory_space<vmem_shared>> -> memref<10112x16xf32, #tpu.memory_space<vmem_shared>>
      tpu.enqueue_indirect_dma source(%arg9 : memref<128x16xf32, #tpu.memory_space<vmem>>) target(%dma_start3A_110 : memref<10112x16xf32, #tpu.memory_space<vmem_shared>>) offsets(%dma_start3A_107 : memref<128xi32, #tpu.memory_space<vmem>>) semaphore(%arg12 : memref<!tpu.dma_semaphore, #tpu.memory_space<semaphore_mem>>) {add = true}
      %add3A_111 = arith.constant 3 : i32
      %add3A_112 = arith.addi %add3A_54, %add3A_111 : i32
      %dma_start3A_113 = arith.constant 0 : i32
      %dma_start3A_114 = tpu.memref_slice %arg8[%add3A_112, %dma_start3A_113] : memref<80x128xi32, #tpu.memory_space<vmem>> -> memref<1x128xi32, #tpu.memory_space<vmem>>
      %dma_start3A_115 = tpu.memref_squeeze %dma_start3A_114 : memref<1x128xi32, #tpu.memory_space<vmem>> -> memref<128xi32, #tpu.memory_space<vmem>>
      %dma_start3A_116 = arith.constant 0 : i32
      %dma_start3A_117 = arith.constant 0 : i32
      %dma_start3A_118 = tpu.memref_slice %arg11[%dma_start3A_116, %dma_start3A_117] : memref<10112x16xf32, #tpu.memory_space<vmem_shared>> -> memref<10112x16xf32, #tpu.memory_space<vmem_shared>>
      tpu.enqueue_indirect_dma source(%arg9 : memref<128x16xf32, #tpu.memory_space<vmem>>) target(%dma_start3A_118 : memref<10112x16xf32, #tpu.memory_space<vmem_shared>>) offsets(%dma_start3A_115 : memref<128xi32, #tpu.memory_space<vmem>>) semaphore(%arg12 : memref<!tpu.dma_semaphore, #tpu.memory_space<semaphore_mem>>) {add = true}
      %dma_wait3A_119 = arith.constant 0 : i32
      %dma_wait3A_120 = tpu.memref_slice %arg7[%add3A_56, %dma_wait3A_119] : memref<80x128xi32, #tpu.memory_space<vmem>> -> memref<1x128xi32, #tpu.memory_space<vmem>>
      %dma_wait3A_121 = tpu.memref_squeeze %dma_wait3A_120 : memref<1x128xi32, #tpu.memory_space<vmem>> -> memref<128xi32, #tpu.memory_space<vmem>>
      %dma_wait3A_122 = arith.constant 0 : i32
      %dma_wait3A_123 = arith.constant 0 : i32
      %dma_wait3A_124 = tpu.memref_slice %arg10[%dma_wait3A_122, %dma_wait3A_123] : memref<10112x16xf32, #tpu.memory_space<vmem_shared>> -> memref<10112x16xf32, #tpu.memory_space<vmem_shared>>
      tpu.wait_indirect_dma semaphore(%arg12 : memref<!tpu.dma_semaphore, #tpu.memory_space<semaphore_mem>>) src(%arg9 : memref<128x16xf32, #tpu.memory_space<vmem>>) dst(%dma_wait3A_124 : memref<10112x16xf32, #tpu.memory_space<vmem_shared>>)
      %dma_wait3A_125 = arith.constant 0 : i32
      %dma_wait3A_126 = tpu.memref_slice %arg8[%add3A_64, %dma_wait3A_125] : memref<80x128xi32, #tpu.memory_space<vmem>> -> memref<1x128xi32, #tpu.memory_space<vmem>>
      %dma_wait3A_127 = tpu.memref_squeeze %dma_wait3A_126 : memref<1x128xi32, #tpu.memory_space<vmem>> -> memref<128xi32, #tpu.memory_space<vmem>>
      %dma_wait3A_128 = arith.constant 0 : i32
      %dma_wait3A_129 = arith.constant 0 : i32
      %dma_wait3A_130 = tpu.memref_slice %arg11[%dma_wait3A_128, %dma_wait3A_129] : memref<10112x16xf32, #tpu.memory_space<vmem_shared>> -> memref<10112x16xf32, #tpu.memory_space<vmem_shared>>
      tpu.wait_indirect_dma semaphore(%arg12 : memref<!tpu.dma_semaphore, #tpu.memory_space<semaphore_mem>>) src(%arg9 : memref<128x16xf32, #tpu.memory_space<vmem>>) dst(%dma_wait3A_130 : memref<10112x16xf32, #tpu.memory_space<vmem_shared>>)
      %dma_wait3A_131 = arith.constant 0 : i32
      %dma_wait3A_132 = tpu.memref_slice %arg7[%add3A_72, %dma_wait3A_131] : memref<80x128xi32, #tpu.memory_space<vmem>> -> memref<1x128xi32, #tpu.memory_space<vmem>>
      %dma_wait3A_133 = tpu.memref_squeeze %dma_wait3A_132 : memref<1x128xi32, #tpu.memory_space<vmem>> -> memref<128xi32, #tpu.memory_space<vmem>>
      %dma_wait3A_134 = arith.constant 0 : i32
      %dma_wait3A_135 = arith.constant 0 : i32
      %dma_wait3A_136 = tpu.memref_slice %arg10[%dma_wait3A_134, %dma_wait3A_135] : memref<10112x16xf32, #tpu.memory_space<vmem_shared>> -> memref<10112x16xf32, #tpu.memory_space<vmem_shared>>
      tpu.wait_indirect_dma semaphore(%arg12 : memref<!tpu.dma_semaphore, #tpu.memory_space<semaphore_mem>>) src(%arg9 : memref<128x16xf32, #tpu.memory_space<vmem>>) dst(%dma_wait3A_136 : memref<10112x16xf32, #tpu.memory_space<vmem_shared>>)
      %dma_wait3A_137 = arith.constant 0 : i32
      %dma_wait3A_138 = tpu.memref_slice %arg8[%add3A_80, %dma_wait3A_137] : memref<80x128xi32, #tpu.memory_space<vmem>> -> memref<1x128xi32, #tpu.memory_space<vmem>>
      %dma_wait3A_139 = tpu.memref_squeeze %dma_wait3A_138 : memref<1x128xi32, #tpu.memory_space<vmem>> -> memref<128xi32, #tpu.memory_space<vmem>>
      %dma_wait3A_140 = arith.constant 0 : i32
      %dma_wait3A_141 = arith.constant 0 : i32
      %dma_wait3A_142 = tpu.memref_slice %arg11[%dma_wait3A_140, %dma_wait3A_141] : memref<10112x16xf32, #tpu.memory_space<vmem_shared>> -> memref<10112x16xf32, #tpu.memory_space<vmem_shared>>
      tpu.wait_indirect_dma semaphore(%arg12 : memref<!tpu.dma_semaphore, #tpu.memory_space<semaphore_mem>>) src(%arg9 : memref<128x16xf32, #tpu.memory_space<vmem>>) dst(%dma_wait3A_142 : memref<10112x16xf32, #tpu.memory_space<vmem_shared>>)
      %dma_wait3A_143 = arith.constant 0 : i32
      %dma_wait3A_144 = tpu.memref_slice %arg7[%add3A_88, %dma_wait3A_143] : memref<80x128xi32, #tpu.memory_space<vmem>> -> memref<1x128xi32, #tpu.memory_space<vmem>>
      %dma_wait3A_145 = tpu.memref_squeeze %dma_wait3A_144 : memref<1x128xi32, #tpu.memory_space<vmem>> -> memref<128xi32, #tpu.memory_space<vmem>>
      %dma_wait3A_146 = arith.constant 0 : i32
      %dma_wait3A_147 = arith.constant 0 : i32
      %dma_wait3A_148 = tpu.memref_slice %arg10[%dma_wait3A_146, %dma_wait3A_147] : memref<10112x16xf32, #tpu.memory_space<vmem_shared>> -> memref<10112x16xf32, #tpu.memory_space<vmem_shared>>
      tpu.wait_indirect_dma semaphore(%arg12 : memref<!tpu.dma_semaphore, #tpu.memory_space<semaphore_mem>>) src(%arg9 : memref<128x16xf32, #tpu.memory_space<vmem>>) dst(%dma_wait3A_148 : memref<10112x16xf32, #tpu.memory_space<vmem_shared>>)
      %dma_wait3A_149 = arith.constant 0 : i32
      %dma_wait3A_150 = tpu.memref_slice %arg8[%add3A_96, %dma_wait3A_149] : memref<80x128xi32, #tpu.memory_space<vmem>> -> memref<1x128xi32, #tpu.memory_space<vmem>>
      %dma_wait3A_151 = tpu.memref_squeeze %dma_wait3A_150 : memref<1x128xi32, #tpu.memory_space<vmem>> -> memref<128xi32, #tpu.memory_space<vmem>>
      %dma_wait3A_152 = arith.constant 0 : i32
      %dma_wait3A_153 = arith.constant 0 : i32
      %dma_wait3A_154 = tpu.memref_slice %arg11[%dma_wait3A_152, %dma_wait3A_153] : memref<10112x16xf32, #tpu.memory_space<vmem_shared>> -> memref<10112x16xf32, #tpu.memory_space<vmem_shared>>
      tpu.wait_indirect_dma semaphore(%arg12 : memref<!tpu.dma_semaphore, #tpu.memory_space<semaphore_mem>>) src(%arg9 : memref<128x16xf32, #tpu.memory_space<vmem>>) dst(%dma_wait3A_154 : memref<10112x16xf32, #tpu.memory_space<vmem_shared>>)
      %dma_wait3A_155 = arith.constant 0 : i32
      %dma_wait3A_156 = tpu.memref_slice %arg7[%add3A_104, %dma_wait3A_155] : memref<80x128xi32, #tpu.memory_space<vmem>> -> memref<1x128xi32, #tpu.memory_space<vmem>>
      %dma_wait3A_157 = tpu.memref_squeeze %dma_wait3A_156 : memref<1x128xi32, #tpu.memory_space<vmem>> -> memref<128xi32, #tpu.memory_space<vmem>>
      %dma_wait3A_158 = arith.constant 0 : i32
      %dma_wait3A_159 = arith.constant 0 : i32
      %dma_wait3A_160 = tpu.memref_slice %arg10[%dma_wait3A_158, %dma_wait3A_159] : memref<10112x16xf32, #tpu.memory_space<vmem_shared>> -> memref<10112x16xf32, #tpu.memory_space<vmem_shared>>
      tpu.wait_indirect_dma semaphore(%arg12 : memref<!tpu.dma_semaphore, #tpu.memory_space<semaphore_mem>>) src(%arg9 : memref<128x16xf32, #tpu.memory_space<vmem>>) dst(%dma_wait3A_160 : memref<10112x16xf32, #tpu.memory_space<vmem_shared>>)
      %dma_wait3A_161 = arith.constant 0 : i32
      %dma_wait3A_162 = tpu.memref_slice %arg8[%add3A_112, %dma_wait3A_161] : memref<80x128xi32, #tpu.memory_space<vmem>> -> memref<1x128xi32, #tpu.memory_space<vmem>>
      %dma_wait3A_163 = tpu.memref_squeeze %dma_wait3A_162 : memref<1x128xi32, #tpu.memory_space<vmem>> -> memref<128xi32, #tpu.memory_space<vmem>>
      %dma_wait3A_164 = arith.constant 0 : i32
      %dma_wait3A_165 = arith.constant 0 : i32
      %dma_wait3A_166 = tpu.memref_slice %arg11[%dma_wait3A_164, %dma_wait3A_165] : memref<10112x16xf32, #tpu.memory_space<vmem_shared>> -> memref<10112x16xf32, #tpu.memory_space<vmem_shared>>
      tpu.wait_indirect_dma semaphore(%arg12 : memref<!tpu.dma_semaphore, #tpu.memory_space<semaphore_mem>>) src(%arg9 : memref<128x16xf32, #tpu.memory_space<vmem>>) dst(%dma_wait3A_166 : memref<10112x16xf32, #tpu.memory_space<vmem_shared>>)
    }
    %scan3A_49 = arith.constant 20 : i32
    %barrier3A_50 = arith.constant 0 : index
    tpu.barrier barrier_id(%barrier3A_50)
    "tpu.region"() ({
      %run_scoped3A = tpu.sem_alloc : memref<!tpu.dma_semaphore, #tpu.memory_space<semaphore_mem>>
      %dma_start3A_51 = arith.constant 0 : i32
      %dma_start3A_52 = tpu.memref_slice %arg5[%arg0, %mul3A_28, %dma_start3A_51] : memref<2x10112x16xf32, #tpu.memory_space<hbm>> -> memref<1x632x16xf32, #tpu.memory_space<hbm>>
      %dma_start3A_53 = tpu.memref_squeeze %dma_start3A_52 : memref<1x632x16xf32, #tpu.memory_space<hbm>> -> memref<632x16xf32, #tpu.memory_space<hbm>>
      %dma_start3A_54 = arith.constant 0 : i32
      %dma_start3A_55 = tpu.memref_slice %arg10[%mul3A_28, %dma_start3A_54] : memref<10112x16xf32, #tpu.memory_space<vmem_shared>> -> memref<632x16xf32, #tpu.memory_space<vmem_shared>>
      tpu.enqueue_dma source(%dma_start3A_55 : memref<632x16xf32, #tpu.memory_space<vmem_shared>>) target(%dma_start3A_53 : memref<632x16xf32, #tpu.memory_space<hbm>>) target_semaphore(%run_scoped3A : memref<!tpu.dma_semaphore, #tpu.memory_space<semaphore_mem>>)
      %dma_wait3A_56 = arith.constant 0 : i32
      %dma_wait3A_57 = tpu.memref_slice %arg5[%arg0, %mul3A_28, %dma_wait3A_56] : memref<2x10112x16xf32, #tpu.memory_space<hbm>> -> memref<1x632x16xf32, #tpu.memory_space<hbm>>
      %dma_wait3A_58 = tpu.memref_squeeze %dma_wait3A_57 : memref<1x632x16xf32, #tpu.memory_space<hbm>> -> memref<632x16xf32, #tpu.memory_space<hbm>>
      %dma_wait3A_59 = arith.constant 0 : i32
      %dma_wait3A_60 = tpu.memref_slice %arg10[%mul3A_28, %dma_wait3A_59] : memref<10112x16xf32, #tpu.memory_space<vmem_shared>> -> memref<632x16xf32, #tpu.memory_space<vmem_shared>>
      tpu.wait_dma2 semaphore(%run_scoped3A : memref<!tpu.dma_semaphore, #tpu.memory_space<semaphore_mem>>) src(%dma_wait3A_60 : memref<632x16xf32, #tpu.memory_space<vmem_shared>>) dst(%dma_wait3A_58 : memref<632x16xf32, #tpu.memory_space<hbm>>)
      tpu.yield
    }) : () -> ()
    "tpu.region"() ({
      %run_scoped3A = tpu.sem_alloc : memref<!tpu.dma_semaphore, #tpu.memory_space<semaphore_mem>>
      %dma_start3A_51 = arith.constant 0 : i32
      %dma_start3A_52 = tpu.memref_slice %arg6[%arg0, %mul3A_28, %dma_start3A_51] : memref<2x10112x16xf32, #tpu.memory_space<hbm>> -> memref<1x632x16xf32, #tpu.memory_space<hbm>>
      %dma_start3A_53 = tpu.memref_squeeze %dma_start3A_52 : memref<1x632x16xf32, #tpu.memory_space<hbm>> -> memref<632x16xf32, #tpu.memory_space<hbm>>
      %dma_start3A_54 = arith.constant 0 : i32
      %dma_start3A_55 = tpu.memref_slice %arg11[%mul3A_28, %dma_start3A_54] : memref<10112x16xf32, #tpu.memory_space<vmem_shared>> -> memref<632x16xf32, #tpu.memory_space<vmem_shared>>
      tpu.enqueue_dma source(%dma_start3A_55 : memref<632x16xf32, #tpu.memory_space<vmem_shared>>) target(%dma_start3A_53 : memref<632x16xf32, #tpu.memory_space<hbm>>) target_semaphore(%run_scoped3A : memref<!tpu.dma_semaphore, #tpu.memory_space<semaphore_mem>>)
      %dma_wait3A_56 = arith.constant 0 : i32
      %dma_wait3A_57 = tpu.memref_slice %arg6[%arg0, %mul3A_28, %dma_wait3A_56] : memref<2x10112x16xf32, #tpu.memory_space<hbm>> -> memref<1x632x16xf32, #tpu.memory_space<hbm>>
      %dma_wait3A_58 = tpu.memref_squeeze %dma_wait3A_57 : memref<1x632x16xf32, #tpu.memory_space<hbm>> -> memref<632x16xf32, #tpu.memory_space<hbm>>
      %dma_wait3A_59 = arith.constant 0 : i32
      %dma_wait3A_60 = tpu.memref_slice %arg11[%mul3A_28, %dma_wait3A_59] : memref<10112x16xf32, #tpu.memory_space<vmem_shared>> -> memref<632x16xf32, #tpu.memory_space<vmem_shared>>
      tpu.wait_dma2 semaphore(%run_scoped3A : memref<!tpu.dma_semaphore, #tpu.memory_space<semaphore_mem>>) src(%dma_wait3A_60 : memref<632x16xf32, #tpu.memory_space<vmem_shared>>) dst(%dma_wait3A_58 : memref<632x16xf32, #tpu.memory_space<hbm>>)
      tpu.yield
    }) : () -> ()
    return
  }
}

#map = affine_map<(d0, d1) -> (0, 0, 0)>
#map1 = affine_map<(d0, d1) -> (0, 0)>
module attributes {stable_mosaic.version = 14 : i64} {
  func.func @_sc_aggregate(%arg0: i32, %arg1: i32, %arg2: memref<2x10112x64xf32, #tpu.memory_space<hbm>>, %arg3: memref<16x160x128xi32, #tpu.memory_space<hbm>>, %arg4: memref<16x160x128xi32, #tpu.memory_space<hbm>>, %arg5: memref<10112x64xf32, #tpu.memory_space<hbm>>, %arg6: memref<2x10112x64xf32, #tpu.memory_space<hbm>>, %arg7: memref<4x2x128xi32, #tpu.memory_space<vmem>>, %arg8: memref<4x2x128xi32, #tpu.memory_space<vmem>>, %arg9: memref<4x128x64xf32, #tpu.memory_space<vmem>>, %arg10: memref<10000x64xf32, #tpu.memory_space<vmem_shared>>, %arg11: memref<10112x64xf32, #tpu.memory_space<vmem_shared>>, %arg12: memref<!tpu.dma_semaphore, #tpu.memory_space<semaphore_mem>>, %arg13: memref<!tpu.dma_semaphore, #tpu.memory_space<semaphore_mem>>, %arg14: memref<!tpu.dma_semaphore, #tpu.memory_space<semaphore_mem>>) attributes {dimension_semantics = [#tpu.dimension_semantics<core_parallel>, #tpu.dimension_semantics<subcore_parallel>], iteration_bounds = array<i64: 2, 16>, scalar_prefetch = 0 : i64, scratch_operands = 8 : i64, tpu.core_type = #tpu.core_type<sc_vector_subcore>, window_params = [{transform_indices = #map}, {transform_indices = #map}, {transform_indices = #map}, {transform_indices = #map1}, {transform_indices = #map}]} {
    %mul3A = arith.constant 632 : i32
    %mul3A_0 = arith.muli %arg1, %mul3A : i32
    %mul3A_1 = arith.constant 625 : i32
    %mul3A_2 = arith.muli %arg1, %mul3A_1 : i32
    %dma_start3A = arith.constant 0 : i32
    %dma_start3A_3 = tpu.memref_slice %arg11[%mul3A_0, %dma_start3A] : memref<10112x64xf32, #tpu.memory_space<vmem_shared>> -> memref<632x64xf32, #tpu.memory_space<vmem_shared>>
    %dma_start3A_4 = arith.constant 0 : i32
    %dma_start3A_5 = tpu.memref_slice %arg5[%mul3A_0, %dma_start3A_4] : memref<10112x64xf32, #tpu.memory_space<hbm>> -> memref<632x64xf32, #tpu.memory_space<hbm>>
    tpu.enqueue_dma source(%dma_start3A_5 : memref<632x64xf32, #tpu.memory_space<hbm>>) target(%dma_start3A_3 : memref<632x64xf32, #tpu.memory_space<vmem_shared>>) target_semaphore(%arg12 : memref<!tpu.dma_semaphore, #tpu.memory_space<semaphore_mem>>)
    %dma_start3A_6 = arith.constant 0 : i32
    %dma_start3A_7 = tpu.memref_slice %arg10[%mul3A_2, %dma_start3A_6] : memref<10000x64xf32, #tpu.memory_space<vmem_shared>> -> memref<625x64xf32, #tpu.memory_space<vmem_shared>>
    %dma_start3A_8 = arith.constant 0 : i32
    %dma_start3A_9 = tpu.memref_slice %arg2[%arg0, %mul3A_2, %dma_start3A_8] : memref<2x10112x64xf32, #tpu.memory_space<hbm>> -> memref<1x625x64xf32, #tpu.memory_space<hbm>>
    %dma_start3A_10 = tpu.memref_squeeze %dma_start3A_9 : memref<1x625x64xf32, #tpu.memory_space<hbm>> -> memref<625x64xf32, #tpu.memory_space<hbm>>
    tpu.enqueue_dma source(%dma_start3A_10 : memref<625x64xf32, #tpu.memory_space<hbm>>) target(%dma_start3A_7 : memref<625x64xf32, #tpu.memory_space<vmem_shared>>) target_semaphore(%arg12 : memref<!tpu.dma_semaphore, #tpu.memory_space<semaphore_mem>>)
    %dma_wait3A = arith.constant 0 : i32
    %dma_wait3A_11 = tpu.memref_slice %arg11[%mul3A_0, %dma_wait3A] : memref<10112x64xf32, #tpu.memory_space<vmem_shared>> -> memref<632x64xf32, #tpu.memory_space<vmem_shared>>
    %dma_wait3A_12 = arith.constant 0 : i32
    %dma_wait3A_13 = tpu.memref_slice %arg5[%mul3A_0, %dma_wait3A_12] : memref<10112x64xf32, #tpu.memory_space<hbm>> -> memref<632x64xf32, #tpu.memory_space<hbm>>
    tpu.wait_dma2 semaphore(%arg12 : memref<!tpu.dma_semaphore, #tpu.memory_space<semaphore_mem>>) src(%dma_wait3A_13 : memref<632x64xf32, #tpu.memory_space<hbm>>) dst(%dma_wait3A_11 : memref<632x64xf32, #tpu.memory_space<vmem_shared>>)
    %dma_wait3A_14 = arith.constant 0 : i32
    %dma_wait3A_15 = tpu.memref_slice %arg10[%mul3A_2, %dma_wait3A_14] : memref<10000x64xf32, #tpu.memory_space<vmem_shared>> -> memref<625x64xf32, #tpu.memory_space<vmem_shared>>
    %dma_wait3A_16 = arith.constant 0 : i32
    %dma_wait3A_17 = tpu.memref_slice %arg2[%arg0, %mul3A_2, %dma_wait3A_16] : memref<2x10112x64xf32, #tpu.memory_space<hbm>> -> memref<1x625x64xf32, #tpu.memory_space<hbm>>
    %dma_wait3A_18 = tpu.memref_squeeze %dma_wait3A_17 : memref<1x625x64xf32, #tpu.memory_space<hbm>> -> memref<625x64xf32, #tpu.memory_space<hbm>>
    tpu.wait_dma2 semaphore(%arg12 : memref<!tpu.dma_semaphore, #tpu.memory_space<semaphore_mem>>) src(%dma_wait3A_18 : memref<625x64xf32, #tpu.memory_space<hbm>>) dst(%dma_wait3A_15 : memref<625x64xf32, #tpu.memory_space<vmem_shared>>)
    %dma_start3A_19 = arith.constant 0 : i32
    %dma_start3A_20 = arith.constant 0 : i32
    %dma_start3A_21 = arith.constant 0 : i32
    %dma_start3A_22 = tpu.memref_slice %arg7[%dma_start3A_19, %dma_start3A_20, %dma_start3A_21] : memref<4x2x128xi32, #tpu.memory_space<vmem>> -> memref<1x2x128xi32, #tpu.memory_space<vmem>>
    %dma_start3A_23 = tpu.memref_squeeze %dma_start3A_22 : memref<1x2x128xi32, #tpu.memory_space<vmem>> -> memref<2x128xi32, #tpu.memory_space<vmem>>
    %dma_start3A_24 = arith.constant 0 : i32
    %dma_start3A_25 = arith.constant 0 : i32
    %dma_start3A_26 = tpu.memref_slice %arg3[%arg1, %dma_start3A_24, %dma_start3A_25] : memref<16x160x128xi32, #tpu.memory_space<hbm>> -> memref<1x2x128xi32, #tpu.memory_space<hbm>>
    %dma_start3A_27 = tpu.memref_squeeze %dma_start3A_26 : memref<1x2x128xi32, #tpu.memory_space<hbm>> -> memref<2x128xi32, #tpu.memory_space<hbm>>
    %dma_start3A_28 = arith.constant 0 : i32
    %dma_start3A_29 = arith.constant 0 : i32
    %dma_start3A_30 = tpu.memref_slice %arg7[%dma_start3A_19, %dma_start3A_28, %dma_start3A_29] : memref<4x2x128xi32, #tpu.memory_space<vmem>> -> memref<1x2x128xi32, #tpu.memory_space<vmem>>
    %dma_start3A_31 = tpu.memref_squeeze %dma_start3A_30 : memref<1x2x128xi32, #tpu.memory_space<vmem>> -> memref<2x128xi32, #tpu.memory_space<vmem>>
    %dma_start3A_32 = arith.constant 0 : i32
    %dma_start3A_33 = arith.constant 0 : i32
    %dma_start3A_34 = tpu.memref_slice %arg3[%arg1, %dma_start3A_32, %dma_start3A_33] : memref<16x160x128xi32, #tpu.memory_space<hbm>> -> memref<1x2x128xi32, #tpu.memory_space<hbm>>
    %dma_start3A_35 = tpu.memref_squeeze %dma_start3A_34 : memref<1x2x128xi32, #tpu.memory_space<hbm>> -> memref<2x128xi32, #tpu.memory_space<hbm>>
    tpu.enqueue_dma source(%dma_start3A_35 : memref<2x128xi32, #tpu.memory_space<hbm>>) target(%dma_start3A_31 : memref<2x128xi32, #tpu.memory_space<vmem>>) target_semaphore(%arg14 : memref<!tpu.dma_semaphore, #tpu.memory_space<semaphore_mem>>)
    %dma_start3A_36 = arith.constant 0 : i32
    %dma_start3A_37 = arith.constant 0 : i32
    %dma_start3A_38 = arith.constant 0 : i32
    %dma_start3A_39 = tpu.memref_slice %arg8[%dma_start3A_36, %dma_start3A_37, %dma_start3A_38] : memref<4x2x128xi32, #tpu.memory_space<vmem>> -> memref<1x2x128xi32, #tpu.memory_space<vmem>>
    %dma_start3A_40 = tpu.memref_squeeze %dma_start3A_39 : memref<1x2x128xi32, #tpu.memory_space<vmem>> -> memref<2x128xi32, #tpu.memory_space<vmem>>
    %dma_start3A_41 = arith.constant 0 : i32
    %dma_start3A_42 = arith.constant 0 : i32
    %dma_start3A_43 = tpu.memref_slice %arg4[%arg1, %dma_start3A_41, %dma_start3A_42] : memref<16x160x128xi32, #tpu.memory_space<hbm>> -> memref<1x2x128xi32, #tpu.memory_space<hbm>>
    %dma_start3A_44 = tpu.memref_squeeze %dma_start3A_43 : memref<1x2x128xi32, #tpu.memory_space<hbm>> -> memref<2x128xi32, #tpu.memory_space<hbm>>
    %dma_start3A_45 = arith.constant 0 : i32
    %dma_start3A_46 = arith.constant 0 : i32
    %dma_start3A_47 = tpu.memref_slice %arg8[%dma_start3A_36, %dma_start3A_45, %dma_start3A_46] : memref<4x2x128xi32, #tpu.memory_space<vmem>> -> memref<1x2x128xi32, #tpu.memory_space<vmem>>
    %dma_start3A_48 = tpu.memref_squeeze %dma_start3A_47 : memref<1x2x128xi32, #tpu.memory_space<vmem>> -> memref<2x128xi32, #tpu.memory_space<vmem>>
    %dma_start3A_49 = arith.constant 0 : i32
    %dma_start3A_50 = arith.constant 0 : i32
    %dma_start3A_51 = tpu.memref_slice %arg4[%arg1, %dma_start3A_49, %dma_start3A_50] : memref<16x160x128xi32, #tpu.memory_space<hbm>> -> memref<1x2x128xi32, #tpu.memory_space<hbm>>
    %dma_start3A_52 = tpu.memref_squeeze %dma_start3A_51 : memref<1x2x128xi32, #tpu.memory_space<hbm>> -> memref<2x128xi32, #tpu.memory_space<hbm>>
    tpu.enqueue_dma source(%dma_start3A_52 : memref<2x128xi32, #tpu.memory_space<hbm>>) target(%dma_start3A_48 : memref<2x128xi32, #tpu.memory_space<vmem>>) target_semaphore(%arg14 : memref<!tpu.dma_semaphore, #tpu.memory_space<semaphore_mem>>)
    %dma_start3A_53 = arith.constant 1 : i32
    %dma_start3A_54 = arith.constant 0 : i32
    %dma_start3A_55 = arith.constant 0 : i32
    %dma_start3A_56 = tpu.memref_slice %arg7[%dma_start3A_53, %dma_start3A_54, %dma_start3A_55] : memref<4x2x128xi32, #tpu.memory_space<vmem>> -> memref<1x2x128xi32, #tpu.memory_space<vmem>>
    %dma_start3A_57 = tpu.memref_squeeze %dma_start3A_56 : memref<1x2x128xi32, #tpu.memory_space<vmem>> -> memref<2x128xi32, #tpu.memory_space<vmem>>
    %dma_start3A_58 = arith.constant 2 : i32
    %dma_start3A_59 = arith.constant 0 : i32
    %dma_start3A_60 = tpu.memref_slice %arg3[%arg1, %dma_start3A_58, %dma_start3A_59] : memref<16x160x128xi32, #tpu.memory_space<hbm>> -> memref<1x2x128xi32, #tpu.memory_space<hbm>>
    %dma_start3A_61 = tpu.memref_squeeze %dma_start3A_60 : memref<1x2x128xi32, #tpu.memory_space<hbm>> -> memref<2x128xi32, #tpu.memory_space<hbm>>
    %dma_start3A_62 = arith.constant 0 : i32
    %dma_start3A_63 = arith.constant 0 : i32
    %dma_start3A_64 = tpu.memref_slice %arg7[%dma_start3A_53, %dma_start3A_62, %dma_start3A_63] : memref<4x2x128xi32, #tpu.memory_space<vmem>> -> memref<1x2x128xi32, #tpu.memory_space<vmem>>
    %dma_start3A_65 = tpu.memref_squeeze %dma_start3A_64 : memref<1x2x128xi32, #tpu.memory_space<vmem>> -> memref<2x128xi32, #tpu.memory_space<vmem>>
    %dma_start3A_66 = arith.constant 2 : i32
    %dma_start3A_67 = arith.constant 0 : i32
    %dma_start3A_68 = tpu.memref_slice %arg3[%arg1, %dma_start3A_66, %dma_start3A_67] : memref<16x160x128xi32, #tpu.memory_space<hbm>> -> memref<1x2x128xi32, #tpu.memory_space<hbm>>
    %dma_start3A_69 = tpu.memref_squeeze %dma_start3A_68 : memref<1x2x128xi32, #tpu.memory_space<hbm>> -> memref<2x128xi32, #tpu.memory_space<hbm>>
    tpu.enqueue_dma source(%dma_start3A_69 : memref<2x128xi32, #tpu.memory_space<hbm>>) target(%dma_start3A_65 : memref<2x128xi32, #tpu.memory_space<vmem>>) target_semaphore(%arg14 : memref<!tpu.dma_semaphore, #tpu.memory_space<semaphore_mem>>)
    %dma_start3A_70 = arith.constant 1 : i32
    %dma_start3A_71 = arith.constant 0 : i32
    %dma_start3A_72 = arith.constant 0 : i32
    %dma_start3A_73 = tpu.memref_slice %arg8[%dma_start3A_70, %dma_start3A_71, %dma_start3A_72] : memref<4x2x128xi32, #tpu.memory_space<vmem>> -> memref<1x2x128xi32, #tpu.memory_space<vmem>>
    %dma_start3A_74 = tpu.memref_squeeze %dma_start3A_73 : memref<1x2x128xi32, #tpu.memory_space<vmem>> -> memref<2x128xi32, #tpu.memory_space<vmem>>
    %dma_start3A_75 = arith.constant 2 : i32
    %dma_start3A_76 = arith.constant 0 : i32
    %dma_start3A_77 = tpu.memref_slice %arg4[%arg1, %dma_start3A_75, %dma_start3A_76] : memref<16x160x128xi32, #tpu.memory_space<hbm>> -> memref<1x2x128xi32, #tpu.memory_space<hbm>>
    %dma_start3A_78 = tpu.memref_squeeze %dma_start3A_77 : memref<1x2x128xi32, #tpu.memory_space<hbm>> -> memref<2x128xi32, #tpu.memory_space<hbm>>
    %dma_start3A_79 = arith.constant 0 : i32
    %dma_start3A_80 = arith.constant 0 : i32
    %dma_start3A_81 = tpu.memref_slice %arg8[%dma_start3A_70, %dma_start3A_79, %dma_start3A_80] : memref<4x2x128xi32, #tpu.memory_space<vmem>> -> memref<1x2x128xi32, #tpu.memory_space<vmem>>
    %dma_start3A_82 = tpu.memref_squeeze %dma_start3A_81 : memref<1x2x128xi32, #tpu.memory_space<vmem>> -> memref<2x128xi32, #tpu.memory_space<vmem>>
    %dma_start3A_83 = arith.constant 2 : i32
    %dma_start3A_84 = arith.constant 0 : i32
    %dma_start3A_85 = tpu.memref_slice %arg4[%arg1, %dma_start3A_83, %dma_start3A_84] : memref<16x160x128xi32, #tpu.memory_space<hbm>> -> memref<1x2x128xi32, #tpu.memory_space<hbm>>
    %dma_start3A_86 = tpu.memref_squeeze %dma_start3A_85 : memref<1x2x128xi32, #tpu.memory_space<hbm>> -> memref<2x128xi32, #tpu.memory_space<hbm>>
    tpu.enqueue_dma source(%dma_start3A_86 : memref<2x128xi32, #tpu.memory_space<hbm>>) target(%dma_start3A_82 : memref<2x128xi32, #tpu.memory_space<vmem>>) target_semaphore(%arg14 : memref<!tpu.dma_semaphore, #tpu.memory_space<semaphore_mem>>)
    %barrier3A = arith.constant 0 : index
    tpu.barrier barrier_id(%barrier3A)
    %scan3A = arith.constant 0 : i32
    %scan3A_87 = arith.constant 20 : i32
    %scan3A_88 = arith.addi %scan3A, %scan3A_87 : i32
    %scan3A_89 = arith.constant 1 : i32
    scf.for %scan3A_144 = %scan3A to %scan3A_88 step %scan3A_89  : i32 {
      %mul3A_145 = arith.constant 4 : i32
      %mul3A_146 = arith.muli %scan3A_144, %mul3A_145 : i32
      %add3A = arith.constant 0 : i32
      %add3A_147 = arith.addi %add3A, %mul3A_146 : i32
      %add3A_148 = arith.constant 0 : i32
      %add3A_149 = arith.addi %add3A_147, %add3A_148 : i32
      %ge3A = arith.constant 2 : i32
      %ge3A_150 = arith.cmpi sge, %add3A_149, %ge3A : i32
      %convert_element_type3A = arith.extui %ge3A_150 : i1 to i32
      %cond3A = arith.constant 0 : i32
      %cond3A_151 = arith.cmpi ne, %convert_element_type3A, %cond3A : i32
      scf.if %cond3A_151 {
        %dma_wait3A_648 = arith.constant 0 : i32
        %dma_wait3A_649 = arith.constant 0 : i32
        %dma_wait3A_650 = arith.constant 0 : i32
        %dma_wait3A_651 = arith.constant 0 : i32
        %dma_wait3A_652 = arith.constant 0 : i32
        %dma_wait3A_653 = tpu.memref_slice %arg9[%dma_wait3A_648, %dma_wait3A_651, %dma_wait3A_652] : memref<4x128x64xf32, #tpu.memory_space<vmem>> -> memref<1x128x64xf32, #tpu.memory_space<vmem>>
        %dma_wait3A_654 = tpu.memref_squeeze %dma_wait3A_653 : memref<1x128x64xf32, #tpu.memory_space<vmem>> -> memref<128x64xf32, #tpu.memory_space<vmem>>
        %dma_wait3A_655 = arith.constant 0 : i32
        %dma_wait3A_656 = tpu.memref_slice %arg8[%dma_wait3A_649, %dma_wait3A_650, %dma_wait3A_655] : memref<4x2x128xi32, #tpu.memory_space<vmem>> -> memref<1x1x128xi32, #tpu.memory_space<vmem>>
        %dma_wait3A_657 = tpu.memref_squeeze %dma_wait3A_656 : memref<1x1x128xi32, #tpu.memory_space<vmem>> -> memref<128xi32, #tpu.memory_space<vmem>>
        %dma_wait3A_658 = arith.constant 0 : i32
        %dma_wait3A_659 = arith.constant 0 : i32
        %dma_wait3A_660 = tpu.memref_slice %arg11[%dma_wait3A_658, %dma_wait3A_659] : memref<10112x64xf32, #tpu.memory_space<vmem_shared>> -> memref<10112x64xf32, #tpu.memory_space<vmem_shared>>
        tpu.wait_indirect_dma semaphore(%arg13 : memref<!tpu.dma_semaphore, #tpu.memory_space<semaphore_mem>>) src(%dma_wait3A_654 : memref<128x64xf32, #tpu.memory_space<vmem>>) dst(%dma_wait3A_660 : memref<10112x64xf32, #tpu.memory_space<vmem_shared>>)
        %dma_wait3A_661 = arith.constant 1 : i32
        %dma_wait3A_662 = arith.constant 0 : i32
        %dma_wait3A_663 = arith.constant 1 : i32
        %dma_wait3A_664 = arith.constant 0 : i32
        %dma_wait3A_665 = arith.constant 0 : i32
        %dma_wait3A_666 = tpu.memref_slice %arg9[%dma_wait3A_661, %dma_wait3A_664, %dma_wait3A_665] : memref<4x128x64xf32, #tpu.memory_space<vmem>> -> memref<1x128x64xf32, #tpu.memory_space<vmem>>
        %dma_wait3A_667 = tpu.memref_squeeze %dma_wait3A_666 : memref<1x128x64xf32, #tpu.memory_space<vmem>> -> memref<128x64xf32, #tpu.memory_space<vmem>>
        %dma_wait3A_668 = arith.constant 0 : i32
        %dma_wait3A_669 = tpu.memref_slice %arg8[%dma_wait3A_662, %dma_wait3A_663, %dma_wait3A_668] : memref<4x2x128xi32, #tpu.memory_space<vmem>> -> memref<1x1x128xi32, #tpu.memory_space<vmem>>
        %dma_wait3A_670 = tpu.memref_squeeze %dma_wait3A_669 : memref<1x1x128xi32, #tpu.memory_space<vmem>> -> memref<128xi32, #tpu.memory_space<vmem>>
        %dma_wait3A_671 = arith.constant 0 : i32
        %dma_wait3A_672 = arith.constant 0 : i32
        %dma_wait3A_673 = tpu.memref_slice %arg11[%dma_wait3A_671, %dma_wait3A_672] : memref<10112x64xf32, #tpu.memory_space<vmem_shared>> -> memref<10112x64xf32, #tpu.memory_space<vmem_shared>>
        tpu.wait_indirect_dma semaphore(%arg13 : memref<!tpu.dma_semaphore, #tpu.memory_space<semaphore_mem>>) src(%dma_wait3A_667 : memref<128x64xf32, #tpu.memory_space<vmem>>) dst(%dma_wait3A_673 : memref<10112x64xf32, #tpu.memory_space<vmem_shared>>)
      } else {
      }
      %add3A_152 = arith.constant 2 : i32
      %add3A_153 = arith.addi %add3A_149, %add3A_152 : i32
      %lt3A = arith.constant 80 : i32
      %lt3A_154 = arith.cmpi slt, %add3A_153, %lt3A : i32
      %convert_element_type3A_155 = arith.extui %lt3A_154 : i1 to i32
      %cond3A_156 = arith.constant 0 : i32
      %cond3A_157 = arith.cmpi ne, %convert_element_type3A_155, %cond3A_156 : i32
      scf.if %cond3A_157 {
        %add3A_648 = arith.constant 2 : i32
        %add3A_649 = arith.addi %add3A_149, %add3A_648 : i32
        %mul3A_650 = arith.constant 2 : i32
        %mul3A_651 = arith.muli %add3A_649, %mul3A_650 : i32
        %dma_start3A_652 = arith.constant 2 : i32
        %dma_start3A_653 = arith.constant 0 : i32
        %dma_start3A_654 = arith.constant 0 : i32
        %dma_start3A_655 = tpu.memref_slice %arg7[%dma_start3A_652, %dma_start3A_653, %dma_start3A_654] : memref<4x2x128xi32, #tpu.memory_space<vmem>> -> memref<1x2x128xi32, #tpu.memory_space<vmem>>
        %dma_start3A_656 = tpu.memref_squeeze %dma_start3A_655 : memref<1x2x128xi32, #tpu.memory_space<vmem>> -> memref<2x128xi32, #tpu.memory_space<vmem>>
        %dma_start3A_657 = arith.constant 0 : i32
        %dma_start3A_658 = tpu.memref_slice %arg3[%arg1, %mul3A_651, %dma_start3A_657] : memref<16x160x128xi32, #tpu.memory_space<hbm>> -> memref<1x2x128xi32, #tpu.memory_space<hbm>>
        %dma_start3A_659 = tpu.memref_squeeze %dma_start3A_658 : memref<1x2x128xi32, #tpu.memory_space<hbm>> -> memref<2x128xi32, #tpu.memory_space<hbm>>
        %dma_start3A_660 = arith.constant 0 : i32
        %dma_start3A_661 = arith.constant 0 : i32
        %dma_start3A_662 = tpu.memref_slice %arg7[%dma_start3A_652, %dma_start3A_660, %dma_start3A_661] : memref<4x2x128xi32, #tpu.memory_space<vmem>> -> memref<1x2x128xi32, #tpu.memory_space<vmem>>
        %dma_start3A_663 = tpu.memref_squeeze %dma_start3A_662 : memref<1x2x128xi32, #tpu.memory_space<vmem>> -> memref<2x128xi32, #tpu.memory_space<vmem>>
        %dma_start3A_664 = arith.constant 0 : i32
        %dma_start3A_665 = tpu.memref_slice %arg3[%arg1, %mul3A_651, %dma_start3A_664] : memref<16x160x128xi32, #tpu.memory_space<hbm>> -> memref<1x2x128xi32, #tpu.memory_space<hbm>>
        %dma_start3A_666 = tpu.memref_squeeze %dma_start3A_665 : memref<1x2x128xi32, #tpu.memory_space<hbm>> -> memref<2x128xi32, #tpu.memory_space<hbm>>
        tpu.enqueue_dma source(%dma_start3A_666 : memref<2x128xi32, #tpu.memory_space<hbm>>) target(%dma_start3A_663 : memref<2x128xi32, #tpu.memory_space<vmem>>) target_semaphore(%arg14 : memref<!tpu.dma_semaphore, #tpu.memory_space<semaphore_mem>>)
        %add3A_667 = arith.constant 2 : i32
        %add3A_668 = arith.addi %add3A_149, %add3A_667 : i32
        %mul3A_669 = arith.constant 2 : i32
        %mul3A_670 = arith.muli %add3A_668, %mul3A_669 : i32
        %dma_start3A_671 = arith.constant 2 : i32
        %dma_start3A_672 = arith.constant 0 : i32
        %dma_start3A_673 = arith.constant 0 : i32
        %dma_start3A_674 = tpu.memref_slice %arg8[%dma_start3A_671, %dma_start3A_672, %dma_start3A_673] : memref<4x2x128xi32, #tpu.memory_space<vmem>> -> memref<1x2x128xi32, #tpu.memory_space<vmem>>
        %dma_start3A_675 = tpu.memref_squeeze %dma_start3A_674 : memref<1x2x128xi32, #tpu.memory_space<vmem>> -> memref<2x128xi32, #tpu.memory_space<vmem>>
        %dma_start3A_676 = arith.constant 0 : i32
        %dma_start3A_677 = tpu.memref_slice %arg4[%arg1, %mul3A_670, %dma_start3A_676] : memref<16x160x128xi32, #tpu.memory_space<hbm>> -> memref<1x2x128xi32, #tpu.memory_space<hbm>>
        %dma_start3A_678 = tpu.memref_squeeze %dma_start3A_677 : memref<1x2x128xi32, #tpu.memory_space<hbm>> -> memref<2x128xi32, #tpu.memory_space<hbm>>
        %dma_start3A_679 = arith.constant 0 : i32
        %dma_start3A_680 = arith.constant 0 : i32
        %dma_start3A_681 = tpu.memref_slice %arg8[%dma_start3A_671, %dma_start3A_679, %dma_start3A_680] : memref<4x2x128xi32, #tpu.memory_space<vmem>> -> memref<1x2x128xi32, #tpu.memory_space<vmem>>
        %dma_start3A_682 = tpu.memref_squeeze %dma_start3A_681 : memref<1x2x128xi32, #tpu.memory_space<vmem>> -> memref<2x128xi32, #tpu.memory_space<vmem>>
        %dma_start3A_683 = arith.constant 0 : i32
        %dma_start3A_684 = tpu.memref_slice %arg4[%arg1, %mul3A_670, %dma_start3A_683] : memref<16x160x128xi32, #tpu.memory_space<hbm>> -> memref<1x2x128xi32, #tpu.memory_space<hbm>>
        %dma_start3A_685 = tpu.memref_squeeze %dma_start3A_684 : memref<1x2x128xi32, #tpu.memory_space<hbm>> -> memref<2x128xi32, #tpu.memory_space<hbm>>
        tpu.enqueue_dma source(%dma_start3A_685 : memref<2x128xi32, #tpu.memory_space<hbm>>) target(%dma_start3A_682 : memref<2x128xi32, #tpu.memory_space<vmem>>) target_semaphore(%arg14 : memref<!tpu.dma_semaphore, #tpu.memory_space<semaphore_mem>>)
      } else {
      }
      %mul3A_158 = arith.constant 2 : i32
      %mul3A_159 = arith.muli %add3A_149, %mul3A_158 : i32
      %dma_wait3A_160 = arith.constant 0 : i32
      %dma_wait3A_161 = arith.constant 0 : i32
      %dma_wait3A_162 = arith.constant 0 : i32
      %dma_wait3A_163 = tpu.memref_slice %arg7[%dma_wait3A_160, %dma_wait3A_161, %dma_wait3A_162] : memref<4x2x128xi32, #tpu.memory_space<vmem>> -> memref<1x2x128xi32, #tpu.memory_space<vmem>>
      %dma_wait3A_164 = tpu.memref_squeeze %dma_wait3A_163 : memref<1x2x128xi32, #tpu.memory_space<vmem>> -> memref<2x128xi32, #tpu.memory_space<vmem>>
      %dma_wait3A_165 = arith.constant 0 : i32
      %dma_wait3A_166 = tpu.memref_slice %arg3[%arg1, %mul3A_159, %dma_wait3A_165] : memref<16x160x128xi32, #tpu.memory_space<hbm>> -> memref<1x2x128xi32, #tpu.memory_space<hbm>>
      %dma_wait3A_167 = tpu.memref_squeeze %dma_wait3A_166 : memref<1x2x128xi32, #tpu.memory_space<hbm>> -> memref<2x128xi32, #tpu.memory_space<hbm>>
      %dma_wait3A_168 = arith.constant 0 : i32
      %dma_wait3A_169 = arith.constant 0 : i32
      %dma_wait3A_170 = tpu.memref_slice %arg7[%dma_wait3A_160, %dma_wait3A_168, %dma_wait3A_169] : memref<4x2x128xi32, #tpu.memory_space<vmem>> -> memref<1x2x128xi32, #tpu.memory_space<vmem>>
      %dma_wait3A_171 = tpu.memref_squeeze %dma_wait3A_170 : memref<1x2x128xi32, #tpu.memory_space<vmem>> -> memref<2x128xi32, #tpu.memory_space<vmem>>
      %dma_wait3A_172 = arith.constant 0 : i32
      %dma_wait3A_173 = tpu.memref_slice %arg3[%arg1, %mul3A_159, %dma_wait3A_172] : memref<16x160x128xi32, #tpu.memory_space<hbm>> -> memref<1x2x128xi32, #tpu.memory_space<hbm>>
      %dma_wait3A_174 = tpu.memref_squeeze %dma_wait3A_173 : memref<1x2x128xi32, #tpu.memory_space<hbm>> -> memref<2x128xi32, #tpu.memory_space<hbm>>
      tpu.wait_dma2 semaphore(%arg14 : memref<!tpu.dma_semaphore, #tpu.memory_space<semaphore_mem>>) src(%dma_wait3A_174 : memref<2x128xi32, #tpu.memory_space<hbm>>) dst(%dma_wait3A_171 : memref<2x128xi32, #tpu.memory_space<vmem>>)
      %mul3A_175 = arith.constant 2 : i32
      %mul3A_176 = arith.muli %add3A_149, %mul3A_175 : i32
      %dma_wait3A_177 = arith.constant 0 : i32
      %dma_wait3A_178 = arith.constant 0 : i32
      %dma_wait3A_179 = arith.constant 0 : i32
      %dma_wait3A_180 = tpu.memref_slice %arg8[%dma_wait3A_177, %dma_wait3A_178, %dma_wait3A_179] : memref<4x2x128xi32, #tpu.memory_space<vmem>> -> memref<1x2x128xi32, #tpu.memory_space<vmem>>
      %dma_wait3A_181 = tpu.memref_squeeze %dma_wait3A_180 : memref<1x2x128xi32, #tpu.memory_space<vmem>> -> memref<2x128xi32, #tpu.memory_space<vmem>>
      %dma_wait3A_182 = arith.constant 0 : i32
      %dma_wait3A_183 = tpu.memref_slice %arg4[%arg1, %mul3A_176, %dma_wait3A_182] : memref<16x160x128xi32, #tpu.memory_space<hbm>> -> memref<1x2x128xi32, #tpu.memory_space<hbm>>
      %dma_wait3A_184 = tpu.memref_squeeze %dma_wait3A_183 : memref<1x2x128xi32, #tpu.memory_space<hbm>> -> memref<2x128xi32, #tpu.memory_space<hbm>>
      %dma_wait3A_185 = arith.constant 0 : i32
      %dma_wait3A_186 = arith.constant 0 : i32
      %dma_wait3A_187 = tpu.memref_slice %arg8[%dma_wait3A_177, %dma_wait3A_185, %dma_wait3A_186] : memref<4x2x128xi32, #tpu.memory_space<vmem>> -> memref<1x2x128xi32, #tpu.memory_space<vmem>>
      %dma_wait3A_188 = tpu.memref_squeeze %dma_wait3A_187 : memref<1x2x128xi32, #tpu.memory_space<vmem>> -> memref<2x128xi32, #tpu.memory_space<vmem>>
      %dma_wait3A_189 = arith.constant 0 : i32
      %dma_wait3A_190 = tpu.memref_slice %arg4[%arg1, %mul3A_176, %dma_wait3A_189] : memref<16x160x128xi32, #tpu.memory_space<hbm>> -> memref<1x2x128xi32, #tpu.memory_space<hbm>>
      %dma_wait3A_191 = tpu.memref_squeeze %dma_wait3A_190 : memref<1x2x128xi32, #tpu.memory_space<hbm>> -> memref<2x128xi32, #tpu.memory_space<hbm>>
      tpu.wait_dma2 semaphore(%arg14 : memref<!tpu.dma_semaphore, #tpu.memory_space<semaphore_mem>>) src(%dma_wait3A_191 : memref<2x128xi32, #tpu.memory_space<hbm>>) dst(%dma_wait3A_188 : memref<2x128xi32, #tpu.memory_space<vmem>>)
      %dma_start3A_192 = arith.constant 0 : i32
      %dma_start3A_193 = arith.constant 0 : i32
      %dma_start3A_194 = arith.constant 0 : i32
      %dma_start3A_195 = arith.constant 0 : i32
      %dma_start3A_196 = arith.constant 0 : i32
      %dma_start3A_197 = tpu.memref_slice %arg9[%dma_start3A_194, %dma_start3A_195, %dma_start3A_196] : memref<4x128x64xf32, #tpu.memory_space<vmem>> -> memref<1x128x64xf32, #tpu.memory_space<vmem>>
      %dma_start3A_198 = tpu.memref_squeeze %dma_start3A_197 : memref<1x128x64xf32, #tpu.memory_space<vmem>> -> memref<128x64xf32, #tpu.memory_space<vmem>>
      %dma_start3A_199 = arith.constant 0 : i32
      %dma_start3A_200 = tpu.memref_slice %arg7[%dma_start3A_192, %dma_start3A_193, %dma_start3A_199] : memref<4x2x128xi32, #tpu.memory_space<vmem>> -> memref<1x1x128xi32, #tpu.memory_space<vmem>>
      %dma_start3A_201 = tpu.memref_squeeze %dma_start3A_200 : memref<1x1x128xi32, #tpu.memory_space<vmem>> -> memref<128xi32, #tpu.memory_space<vmem>>
      %dma_start3A_202 = arith.constant 0 : i32
      %dma_start3A_203 = arith.constant 0 : i32
      %dma_start3A_204 = tpu.memref_slice %arg10[%dma_start3A_202, %dma_start3A_203] : memref<10000x64xf32, #tpu.memory_space<vmem_shared>> -> memref<10000x64xf32, #tpu.memory_space<vmem_shared>>
      tpu.enqueue_indirect_dma source(%dma_start3A_204 : memref<10000x64xf32, #tpu.memory_space<vmem_shared>>) target(%dma_start3A_198 : memref<128x64xf32, #tpu.memory_space<vmem>>) offsets(%dma_start3A_201 : memref<128xi32, #tpu.memory_space<vmem>>) semaphore(%arg12 : memref<!tpu.dma_semaphore, #tpu.memory_space<semaphore_mem>>)
      %dma_start3A_205 = arith.constant 0 : i32
      %dma_start3A_206 = arith.constant 1 : i32
      %dma_start3A_207 = arith.constant 1 : i32
      %dma_start3A_208 = arith.constant 0 : i32
      %dma_start3A_209 = arith.constant 0 : i32
      %dma_start3A_210 = tpu.memref_slice %arg9[%dma_start3A_207, %dma_start3A_208, %dma_start3A_209] : memref<4x128x64xf32, #tpu.memory_space<vmem>> -> memref<1x128x64xf32, #tpu.memory_space<vmem>>
      %dma_start3A_211 = tpu.memref_squeeze %dma_start3A_210 : memref<1x128x64xf32, #tpu.memory_space<vmem>> -> memref<128x64xf32, #tpu.memory_space<vmem>>
      %dma_start3A_212 = arith.constant 0 : i32
      %dma_start3A_213 = tpu.memref_slice %arg7[%dma_start3A_205, %dma_start3A_206, %dma_start3A_212] : memref<4x2x128xi32, #tpu.memory_space<vmem>> -> memref<1x1x128xi32, #tpu.memory_space<vmem>>
      %dma_start3A_214 = tpu.memref_squeeze %dma_start3A_213 : memref<1x1x128xi32, #tpu.memory_space<vmem>> -> memref<128xi32, #tpu.memory_space<vmem>>
      %dma_start3A_215 = arith.constant 0 : i32
      %dma_start3A_216 = arith.constant 0 : i32
      %dma_start3A_217 = tpu.memref_slice %arg10[%dma_start3A_215, %dma_start3A_216] : memref<10000x64xf32, #tpu.memory_space<vmem_shared>> -> memref<10000x64xf32, #tpu.memory_space<vmem_shared>>
      tpu.enqueue_indirect_dma source(%dma_start3A_217 : memref<10000x64xf32, #tpu.memory_space<vmem_shared>>) target(%dma_start3A_211 : memref<128x64xf32, #tpu.memory_space<vmem>>) offsets(%dma_start3A_214 : memref<128xi32, #tpu.memory_space<vmem>>) semaphore(%arg12 : memref<!tpu.dma_semaphore, #tpu.memory_space<semaphore_mem>>)
      %dma_wait3A_218 = arith.constant 0 : i32
      %dma_wait3A_219 = arith.constant 0 : i32
      %dma_wait3A_220 = arith.constant 0 : i32
      %dma_wait3A_221 = arith.constant 0 : i32
      %dma_wait3A_222 = arith.constant 0 : i32
      %dma_wait3A_223 = tpu.memref_slice %arg9[%dma_wait3A_220, %dma_wait3A_221, %dma_wait3A_222] : memref<4x128x64xf32, #tpu.memory_space<vmem>> -> memref<1x128x64xf32, #tpu.memory_space<vmem>>
      %dma_wait3A_224 = tpu.memref_squeeze %dma_wait3A_223 : memref<1x128x64xf32, #tpu.memory_space<vmem>> -> memref<128x64xf32, #tpu.memory_space<vmem>>
      %dma_wait3A_225 = arith.constant 0 : i32
      %dma_wait3A_226 = tpu.memref_slice %arg7[%dma_wait3A_218, %dma_wait3A_219, %dma_wait3A_225] : memref<4x2x128xi32, #tpu.memory_space<vmem>> -> memref<1x1x128xi32, #tpu.memory_space<vmem>>
      %dma_wait3A_227 = tpu.memref_squeeze %dma_wait3A_226 : memref<1x1x128xi32, #tpu.memory_space<vmem>> -> memref<128xi32, #tpu.memory_space<vmem>>
      %dma_wait3A_228 = arith.constant 0 : i32
      %dma_wait3A_229 = arith.constant 0 : i32
      %dma_wait3A_230 = tpu.memref_slice %arg10[%dma_wait3A_228, %dma_wait3A_229] : memref<10000x64xf32, #tpu.memory_space<vmem_shared>> -> memref<10000x64xf32, #tpu.memory_space<vmem_shared>>
      tpu.wait_indirect_dma semaphore(%arg12 : memref<!tpu.dma_semaphore, #tpu.memory_space<semaphore_mem>>) src(%dma_wait3A_230 : memref<10000x64xf32, #tpu.memory_space<vmem_shared>>) dst(%dma_wait3A_224 : memref<128x64xf32, #tpu.memory_space<vmem>>)
      %dma_start3A_231 = arith.constant 0 : i32
      %dma_start3A_232 = arith.constant 0 : i32
      %dma_start3A_233 = arith.constant 0 : i32
      %dma_start3A_234 = arith.constant 0 : i32
      %dma_start3A_235 = arith.constant 0 : i32
      %dma_start3A_236 = tpu.memref_slice %arg9[%dma_start3A_231, %dma_start3A_234, %dma_start3A_235] : memref<4x128x64xf32, #tpu.memory_space<vmem>> -> memref<1x128x64xf32, #tpu.memory_space<vmem>>
      %dma_start3A_237 = tpu.memref_squeeze %dma_start3A_236 : memref<1x128x64xf32, #tpu.memory_space<vmem>> -> memref<128x64xf32, #tpu.memory_space<vmem>>
      %dma_start3A_238 = arith.constant 0 : i32
      %dma_start3A_239 = tpu.memref_slice %arg8[%dma_start3A_232, %dma_start3A_233, %dma_start3A_238] : memref<4x2x128xi32, #tpu.memory_space<vmem>> -> memref<1x1x128xi32, #tpu.memory_space<vmem>>
      %dma_start3A_240 = tpu.memref_squeeze %dma_start3A_239 : memref<1x1x128xi32, #tpu.memory_space<vmem>> -> memref<128xi32, #tpu.memory_space<vmem>>
      %dma_start3A_241 = arith.constant 0 : i32
      %dma_start3A_242 = arith.constant 0 : i32
      %dma_start3A_243 = tpu.memref_slice %arg11[%dma_start3A_241, %dma_start3A_242] : memref<10112x64xf32, #tpu.memory_space<vmem_shared>> -> memref<10112x64xf32, #tpu.memory_space<vmem_shared>>
      tpu.enqueue_indirect_dma source(%dma_start3A_237 : memref<128x64xf32, #tpu.memory_space<vmem>>) target(%dma_start3A_243 : memref<10112x64xf32, #tpu.memory_space<vmem_shared>>) offsets(%dma_start3A_240 : memref<128xi32, #tpu.memory_space<vmem>>) semaphore(%arg13 : memref<!tpu.dma_semaphore, #tpu.memory_space<semaphore_mem>>) {add = true}
      %dma_wait3A_244 = arith.constant 0 : i32
      %dma_wait3A_245 = arith.constant 1 : i32
      %dma_wait3A_246 = arith.constant 1 : i32
      %dma_wait3A_247 = arith.constant 0 : i32
      %dma_wait3A_248 = arith.constant 0 : i32
      %dma_wait3A_249 = tpu.memref_slice %arg9[%dma_wait3A_246, %dma_wait3A_247, %dma_wait3A_248] : memref<4x128x64xf32, #tpu.memory_space<vmem>> -> memref<1x128x64xf32, #tpu.memory_space<vmem>>
      %dma_wait3A_250 = tpu.memref_squeeze %dma_wait3A_249 : memref<1x128x64xf32, #tpu.memory_space<vmem>> -> memref<128x64xf32, #tpu.memory_space<vmem>>
      %dma_wait3A_251 = arith.constant 0 : i32
      %dma_wait3A_252 = tpu.memref_slice %arg7[%dma_wait3A_244, %dma_wait3A_245, %dma_wait3A_251] : memref<4x2x128xi32, #tpu.memory_space<vmem>> -> memref<1x1x128xi32, #tpu.memory_space<vmem>>
      %dma_wait3A_253 = tpu.memref_squeeze %dma_wait3A_252 : memref<1x1x128xi32, #tpu.memory_space<vmem>> -> memref<128xi32, #tpu.memory_space<vmem>>
      %dma_wait3A_254 = arith.constant 0 : i32
      %dma_wait3A_255 = arith.constant 0 : i32
      %dma_wait3A_256 = tpu.memref_slice %arg10[%dma_wait3A_254, %dma_wait3A_255] : memref<10000x64xf32, #tpu.memory_space<vmem_shared>> -> memref<10000x64xf32, #tpu.memory_space<vmem_shared>>
      tpu.wait_indirect_dma semaphore(%arg12 : memref<!tpu.dma_semaphore, #tpu.memory_space<semaphore_mem>>) src(%dma_wait3A_256 : memref<10000x64xf32, #tpu.memory_space<vmem_shared>>) dst(%dma_wait3A_250 : memref<128x64xf32, #tpu.memory_space<vmem>>)
      %dma_start3A_257 = arith.constant 1 : i32
      %dma_start3A_258 = arith.constant 0 : i32
      %dma_start3A_259 = arith.constant 1 : i32
      %dma_start3A_260 = arith.constant 0 : i32
      %dma_start3A_261 = arith.constant 0 : i32
      %dma_start3A_262 = tpu.memref_slice %arg9[%dma_start3A_257, %dma_start3A_260, %dma_start3A_261] : memref<4x128x64xf32, #tpu.memory_space<vmem>> -> memref<1x128x64xf32, #tpu.memory_space<vmem>>
      %dma_start3A_263 = tpu.memref_squeeze %dma_start3A_262 : memref<1x128x64xf32, #tpu.memory_space<vmem>> -> memref<128x64xf32, #tpu.memory_space<vmem>>
      %dma_start3A_264 = arith.constant 0 : i32
      %dma_start3A_265 = tpu.memref_slice %arg8[%dma_start3A_258, %dma_start3A_259, %dma_start3A_264] : memref<4x2x128xi32, #tpu.memory_space<vmem>> -> memref<1x1x128xi32, #tpu.memory_space<vmem>>
      %dma_start3A_266 = tpu.memref_squeeze %dma_start3A_265 : memref<1x1x128xi32, #tpu.memory_space<vmem>> -> memref<128xi32, #tpu.memory_space<vmem>>
      %dma_start3A_267 = arith.constant 0 : i32
      %dma_start3A_268 = arith.constant 0 : i32
      %dma_start3A_269 = tpu.memref_slice %arg11[%dma_start3A_267, %dma_start3A_268] : memref<10112x64xf32, #tpu.memory_space<vmem_shared>> -> memref<10112x64xf32, #tpu.memory_space<vmem_shared>>
      tpu.enqueue_indirect_dma source(%dma_start3A_263 : memref<128x64xf32, #tpu.memory_space<vmem>>) target(%dma_start3A_269 : memref<10112x64xf32, #tpu.memory_space<vmem_shared>>) offsets(%dma_start3A_266 : memref<128xi32, #tpu.memory_space<vmem>>) semaphore(%arg13 : memref<!tpu.dma_semaphore, #tpu.memory_space<semaphore_mem>>) {add = true}
      %add3A_270 = arith.constant 1 : i32
      %add3A_271 = arith.addi %add3A_147, %add3A_270 : i32
      %ge3A_272 = arith.constant 2 : i32
      %ge3A_273 = arith.cmpi sge, %add3A_271, %ge3A_272 : i32
      %convert_element_type3A_274 = arith.extui %ge3A_273 : i1 to i32
      %cond3A_275 = arith.constant 0 : i32
      %cond3A_276 = arith.cmpi ne, %convert_element_type3A_274, %cond3A_275 : i32
      scf.if %cond3A_276 {
        %dma_wait3A_648 = arith.constant 2 : i32
        %dma_wait3A_649 = arith.constant 1 : i32
        %dma_wait3A_650 = arith.constant 0 : i32
        %dma_wait3A_651 = arith.constant 0 : i32
        %dma_wait3A_652 = arith.constant 0 : i32
        %dma_wait3A_653 = tpu.memref_slice %arg9[%dma_wait3A_648, %dma_wait3A_651, %dma_wait3A_652] : memref<4x128x64xf32, #tpu.memory_space<vmem>> -> memref<1x128x64xf32, #tpu.memory_space<vmem>>
        %dma_wait3A_654 = tpu.memref_squeeze %dma_wait3A_653 : memref<1x128x64xf32, #tpu.memory_space<vmem>> -> memref<128x64xf32, #tpu.memory_space<vmem>>
        %dma_wait3A_655 = arith.constant 0 : i32
        %dma_wait3A_656 = tpu.memref_slice %arg8[%dma_wait3A_649, %dma_wait3A_650, %dma_wait3A_655] : memref<4x2x128xi32, #tpu.memory_space<vmem>> -> memref<1x1x128xi32, #tpu.memory_space<vmem>>
        %dma_wait3A_657 = tpu.memref_squeeze %dma_wait3A_656 : memref<1x1x128xi32, #tpu.memory_space<vmem>> -> memref<128xi32, #tpu.memory_space<vmem>>
        %dma_wait3A_658 = arith.constant 0 : i32
        %dma_wait3A_659 = arith.constant 0 : i32
        %dma_wait3A_660 = tpu.memref_slice %arg11[%dma_wait3A_658, %dma_wait3A_659] : memref<10112x64xf32, #tpu.memory_space<vmem_shared>> -> memref<10112x64xf32, #tpu.memory_space<vmem_shared>>
        tpu.wait_indirect_dma semaphore(%arg13 : memref<!tpu.dma_semaphore, #tpu.memory_space<semaphore_mem>>) src(%dma_wait3A_654 : memref<128x64xf32, #tpu.memory_space<vmem>>) dst(%dma_wait3A_660 : memref<10112x64xf32, #tpu.memory_space<vmem_shared>>)
        %dma_wait3A_661 = arith.constant 3 : i32
        %dma_wait3A_662 = arith.constant 1 : i32
        %dma_wait3A_663 = arith.constant 1 : i32
        %dma_wait3A_664 = arith.constant 0 : i32
        %dma_wait3A_665 = arith.constant 0 : i32
        %dma_wait3A_666 = tpu.memref_slice %arg9[%dma_wait3A_661, %dma_wait3A_664, %dma_wait3A_665] : memref<4x128x64xf32, #tpu.memory_space<vmem>> -> memref<1x128x64xf32, #tpu.memory_space<vmem>>
        %dma_wait3A_667 = tpu.memref_squeeze %dma_wait3A_666 : memref<1x128x64xf32, #tpu.memory_space<vmem>> -> memref<128x64xf32, #tpu.memory_space<vmem>>
        %dma_wait3A_668 = arith.constant 0 : i32
        %dma_wait3A_669 = tpu.memref_slice %arg8[%dma_wait3A_662, %dma_wait3A_663, %dma_wait3A_668] : memref<4x2x128xi32, #tpu.memory_space<vmem>> -> memref<1x1x128xi32, #tpu.memory_space<vmem>>
        %dma_wait3A_670 = tpu.memref_squeeze %dma_wait3A_669 : memref<1x1x128xi32, #tpu.memory_space<vmem>> -> memref<128xi32, #tpu.memory_space<vmem>>
        %dma_wait3A_671 = arith.constant 0 : i32
        %dma_wait3A_672 = arith.constant 0 : i32
        %dma_wait3A_673 = tpu.memref_slice %arg11[%dma_wait3A_671, %dma_wait3A_672] : memref<10112x64xf32, #tpu.memory_space<vmem_shared>> -> memref<10112x64xf32, #tpu.memory_space<vmem_shared>>
        tpu.wait_indirect_dma semaphore(%arg13 : memref<!tpu.dma_semaphore, #tpu.memory_space<semaphore_mem>>) src(%dma_wait3A_667 : memref<128x64xf32, #tpu.memory_space<vmem>>) dst(%dma_wait3A_673 : memref<10112x64xf32, #tpu.memory_space<vmem_shared>>)
      } else {
      }
      %add3A_277 = arith.constant 2 : i32
      %add3A_278 = arith.addi %add3A_271, %add3A_277 : i32
      %lt3A_279 = arith.constant 80 : i32
      %lt3A_280 = arith.cmpi slt, %add3A_278, %lt3A_279 : i32
      %convert_element_type3A_281 = arith.extui %lt3A_280 : i1 to i32
      %cond3A_282 = arith.constant 0 : i32
      %cond3A_283 = arith.cmpi ne, %convert_element_type3A_281, %cond3A_282 : i32
      scf.if %cond3A_283 {
        %add3A_648 = arith.constant 2 : i32
        %add3A_649 = arith.addi %add3A_271, %add3A_648 : i32
        %mul3A_650 = arith.constant 2 : i32
        %mul3A_651 = arith.muli %add3A_649, %mul3A_650 : i32
        %dma_start3A_652 = arith.constant 3 : i32
        %dma_start3A_653 = arith.constant 0 : i32
        %dma_start3A_654 = arith.constant 0 : i32
        %dma_start3A_655 = tpu.memref_slice %arg7[%dma_start3A_652, %dma_start3A_653, %dma_start3A_654] : memref<4x2x128xi32, #tpu.memory_space<vmem>> -> memref<1x2x128xi32, #tpu.memory_space<vmem>>
        %dma_start3A_656 = tpu.memref_squeeze %dma_start3A_655 : memref<1x2x128xi32, #tpu.memory_space<vmem>> -> memref<2x128xi32, #tpu.memory_space<vmem>>
        %dma_start3A_657 = arith.constant 0 : i32
        %dma_start3A_658 = tpu.memref_slice %arg3[%arg1, %mul3A_651, %dma_start3A_657] : memref<16x160x128xi32, #tpu.memory_space<hbm>> -> memref<1x2x128xi32, #tpu.memory_space<hbm>>
        %dma_start3A_659 = tpu.memref_squeeze %dma_start3A_658 : memref<1x2x128xi32, #tpu.memory_space<hbm>> -> memref<2x128xi32, #tpu.memory_space<hbm>>
        %dma_start3A_660 = arith.constant 0 : i32
        %dma_start3A_661 = arith.constant 0 : i32
        %dma_start3A_662 = tpu.memref_slice %arg7[%dma_start3A_652, %dma_start3A_660, %dma_start3A_661] : memref<4x2x128xi32, #tpu.memory_space<vmem>> -> memref<1x2x128xi32, #tpu.memory_space<vmem>>
        %dma_start3A_663 = tpu.memref_squeeze %dma_start3A_662 : memref<1x2x128xi32, #tpu.memory_space<vmem>> -> memref<2x128xi32, #tpu.memory_space<vmem>>
        %dma_start3A_664 = arith.constant 0 : i32
        %dma_start3A_665 = tpu.memref_slice %arg3[%arg1, %mul3A_651, %dma_start3A_664] : memref<16x160x128xi32, #tpu.memory_space<hbm>> -> memref<1x2x128xi32, #tpu.memory_space<hbm>>
        %dma_start3A_666 = tpu.memref_squeeze %dma_start3A_665 : memref<1x2x128xi32, #tpu.memory_space<hbm>> -> memref<2x128xi32, #tpu.memory_space<hbm>>
        tpu.enqueue_dma source(%dma_start3A_666 : memref<2x128xi32, #tpu.memory_space<hbm>>) target(%dma_start3A_663 : memref<2x128xi32, #tpu.memory_space<vmem>>) target_semaphore(%arg14 : memref<!tpu.dma_semaphore, #tpu.memory_space<semaphore_mem>>)
        %add3A_667 = arith.constant 2 : i32
        %add3A_668 = arith.addi %add3A_271, %add3A_667 : i32
        %mul3A_669 = arith.constant 2 : i32
        %mul3A_670 = arith.muli %add3A_668, %mul3A_669 : i32
        %dma_start3A_671 = arith.constant 3 : i32
        %dma_start3A_672 = arith.constant 0 : i32
        %dma_start3A_673 = arith.constant 0 : i32
        %dma_start3A_674 = tpu.memref_slice %arg8[%dma_start3A_671, %dma_start3A_672, %dma_start3A_673] : memref<4x2x128xi32, #tpu.memory_space<vmem>> -> memref<1x2x128xi32, #tpu.memory_space<vmem>>
        %dma_start3A_675 = tpu.memref_squeeze %dma_start3A_674 : memref<1x2x128xi32, #tpu.memory_space<vmem>> -> memref<2x128xi32, #tpu.memory_space<vmem>>
        %dma_start3A_676 = arith.constant 0 : i32
        %dma_start3A_677 = tpu.memref_slice %arg4[%arg1, %mul3A_670, %dma_start3A_676] : memref<16x160x128xi32, #tpu.memory_space<hbm>> -> memref<1x2x128xi32, #tpu.memory_space<hbm>>
        %dma_start3A_678 = tpu.memref_squeeze %dma_start3A_677 : memref<1x2x128xi32, #tpu.memory_space<hbm>> -> memref<2x128xi32, #tpu.memory_space<hbm>>
        %dma_start3A_679 = arith.constant 0 : i32
        %dma_start3A_680 = arith.constant 0 : i32
        %dma_start3A_681 = tpu.memref_slice %arg8[%dma_start3A_671, %dma_start3A_679, %dma_start3A_680] : memref<4x2x128xi32, #tpu.memory_space<vmem>> -> memref<1x2x128xi32, #tpu.memory_space<vmem>>
        %dma_start3A_682 = tpu.memref_squeeze %dma_start3A_681 : memref<1x2x128xi32, #tpu.memory_space<vmem>> -> memref<2x128xi32, #tpu.memory_space<vmem>>
        %dma_start3A_683 = arith.constant 0 : i32
        %dma_start3A_684 = tpu.memref_slice %arg4[%arg1, %mul3A_670, %dma_start3A_683] : memref<16x160x128xi32, #tpu.memory_space<hbm>> -> memref<1x2x128xi32, #tpu.memory_space<hbm>>
        %dma_start3A_685 = tpu.memref_squeeze %dma_start3A_684 : memref<1x2x128xi32, #tpu.memory_space<hbm>> -> memref<2x128xi32, #tpu.memory_space<hbm>>
        tpu.enqueue_dma source(%dma_start3A_685 : memref<2x128xi32, #tpu.memory_space<hbm>>) target(%dma_start3A_682 : memref<2x128xi32, #tpu.memory_space<vmem>>) target_semaphore(%arg14 : memref<!tpu.dma_semaphore, #tpu.memory_space<semaphore_mem>>)
      } else {
      }
      %mul3A_284 = arith.constant 2 : i32
      %mul3A_285 = arith.muli %add3A_271, %mul3A_284 : i32
      %dma_wait3A_286 = arith.constant 1 : i32
      %dma_wait3A_287 = arith.constant 0 : i32
      %dma_wait3A_288 = arith.constant 0 : i32
      %dma_wait3A_289 = tpu.memref_slice %arg7[%dma_wait3A_286, %dma_wait3A_287, %dma_wait3A_288] : memref<4x2x128xi32, #tpu.memory_space<vmem>> -> memref<1x2x128xi32, #tpu.memory_space<vmem>>
      %dma_wait3A_290 = tpu.memref_squeeze %dma_wait3A_289 : memref<1x2x128xi32, #tpu.memory_space<vmem>> -> memref<2x128xi32, #tpu.memory_space<vmem>>
      %dma_wait3A_291 = arith.constant 0 : i32
      %dma_wait3A_292 = tpu.memref_slice %arg3[%arg1, %mul3A_285, %dma_wait3A_291] : memref<16x160x128xi32, #tpu.memory_space<hbm>> -> memref<1x2x128xi32, #tpu.memory_space<hbm>>
      %dma_wait3A_293 = tpu.memref_squeeze %dma_wait3A_292 : memref<1x2x128xi32, #tpu.memory_space<hbm>> -> memref<2x128xi32, #tpu.memory_space<hbm>>
      %dma_wait3A_294 = arith.constant 0 : i32
      %dma_wait3A_295 = arith.constant 0 : i32
      %dma_wait3A_296 = tpu.memref_slice %arg7[%dma_wait3A_286, %dma_wait3A_294, %dma_wait3A_295] : memref<4x2x128xi32, #tpu.memory_space<vmem>> -> memref<1x2x128xi32, #tpu.memory_space<vmem>>
      %dma_wait3A_297 = tpu.memref_squeeze %dma_wait3A_296 : memref<1x2x128xi32, #tpu.memory_space<vmem>> -> memref<2x128xi32, #tpu.memory_space<vmem>>
      %dma_wait3A_298 = arith.constant 0 : i32
      %dma_wait3A_299 = tpu.memref_slice %arg3[%arg1, %mul3A_285, %dma_wait3A_298] : memref<16x160x128xi32, #tpu.memory_space<hbm>> -> memref<1x2x128xi32, #tpu.memory_space<hbm>>
      %dma_wait3A_300 = tpu.memref_squeeze %dma_wait3A_299 : memref<1x2x128xi32, #tpu.memory_space<hbm>> -> memref<2x128xi32, #tpu.memory_space<hbm>>
      tpu.wait_dma2 semaphore(%arg14 : memref<!tpu.dma_semaphore, #tpu.memory_space<semaphore_mem>>) src(%dma_wait3A_300 : memref<2x128xi32, #tpu.memory_space<hbm>>) dst(%dma_wait3A_297 : memref<2x128xi32, #tpu.memory_space<vmem>>)
      %mul3A_301 = arith.constant 2 : i32
      %mul3A_302 = arith.muli %add3A_271, %mul3A_301 : i32
      %dma_wait3A_303 = arith.constant 1 : i32
      %dma_wait3A_304 = arith.constant 0 : i32
      %dma_wait3A_305 = arith.constant 0 : i32
      %dma_wait3A_306 = tpu.memref_slice %arg8[%dma_wait3A_303, %dma_wait3A_304, %dma_wait3A_305] : memref<4x2x128xi32, #tpu.memory_space<vmem>> -> memref<1x2x128xi32, #tpu.memory_space<vmem>>
      %dma_wait3A_307 = tpu.memref_squeeze %dma_wait3A_306 : memref<1x2x128xi32, #tpu.memory_space<vmem>> -> memref<2x128xi32, #tpu.memory_space<vmem>>
      %dma_wait3A_308 = arith.constant 0 : i32
      %dma_wait3A_309 = tpu.memref_slice %arg4[%arg1, %mul3A_302, %dma_wait3A_308] : memref<16x160x128xi32, #tpu.memory_space<hbm>> -> memref<1x2x128xi32, #tpu.memory_space<hbm>>
      %dma_wait3A_310 = tpu.memref_squeeze %dma_wait3A_309 : memref<1x2x128xi32, #tpu.memory_space<hbm>> -> memref<2x128xi32, #tpu.memory_space<hbm>>
      %dma_wait3A_311 = arith.constant 0 : i32
      %dma_wait3A_312 = arith.constant 0 : i32
      %dma_wait3A_313 = tpu.memref_slice %arg8[%dma_wait3A_303, %dma_wait3A_311, %dma_wait3A_312] : memref<4x2x128xi32, #tpu.memory_space<vmem>> -> memref<1x2x128xi32, #tpu.memory_space<vmem>>
      %dma_wait3A_314 = tpu.memref_squeeze %dma_wait3A_313 : memref<1x2x128xi32, #tpu.memory_space<vmem>> -> memref<2x128xi32, #tpu.memory_space<vmem>>
      %dma_wait3A_315 = arith.constant 0 : i32
      %dma_wait3A_316 = tpu.memref_slice %arg4[%arg1, %mul3A_302, %dma_wait3A_315] : memref<16x160x128xi32, #tpu.memory_space<hbm>> -> memref<1x2x128xi32, #tpu.memory_space<hbm>>
      %dma_wait3A_317 = tpu.memref_squeeze %dma_wait3A_316 : memref<1x2x128xi32, #tpu.memory_space<hbm>> -> memref<2x128xi32, #tpu.memory_space<hbm>>
      tpu.wait_dma2 semaphore(%arg14 : memref<!tpu.dma_semaphore, #tpu.memory_space<semaphore_mem>>) src(%dma_wait3A_317 : memref<2x128xi32, #tpu.memory_space<hbm>>) dst(%dma_wait3A_314 : memref<2x128xi32, #tpu.memory_space<vmem>>)
      %dma_start3A_318 = arith.constant 1 : i32
      %dma_start3A_319 = arith.constant 0 : i32
      %dma_start3A_320 = arith.constant 2 : i32
      %dma_start3A_321 = arith.constant 0 : i32
      %dma_start3A_322 = arith.constant 0 : i32
      %dma_start3A_323 = tpu.memref_slice %arg9[%dma_start3A_320, %dma_start3A_321, %dma_start3A_322] : memref<4x128x64xf32, #tpu.memory_space<vmem>> -> memref<1x128x64xf32, #tpu.memory_space<vmem>>
      %dma_start3A_324 = tpu.memref_squeeze %dma_start3A_323 : memref<1x128x64xf32, #tpu.memory_space<vmem>> -> memref<128x64xf32, #tpu.memory_space<vmem>>
      %dma_start3A_325 = arith.constant 0 : i32
      %dma_start3A_326 = tpu.memref_slice %arg7[%dma_start3A_318, %dma_start3A_319, %dma_start3A_325] : memref<4x2x128xi32, #tpu.memory_space<vmem>> -> memref<1x1x128xi32, #tpu.memory_space<vmem>>
      %dma_start3A_327 = tpu.memref_squeeze %dma_start3A_326 : memref<1x1x128xi32, #tpu.memory_space<vmem>> -> memref<128xi32, #tpu.memory_space<vmem>>
      %dma_start3A_328 = arith.constant 0 : i32
      %dma_start3A_329 = arith.constant 0 : i32
      %dma_start3A_330 = tpu.memref_slice %arg10[%dma_start3A_328, %dma_start3A_329] : memref<10000x64xf32, #tpu.memory_space<vmem_shared>> -> memref<10000x64xf32, #tpu.memory_space<vmem_shared>>
      tpu.enqueue_indirect_dma source(%dma_start3A_330 : memref<10000x64xf32, #tpu.memory_space<vmem_shared>>) target(%dma_start3A_324 : memref<128x64xf32, #tpu.memory_space<vmem>>) offsets(%dma_start3A_327 : memref<128xi32, #tpu.memory_space<vmem>>) semaphore(%arg12 : memref<!tpu.dma_semaphore, #tpu.memory_space<semaphore_mem>>)
      %dma_start3A_331 = arith.constant 1 : i32
      %dma_start3A_332 = arith.constant 1 : i32
      %dma_start3A_333 = arith.constant 3 : i32
      %dma_start3A_334 = arith.constant 0 : i32
      %dma_start3A_335 = arith.constant 0 : i32
      %dma_start3A_336 = tpu.memref_slice %arg9[%dma_start3A_333, %dma_start3A_334, %dma_start3A_335] : memref<4x128x64xf32, #tpu.memory_space<vmem>> -> memref<1x128x64xf32, #tpu.memory_space<vmem>>
      %dma_start3A_337 = tpu.memref_squeeze %dma_start3A_336 : memref<1x128x64xf32, #tpu.memory_space<vmem>> -> memref<128x64xf32, #tpu.memory_space<vmem>>
      %dma_start3A_338 = arith.constant 0 : i32
      %dma_start3A_339 = tpu.memref_slice %arg7[%dma_start3A_331, %dma_start3A_332, %dma_start3A_338] : memref<4x2x128xi32, #tpu.memory_space<vmem>> -> memref<1x1x128xi32, #tpu.memory_space<vmem>>
      %dma_start3A_340 = tpu.memref_squeeze %dma_start3A_339 : memref<1x1x128xi32, #tpu.memory_space<vmem>> -> memref<128xi32, #tpu.memory_space<vmem>>
      %dma_start3A_341 = arith.constant 0 : i32
      %dma_start3A_342 = arith.constant 0 : i32
      %dma_start3A_343 = tpu.memref_slice %arg10[%dma_start3A_341, %dma_start3A_342] : memref<10000x64xf32, #tpu.memory_space<vmem_shared>> -> memref<10000x64xf32, #tpu.memory_space<vmem_shared>>
      tpu.enqueue_indirect_dma source(%dma_start3A_343 : memref<10000x64xf32, #tpu.memory_space<vmem_shared>>) target(%dma_start3A_337 : memref<128x64xf32, #tpu.memory_space<vmem>>) offsets(%dma_start3A_340 : memref<128xi32, #tpu.memory_space<vmem>>) semaphore(%arg12 : memref<!tpu.dma_semaphore, #tpu.memory_space<semaphore_mem>>)
      %dma_wait3A_344 = arith.constant 1 : i32
      %dma_wait3A_345 = arith.constant 0 : i32
      %dma_wait3A_346 = arith.constant 2 : i32
      %dma_wait3A_347 = arith.constant 0 : i32
      %dma_wait3A_348 = arith.constant 0 : i32
      %dma_wait3A_349 = tpu.memref_slice %arg9[%dma_wait3A_346, %dma_wait3A_347, %dma_wait3A_348] : memref<4x128x64xf32, #tpu.memory_space<vmem>> -> memref<1x128x64xf32, #tpu.memory_space<vmem>>
      %dma_wait3A_350 = tpu.memref_squeeze %dma_wait3A_349 : memref<1x128x64xf32, #tpu.memory_space<vmem>> -> memref<128x64xf32, #tpu.memory_space<vmem>>
      %dma_wait3A_351 = arith.constant 0 : i32
      %dma_wait3A_352 = tpu.memref_slice %arg7[%dma_wait3A_344, %dma_wait3A_345, %dma_wait3A_351] : memref<4x2x128xi32, #tpu.memory_space<vmem>> -> memref<1x1x128xi32, #tpu.memory_space<vmem>>
      %dma_wait3A_353 = tpu.memref_squeeze %dma_wait3A_352 : memref<1x1x128xi32, #tpu.memory_space<vmem>> -> memref<128xi32, #tpu.memory_space<vmem>>
      %dma_wait3A_354 = arith.constant 0 : i32
      %dma_wait3A_355 = arith.constant 0 : i32
      %dma_wait3A_356 = tpu.memref_slice %arg10[%dma_wait3A_354, %dma_wait3A_355] : memref<10000x64xf32, #tpu.memory_space<vmem_shared>> -> memref<10000x64xf32, #tpu.memory_space<vmem_shared>>
      tpu.wait_indirect_dma semaphore(%arg12 : memref<!tpu.dma_semaphore, #tpu.memory_space<semaphore_mem>>) src(%dma_wait3A_356 : memref<10000x64xf32, #tpu.memory_space<vmem_shared>>) dst(%dma_wait3A_350 : memref<128x64xf32, #tpu.memory_space<vmem>>)
      %dma_start3A_357 = arith.constant 2 : i32
      %dma_start3A_358 = arith.constant 1 : i32
      %dma_start3A_359 = arith.constant 0 : i32
      %dma_start3A_360 = arith.constant 0 : i32
      %dma_start3A_361 = arith.constant 0 : i32
      %dma_start3A_362 = tpu.memref_slice %arg9[%dma_start3A_357, %dma_start3A_360, %dma_start3A_361] : memref<4x128x64xf32, #tpu.memory_space<vmem>> -> memref<1x128x64xf32, #tpu.memory_space<vmem>>
      %dma_start3A_363 = tpu.memref_squeeze %dma_start3A_362 : memref<1x128x64xf32, #tpu.memory_space<vmem>> -> memref<128x64xf32, #tpu.memory_space<vmem>>
      %dma_start3A_364 = arith.constant 0 : i32
      %dma_start3A_365 = tpu.memref_slice %arg8[%dma_start3A_358, %dma_start3A_359, %dma_start3A_364] : memref<4x2x128xi32, #tpu.memory_space<vmem>> -> memref<1x1x128xi32, #tpu.memory_space<vmem>>
      %dma_start3A_366 = tpu.memref_squeeze %dma_start3A_365 : memref<1x1x128xi32, #tpu.memory_space<vmem>> -> memref<128xi32, #tpu.memory_space<vmem>>
      %dma_start3A_367 = arith.constant 0 : i32
      %dma_start3A_368 = arith.constant 0 : i32
      %dma_start3A_369 = tpu.memref_slice %arg11[%dma_start3A_367, %dma_start3A_368] : memref<10112x64xf32, #tpu.memory_space<vmem_shared>> -> memref<10112x64xf32, #tpu.memory_space<vmem_shared>>
      tpu.enqueue_indirect_dma source(%dma_start3A_363 : memref<128x64xf32, #tpu.memory_space<vmem>>) target(%dma_start3A_369 : memref<10112x64xf32, #tpu.memory_space<vmem_shared>>) offsets(%dma_start3A_366 : memref<128xi32, #tpu.memory_space<vmem>>) semaphore(%arg13 : memref<!tpu.dma_semaphore, #tpu.memory_space<semaphore_mem>>) {add = true}
      %dma_wait3A_370 = arith.constant 1 : i32
      %dma_wait3A_371 = arith.constant 1 : i32
      %dma_wait3A_372 = arith.constant 3 : i32
      %dma_wait3A_373 = arith.constant 0 : i32
      %dma_wait3A_374 = arith.constant 0 : i32
      %dma_wait3A_375 = tpu.memref_slice %arg9[%dma_wait3A_372, %dma_wait3A_373, %dma_wait3A_374] : memref<4x128x64xf32, #tpu.memory_space<vmem>> -> memref<1x128x64xf32, #tpu.memory_space<vmem>>
      %dma_wait3A_376 = tpu.memref_squeeze %dma_wait3A_375 : memref<1x128x64xf32, #tpu.memory_space<vmem>> -> memref<128x64xf32, #tpu.memory_space<vmem>>
      %dma_wait3A_377 = arith.constant 0 : i32
      %dma_wait3A_378 = tpu.memref_slice %arg7[%dma_wait3A_370, %dma_wait3A_371, %dma_wait3A_377] : memref<4x2x128xi32, #tpu.memory_space<vmem>> -> memref<1x1x128xi32, #tpu.memory_space<vmem>>
      %dma_wait3A_379 = tpu.memref_squeeze %dma_wait3A_378 : memref<1x1x128xi32, #tpu.memory_space<vmem>> -> memref<128xi32, #tpu.memory_space<vmem>>
      %dma_wait3A_380 = arith.constant 0 : i32
      %dma_wait3A_381 = arith.constant 0 : i32
      %dma_wait3A_382 = tpu.memref_slice %arg10[%dma_wait3A_380, %dma_wait3A_381] : memref<10000x64xf32, #tpu.memory_space<vmem_shared>> -> memref<10000x64xf32, #tpu.memory_space<vmem_shared>>
      tpu.wait_indirect_dma semaphore(%arg12 : memref<!tpu.dma_semaphore, #tpu.memory_space<semaphore_mem>>) src(%dma_wait3A_382 : memref<10000x64xf32, #tpu.memory_space<vmem_shared>>) dst(%dma_wait3A_376 : memref<128x64xf32, #tpu.memory_space<vmem>>)
      %dma_start3A_383 = arith.constant 3 : i32
      %dma_start3A_384 = arith.constant 1 : i32
      %dma_start3A_385 = arith.constant 1 : i32
      %dma_start3A_386 = arith.constant 0 : i32
      %dma_start3A_387 = arith.constant 0 : i32
      %dma_start3A_388 = tpu.memref_slice %arg9[%dma_start3A_383, %dma_start3A_386, %dma_start3A_387] : memref<4x128x64xf32, #tpu.memory_space<vmem>> -> memref<1x128x64xf32, #tpu.memory_space<vmem>>
      %dma_start3A_389 = tpu.memref_squeeze %dma_start3A_388 : memref<1x128x64xf32, #tpu.memory_space<vmem>> -> memref<128x64xf32, #tpu.memory_space<vmem>>
      %dma_start3A_390 = arith.constant 0 : i32
      %dma_start3A_391 = tpu.memref_slice %arg8[%dma_start3A_384, %dma_start3A_385, %dma_start3A_390] : memref<4x2x128xi32, #tpu.memory_space<vmem>> -> memref<1x1x128xi32, #tpu.memory_space<vmem>>
      %dma_start3A_392 = tpu.memref_squeeze %dma_start3A_391 : memref<1x1x128xi32, #tpu.memory_space<vmem>> -> memref<128xi32, #tpu.memory_space<vmem>>
      %dma_start3A_393 = arith.constant 0 : i32
      %dma_start3A_394 = arith.constant 0 : i32
      %dma_start3A_395 = tpu.memref_slice %arg11[%dma_start3A_393, %dma_start3A_394] : memref<10112x64xf32, #tpu.memory_space<vmem_shared>> -> memref<10112x64xf32, #tpu.memory_space<vmem_shared>>
      tpu.enqueue_indirect_dma source(%dma_start3A_389 : memref<128x64xf32, #tpu.memory_space<vmem>>) target(%dma_start3A_395 : memref<10112x64xf32, #tpu.memory_space<vmem_shared>>) offsets(%dma_start3A_392 : memref<128xi32, #tpu.memory_space<vmem>>) semaphore(%arg13 : memref<!tpu.dma_semaphore, #tpu.memory_space<semaphore_mem>>) {add = true}
      %add3A_396 = arith.constant 2 : i32
      %add3A_397 = arith.addi %add3A_147, %add3A_396 : i32
      %ge3A_398 = arith.constant 2 : i32
      %ge3A_399 = arith.cmpi sge, %add3A_397, %ge3A_398 : i32
      %convert_element_type3A_400 = arith.extui %ge3A_399 : i1 to i32
      %cond3A_401 = arith.constant 0 : i32
      %cond3A_402 = arith.cmpi ne, %convert_element_type3A_400, %cond3A_401 : i32
      scf.if %cond3A_402 {
        %dma_wait3A_648 = arith.constant 0 : i32
        %dma_wait3A_649 = arith.constant 2 : i32
        %dma_wait3A_650 = arith.constant 0 : i32
        %dma_wait3A_651 = arith.constant 0 : i32
        %dma_wait3A_652 = arith.constant 0 : i32
        %dma_wait3A_653 = tpu.memref_slice %arg9[%dma_wait3A_648, %dma_wait3A_651, %dma_wait3A_652] : memref<4x128x64xf32, #tpu.memory_space<vmem>> -> memref<1x128x64xf32, #tpu.memory_space<vmem>>
        %dma_wait3A_654 = tpu.memref_squeeze %dma_wait3A_653 : memref<1x128x64xf32, #tpu.memory_space<vmem>> -> memref<128x64xf32, #tpu.memory_space<vmem>>
        %dma_wait3A_655 = arith.constant 0 : i32
        %dma_wait3A_656 = tpu.memref_slice %arg8[%dma_wait3A_649, %dma_wait3A_650, %dma_wait3A_655] : memref<4x2x128xi32, #tpu.memory_space<vmem>> -> memref<1x1x128xi32, #tpu.memory_space<vmem>>
        %dma_wait3A_657 = tpu.memref_squeeze %dma_wait3A_656 : memref<1x1x128xi32, #tpu.memory_space<vmem>> -> memref<128xi32, #tpu.memory_space<vmem>>
        %dma_wait3A_658 = arith.constant 0 : i32
        %dma_wait3A_659 = arith.constant 0 : i32
        %dma_wait3A_660 = tpu.memref_slice %arg11[%dma_wait3A_658, %dma_wait3A_659] : memref<10112x64xf32, #tpu.memory_space<vmem_shared>> -> memref<10112x64xf32, #tpu.memory_space<vmem_shared>>
        tpu.wait_indirect_dma semaphore(%arg13 : memref<!tpu.dma_semaphore, #tpu.memory_space<semaphore_mem>>) src(%dma_wait3A_654 : memref<128x64xf32, #tpu.memory_space<vmem>>) dst(%dma_wait3A_660 : memref<10112x64xf32, #tpu.memory_space<vmem_shared>>)
        %dma_wait3A_661 = arith.constant 1 : i32
        %dma_wait3A_662 = arith.constant 2 : i32
        %dma_wait3A_663 = arith.constant 1 : i32
        %dma_wait3A_664 = arith.constant 0 : i32
        %dma_wait3A_665 = arith.constant 0 : i32
        %dma_wait3A_666 = tpu.memref_slice %arg9[%dma_wait3A_661, %dma_wait3A_664, %dma_wait3A_665] : memref<4x128x64xf32, #tpu.memory_space<vmem>> -> memref<1x128x64xf32, #tpu.memory_space<vmem>>
        %dma_wait3A_667 = tpu.memref_squeeze %dma_wait3A_666 : memref<1x128x64xf32, #tpu.memory_space<vmem>> -> memref<128x64xf32, #tpu.memory_space<vmem>>
        %dma_wait3A_668 = arith.constant 0 : i32
        %dma_wait3A_669 = tpu.memref_slice %arg8[%dma_wait3A_662, %dma_wait3A_663, %dma_wait3A_668] : memref<4x2x128xi32, #tpu.memory_space<vmem>> -> memref<1x1x128xi32, #tpu.memory_space<vmem>>
        %dma_wait3A_670 = tpu.memref_squeeze %dma_wait3A_669 : memref<1x1x128xi32, #tpu.memory_space<vmem>> -> memref<128xi32, #tpu.memory_space<vmem>>
        %dma_wait3A_671 = arith.constant 0 : i32
        %dma_wait3A_672 = arith.constant 0 : i32
        %dma_wait3A_673 = tpu.memref_slice %arg11[%dma_wait3A_671, %dma_wait3A_672] : memref<10112x64xf32, #tpu.memory_space<vmem_shared>> -> memref<10112x64xf32, #tpu.memory_space<vmem_shared>>
        tpu.wait_indirect_dma semaphore(%arg13 : memref<!tpu.dma_semaphore, #tpu.memory_space<semaphore_mem>>) src(%dma_wait3A_667 : memref<128x64xf32, #tpu.memory_space<vmem>>) dst(%dma_wait3A_673 : memref<10112x64xf32, #tpu.memory_space<vmem_shared>>)
      } else {
      }
      %add3A_403 = arith.constant 2 : i32
      %add3A_404 = arith.addi %add3A_397, %add3A_403 : i32
      %lt3A_405 = arith.constant 80 : i32
      %lt3A_406 = arith.cmpi slt, %add3A_404, %lt3A_405 : i32
      %convert_element_type3A_407 = arith.extui %lt3A_406 : i1 to i32
      %cond3A_408 = arith.constant 0 : i32
      %cond3A_409 = arith.cmpi ne, %convert_element_type3A_407, %cond3A_408 : i32
      scf.if %cond3A_409 {
        %add3A_648 = arith.constant 2 : i32
        %add3A_649 = arith.addi %add3A_397, %add3A_648 : i32
        %mul3A_650 = arith.constant 2 : i32
        %mul3A_651 = arith.muli %add3A_649, %mul3A_650 : i32
        %dma_start3A_652 = arith.constant 0 : i32
        %dma_start3A_653 = arith.constant 0 : i32
        %dma_start3A_654 = arith.constant 0 : i32
        %dma_start3A_655 = tpu.memref_slice %arg7[%dma_start3A_652, %dma_start3A_653, %dma_start3A_654] : memref<4x2x128xi32, #tpu.memory_space<vmem>> -> memref<1x2x128xi32, #tpu.memory_space<vmem>>
        %dma_start3A_656 = tpu.memref_squeeze %dma_start3A_655 : memref<1x2x128xi32, #tpu.memory_space<vmem>> -> memref<2x128xi32, #tpu.memory_space<vmem>>
        %dma_start3A_657 = arith.constant 0 : i32
        %dma_start3A_658 = tpu.memref_slice %arg3[%arg1, %mul3A_651, %dma_start3A_657] : memref<16x160x128xi32, #tpu.memory_space<hbm>> -> memref<1x2x128xi32, #tpu.memory_space<hbm>>
        %dma_start3A_659 = tpu.memref_squeeze %dma_start3A_658 : memref<1x2x128xi32, #tpu.memory_space<hbm>> -> memref<2x128xi32, #tpu.memory_space<hbm>>
        %dma_start3A_660 = arith.constant 0 : i32
        %dma_start3A_661 = arith.constant 0 : i32
        %dma_start3A_662 = tpu.memref_slice %arg7[%dma_start3A_652, %dma_start3A_660, %dma_start3A_661] : memref<4x2x128xi32, #tpu.memory_space<vmem>> -> memref<1x2x128xi32, #tpu.memory_space<vmem>>
        %dma_start3A_663 = tpu.memref_squeeze %dma_start3A_662 : memref<1x2x128xi32, #tpu.memory_space<vmem>> -> memref<2x128xi32, #tpu.memory_space<vmem>>
        %dma_start3A_664 = arith.constant 0 : i32
        %dma_start3A_665 = tpu.memref_slice %arg3[%arg1, %mul3A_651, %dma_start3A_664] : memref<16x160x128xi32, #tpu.memory_space<hbm>> -> memref<1x2x128xi32, #tpu.memory_space<hbm>>
        %dma_start3A_666 = tpu.memref_squeeze %dma_start3A_665 : memref<1x2x128xi32, #tpu.memory_space<hbm>> -> memref<2x128xi32, #tpu.memory_space<hbm>>
        tpu.enqueue_dma source(%dma_start3A_666 : memref<2x128xi32, #tpu.memory_space<hbm>>) target(%dma_start3A_663 : memref<2x128xi32, #tpu.memory_space<vmem>>) target_semaphore(%arg14 : memref<!tpu.dma_semaphore, #tpu.memory_space<semaphore_mem>>)
        %add3A_667 = arith.constant 2 : i32
        %add3A_668 = arith.addi %add3A_397, %add3A_667 : i32
        %mul3A_669 = arith.constant 2 : i32
        %mul3A_670 = arith.muli %add3A_668, %mul3A_669 : i32
        %dma_start3A_671 = arith.constant 0 : i32
        %dma_start3A_672 = arith.constant 0 : i32
        %dma_start3A_673 = arith.constant 0 : i32
        %dma_start3A_674 = tpu.memref_slice %arg8[%dma_start3A_671, %dma_start3A_672, %dma_start3A_673] : memref<4x2x128xi32, #tpu.memory_space<vmem>> -> memref<1x2x128xi32, #tpu.memory_space<vmem>>
        %dma_start3A_675 = tpu.memref_squeeze %dma_start3A_674 : memref<1x2x128xi32, #tpu.memory_space<vmem>> -> memref<2x128xi32, #tpu.memory_space<vmem>>
        %dma_start3A_676 = arith.constant 0 : i32
        %dma_start3A_677 = tpu.memref_slice %arg4[%arg1, %mul3A_670, %dma_start3A_676] : memref<16x160x128xi32, #tpu.memory_space<hbm>> -> memref<1x2x128xi32, #tpu.memory_space<hbm>>
        %dma_start3A_678 = tpu.memref_squeeze %dma_start3A_677 : memref<1x2x128xi32, #tpu.memory_space<hbm>> -> memref<2x128xi32, #tpu.memory_space<hbm>>
        %dma_start3A_679 = arith.constant 0 : i32
        %dma_start3A_680 = arith.constant 0 : i32
        %dma_start3A_681 = tpu.memref_slice %arg8[%dma_start3A_671, %dma_start3A_679, %dma_start3A_680] : memref<4x2x128xi32, #tpu.memory_space<vmem>> -> memref<1x2x128xi32, #tpu.memory_space<vmem>>
        %dma_start3A_682 = tpu.memref_squeeze %dma_start3A_681 : memref<1x2x128xi32, #tpu.memory_space<vmem>> -> memref<2x128xi32, #tpu.memory_space<vmem>>
        %dma_start3A_683 = arith.constant 0 : i32
        %dma_start3A_684 = tpu.memref_slice %arg4[%arg1, %mul3A_670, %dma_start3A_683] : memref<16x160x128xi32, #tpu.memory_space<hbm>> -> memref<1x2x128xi32, #tpu.memory_space<hbm>>
        %dma_start3A_685 = tpu.memref_squeeze %dma_start3A_684 : memref<1x2x128xi32, #tpu.memory_space<hbm>> -> memref<2x128xi32, #tpu.memory_space<hbm>>
        tpu.enqueue_dma source(%dma_start3A_685 : memref<2x128xi32, #tpu.memory_space<hbm>>) target(%dma_start3A_682 : memref<2x128xi32, #tpu.memory_space<vmem>>) target_semaphore(%arg14 : memref<!tpu.dma_semaphore, #tpu.memory_space<semaphore_mem>>)
      } else {
      }
      %mul3A_410 = arith.constant 2 : i32
      %mul3A_411 = arith.muli %add3A_397, %mul3A_410 : i32
      %dma_wait3A_412 = arith.constant 2 : i32
      %dma_wait3A_413 = arith.constant 0 : i32
      %dma_wait3A_414 = arith.constant 0 : i32
      %dma_wait3A_415 = tpu.memref_slice %arg7[%dma_wait3A_412, %dma_wait3A_413, %dma_wait3A_414] : memref<4x2x128xi32, #tpu.memory_space<vmem>> -> memref<1x2x128xi32, #tpu.memory_space<vmem>>
      %dma_wait3A_416 = tpu.memref_squeeze %dma_wait3A_415 : memref<1x2x128xi32, #tpu.memory_space<vmem>> -> memref<2x128xi32, #tpu.memory_space<vmem>>
      %dma_wait3A_417 = arith.constant 0 : i32
      %dma_wait3A_418 = tpu.memref_slice %arg3[%arg1, %mul3A_411, %dma_wait3A_417] : memref<16x160x128xi32, #tpu.memory_space<hbm>> -> memref<1x2x128xi32, #tpu.memory_space<hbm>>
      %dma_wait3A_419 = tpu.memref_squeeze %dma_wait3A_418 : memref<1x2x128xi32, #tpu.memory_space<hbm>> -> memref<2x128xi32, #tpu.memory_space<hbm>>
      %dma_wait3A_420 = arith.constant 0 : i32
      %dma_wait3A_421 = arith.constant 0 : i32
      %dma_wait3A_422 = tpu.memref_slice %arg7[%dma_wait3A_412, %dma_wait3A_420, %dma_wait3A_421] : memref<4x2x128xi32, #tpu.memory_space<vmem>> -> memref<1x2x128xi32, #tpu.memory_space<vmem>>
      %dma_wait3A_423 = tpu.memref_squeeze %dma_wait3A_422 : memref<1x2x128xi32, #tpu.memory_space<vmem>> -> memref<2x128xi32, #tpu.memory_space<vmem>>
      %dma_wait3A_424 = arith.constant 0 : i32
      %dma_wait3A_425 = tpu.memref_slice %arg3[%arg1, %mul3A_411, %dma_wait3A_424] : memref<16x160x128xi32, #tpu.memory_space<hbm>> -> memref<1x2x128xi32, #tpu.memory_space<hbm>>
      %dma_wait3A_426 = tpu.memref_squeeze %dma_wait3A_425 : memref<1x2x128xi32, #tpu.memory_space<hbm>> -> memref<2x128xi32, #tpu.memory_space<hbm>>
      tpu.wait_dma2 semaphore(%arg14 : memref<!tpu.dma_semaphore, #tpu.memory_space<semaphore_mem>>) src(%dma_wait3A_426 : memref<2x128xi32, #tpu.memory_space<hbm>>) dst(%dma_wait3A_423 : memref<2x128xi32, #tpu.memory_space<vmem>>)
      %mul3A_427 = arith.constant 2 : i32
      %mul3A_428 = arith.muli %add3A_397, %mul3A_427 : i32
      %dma_wait3A_429 = arith.constant 2 : i32
      %dma_wait3A_430 = arith.constant 0 : i32
      %dma_wait3A_431 = arith.constant 0 : i32
      %dma_wait3A_432 = tpu.memref_slice %arg8[%dma_wait3A_429, %dma_wait3A_430, %dma_wait3A_431] : memref<4x2x128xi32, #tpu.memory_space<vmem>> -> memref<1x2x128xi32, #tpu.memory_space<vmem>>
      %dma_wait3A_433 = tpu.memref_squeeze %dma_wait3A_432 : memref<1x2x128xi32, #tpu.memory_space<vmem>> -> memref<2x128xi32, #tpu.memory_space<vmem>>
      %dma_wait3A_434 = arith.constant 0 : i32
      %dma_wait3A_435 = tpu.memref_slice %arg4[%arg1, %mul3A_428, %dma_wait3A_434] : memref<16x160x128xi32, #tpu.memory_space<hbm>> -> memref<1x2x128xi32, #tpu.memory_space<hbm>>
      %dma_wait3A_436 = tpu.memref_squeeze %dma_wait3A_435 : memref<1x2x128xi32, #tpu.memory_space<hbm>> -> memref<2x128xi32, #tpu.memory_space<hbm>>
      %dma_wait3A_437 = arith.constant 0 : i32
      %dma_wait3A_438 = arith.constant 0 : i32
      %dma_wait3A_439 = tpu.memref_slice %arg8[%dma_wait3A_429, %dma_wait3A_437, %dma_wait3A_438] : memref<4x2x128xi32, #tpu.memory_space<vmem>> -> memref<1x2x128xi32, #tpu.memory_space<vmem>>
      %dma_wait3A_440 = tpu.memref_squeeze %dma_wait3A_439 : memref<1x2x128xi32, #tpu.memory_space<vmem>> -> memref<2x128xi32, #tpu.memory_space<vmem>>
      %dma_wait3A_441 = arith.constant 0 : i32
      %dma_wait3A_442 = tpu.memref_slice %arg4[%arg1, %mul3A_428, %dma_wait3A_441] : memref<16x160x128xi32, #tpu.memory_space<hbm>> -> memref<1x2x128xi32, #tpu.memory_space<hbm>>
      %dma_wait3A_443 = tpu.memref_squeeze %dma_wait3A_442 : memref<1x2x128xi32, #tpu.memory_space<hbm>> -> memref<2x128xi32, #tpu.memory_space<hbm>>
      tpu.wait_dma2 semaphore(%arg14 : memref<!tpu.dma_semaphore, #tpu.memory_space<semaphore_mem>>) src(%dma_wait3A_443 : memref<2x128xi32, #tpu.memory_space<hbm>>) dst(%dma_wait3A_440 : memref<2x128xi32, #tpu.memory_space<vmem>>)
      %dma_start3A_444 = arith.constant 2 : i32
      %dma_start3A_445 = arith.constant 0 : i32
      %dma_start3A_446 = arith.constant 0 : i32
      %dma_start3A_447 = arith.constant 0 : i32
      %dma_start3A_448 = arith.constant 0 : i32
      %dma_start3A_449 = tpu.memref_slice %arg9[%dma_start3A_446, %dma_start3A_447, %dma_start3A_448] : memref<4x128x64xf32, #tpu.memory_space<vmem>> -> memref<1x128x64xf32, #tpu.memory_space<vmem>>
      %dma_start3A_450 = tpu.memref_squeeze %dma_start3A_449 : memref<1x128x64xf32, #tpu.memory_space<vmem>> -> memref<128x64xf32, #tpu.memory_space<vmem>>
      %dma_start3A_451 = arith.constant 0 : i32
      %dma_start3A_452 = tpu.memref_slice %arg7[%dma_start3A_444, %dma_start3A_445, %dma_start3A_451] : memref<4x2x128xi32, #tpu.memory_space<vmem>> -> memref<1x1x128xi32, #tpu.memory_space<vmem>>
      %dma_start3A_453 = tpu.memref_squeeze %dma_start3A_452 : memref<1x1x128xi32, #tpu.memory_space<vmem>> -> memref<128xi32, #tpu.memory_space<vmem>>
      %dma_start3A_454 = arith.constant 0 : i32
      %dma_start3A_455 = arith.constant 0 : i32
      %dma_start3A_456 = tpu.memref_slice %arg10[%dma_start3A_454, %dma_start3A_455] : memref<10000x64xf32, #tpu.memory_space<vmem_shared>> -> memref<10000x64xf32, #tpu.memory_space<vmem_shared>>
      tpu.enqueue_indirect_dma source(%dma_start3A_456 : memref<10000x64xf32, #tpu.memory_space<vmem_shared>>) target(%dma_start3A_450 : memref<128x64xf32, #tpu.memory_space<vmem>>) offsets(%dma_start3A_453 : memref<128xi32, #tpu.memory_space<vmem>>) semaphore(%arg12 : memref<!tpu.dma_semaphore, #tpu.memory_space<semaphore_mem>>)
      %dma_start3A_457 = arith.constant 2 : i32
      %dma_start3A_458 = arith.constant 1 : i32
      %dma_start3A_459 = arith.constant 1 : i32
      %dma_start3A_460 = arith.constant 0 : i32
      %dma_start3A_461 = arith.constant 0 : i32
      %dma_start3A_462 = tpu.memref_slice %arg9[%dma_start3A_459, %dma_start3A_460, %dma_start3A_461] : memref<4x128x64xf32, #tpu.memory_space<vmem>> -> memref<1x128x64xf32, #tpu.memory_space<vmem>>
      %dma_start3A_463 = tpu.memref_squeeze %dma_start3A_462 : memref<1x128x64xf32, #tpu.memory_space<vmem>> -> memref<128x64xf32, #tpu.memory_space<vmem>>
      %dma_start3A_464 = arith.constant 0 : i32
      %dma_start3A_465 = tpu.memref_slice %arg7[%dma_start3A_457, %dma_start3A_458, %dma_start3A_464] : memref<4x2x128xi32, #tpu.memory_space<vmem>> -> memref<1x1x128xi32, #tpu.memory_space<vmem>>
      %dma_start3A_466 = tpu.memref_squeeze %dma_start3A_465 : memref<1x1x128xi32, #tpu.memory_space<vmem>> -> memref<128xi32, #tpu.memory_space<vmem>>
      %dma_start3A_467 = arith.constant 0 : i32
      %dma_start3A_468 = arith.constant 0 : i32
      %dma_start3A_469 = tpu.memref_slice %arg10[%dma_start3A_467, %dma_start3A_468] : memref<10000x64xf32, #tpu.memory_space<vmem_shared>> -> memref<10000x64xf32, #tpu.memory_space<vmem_shared>>
      tpu.enqueue_indirect_dma source(%dma_start3A_469 : memref<10000x64xf32, #tpu.memory_space<vmem_shared>>) target(%dma_start3A_463 : memref<128x64xf32, #tpu.memory_space<vmem>>) offsets(%dma_start3A_466 : memref<128xi32, #tpu.memory_space<vmem>>) semaphore(%arg12 : memref<!tpu.dma_semaphore, #tpu.memory_space<semaphore_mem>>)
      %dma_wait3A_470 = arith.constant 2 : i32
      %dma_wait3A_471 = arith.constant 0 : i32
      %dma_wait3A_472 = arith.constant 0 : i32
      %dma_wait3A_473 = arith.constant 0 : i32
      %dma_wait3A_474 = arith.constant 0 : i32
      %dma_wait3A_475 = tpu.memref_slice %arg9[%dma_wait3A_472, %dma_wait3A_473, %dma_wait3A_474] : memref<4x128x64xf32, #tpu.memory_space<vmem>> -> memref<1x128x64xf32, #tpu.memory_space<vmem>>
      %dma_wait3A_476 = tpu.memref_squeeze %dma_wait3A_475 : memref<1x128x64xf32, #tpu.memory_space<vmem>> -> memref<128x64xf32, #tpu.memory_space<vmem>>
      %dma_wait3A_477 = arith.constant 0 : i32
      %dma_wait3A_478 = tpu.memref_slice %arg7[%dma_wait3A_470, %dma_wait3A_471, %dma_wait3A_477] : memref<4x2x128xi32, #tpu.memory_space<vmem>> -> memref<1x1x128xi32, #tpu.memory_space<vmem>>
      %dma_wait3A_479 = tpu.memref_squeeze %dma_wait3A_478 : memref<1x1x128xi32, #tpu.memory_space<vmem>> -> memref<128xi32, #tpu.memory_space<vmem>>
      %dma_wait3A_480 = arith.constant 0 : i32
      %dma_wait3A_481 = arith.constant 0 : i32
      %dma_wait3A_482 = tpu.memref_slice %arg10[%dma_wait3A_480, %dma_wait3A_481] : memref<10000x64xf32, #tpu.memory_space<vmem_shared>> -> memref<10000x64xf32, #tpu.memory_space<vmem_shared>>
      tpu.wait_indirect_dma semaphore(%arg12 : memref<!tpu.dma_semaphore, #tpu.memory_space<semaphore_mem>>) src(%dma_wait3A_482 : memref<10000x64xf32, #tpu.memory_space<vmem_shared>>) dst(%dma_wait3A_476 : memref<128x64xf32, #tpu.memory_space<vmem>>)
      %dma_start3A_483 = arith.constant 0 : i32
      %dma_start3A_484 = arith.constant 2 : i32
      %dma_start3A_485 = arith.constant 0 : i32
      %dma_start3A_486 = arith.constant 0 : i32
      %dma_start3A_487 = arith.constant 0 : i32
      %dma_start3A_488 = tpu.memref_slice %arg9[%dma_start3A_483, %dma_start3A_486, %dma_start3A_487] : memref<4x128x64xf32, #tpu.memory_space<vmem>> -> memref<1x128x64xf32, #tpu.memory_space<vmem>>
      %dma_start3A_489 = tpu.memref_squeeze %dma_start3A_488 : memref<1x128x64xf32, #tpu.memory_space<vmem>> -> memref<128x64xf32, #tpu.memory_space<vmem>>
      %dma_start3A_490 = arith.constant 0 : i32
      %dma_start3A_491 = tpu.memref_slice %arg8[%dma_start3A_484, %dma_start3A_485, %dma_start3A_490] : memref<4x2x128xi32, #tpu.memory_space<vmem>> -> memref<1x1x128xi32, #tpu.memory_space<vmem>>
      %dma_start3A_492 = tpu.memref_squeeze %dma_start3A_491 : memref<1x1x128xi32, #tpu.memory_space<vmem>> -> memref<128xi32, #tpu.memory_space<vmem>>
      %dma_start3A_493 = arith.constant 0 : i32
      %dma_start3A_494 = arith.constant 0 : i32
      %dma_start3A_495 = tpu.memref_slice %arg11[%dma_start3A_493, %dma_start3A_494] : memref<10112x64xf32, #tpu.memory_space<vmem_shared>> -> memref<10112x64xf32, #tpu.memory_space<vmem_shared>>
      tpu.enqueue_indirect_dma source(%dma_start3A_489 : memref<128x64xf32, #tpu.memory_space<vmem>>) target(%dma_start3A_495 : memref<10112x64xf32, #tpu.memory_space<vmem_shared>>) offsets(%dma_start3A_492 : memref<128xi32, #tpu.memory_space<vmem>>) semaphore(%arg13 : memref<!tpu.dma_semaphore, #tpu.memory_space<semaphore_mem>>) {add = true}
      %dma_wait3A_496 = arith.constant 2 : i32
      %dma_wait3A_497 = arith.constant 1 : i32
      %dma_wait3A_498 = arith.constant 1 : i32
      %dma_wait3A_499 = arith.constant 0 : i32
      %dma_wait3A_500 = arith.constant 0 : i32
      %dma_wait3A_501 = tpu.memref_slice %arg9[%dma_wait3A_498, %dma_wait3A_499, %dma_wait3A_500] : memref<4x128x64xf32, #tpu.memory_space<vmem>> -> memref<1x128x64xf32, #tpu.memory_space<vmem>>
      %dma_wait3A_502 = tpu.memref_squeeze %dma_wait3A_501 : memref<1x128x64xf32, #tpu.memory_space<vmem>> -> memref<128x64xf32, #tpu.memory_space<vmem>>
      %dma_wait3A_503 = arith.constant 0 : i32
      %dma_wait3A_504 = tpu.memref_slice %arg7[%dma_wait3A_496, %dma_wait3A_497, %dma_wait3A_503] : memref<4x2x128xi32, #tpu.memory_space<vmem>> -> memref<1x1x128xi32, #tpu.memory_space<vmem>>
      %dma_wait3A_505 = tpu.memref_squeeze %dma_wait3A_504 : memref<1x1x128xi32, #tpu.memory_space<vmem>> -> memref<128xi32, #tpu.memory_space<vmem>>
      %dma_wait3A_506 = arith.constant 0 : i32
      %dma_wait3A_507 = arith.constant 0 : i32
      %dma_wait3A_508 = tpu.memref_slice %arg10[%dma_wait3A_506, %dma_wait3A_507] : memref<10000x64xf32, #tpu.memory_space<vmem_shared>> -> memref<10000x64xf32, #tpu.memory_space<vmem_shared>>
      tpu.wait_indirect_dma semaphore(%arg12 : memref<!tpu.dma_semaphore, #tpu.memory_space<semaphore_mem>>) src(%dma_wait3A_508 : memref<10000x64xf32, #tpu.memory_space<vmem_shared>>) dst(%dma_wait3A_502 : memref<128x64xf32, #tpu.memory_space<vmem>>)
      %dma_start3A_509 = arith.constant 1 : i32
      %dma_start3A_510 = arith.constant 2 : i32
      %dma_start3A_511 = arith.constant 1 : i32
      %dma_start3A_512 = arith.constant 0 : i32
      %dma_start3A_513 = arith.constant 0 : i32
      %dma_start3A_514 = tpu.memref_slice %arg9[%dma_start3A_509, %dma_start3A_512, %dma_start3A_513] : memref<4x128x64xf32, #tpu.memory_space<vmem>> -> memref<1x128x64xf32, #tpu.memory_space<vmem>>
      %dma_start3A_515 = tpu.memref_squeeze %dma_start3A_514 : memref<1x128x64xf32, #tpu.memory_space<vmem>> -> memref<128x64xf32, #tpu.memory_space<vmem>>
      %dma_start3A_516 = arith.constant 0 : i32
      %dma_start3A_517 = tpu.memref_slice %arg8[%dma_start3A_510, %dma_start3A_511, %dma_start3A_516] : memref<4x2x128xi32, #tpu.memory_space<vmem>> -> memref<1x1x128xi32, #tpu.memory_space<vmem>>
      %dma_start3A_518 = tpu.memref_squeeze %dma_start3A_517 : memref<1x1x128xi32, #tpu.memory_space<vmem>> -> memref<128xi32, #tpu.memory_space<vmem>>
      %dma_start3A_519 = arith.constant 0 : i32
      %dma_start3A_520 = arith.constant 0 : i32
      %dma_start3A_521 = tpu.memref_slice %arg11[%dma_start3A_519, %dma_start3A_520] : memref<10112x64xf32, #tpu.memory_space<vmem_shared>> -> memref<10112x64xf32, #tpu.memory_space<vmem_shared>>
      tpu.enqueue_indirect_dma source(%dma_start3A_515 : memref<128x64xf32, #tpu.memory_space<vmem>>) target(%dma_start3A_521 : memref<10112x64xf32, #tpu.memory_space<vmem_shared>>) offsets(%dma_start3A_518 : memref<128xi32, #tpu.memory_space<vmem>>) semaphore(%arg13 : memref<!tpu.dma_semaphore, #tpu.memory_space<semaphore_mem>>) {add = true}
      %add3A_522 = arith.constant 3 : i32
      %add3A_523 = arith.addi %add3A_147, %add3A_522 : i32
      %ge3A_524 = arith.constant 2 : i32
      %ge3A_525 = arith.cmpi sge, %add3A_523, %ge3A_524 : i32
      %convert_element_type3A_526 = arith.extui %ge3A_525 : i1 to i32
      %cond3A_527 = arith.constant 0 : i32
      %cond3A_528 = arith.cmpi ne, %convert_element_type3A_526, %cond3A_527 : i32
      scf.if %cond3A_528 {
        %dma_wait3A_648 = arith.constant 2 : i32
        %dma_wait3A_649 = arith.constant 3 : i32
        %dma_wait3A_650 = arith.constant 0 : i32
        %dma_wait3A_651 = arith.constant 0 : i32
        %dma_wait3A_652 = arith.constant 0 : i32
        %dma_wait3A_653 = tpu.memref_slice %arg9[%dma_wait3A_648, %dma_wait3A_651, %dma_wait3A_652] : memref<4x128x64xf32, #tpu.memory_space<vmem>> -> memref<1x128x64xf32, #tpu.memory_space<vmem>>
        %dma_wait3A_654 = tpu.memref_squeeze %dma_wait3A_653 : memref<1x128x64xf32, #tpu.memory_space<vmem>> -> memref<128x64xf32, #tpu.memory_space<vmem>>
        %dma_wait3A_655 = arith.constant 0 : i32
        %dma_wait3A_656 = tpu.memref_slice %arg8[%dma_wait3A_649, %dma_wait3A_650, %dma_wait3A_655] : memref<4x2x128xi32, #tpu.memory_space<vmem>> -> memref<1x1x128xi32, #tpu.memory_space<vmem>>
        %dma_wait3A_657 = tpu.memref_squeeze %dma_wait3A_656 : memref<1x1x128xi32, #tpu.memory_space<vmem>> -> memref<128xi32, #tpu.memory_space<vmem>>
        %dma_wait3A_658 = arith.constant 0 : i32
        %dma_wait3A_659 = arith.constant 0 : i32
        %dma_wait3A_660 = tpu.memref_slice %arg11[%dma_wait3A_658, %dma_wait3A_659] : memref<10112x64xf32, #tpu.memory_space<vmem_shared>> -> memref<10112x64xf32, #tpu.memory_space<vmem_shared>>
        tpu.wait_indirect_dma semaphore(%arg13 : memref<!tpu.dma_semaphore, #tpu.memory_space<semaphore_mem>>) src(%dma_wait3A_654 : memref<128x64xf32, #tpu.memory_space<vmem>>) dst(%dma_wait3A_660 : memref<10112x64xf32, #tpu.memory_space<vmem_shared>>)
        %dma_wait3A_661 = arith.constant 3 : i32
        %dma_wait3A_662 = arith.constant 3 : i32
        %dma_wait3A_663 = arith.constant 1 : i32
        %dma_wait3A_664 = arith.constant 0 : i32
        %dma_wait3A_665 = arith.constant 0 : i32
        %dma_wait3A_666 = tpu.memref_slice %arg9[%dma_wait3A_661, %dma_wait3A_664, %dma_wait3A_665] : memref<4x128x64xf32, #tpu.memory_space<vmem>> -> memref<1x128x64xf32, #tpu.memory_space<vmem>>
        %dma_wait3A_667 = tpu.memref_squeeze %dma_wait3A_666 : memref<1x128x64xf32, #tpu.memory_space<vmem>> -> memref<128x64xf32, #tpu.memory_space<vmem>>
        %dma_wait3A_668 = arith.constant 0 : i32
        %dma_wait3A_669 = tpu.memref_slice %arg8[%dma_wait3A_662, %dma_wait3A_663, %dma_wait3A_668] : memref<4x2x128xi32, #tpu.memory_space<vmem>> -> memref<1x1x128xi32, #tpu.memory_space<vmem>>
        %dma_wait3A_670 = tpu.memref_squeeze %dma_wait3A_669 : memref<1x1x128xi32, #tpu.memory_space<vmem>> -> memref<128xi32, #tpu.memory_space<vmem>>
        %dma_wait3A_671 = arith.constant 0 : i32
        %dma_wait3A_672 = arith.constant 0 : i32
        %dma_wait3A_673 = tpu.memref_slice %arg11[%dma_wait3A_671, %dma_wait3A_672] : memref<10112x64xf32, #tpu.memory_space<vmem_shared>> -> memref<10112x64xf32, #tpu.memory_space<vmem_shared>>
        tpu.wait_indirect_dma semaphore(%arg13 : memref<!tpu.dma_semaphore, #tpu.memory_space<semaphore_mem>>) src(%dma_wait3A_667 : memref<128x64xf32, #tpu.memory_space<vmem>>) dst(%dma_wait3A_673 : memref<10112x64xf32, #tpu.memory_space<vmem_shared>>)
      } else {
      }
      %add3A_529 = arith.constant 2 : i32
      %add3A_530 = arith.addi %add3A_523, %add3A_529 : i32
      %lt3A_531 = arith.constant 80 : i32
      %lt3A_532 = arith.cmpi slt, %add3A_530, %lt3A_531 : i32
      %convert_element_type3A_533 = arith.extui %lt3A_532 : i1 to i32
      %cond3A_534 = arith.constant 0 : i32
      %cond3A_535 = arith.cmpi ne, %convert_element_type3A_533, %cond3A_534 : i32
      scf.if %cond3A_535 {
        %add3A_648 = arith.constant 2 : i32
        %add3A_649 = arith.addi %add3A_523, %add3A_648 : i32
        %mul3A_650 = arith.constant 2 : i32
        %mul3A_651 = arith.muli %add3A_649, %mul3A_650 : i32
        %dma_start3A_652 = arith.constant 1 : i32
        %dma_start3A_653 = arith.constant 0 : i32
        %dma_start3A_654 = arith.constant 0 : i32
        %dma_start3A_655 = tpu.memref_slice %arg7[%dma_start3A_652, %dma_start3A_653, %dma_start3A_654] : memref<4x2x128xi32, #tpu.memory_space<vmem>> -> memref<1x2x128xi32, #tpu.memory_space<vmem>>
        %dma_start3A_656 = tpu.memref_squeeze %dma_start3A_655 : memref<1x2x128xi32, #tpu.memory_space<vmem>> -> memref<2x128xi32, #tpu.memory_space<vmem>>
        %dma_start3A_657 = arith.constant 0 : i32
        %dma_start3A_658 = tpu.memref_slice %arg3[%arg1, %mul3A_651, %dma_start3A_657] : memref<16x160x128xi32, #tpu.memory_space<hbm>> -> memref<1x2x128xi32, #tpu.memory_space<hbm>>
        %dma_start3A_659 = tpu.memref_squeeze %dma_start3A_658 : memref<1x2x128xi32, #tpu.memory_space<hbm>> -> memref<2x128xi32, #tpu.memory_space<hbm>>
        %dma_start3A_660 = arith.constant 0 : i32
        %dma_start3A_661 = arith.constant 0 : i32
        %dma_start3A_662 = tpu.memref_slice %arg7[%dma_start3A_652, %dma_start3A_660, %dma_start3A_661] : memref<4x2x128xi32, #tpu.memory_space<vmem>> -> memref<1x2x128xi32, #tpu.memory_space<vmem>>
        %dma_start3A_663 = tpu.memref_squeeze %dma_start3A_662 : memref<1x2x128xi32, #tpu.memory_space<vmem>> -> memref<2x128xi32, #tpu.memory_space<vmem>>
        %dma_start3A_664 = arith.constant 0 : i32
        %dma_start3A_665 = tpu.memref_slice %arg3[%arg1, %mul3A_651, %dma_start3A_664] : memref<16x160x128xi32, #tpu.memory_space<hbm>> -> memref<1x2x128xi32, #tpu.memory_space<hbm>>
        %dma_start3A_666 = tpu.memref_squeeze %dma_start3A_665 : memref<1x2x128xi32, #tpu.memory_space<hbm>> -> memref<2x128xi32, #tpu.memory_space<hbm>>
        tpu.enqueue_dma source(%dma_start3A_666 : memref<2x128xi32, #tpu.memory_space<hbm>>) target(%dma_start3A_663 : memref<2x128xi32, #tpu.memory_space<vmem>>) target_semaphore(%arg14 : memref<!tpu.dma_semaphore, #tpu.memory_space<semaphore_mem>>)
        %add3A_667 = arith.constant 2 : i32
        %add3A_668 = arith.addi %add3A_523, %add3A_667 : i32
        %mul3A_669 = arith.constant 2 : i32
        %mul3A_670 = arith.muli %add3A_668, %mul3A_669 : i32
        %dma_start3A_671 = arith.constant 1 : i32
        %dma_start3A_672 = arith.constant 0 : i32
        %dma_start3A_673 = arith.constant 0 : i32
        %dma_start3A_674 = tpu.memref_slice %arg8[%dma_start3A_671, %dma_start3A_672, %dma_start3A_673] : memref<4x2x128xi32, #tpu.memory_space<vmem>> -> memref<1x2x128xi32, #tpu.memory_space<vmem>>
        %dma_start3A_675 = tpu.memref_squeeze %dma_start3A_674 : memref<1x2x128xi32, #tpu.memory_space<vmem>> -> memref<2x128xi32, #tpu.memory_space<vmem>>
        %dma_start3A_676 = arith.constant 0 : i32
        %dma_start3A_677 = tpu.memref_slice %arg4[%arg1, %mul3A_670, %dma_start3A_676] : memref<16x160x128xi32, #tpu.memory_space<hbm>> -> memref<1x2x128xi32, #tpu.memory_space<hbm>>
        %dma_start3A_678 = tpu.memref_squeeze %dma_start3A_677 : memref<1x2x128xi32, #tpu.memory_space<hbm>> -> memref<2x128xi32, #tpu.memory_space<hbm>>
        %dma_start3A_679 = arith.constant 0 : i32
        %dma_start3A_680 = arith.constant 0 : i32
        %dma_start3A_681 = tpu.memref_slice %arg8[%dma_start3A_671, %dma_start3A_679, %dma_start3A_680] : memref<4x2x128xi32, #tpu.memory_space<vmem>> -> memref<1x2x128xi32, #tpu.memory_space<vmem>>
        %dma_start3A_682 = tpu.memref_squeeze %dma_start3A_681 : memref<1x2x128xi32, #tpu.memory_space<vmem>> -> memref<2x128xi32, #tpu.memory_space<vmem>>
        %dma_start3A_683 = arith.constant 0 : i32
        %dma_start3A_684 = tpu.memref_slice %arg4[%arg1, %mul3A_670, %dma_start3A_683] : memref<16x160x128xi32, #tpu.memory_space<hbm>> -> memref<1x2x128xi32, #tpu.memory_space<hbm>>
        %dma_start3A_685 = tpu.memref_squeeze %dma_start3A_684 : memref<1x2x128xi32, #tpu.memory_space<hbm>> -> memref<2x128xi32, #tpu.memory_space<hbm>>
        tpu.enqueue_dma source(%dma_start3A_685 : memref<2x128xi32, #tpu.memory_space<hbm>>) target(%dma_start3A_682 : memref<2x128xi32, #tpu.memory_space<vmem>>) target_semaphore(%arg14 : memref<!tpu.dma_semaphore, #tpu.memory_space<semaphore_mem>>)
      } else {
      }
      %mul3A_536 = arith.constant 2 : i32
      %mul3A_537 = arith.muli %add3A_523, %mul3A_536 : i32
      %dma_wait3A_538 = arith.constant 3 : i32
      %dma_wait3A_539 = arith.constant 0 : i32
      %dma_wait3A_540 = arith.constant 0 : i32
      %dma_wait3A_541 = tpu.memref_slice %arg7[%dma_wait3A_538, %dma_wait3A_539, %dma_wait3A_540] : memref<4x2x128xi32, #tpu.memory_space<vmem>> -> memref<1x2x128xi32, #tpu.memory_space<vmem>>
      %dma_wait3A_542 = tpu.memref_squeeze %dma_wait3A_541 : memref<1x2x128xi32, #tpu.memory_space<vmem>> -> memref<2x128xi32, #tpu.memory_space<vmem>>
      %dma_wait3A_543 = arith.constant 0 : i32
      %dma_wait3A_544 = tpu.memref_slice %arg3[%arg1, %mul3A_537, %dma_wait3A_543] : memref<16x160x128xi32, #tpu.memory_space<hbm>> -> memref<1x2x128xi32, #tpu.memory_space<hbm>>
      %dma_wait3A_545 = tpu.memref_squeeze %dma_wait3A_544 : memref<1x2x128xi32, #tpu.memory_space<hbm>> -> memref<2x128xi32, #tpu.memory_space<hbm>>
      %dma_wait3A_546 = arith.constant 0 : i32
      %dma_wait3A_547 = arith.constant 0 : i32
      %dma_wait3A_548 = tpu.memref_slice %arg7[%dma_wait3A_538, %dma_wait3A_546, %dma_wait3A_547] : memref<4x2x128xi32, #tpu.memory_space<vmem>> -> memref<1x2x128xi32, #tpu.memory_space<vmem>>
      %dma_wait3A_549 = tpu.memref_squeeze %dma_wait3A_548 : memref<1x2x128xi32, #tpu.memory_space<vmem>> -> memref<2x128xi32, #tpu.memory_space<vmem>>
      %dma_wait3A_550 = arith.constant 0 : i32
      %dma_wait3A_551 = tpu.memref_slice %arg3[%arg1, %mul3A_537, %dma_wait3A_550] : memref<16x160x128xi32, #tpu.memory_space<hbm>> -> memref<1x2x128xi32, #tpu.memory_space<hbm>>
      %dma_wait3A_552 = tpu.memref_squeeze %dma_wait3A_551 : memref<1x2x128xi32, #tpu.memory_space<hbm>> -> memref<2x128xi32, #tpu.memory_space<hbm>>
      tpu.wait_dma2 semaphore(%arg14 : memref<!tpu.dma_semaphore, #tpu.memory_space<semaphore_mem>>) src(%dma_wait3A_552 : memref<2x128xi32, #tpu.memory_space<hbm>>) dst(%dma_wait3A_549 : memref<2x128xi32, #tpu.memory_space<vmem>>)
      %mul3A_553 = arith.constant 2 : i32
      %mul3A_554 = arith.muli %add3A_523, %mul3A_553 : i32
      %dma_wait3A_555 = arith.constant 3 : i32
      %dma_wait3A_556 = arith.constant 0 : i32
      %dma_wait3A_557 = arith.constant 0 : i32
      %dma_wait3A_558 = tpu.memref_slice %arg8[%dma_wait3A_555, %dma_wait3A_556, %dma_wait3A_557] : memref<4x2x128xi32, #tpu.memory_space<vmem>> -> memref<1x2x128xi32, #tpu.memory_space<vmem>>
      %dma_wait3A_559 = tpu.memref_squeeze %dma_wait3A_558 : memref<1x2x128xi32, #tpu.memory_space<vmem>> -> memref<2x128xi32, #tpu.memory_space<vmem>>
      %dma_wait3A_560 = arith.constant 0 : i32
      %dma_wait3A_561 = tpu.memref_slice %arg4[%arg1, %mul3A_554, %dma_wait3A_560] : memref<16x160x128xi32, #tpu.memory_space<hbm>> -> memref<1x2x128xi32, #tpu.memory_space<hbm>>
      %dma_wait3A_562 = tpu.memref_squeeze %dma_wait3A_561 : memref<1x2x128xi32, #tpu.memory_space<hbm>> -> memref<2x128xi32, #tpu.memory_space<hbm>>
      %dma_wait3A_563 = arith.constant 0 : i32
      %dma_wait3A_564 = arith.constant 0 : i32
      %dma_wait3A_565 = tpu.memref_slice %arg8[%dma_wait3A_555, %dma_wait3A_563, %dma_wait3A_564] : memref<4x2x128xi32, #tpu.memory_space<vmem>> -> memref<1x2x128xi32, #tpu.memory_space<vmem>>
      %dma_wait3A_566 = tpu.memref_squeeze %dma_wait3A_565 : memref<1x2x128xi32, #tpu.memory_space<vmem>> -> memref<2x128xi32, #tpu.memory_space<vmem>>
      %dma_wait3A_567 = arith.constant 0 : i32
      %dma_wait3A_568 = tpu.memref_slice %arg4[%arg1, %mul3A_554, %dma_wait3A_567] : memref<16x160x128xi32, #tpu.memory_space<hbm>> -> memref<1x2x128xi32, #tpu.memory_space<hbm>>
      %dma_wait3A_569 = tpu.memref_squeeze %dma_wait3A_568 : memref<1x2x128xi32, #tpu.memory_space<hbm>> -> memref<2x128xi32, #tpu.memory_space<hbm>>
      tpu.wait_dma2 semaphore(%arg14 : memref<!tpu.dma_semaphore, #tpu.memory_space<semaphore_mem>>) src(%dma_wait3A_569 : memref<2x128xi32, #tpu.memory_space<hbm>>) dst(%dma_wait3A_566 : memref<2x128xi32, #tpu.memory_space<vmem>>)
      %dma_start3A_570 = arith.constant 3 : i32
      %dma_start3A_571 = arith.constant 0 : i32
      %dma_start3A_572 = arith.constant 2 : i32
      %dma_start3A_573 = arith.constant 0 : i32
      %dma_start3A_574 = arith.constant 0 : i32
      %dma_start3A_575 = tpu.memref_slice %arg9[%dma_start3A_572, %dma_start3A_573, %dma_start3A_574] : memref<4x128x64xf32, #tpu.memory_space<vmem>> -> memref<1x128x64xf32, #tpu.memory_space<vmem>>
      %dma_start3A_576 = tpu.memref_squeeze %dma_start3A_575 : memref<1x128x64xf32, #tpu.memory_space<vmem>> -> memref<128x64xf32, #tpu.memory_space<vmem>>
      %dma_start3A_577 = arith.constant 0 : i32
      %dma_start3A_578 = tpu.memref_slice %arg7[%dma_start3A_570, %dma_start3A_571, %dma_start3A_577] : memref<4x2x128xi32, #tpu.memory_space<vmem>> -> memref<1x1x128xi32, #tpu.memory_space<vmem>>
      %dma_start3A_579 = tpu.memref_squeeze %dma_start3A_578 : memref<1x1x128xi32, #tpu.memory_space<vmem>> -> memref<128xi32, #tpu.memory_space<vmem>>
      %dma_start3A_580 = arith.constant 0 : i32
      %dma_start3A_581 = arith.constant 0 : i32
      %dma_start3A_582 = tpu.memref_slice %arg10[%dma_start3A_580, %dma_start3A_581] : memref<10000x64xf32, #tpu.memory_space<vmem_shared>> -> memref<10000x64xf32, #tpu.memory_space<vmem_shared>>
      tpu.enqueue_indirect_dma source(%dma_start3A_582 : memref<10000x64xf32, #tpu.memory_space<vmem_shared>>) target(%dma_start3A_576 : memref<128x64xf32, #tpu.memory_space<vmem>>) offsets(%dma_start3A_579 : memref<128xi32, #tpu.memory_space<vmem>>) semaphore(%arg12 : memref<!tpu.dma_semaphore, #tpu.memory_space<semaphore_mem>>)
      %dma_start3A_583 = arith.constant 3 : i32
      %dma_start3A_584 = arith.constant 1 : i32
      %dma_start3A_585 = arith.constant 3 : i32
      %dma_start3A_586 = arith.constant 0 : i32
      %dma_start3A_587 = arith.constant 0 : i32
      %dma_start3A_588 = tpu.memref_slice %arg9[%dma_start3A_585, %dma_start3A_586, %dma_start3A_587] : memref<4x128x64xf32, #tpu.memory_space<vmem>> -> memref<1x128x64xf32, #tpu.memory_space<vmem>>
      %dma_start3A_589 = tpu.memref_squeeze %dma_start3A_588 : memref<1x128x64xf32, #tpu.memory_space<vmem>> -> memref<128x64xf32, #tpu.memory_space<vmem>>
      %dma_start3A_590 = arith.constant 0 : i32
      %dma_start3A_591 = tpu.memref_slice %arg7[%dma_start3A_583, %dma_start3A_584, %dma_start3A_590] : memref<4x2x128xi32, #tpu.memory_space<vmem>> -> memref<1x1x128xi32, #tpu.memory_space<vmem>>
      %dma_start3A_592 = tpu.memref_squeeze %dma_start3A_591 : memref<1x1x128xi32, #tpu.memory_space<vmem>> -> memref<128xi32, #tpu.memory_space<vmem>>
      %dma_start3A_593 = arith.constant 0 : i32
      %dma_start3A_594 = arith.constant 0 : i32
      %dma_start3A_595 = tpu.memref_slice %arg10[%dma_start3A_593, %dma_start3A_594] : memref<10000x64xf32, #tpu.memory_space<vmem_shared>> -> memref<10000x64xf32, #tpu.memory_space<vmem_shared>>
      tpu.enqueue_indirect_dma source(%dma_start3A_595 : memref<10000x64xf32, #tpu.memory_space<vmem_shared>>) target(%dma_start3A_589 : memref<128x64xf32, #tpu.memory_space<vmem>>) offsets(%dma_start3A_592 : memref<128xi32, #tpu.memory_space<vmem>>) semaphore(%arg12 : memref<!tpu.dma_semaphore, #tpu.memory_space<semaphore_mem>>)
      %dma_wait3A_596 = arith.constant 3 : i32
      %dma_wait3A_597 = arith.constant 0 : i32
      %dma_wait3A_598 = arith.constant 2 : i32
      %dma_wait3A_599 = arith.constant 0 : i32
      %dma_wait3A_600 = arith.constant 0 : i32
      %dma_wait3A_601 = tpu.memref_slice %arg9[%dma_wait3A_598, %dma_wait3A_599, %dma_wait3A_600] : memref<4x128x64xf32, #tpu.memory_space<vmem>> -> memref<1x128x64xf32, #tpu.memory_space<vmem>>
      %dma_wait3A_602 = tpu.memref_squeeze %dma_wait3A_601 : memref<1x128x64xf32, #tpu.memory_space<vmem>> -> memref<128x64xf32, #tpu.memory_space<vmem>>
      %dma_wait3A_603 = arith.constant 0 : i32
      %dma_wait3A_604 = tpu.memref_slice %arg7[%dma_wait3A_596, %dma_wait3A_597, %dma_wait3A_603] : memref<4x2x128xi32, #tpu.memory_space<vmem>> -> memref<1x1x128xi32, #tpu.memory_space<vmem>>
      %dma_wait3A_605 = tpu.memref_squeeze %dma_wait3A_604 : memref<1x1x128xi32, #tpu.memory_space<vmem>> -> memref<128xi32, #tpu.memory_space<vmem>>
      %dma_wait3A_606 = arith.constant 0 : i32
      %dma_wait3A_607 = arith.constant 0 : i32
      %dma_wait3A_608 = tpu.memref_slice %arg10[%dma_wait3A_606, %dma_wait3A_607] : memref<10000x64xf32, #tpu.memory_space<vmem_shared>> -> memref<10000x64xf32, #tpu.memory_space<vmem_shared>>
      tpu.wait_indirect_dma semaphore(%arg12 : memref<!tpu.dma_semaphore, #tpu.memory_space<semaphore_mem>>) src(%dma_wait3A_608 : memref<10000x64xf32, #tpu.memory_space<vmem_shared>>) dst(%dma_wait3A_602 : memref<128x64xf32, #tpu.memory_space<vmem>>)
      %dma_start3A_609 = arith.constant 2 : i32
      %dma_start3A_610 = arith.constant 3 : i32
      %dma_start3A_611 = arith.constant 0 : i32
      %dma_start3A_612 = arith.constant 0 : i32
      %dma_start3A_613 = arith.constant 0 : i32
      %dma_start3A_614 = tpu.memref_slice %arg9[%dma_start3A_609, %dma_start3A_612, %dma_start3A_613] : memref<4x128x64xf32, #tpu.memory_space<vmem>> -> memref<1x128x64xf32, #tpu.memory_space<vmem>>
      %dma_start3A_615 = tpu.memref_squeeze %dma_start3A_614 : memref<1x128x64xf32, #tpu.memory_space<vmem>> -> memref<128x64xf32, #tpu.memory_space<vmem>>
      %dma_start3A_616 = arith.constant 0 : i32
      %dma_start3A_617 = tpu.memref_slice %arg8[%dma_start3A_610, %dma_start3A_611, %dma_start3A_616] : memref<4x2x128xi32, #tpu.memory_space<vmem>> -> memref<1x1x128xi32, #tpu.memory_space<vmem>>
      %dma_start3A_618 = tpu.memref_squeeze %dma_start3A_617 : memref<1x1x128xi32, #tpu.memory_space<vmem>> -> memref<128xi32, #tpu.memory_space<vmem>>
      %dma_start3A_619 = arith.constant 0 : i32
      %dma_start3A_620 = arith.constant 0 : i32
      %dma_start3A_621 = tpu.memref_slice %arg11[%dma_start3A_619, %dma_start3A_620] : memref<10112x64xf32, #tpu.memory_space<vmem_shared>> -> memref<10112x64xf32, #tpu.memory_space<vmem_shared>>
      tpu.enqueue_indirect_dma source(%dma_start3A_615 : memref<128x64xf32, #tpu.memory_space<vmem>>) target(%dma_start3A_621 : memref<10112x64xf32, #tpu.memory_space<vmem_shared>>) offsets(%dma_start3A_618 : memref<128xi32, #tpu.memory_space<vmem>>) semaphore(%arg13 : memref<!tpu.dma_semaphore, #tpu.memory_space<semaphore_mem>>) {add = true}
      %dma_wait3A_622 = arith.constant 3 : i32
      %dma_wait3A_623 = arith.constant 1 : i32
      %dma_wait3A_624 = arith.constant 3 : i32
      %dma_wait3A_625 = arith.constant 0 : i32
      %dma_wait3A_626 = arith.constant 0 : i32
      %dma_wait3A_627 = tpu.memref_slice %arg9[%dma_wait3A_624, %dma_wait3A_625, %dma_wait3A_626] : memref<4x128x64xf32, #tpu.memory_space<vmem>> -> memref<1x128x64xf32, #tpu.memory_space<vmem>>
      %dma_wait3A_628 = tpu.memref_squeeze %dma_wait3A_627 : memref<1x128x64xf32, #tpu.memory_space<vmem>> -> memref<128x64xf32, #tpu.memory_space<vmem>>
      %dma_wait3A_629 = arith.constant 0 : i32
      %dma_wait3A_630 = tpu.memref_slice %arg7[%dma_wait3A_622, %dma_wait3A_623, %dma_wait3A_629] : memref<4x2x128xi32, #tpu.memory_space<vmem>> -> memref<1x1x128xi32, #tpu.memory_space<vmem>>
      %dma_wait3A_631 = tpu.memref_squeeze %dma_wait3A_630 : memref<1x1x128xi32, #tpu.memory_space<vmem>> -> memref<128xi32, #tpu.memory_space<vmem>>
      %dma_wait3A_632 = arith.constant 0 : i32
      %dma_wait3A_633 = arith.constant 0 : i32
      %dma_wait3A_634 = tpu.memref_slice %arg10[%dma_wait3A_632, %dma_wait3A_633] : memref<10000x64xf32, #tpu.memory_space<vmem_shared>> -> memref<10000x64xf32, #tpu.memory_space<vmem_shared>>
      tpu.wait_indirect_dma semaphore(%arg12 : memref<!tpu.dma_semaphore, #tpu.memory_space<semaphore_mem>>) src(%dma_wait3A_634 : memref<10000x64xf32, #tpu.memory_space<vmem_shared>>) dst(%dma_wait3A_628 : memref<128x64xf32, #tpu.memory_space<vmem>>)
      %dma_start3A_635 = arith.constant 3 : i32
      %dma_start3A_636 = arith.constant 3 : i32
      %dma_start3A_637 = arith.constant 1 : i32
      %dma_start3A_638 = arith.constant 0 : i32
      %dma_start3A_639 = arith.constant 0 : i32
      %dma_start3A_640 = tpu.memref_slice %arg9[%dma_start3A_635, %dma_start3A_638, %dma_start3A_639] : memref<4x128x64xf32, #tpu.memory_space<vmem>> -> memref<1x128x64xf32, #tpu.memory_space<vmem>>
      %dma_start3A_641 = tpu.memref_squeeze %dma_start3A_640 : memref<1x128x64xf32, #tpu.memory_space<vmem>> -> memref<128x64xf32, #tpu.memory_space<vmem>>
      %dma_start3A_642 = arith.constant 0 : i32
      %dma_start3A_643 = tpu.memref_slice %arg8[%dma_start3A_636, %dma_start3A_637, %dma_start3A_642] : memref<4x2x128xi32, #tpu.memory_space<vmem>> -> memref<1x1x128xi32, #tpu.memory_space<vmem>>
      %dma_start3A_644 = tpu.memref_squeeze %dma_start3A_643 : memref<1x1x128xi32, #tpu.memory_space<vmem>> -> memref<128xi32, #tpu.memory_space<vmem>>
      %dma_start3A_645 = arith.constant 0 : i32
      %dma_start3A_646 = arith.constant 0 : i32
      %dma_start3A_647 = tpu.memref_slice %arg11[%dma_start3A_645, %dma_start3A_646] : memref<10112x64xf32, #tpu.memory_space<vmem_shared>> -> memref<10112x64xf32, #tpu.memory_space<vmem_shared>>
      tpu.enqueue_indirect_dma source(%dma_start3A_641 : memref<128x64xf32, #tpu.memory_space<vmem>>) target(%dma_start3A_647 : memref<10112x64xf32, #tpu.memory_space<vmem_shared>>) offsets(%dma_start3A_644 : memref<128xi32, #tpu.memory_space<vmem>>) semaphore(%arg13 : memref<!tpu.dma_semaphore, #tpu.memory_space<semaphore_mem>>) {add = true}
    }
    %scan3A_90 = arith.constant 20 : i32
    %dma_wait3A_91 = arith.constant 0 : i32
    %dma_wait3A_92 = arith.constant 0 : i32
    %dma_wait3A_93 = arith.constant 0 : i32
    %dma_wait3A_94 = arith.constant 0 : i32
    %dma_wait3A_95 = arith.constant 0 : i32
    %dma_wait3A_96 = tpu.memref_slice %arg9[%dma_wait3A_91, %dma_wait3A_94, %dma_wait3A_95] : memref<4x128x64xf32, #tpu.memory_space<vmem>> -> memref<1x128x64xf32, #tpu.memory_space<vmem>>
    %dma_wait3A_97 = tpu.memref_squeeze %dma_wait3A_96 : memref<1x128x64xf32, #tpu.memory_space<vmem>> -> memref<128x64xf32, #tpu.memory_space<vmem>>
    %dma_wait3A_98 = arith.constant 0 : i32
    %dma_wait3A_99 = tpu.memref_slice %arg8[%dma_wait3A_92, %dma_wait3A_93, %dma_wait3A_98] : memref<4x2x128xi32, #tpu.memory_space<vmem>> -> memref<1x1x128xi32, #tpu.memory_space<vmem>>
    %dma_wait3A_100 = tpu.memref_squeeze %dma_wait3A_99 : memref<1x1x128xi32, #tpu.memory_space<vmem>> -> memref<128xi32, #tpu.memory_space<vmem>>
    %dma_wait3A_101 = arith.constant 0 : i32
    %dma_wait3A_102 = arith.constant 0 : i32
    %dma_wait3A_103 = tpu.memref_slice %arg11[%dma_wait3A_101, %dma_wait3A_102] : memref<10112x64xf32, #tpu.memory_space<vmem_shared>> -> memref<10112x64xf32, #tpu.memory_space<vmem_shared>>
    tpu.wait_indirect_dma semaphore(%arg13 : memref<!tpu.dma_semaphore, #tpu.memory_space<semaphore_mem>>) src(%dma_wait3A_97 : memref<128x64xf32, #tpu.memory_space<vmem>>) dst(%dma_wait3A_103 : memref<10112x64xf32, #tpu.memory_space<vmem_shared>>)
    %dma_wait3A_104 = arith.constant 1 : i32
    %dma_wait3A_105 = arith.constant 0 : i32
    %dma_wait3A_106 = arith.constant 1 : i32
    %dma_wait3A_107 = arith.constant 0 : i32
    %dma_wait3A_108 = arith.constant 0 : i32
    %dma_wait3A_109 = tpu.memref_slice %arg9[%dma_wait3A_104, %dma_wait3A_107, %dma_wait3A_108] : memref<4x128x64xf32, #tpu.memory_space<vmem>> -> memref<1x128x64xf32, #tpu.memory_space<vmem>>
    %dma_wait3A_110 = tpu.memref_squeeze %dma_wait3A_109 : memref<1x128x64xf32, #tpu.memory_space<vmem>> -> memref<128x64xf32, #tpu.memory_space<vmem>>
    %dma_wait3A_111 = arith.constant 0 : i32
    %dma_wait3A_112 = tpu.memref_slice %arg8[%dma_wait3A_105, %dma_wait3A_106, %dma_wait3A_111] : memref<4x2x128xi32, #tpu.memory_space<vmem>> -> memref<1x1x128xi32, #tpu.memory_space<vmem>>
    %dma_wait3A_113 = tpu.memref_squeeze %dma_wait3A_112 : memref<1x1x128xi32, #tpu.memory_space<vmem>> -> memref<128xi32, #tpu.memory_space<vmem>>
    %dma_wait3A_114 = arith.constant 0 : i32
    %dma_wait3A_115 = arith.constant 0 : i32
    %dma_wait3A_116 = tpu.memref_slice %arg11[%dma_wait3A_114, %dma_wait3A_115] : memref<10112x64xf32, #tpu.memory_space<vmem_shared>> -> memref<10112x64xf32, #tpu.memory_space<vmem_shared>>
    tpu.wait_indirect_dma semaphore(%arg13 : memref<!tpu.dma_semaphore, #tpu.memory_space<semaphore_mem>>) src(%dma_wait3A_110 : memref<128x64xf32, #tpu.memory_space<vmem>>) dst(%dma_wait3A_116 : memref<10112x64xf32, #tpu.memory_space<vmem_shared>>)
    %dma_wait3A_117 = arith.constant 0 : i32
    %dma_wait3A_118 = arith.constant 0 : i32
    %dma_wait3A_119 = arith.constant 0 : i32
    %dma_wait3A_120 = arith.constant 0 : i32
    %dma_wait3A_121 = arith.constant 0 : i32
    %dma_wait3A_122 = tpu.memref_slice %arg9[%dma_wait3A_117, %dma_wait3A_120, %dma_wait3A_121] : memref<4x128x64xf32, #tpu.memory_space<vmem>> -> memref<1x128x64xf32, #tpu.memory_space<vmem>>
    %dma_wait3A_123 = tpu.memref_squeeze %dma_wait3A_122 : memref<1x128x64xf32, #tpu.memory_space<vmem>> -> memref<128x64xf32, #tpu.memory_space<vmem>>
    %dma_wait3A_124 = arith.constant 0 : i32
    %dma_wait3A_125 = tpu.memref_slice %arg8[%dma_wait3A_118, %dma_wait3A_119, %dma_wait3A_124] : memref<4x2x128xi32, #tpu.memory_space<vmem>> -> memref<1x1x128xi32, #tpu.memory_space<vmem>>
    %dma_wait3A_126 = tpu.memref_squeeze %dma_wait3A_125 : memref<1x1x128xi32, #tpu.memory_space<vmem>> -> memref<128xi32, #tpu.memory_space<vmem>>
    %dma_wait3A_127 = arith.constant 0 : i32
    %dma_wait3A_128 = arith.constant 0 : i32
    %dma_wait3A_129 = tpu.memref_slice %arg11[%dma_wait3A_127, %dma_wait3A_128] : memref<10112x64xf32, #tpu.memory_space<vmem_shared>> -> memref<10112x64xf32, #tpu.memory_space<vmem_shared>>
    tpu.wait_indirect_dma semaphore(%arg13 : memref<!tpu.dma_semaphore, #tpu.memory_space<semaphore_mem>>) src(%dma_wait3A_123 : memref<128x64xf32, #tpu.memory_space<vmem>>) dst(%dma_wait3A_129 : memref<10112x64xf32, #tpu.memory_space<vmem_shared>>)
    %dma_wait3A_130 = arith.constant 1 : i32
    %dma_wait3A_131 = arith.constant 0 : i32
    %dma_wait3A_132 = arith.constant 1 : i32
    %dma_wait3A_133 = arith.constant 0 : i32
    %dma_wait3A_134 = arith.constant 0 : i32
    %dma_wait3A_135 = tpu.memref_slice %arg9[%dma_wait3A_130, %dma_wait3A_133, %dma_wait3A_134] : memref<4x128x64xf32, #tpu.memory_space<vmem>> -> memref<1x128x64xf32, #tpu.memory_space<vmem>>
    %dma_wait3A_136 = tpu.memref_squeeze %dma_wait3A_135 : memref<1x128x64xf32, #tpu.memory_space<vmem>> -> memref<128x64xf32, #tpu.memory_space<vmem>>
    %dma_wait3A_137 = arith.constant 0 : i32
    %dma_wait3A_138 = tpu.memref_slice %arg8[%dma_wait3A_131, %dma_wait3A_132, %dma_wait3A_137] : memref<4x2x128xi32, #tpu.memory_space<vmem>> -> memref<1x1x128xi32, #tpu.memory_space<vmem>>
    %dma_wait3A_139 = tpu.memref_squeeze %dma_wait3A_138 : memref<1x1x128xi32, #tpu.memory_space<vmem>> -> memref<128xi32, #tpu.memory_space<vmem>>
    %dma_wait3A_140 = arith.constant 0 : i32
    %dma_wait3A_141 = arith.constant 0 : i32
    %dma_wait3A_142 = tpu.memref_slice %arg11[%dma_wait3A_140, %dma_wait3A_141] : memref<10112x64xf32, #tpu.memory_space<vmem_shared>> -> memref<10112x64xf32, #tpu.memory_space<vmem_shared>>
    tpu.wait_indirect_dma semaphore(%arg13 : memref<!tpu.dma_semaphore, #tpu.memory_space<semaphore_mem>>) src(%dma_wait3A_136 : memref<128x64xf32, #tpu.memory_space<vmem>>) dst(%dma_wait3A_142 : memref<10112x64xf32, #tpu.memory_space<vmem_shared>>)
    %barrier3A_143 = arith.constant 0 : index
    tpu.barrier barrier_id(%barrier3A_143)
    "tpu.region"() ({
      %run_scoped3A = tpu.sem_alloc : memref<!tpu.dma_semaphore, #tpu.memory_space<semaphore_mem>>
      %dma_start3A_144 = arith.constant 0 : i32
      %dma_start3A_145 = tpu.memref_slice %arg6[%arg0, %mul3A_0, %dma_start3A_144] : memref<2x10112x64xf32, #tpu.memory_space<hbm>> -> memref<1x632x64xf32, #tpu.memory_space<hbm>>
      %dma_start3A_146 = tpu.memref_squeeze %dma_start3A_145 : memref<1x632x64xf32, #tpu.memory_space<hbm>> -> memref<632x64xf32, #tpu.memory_space<hbm>>
      %dma_start3A_147 = arith.constant 0 : i32
      %dma_start3A_148 = tpu.memref_slice %arg11[%mul3A_0, %dma_start3A_147] : memref<10112x64xf32, #tpu.memory_space<vmem_shared>> -> memref<632x64xf32, #tpu.memory_space<vmem_shared>>
      tpu.enqueue_dma source(%dma_start3A_148 : memref<632x64xf32, #tpu.memory_space<vmem_shared>>) target(%dma_start3A_146 : memref<632x64xf32, #tpu.memory_space<hbm>>) target_semaphore(%run_scoped3A : memref<!tpu.dma_semaphore, #tpu.memory_space<semaphore_mem>>)
      %dma_wait3A_149 = arith.constant 0 : i32
      %dma_wait3A_150 = tpu.memref_slice %arg6[%arg0, %mul3A_0, %dma_wait3A_149] : memref<2x10112x64xf32, #tpu.memory_space<hbm>> -> memref<1x632x64xf32, #tpu.memory_space<hbm>>
      %dma_wait3A_151 = tpu.memref_squeeze %dma_wait3A_150 : memref<1x632x64xf32, #tpu.memory_space<hbm>> -> memref<632x64xf32, #tpu.memory_space<hbm>>
      %dma_wait3A_152 = arith.constant 0 : i32
      %dma_wait3A_153 = tpu.memref_slice %arg11[%mul3A_0, %dma_wait3A_152] : memref<10112x64xf32, #tpu.memory_space<vmem_shared>> -> memref<632x64xf32, #tpu.memory_space<vmem_shared>>
      tpu.wait_dma2 semaphore(%run_scoped3A : memref<!tpu.dma_semaphore, #tpu.memory_space<semaphore_mem>>) src(%dma_wait3A_153 : memref<632x64xf32, #tpu.memory_space<vmem_shared>>) dst(%dma_wait3A_151 : memref<632x64xf32, #tpu.memory_space<hbm>>)
      tpu.yield
    }) : () -> ()
    return
  }
}

#map = affine_map<(d0, d1) -> (0, 0, 0)>
#map1 = affine_map<(d0, d1) -> (0, 0)>
module attributes {stable_mosaic.version = 14 : i64} {
  func.func @_sc_aggregate(%arg0: i32, %arg1: i32, %arg2: memref<2x10112x64xf32, #tpu.memory_space<hbm>>, %arg3: memref<16x160x128xi32, #tpu.memory_space<hbm>>, %arg4: memref<16x160x128xi32, #tpu.memory_space<hbm>>, %arg5: memref<10112x64xf32, #tpu.memory_space<hbm>>, %arg6: memref<2x10112x64xf32, #tpu.memory_space<hbm>>, %arg7: memref<4x2x128xi32, #tpu.memory_space<vmem>>, %arg8: memref<4x2x128xi32, #tpu.memory_space<vmem>>, %arg9: memref<4x128x64xf32, #tpu.memory_space<vmem>>, %arg10: memref<10000x64xf32, #tpu.memory_space<vmem_shared>>, %arg11: memref<10112x64xf32, #tpu.memory_space<vmem_shared>>, %arg12: memref<!tpu.dma_semaphore, #tpu.memory_space<semaphore_mem>>, %arg13: memref<!tpu.dma_semaphore, #tpu.memory_space<semaphore_mem>>, %arg14: memref<!tpu.dma_semaphore, #tpu.memory_space<semaphore_mem>>) attributes {dimension_semantics = [#tpu.dimension_semantics<core_parallel>, #tpu.dimension_semantics<subcore_parallel>], iteration_bounds = array<i64: 2, 16>, scalar_prefetch = 0 : i64, scratch_operands = 8 : i64, tpu.core_type = #tpu.core_type<sc_vector_subcore>, window_params = [{transform_indices = #map}, {transform_indices = #map}, {transform_indices = #map}, {transform_indices = #map1}, {transform_indices = #map}]} {
    %mul3A = arith.constant 632 : i32
    %mul3A_0 = arith.muli %arg1, %mul3A : i32
    %mul3A_1 = arith.constant 625 : i32
    %mul3A_2 = arith.muli %arg1, %mul3A_1 : i32
    %dma_start3A = arith.constant 0 : i32
    %dma_start3A_3 = tpu.memref_slice %arg11[%mul3A_0, %dma_start3A] : memref<10112x64xf32, #tpu.memory_space<vmem_shared>> -> memref<632x64xf32, #tpu.memory_space<vmem_shared>>
    %dma_start3A_4 = arith.constant 0 : i32
    %dma_start3A_5 = tpu.memref_slice %arg5[%mul3A_0, %dma_start3A_4] : memref<10112x64xf32, #tpu.memory_space<hbm>> -> memref<632x64xf32, #tpu.memory_space<hbm>>
    tpu.enqueue_dma source(%dma_start3A_5 : memref<632x64xf32, #tpu.memory_space<hbm>>) target(%dma_start3A_3 : memref<632x64xf32, #tpu.memory_space<vmem_shared>>) target_semaphore(%arg12 : memref<!tpu.dma_semaphore, #tpu.memory_space<semaphore_mem>>)
    %dma_start3A_6 = arith.constant 0 : i32
    %dma_start3A_7 = tpu.memref_slice %arg10[%mul3A_2, %dma_start3A_6] : memref<10000x64xf32, #tpu.memory_space<vmem_shared>> -> memref<625x64xf32, #tpu.memory_space<vmem_shared>>
    %dma_start3A_8 = arith.constant 0 : i32
    %dma_start3A_9 = tpu.memref_slice %arg2[%arg0, %mul3A_2, %dma_start3A_8] : memref<2x10112x64xf32, #tpu.memory_space<hbm>> -> memref<1x625x64xf32, #tpu.memory_space<hbm>>
    %dma_start3A_10 = tpu.memref_squeeze %dma_start3A_9 : memref<1x625x64xf32, #tpu.memory_space<hbm>> -> memref<625x64xf32, #tpu.memory_space<hbm>>
    tpu.enqueue_dma source(%dma_start3A_10 : memref<625x64xf32, #tpu.memory_space<hbm>>) target(%dma_start3A_7 : memref<625x64xf32, #tpu.memory_space<vmem_shared>>) target_semaphore(%arg12 : memref<!tpu.dma_semaphore, #tpu.memory_space<semaphore_mem>>)
    %dma_wait3A = arith.constant 0 : i32
    %dma_wait3A_11 = tpu.memref_slice %arg11[%mul3A_0, %dma_wait3A] : memref<10112x64xf32, #tpu.memory_space<vmem_shared>> -> memref<632x64xf32, #tpu.memory_space<vmem_shared>>
    %dma_wait3A_12 = arith.constant 0 : i32
    %dma_wait3A_13 = tpu.memref_slice %arg5[%mul3A_0, %dma_wait3A_12] : memref<10112x64xf32, #tpu.memory_space<hbm>> -> memref<632x64xf32, #tpu.memory_space<hbm>>
    tpu.wait_dma2 semaphore(%arg12 : memref<!tpu.dma_semaphore, #tpu.memory_space<semaphore_mem>>) src(%dma_wait3A_13 : memref<632x64xf32, #tpu.memory_space<hbm>>) dst(%dma_wait3A_11 : memref<632x64xf32, #tpu.memory_space<vmem_shared>>)
    %dma_wait3A_14 = arith.constant 0 : i32
    %dma_wait3A_15 = tpu.memref_slice %arg10[%mul3A_2, %dma_wait3A_14] : memref<10000x64xf32, #tpu.memory_space<vmem_shared>> -> memref<625x64xf32, #tpu.memory_space<vmem_shared>>
    %dma_wait3A_16 = arith.constant 0 : i32
    %dma_wait3A_17 = tpu.memref_slice %arg2[%arg0, %mul3A_2, %dma_wait3A_16] : memref<2x10112x64xf32, #tpu.memory_space<hbm>> -> memref<1x625x64xf32, #tpu.memory_space<hbm>>
    %dma_wait3A_18 = tpu.memref_squeeze %dma_wait3A_17 : memref<1x625x64xf32, #tpu.memory_space<hbm>> -> memref<625x64xf32, #tpu.memory_space<hbm>>
    tpu.wait_dma2 semaphore(%arg12 : memref<!tpu.dma_semaphore, #tpu.memory_space<semaphore_mem>>) src(%dma_wait3A_18 : memref<625x64xf32, #tpu.memory_space<hbm>>) dst(%dma_wait3A_15 : memref<625x64xf32, #tpu.memory_space<vmem_shared>>)
    %dma_start3A_19 = arith.constant 0 : i32
    %dma_start3A_20 = arith.constant 0 : i32
    %dma_start3A_21 = arith.constant 0 : i32
    %dma_start3A_22 = tpu.memref_slice %arg7[%dma_start3A_19, %dma_start3A_20, %dma_start3A_21] : memref<4x2x128xi32, #tpu.memory_space<vmem>> -> memref<1x2x128xi32, #tpu.memory_space<vmem>>
    %dma_start3A_23 = tpu.memref_squeeze %dma_start3A_22 : memref<1x2x128xi32, #tpu.memory_space<vmem>> -> memref<2x128xi32, #tpu.memory_space<vmem>>
    %dma_start3A_24 = arith.constant 0 : i32
    %dma_start3A_25 = arith.constant 0 : i32
    %dma_start3A_26 = tpu.memref_slice %arg3[%arg1, %dma_start3A_24, %dma_start3A_25] : memref<16x160x128xi32, #tpu.memory_space<hbm>> -> memref<1x2x128xi32, #tpu.memory_space<hbm>>
    %dma_start3A_27 = tpu.memref_squeeze %dma_start3A_26 : memref<1x2x128xi32, #tpu.memory_space<hbm>> -> memref<2x128xi32, #tpu.memory_space<hbm>>
    %dma_start3A_28 = arith.constant 0 : i32
    %dma_start3A_29 = arith.constant 0 : i32
    %dma_start3A_30 = tpu.memref_slice %arg7[%dma_start3A_19, %dma_start3A_28, %dma_start3A_29] : memref<4x2x128xi32, #tpu.memory_space<vmem>> -> memref<1x2x128xi32, #tpu.memory_space<vmem>>
    %dma_start3A_31 = tpu.memref_squeeze %dma_start3A_30 : memref<1x2x128xi32, #tpu.memory_space<vmem>> -> memref<2x128xi32, #tpu.memory_space<vmem>>
    %dma_start3A_32 = arith.constant 0 : i32
    %dma_start3A_33 = arith.constant 0 : i32
    %dma_start3A_34 = tpu.memref_slice %arg3[%arg1, %dma_start3A_32, %dma_start3A_33] : memref<16x160x128xi32, #tpu.memory_space<hbm>> -> memref<1x2x128xi32, #tpu.memory_space<hbm>>
    %dma_start3A_35 = tpu.memref_squeeze %dma_start3A_34 : memref<1x2x128xi32, #tpu.memory_space<hbm>> -> memref<2x128xi32, #tpu.memory_space<hbm>>
    tpu.enqueue_dma source(%dma_start3A_35 : memref<2x128xi32, #tpu.memory_space<hbm>>) target(%dma_start3A_31 : memref<2x128xi32, #tpu.memory_space<vmem>>) target_semaphore(%arg14 : memref<!tpu.dma_semaphore, #tpu.memory_space<semaphore_mem>>)
    %dma_start3A_36 = arith.constant 0 : i32
    %dma_start3A_37 = arith.constant 0 : i32
    %dma_start3A_38 = arith.constant 0 : i32
    %dma_start3A_39 = tpu.memref_slice %arg8[%dma_start3A_36, %dma_start3A_37, %dma_start3A_38] : memref<4x2x128xi32, #tpu.memory_space<vmem>> -> memref<1x2x128xi32, #tpu.memory_space<vmem>>
    %dma_start3A_40 = tpu.memref_squeeze %dma_start3A_39 : memref<1x2x128xi32, #tpu.memory_space<vmem>> -> memref<2x128xi32, #tpu.memory_space<vmem>>
    %dma_start3A_41 = arith.constant 0 : i32
    %dma_start3A_42 = arith.constant 0 : i32
    %dma_start3A_43 = tpu.memref_slice %arg4[%arg1, %dma_start3A_41, %dma_start3A_42] : memref<16x160x128xi32, #tpu.memory_space<hbm>> -> memref<1x2x128xi32, #tpu.memory_space<hbm>>
    %dma_start3A_44 = tpu.memref_squeeze %dma_start3A_43 : memref<1x2x128xi32, #tpu.memory_space<hbm>> -> memref<2x128xi32, #tpu.memory_space<hbm>>
    %dma_start3A_45 = arith.constant 0 : i32
    %dma_start3A_46 = arith.constant 0 : i32
    %dma_start3A_47 = tpu.memref_slice %arg8[%dma_start3A_36, %dma_start3A_45, %dma_start3A_46] : memref<4x2x128xi32, #tpu.memory_space<vmem>> -> memref<1x2x128xi32, #tpu.memory_space<vmem>>
    %dma_start3A_48 = tpu.memref_squeeze %dma_start3A_47 : memref<1x2x128xi32, #tpu.memory_space<vmem>> -> memref<2x128xi32, #tpu.memory_space<vmem>>
    %dma_start3A_49 = arith.constant 0 : i32
    %dma_start3A_50 = arith.constant 0 : i32
    %dma_start3A_51 = tpu.memref_slice %arg4[%arg1, %dma_start3A_49, %dma_start3A_50] : memref<16x160x128xi32, #tpu.memory_space<hbm>> -> memref<1x2x128xi32, #tpu.memory_space<hbm>>
    %dma_start3A_52 = tpu.memref_squeeze %dma_start3A_51 : memref<1x2x128xi32, #tpu.memory_space<hbm>> -> memref<2x128xi32, #tpu.memory_space<hbm>>
    tpu.enqueue_dma source(%dma_start3A_52 : memref<2x128xi32, #tpu.memory_space<hbm>>) target(%dma_start3A_48 : memref<2x128xi32, #tpu.memory_space<vmem>>) target_semaphore(%arg14 : memref<!tpu.dma_semaphore, #tpu.memory_space<semaphore_mem>>)
    %dma_start3A_53 = arith.constant 1 : i32
    %dma_start3A_54 = arith.constant 0 : i32
    %dma_start3A_55 = arith.constant 0 : i32
    %dma_start3A_56 = tpu.memref_slice %arg7[%dma_start3A_53, %dma_start3A_54, %dma_start3A_55] : memref<4x2x128xi32, #tpu.memory_space<vmem>> -> memref<1x2x128xi32, #tpu.memory_space<vmem>>
    %dma_start3A_57 = tpu.memref_squeeze %dma_start3A_56 : memref<1x2x128xi32, #tpu.memory_space<vmem>> -> memref<2x128xi32, #tpu.memory_space<vmem>>
    %dma_start3A_58 = arith.constant 2 : i32
    %dma_start3A_59 = arith.constant 0 : i32
    %dma_start3A_60 = tpu.memref_slice %arg3[%arg1, %dma_start3A_58, %dma_start3A_59] : memref<16x160x128xi32, #tpu.memory_space<hbm>> -> memref<1x2x128xi32, #tpu.memory_space<hbm>>
    %dma_start3A_61 = tpu.memref_squeeze %dma_start3A_60 : memref<1x2x128xi32, #tpu.memory_space<hbm>> -> memref<2x128xi32, #tpu.memory_space<hbm>>
    %dma_start3A_62 = arith.constant 0 : i32
    %dma_start3A_63 = arith.constant 0 : i32
    %dma_start3A_64 = tpu.memref_slice %arg7[%dma_start3A_53, %dma_start3A_62, %dma_start3A_63] : memref<4x2x128xi32, #tpu.memory_space<vmem>> -> memref<1x2x128xi32, #tpu.memory_space<vmem>>
    %dma_start3A_65 = tpu.memref_squeeze %dma_start3A_64 : memref<1x2x128xi32, #tpu.memory_space<vmem>> -> memref<2x128xi32, #tpu.memory_space<vmem>>
    %dma_start3A_66 = arith.constant 2 : i32
    %dma_start3A_67 = arith.constant 0 : i32
    %dma_start3A_68 = tpu.memref_slice %arg3[%arg1, %dma_start3A_66, %dma_start3A_67] : memref<16x160x128xi32, #tpu.memory_space<hbm>> -> memref<1x2x128xi32, #tpu.memory_space<hbm>>
    %dma_start3A_69 = tpu.memref_squeeze %dma_start3A_68 : memref<1x2x128xi32, #tpu.memory_space<hbm>> -> memref<2x128xi32, #tpu.memory_space<hbm>>
    tpu.enqueue_dma source(%dma_start3A_69 : memref<2x128xi32, #tpu.memory_space<hbm>>) target(%dma_start3A_65 : memref<2x128xi32, #tpu.memory_space<vmem>>) target_semaphore(%arg14 : memref<!tpu.dma_semaphore, #tpu.memory_space<semaphore_mem>>)
    %dma_start3A_70 = arith.constant 1 : i32
    %dma_start3A_71 = arith.constant 0 : i32
    %dma_start3A_72 = arith.constant 0 : i32
    %dma_start3A_73 = tpu.memref_slice %arg8[%dma_start3A_70, %dma_start3A_71, %dma_start3A_72] : memref<4x2x128xi32, #tpu.memory_space<vmem>> -> memref<1x2x128xi32, #tpu.memory_space<vmem>>
    %dma_start3A_74 = tpu.memref_squeeze %dma_start3A_73 : memref<1x2x128xi32, #tpu.memory_space<vmem>> -> memref<2x128xi32, #tpu.memory_space<vmem>>
    %dma_start3A_75 = arith.constant 2 : i32
    %dma_start3A_76 = arith.constant 0 : i32
    %dma_start3A_77 = tpu.memref_slice %arg4[%arg1, %dma_start3A_75, %dma_start3A_76] : memref<16x160x128xi32, #tpu.memory_space<hbm>> -> memref<1x2x128xi32, #tpu.memory_space<hbm>>
    %dma_start3A_78 = tpu.memref_squeeze %dma_start3A_77 : memref<1x2x128xi32, #tpu.memory_space<hbm>> -> memref<2x128xi32, #tpu.memory_space<hbm>>
    %dma_start3A_79 = arith.constant 0 : i32
    %dma_start3A_80 = arith.constant 0 : i32
    %dma_start3A_81 = tpu.memref_slice %arg8[%dma_start3A_70, %dma_start3A_79, %dma_start3A_80] : memref<4x2x128xi32, #tpu.memory_space<vmem>> -> memref<1x2x128xi32, #tpu.memory_space<vmem>>
    %dma_start3A_82 = tpu.memref_squeeze %dma_start3A_81 : memref<1x2x128xi32, #tpu.memory_space<vmem>> -> memref<2x128xi32, #tpu.memory_space<vmem>>
    %dma_start3A_83 = arith.constant 2 : i32
    %dma_start3A_84 = arith.constant 0 : i32
    %dma_start3A_85 = tpu.memref_slice %arg4[%arg1, %dma_start3A_83, %dma_start3A_84] : memref<16x160x128xi32, #tpu.memory_space<hbm>> -> memref<1x2x128xi32, #tpu.memory_space<hbm>>
    %dma_start3A_86 = tpu.memref_squeeze %dma_start3A_85 : memref<1x2x128xi32, #tpu.memory_space<hbm>> -> memref<2x128xi32, #tpu.memory_space<hbm>>
    tpu.enqueue_dma source(%dma_start3A_86 : memref<2x128xi32, #tpu.memory_space<hbm>>) target(%dma_start3A_82 : memref<2x128xi32, #tpu.memory_space<vmem>>) target_semaphore(%arg14 : memref<!tpu.dma_semaphore, #tpu.memory_space<semaphore_mem>>)
    %barrier3A = arith.constant 0 : index
    tpu.barrier barrier_id(%barrier3A)
    %scan3A = arith.constant 0 : i32
    %scan3A_87 = arith.constant 20 : i32
    %scan3A_88 = arith.addi %scan3A, %scan3A_87 : i32
    %scan3A_89 = arith.constant 1 : i32
    scf.for %scan3A_144 = %scan3A to %scan3A_88 step %scan3A_89  : i32 {
      %mul3A_145 = arith.constant 4 : i32
      %mul3A_146 = arith.muli %scan3A_144, %mul3A_145 : i32
      %add3A = arith.constant 0 : i32
      %add3A_147 = arith.addi %add3A, %mul3A_146 : i32
      %add3A_148 = arith.constant 0 : i32
      %add3A_149 = arith.addi %add3A_147, %add3A_148 : i32
      %ge3A = arith.constant 2 : i32
      %ge3A_150 = arith.cmpi sge, %add3A_149, %ge3A : i32
      %convert_element_type3A = arith.extui %ge3A_150 : i1 to i32
      %cond3A = arith.constant 0 : i32
      %cond3A_151 = arith.cmpi ne, %convert_element_type3A, %cond3A : i32
      scf.if %cond3A_151 {
        %dma_wait3A_648 = arith.constant 0 : i32
        %dma_wait3A_649 = arith.constant 0 : i32
        %dma_wait3A_650 = arith.constant 0 : i32
        %dma_wait3A_651 = arith.constant 0 : i32
        %dma_wait3A_652 = arith.constant 0 : i32
        %dma_wait3A_653 = tpu.memref_slice %arg9[%dma_wait3A_648, %dma_wait3A_651, %dma_wait3A_652] : memref<4x128x64xf32, #tpu.memory_space<vmem>> -> memref<1x128x64xf32, #tpu.memory_space<vmem>>
        %dma_wait3A_654 = tpu.memref_squeeze %dma_wait3A_653 : memref<1x128x64xf32, #tpu.memory_space<vmem>> -> memref<128x64xf32, #tpu.memory_space<vmem>>
        %dma_wait3A_655 = arith.constant 0 : i32
        %dma_wait3A_656 = tpu.memref_slice %arg8[%dma_wait3A_649, %dma_wait3A_650, %dma_wait3A_655] : memref<4x2x128xi32, #tpu.memory_space<vmem>> -> memref<1x1x128xi32, #tpu.memory_space<vmem>>
        %dma_wait3A_657 = tpu.memref_squeeze %dma_wait3A_656 : memref<1x1x128xi32, #tpu.memory_space<vmem>> -> memref<128xi32, #tpu.memory_space<vmem>>
        %dma_wait3A_658 = arith.constant 0 : i32
        %dma_wait3A_659 = arith.constant 0 : i32
        %dma_wait3A_660 = tpu.memref_slice %arg11[%dma_wait3A_658, %dma_wait3A_659] : memref<10112x64xf32, #tpu.memory_space<vmem_shared>> -> memref<10112x64xf32, #tpu.memory_space<vmem_shared>>
        tpu.wait_indirect_dma semaphore(%arg13 : memref<!tpu.dma_semaphore, #tpu.memory_space<semaphore_mem>>) src(%dma_wait3A_654 : memref<128x64xf32, #tpu.memory_space<vmem>>) dst(%dma_wait3A_660 : memref<10112x64xf32, #tpu.memory_space<vmem_shared>>)
        %dma_wait3A_661 = arith.constant 1 : i32
        %dma_wait3A_662 = arith.constant 0 : i32
        %dma_wait3A_663 = arith.constant 1 : i32
        %dma_wait3A_664 = arith.constant 0 : i32
        %dma_wait3A_665 = arith.constant 0 : i32
        %dma_wait3A_666 = tpu.memref_slice %arg9[%dma_wait3A_661, %dma_wait3A_664, %dma_wait3A_665] : memref<4x128x64xf32, #tpu.memory_space<vmem>> -> memref<1x128x64xf32, #tpu.memory_space<vmem>>
        %dma_wait3A_667 = tpu.memref_squeeze %dma_wait3A_666 : memref<1x128x64xf32, #tpu.memory_space<vmem>> -> memref<128x64xf32, #tpu.memory_space<vmem>>
        %dma_wait3A_668 = arith.constant 0 : i32
        %dma_wait3A_669 = tpu.memref_slice %arg8[%dma_wait3A_662, %dma_wait3A_663, %dma_wait3A_668] : memref<4x2x128xi32, #tpu.memory_space<vmem>> -> memref<1x1x128xi32, #tpu.memory_space<vmem>>
        %dma_wait3A_670 = tpu.memref_squeeze %dma_wait3A_669 : memref<1x1x128xi32, #tpu.memory_space<vmem>> -> memref<128xi32, #tpu.memory_space<vmem>>
        %dma_wait3A_671 = arith.constant 0 : i32
        %dma_wait3A_672 = arith.constant 0 : i32
        %dma_wait3A_673 = tpu.memref_slice %arg11[%dma_wait3A_671, %dma_wait3A_672] : memref<10112x64xf32, #tpu.memory_space<vmem_shared>> -> memref<10112x64xf32, #tpu.memory_space<vmem_shared>>
        tpu.wait_indirect_dma semaphore(%arg13 : memref<!tpu.dma_semaphore, #tpu.memory_space<semaphore_mem>>) src(%dma_wait3A_667 : memref<128x64xf32, #tpu.memory_space<vmem>>) dst(%dma_wait3A_673 : memref<10112x64xf32, #tpu.memory_space<vmem_shared>>)
      } else {
      }
      %add3A_152 = arith.constant 2 : i32
      %add3A_153 = arith.addi %add3A_149, %add3A_152 : i32
      %lt3A = arith.constant 80 : i32
      %lt3A_154 = arith.cmpi slt, %add3A_153, %lt3A : i32
      %convert_element_type3A_155 = arith.extui %lt3A_154 : i1 to i32
      %cond3A_156 = arith.constant 0 : i32
      %cond3A_157 = arith.cmpi ne, %convert_element_type3A_155, %cond3A_156 : i32
      scf.if %cond3A_157 {
        %add3A_648 = arith.constant 2 : i32
        %add3A_649 = arith.addi %add3A_149, %add3A_648 : i32
        %mul3A_650 = arith.constant 2 : i32
        %mul3A_651 = arith.muli %add3A_649, %mul3A_650 : i32
        %dma_start3A_652 = arith.constant 2 : i32
        %dma_start3A_653 = arith.constant 0 : i32
        %dma_start3A_654 = arith.constant 0 : i32
        %dma_start3A_655 = tpu.memref_slice %arg7[%dma_start3A_652, %dma_start3A_653, %dma_start3A_654] : memref<4x2x128xi32, #tpu.memory_space<vmem>> -> memref<1x2x128xi32, #tpu.memory_space<vmem>>
        %dma_start3A_656 = tpu.memref_squeeze %dma_start3A_655 : memref<1x2x128xi32, #tpu.memory_space<vmem>> -> memref<2x128xi32, #tpu.memory_space<vmem>>
        %dma_start3A_657 = arith.constant 0 : i32
        %dma_start3A_658 = tpu.memref_slice %arg3[%arg1, %mul3A_651, %dma_start3A_657] : memref<16x160x128xi32, #tpu.memory_space<hbm>> -> memref<1x2x128xi32, #tpu.memory_space<hbm>>
        %dma_start3A_659 = tpu.memref_squeeze %dma_start3A_658 : memref<1x2x128xi32, #tpu.memory_space<hbm>> -> memref<2x128xi32, #tpu.memory_space<hbm>>
        %dma_start3A_660 = arith.constant 0 : i32
        %dma_start3A_661 = arith.constant 0 : i32
        %dma_start3A_662 = tpu.memref_slice %arg7[%dma_start3A_652, %dma_start3A_660, %dma_start3A_661] : memref<4x2x128xi32, #tpu.memory_space<vmem>> -> memref<1x2x128xi32, #tpu.memory_space<vmem>>
        %dma_start3A_663 = tpu.memref_squeeze %dma_start3A_662 : memref<1x2x128xi32, #tpu.memory_space<vmem>> -> memref<2x128xi32, #tpu.memory_space<vmem>>
        %dma_start3A_664 = arith.constant 0 : i32
        %dma_start3A_665 = tpu.memref_slice %arg3[%arg1, %mul3A_651, %dma_start3A_664] : memref<16x160x128xi32, #tpu.memory_space<hbm>> -> memref<1x2x128xi32, #tpu.memory_space<hbm>>
        %dma_start3A_666 = tpu.memref_squeeze %dma_start3A_665 : memref<1x2x128xi32, #tpu.memory_space<hbm>> -> memref<2x128xi32, #tpu.memory_space<hbm>>
        tpu.enqueue_dma source(%dma_start3A_666 : memref<2x128xi32, #tpu.memory_space<hbm>>) target(%dma_start3A_663 : memref<2x128xi32, #tpu.memory_space<vmem>>) target_semaphore(%arg14 : memref<!tpu.dma_semaphore, #tpu.memory_space<semaphore_mem>>)
        %add3A_667 = arith.constant 2 : i32
        %add3A_668 = arith.addi %add3A_149, %add3A_667 : i32
        %mul3A_669 = arith.constant 2 : i32
        %mul3A_670 = arith.muli %add3A_668, %mul3A_669 : i32
        %dma_start3A_671 = arith.constant 2 : i32
        %dma_start3A_672 = arith.constant 0 : i32
        %dma_start3A_673 = arith.constant 0 : i32
        %dma_start3A_674 = tpu.memref_slice %arg8[%dma_start3A_671, %dma_start3A_672, %dma_start3A_673] : memref<4x2x128xi32, #tpu.memory_space<vmem>> -> memref<1x2x128xi32, #tpu.memory_space<vmem>>
        %dma_start3A_675 = tpu.memref_squeeze %dma_start3A_674 : memref<1x2x128xi32, #tpu.memory_space<vmem>> -> memref<2x128xi32, #tpu.memory_space<vmem>>
        %dma_start3A_676 = arith.constant 0 : i32
        %dma_start3A_677 = tpu.memref_slice %arg4[%arg1, %mul3A_670, %dma_start3A_676] : memref<16x160x128xi32, #tpu.memory_space<hbm>> -> memref<1x2x128xi32, #tpu.memory_space<hbm>>
        %dma_start3A_678 = tpu.memref_squeeze %dma_start3A_677 : memref<1x2x128xi32, #tpu.memory_space<hbm>> -> memref<2x128xi32, #tpu.memory_space<hbm>>
        %dma_start3A_679 = arith.constant 0 : i32
        %dma_start3A_680 = arith.constant 0 : i32
        %dma_start3A_681 = tpu.memref_slice %arg8[%dma_start3A_671, %dma_start3A_679, %dma_start3A_680] : memref<4x2x128xi32, #tpu.memory_space<vmem>> -> memref<1x2x128xi32, #tpu.memory_space<vmem>>
        %dma_start3A_682 = tpu.memref_squeeze %dma_start3A_681 : memref<1x2x128xi32, #tpu.memory_space<vmem>> -> memref<2x128xi32, #tpu.memory_space<vmem>>
        %dma_start3A_683 = arith.constant 0 : i32
        %dma_start3A_684 = tpu.memref_slice %arg4[%arg1, %mul3A_670, %dma_start3A_683] : memref<16x160x128xi32, #tpu.memory_space<hbm>> -> memref<1x2x128xi32, #tpu.memory_space<hbm>>
        %dma_start3A_685 = tpu.memref_squeeze %dma_start3A_684 : memref<1x2x128xi32, #tpu.memory_space<hbm>> -> memref<2x128xi32, #tpu.memory_space<hbm>>
        tpu.enqueue_dma source(%dma_start3A_685 : memref<2x128xi32, #tpu.memory_space<hbm>>) target(%dma_start3A_682 : memref<2x128xi32, #tpu.memory_space<vmem>>) target_semaphore(%arg14 : memref<!tpu.dma_semaphore, #tpu.memory_space<semaphore_mem>>)
      } else {
      }
      %mul3A_158 = arith.constant 2 : i32
      %mul3A_159 = arith.muli %add3A_149, %mul3A_158 : i32
      %dma_wait3A_160 = arith.constant 0 : i32
      %dma_wait3A_161 = arith.constant 0 : i32
      %dma_wait3A_162 = arith.constant 0 : i32
      %dma_wait3A_163 = tpu.memref_slice %arg7[%dma_wait3A_160, %dma_wait3A_161, %dma_wait3A_162] : memref<4x2x128xi32, #tpu.memory_space<vmem>> -> memref<1x2x128xi32, #tpu.memory_space<vmem>>
      %dma_wait3A_164 = tpu.memref_squeeze %dma_wait3A_163 : memref<1x2x128xi32, #tpu.memory_space<vmem>> -> memref<2x128xi32, #tpu.memory_space<vmem>>
      %dma_wait3A_165 = arith.constant 0 : i32
      %dma_wait3A_166 = tpu.memref_slice %arg3[%arg1, %mul3A_159, %dma_wait3A_165] : memref<16x160x128xi32, #tpu.memory_space<hbm>> -> memref<1x2x128xi32, #tpu.memory_space<hbm>>
      %dma_wait3A_167 = tpu.memref_squeeze %dma_wait3A_166 : memref<1x2x128xi32, #tpu.memory_space<hbm>> -> memref<2x128xi32, #tpu.memory_space<hbm>>
      %dma_wait3A_168 = arith.constant 0 : i32
      %dma_wait3A_169 = arith.constant 0 : i32
      %dma_wait3A_170 = tpu.memref_slice %arg7[%dma_wait3A_160, %dma_wait3A_168, %dma_wait3A_169] : memref<4x2x128xi32, #tpu.memory_space<vmem>> -> memref<1x2x128xi32, #tpu.memory_space<vmem>>
      %dma_wait3A_171 = tpu.memref_squeeze %dma_wait3A_170 : memref<1x2x128xi32, #tpu.memory_space<vmem>> -> memref<2x128xi32, #tpu.memory_space<vmem>>
      %dma_wait3A_172 = arith.constant 0 : i32
      %dma_wait3A_173 = tpu.memref_slice %arg3[%arg1, %mul3A_159, %dma_wait3A_172] : memref<16x160x128xi32, #tpu.memory_space<hbm>> -> memref<1x2x128xi32, #tpu.memory_space<hbm>>
      %dma_wait3A_174 = tpu.memref_squeeze %dma_wait3A_173 : memref<1x2x128xi32, #tpu.memory_space<hbm>> -> memref<2x128xi32, #tpu.memory_space<hbm>>
      tpu.wait_dma2 semaphore(%arg14 : memref<!tpu.dma_semaphore, #tpu.memory_space<semaphore_mem>>) src(%dma_wait3A_174 : memref<2x128xi32, #tpu.memory_space<hbm>>) dst(%dma_wait3A_171 : memref<2x128xi32, #tpu.memory_space<vmem>>)
      %mul3A_175 = arith.constant 2 : i32
      %mul3A_176 = arith.muli %add3A_149, %mul3A_175 : i32
      %dma_wait3A_177 = arith.constant 0 : i32
      %dma_wait3A_178 = arith.constant 0 : i32
      %dma_wait3A_179 = arith.constant 0 : i32
      %dma_wait3A_180 = tpu.memref_slice %arg8[%dma_wait3A_177, %dma_wait3A_178, %dma_wait3A_179] : memref<4x2x128xi32, #tpu.memory_space<vmem>> -> memref<1x2x128xi32, #tpu.memory_space<vmem>>
      %dma_wait3A_181 = tpu.memref_squeeze %dma_wait3A_180 : memref<1x2x128xi32, #tpu.memory_space<vmem>> -> memref<2x128xi32, #tpu.memory_space<vmem>>
      %dma_wait3A_182 = arith.constant 0 : i32
      %dma_wait3A_183 = tpu.memref_slice %arg4[%arg1, %mul3A_176, %dma_wait3A_182] : memref<16x160x128xi32, #tpu.memory_space<hbm>> -> memref<1x2x128xi32, #tpu.memory_space<hbm>>
      %dma_wait3A_184 = tpu.memref_squeeze %dma_wait3A_183 : memref<1x2x128xi32, #tpu.memory_space<hbm>> -> memref<2x128xi32, #tpu.memory_space<hbm>>
      %dma_wait3A_185 = arith.constant 0 : i32
      %dma_wait3A_186 = arith.constant 0 : i32
      %dma_wait3A_187 = tpu.memref_slice %arg8[%dma_wait3A_177, %dma_wait3A_185, %dma_wait3A_186] : memref<4x2x128xi32, #tpu.memory_space<vmem>> -> memref<1x2x128xi32, #tpu.memory_space<vmem>>
      %dma_wait3A_188 = tpu.memref_squeeze %dma_wait3A_187 : memref<1x2x128xi32, #tpu.memory_space<vmem>> -> memref<2x128xi32, #tpu.memory_space<vmem>>
      %dma_wait3A_189 = arith.constant 0 : i32
      %dma_wait3A_190 = tpu.memref_slice %arg4[%arg1, %mul3A_176, %dma_wait3A_189] : memref<16x160x128xi32, #tpu.memory_space<hbm>> -> memref<1x2x128xi32, #tpu.memory_space<hbm>>
      %dma_wait3A_191 = tpu.memref_squeeze %dma_wait3A_190 : memref<1x2x128xi32, #tpu.memory_space<hbm>> -> memref<2x128xi32, #tpu.memory_space<hbm>>
      tpu.wait_dma2 semaphore(%arg14 : memref<!tpu.dma_semaphore, #tpu.memory_space<semaphore_mem>>) src(%dma_wait3A_191 : memref<2x128xi32, #tpu.memory_space<hbm>>) dst(%dma_wait3A_188 : memref<2x128xi32, #tpu.memory_space<vmem>>)
      %dma_start3A_192 = arith.constant 0 : i32
      %dma_start3A_193 = arith.constant 0 : i32
      %dma_start3A_194 = arith.constant 0 : i32
      %dma_start3A_195 = arith.constant 0 : i32
      %dma_start3A_196 = arith.constant 0 : i32
      %dma_start3A_197 = tpu.memref_slice %arg9[%dma_start3A_194, %dma_start3A_195, %dma_start3A_196] : memref<4x128x64xf32, #tpu.memory_space<vmem>> -> memref<1x128x64xf32, #tpu.memory_space<vmem>>
      %dma_start3A_198 = tpu.memref_squeeze %dma_start3A_197 : memref<1x128x64xf32, #tpu.memory_space<vmem>> -> memref<128x64xf32, #tpu.memory_space<vmem>>
      %dma_start3A_199 = arith.constant 0 : i32
      %dma_start3A_200 = tpu.memref_slice %arg7[%dma_start3A_192, %dma_start3A_193, %dma_start3A_199] : memref<4x2x128xi32, #tpu.memory_space<vmem>> -> memref<1x1x128xi32, #tpu.memory_space<vmem>>
      %dma_start3A_201 = tpu.memref_squeeze %dma_start3A_200 : memref<1x1x128xi32, #tpu.memory_space<vmem>> -> memref<128xi32, #tpu.memory_space<vmem>>
      %dma_start3A_202 = arith.constant 0 : i32
      %dma_start3A_203 = arith.constant 0 : i32
      %dma_start3A_204 = tpu.memref_slice %arg10[%dma_start3A_202, %dma_start3A_203] : memref<10000x64xf32, #tpu.memory_space<vmem_shared>> -> memref<10000x64xf32, #tpu.memory_space<vmem_shared>>
      tpu.enqueue_indirect_dma source(%dma_start3A_204 : memref<10000x64xf32, #tpu.memory_space<vmem_shared>>) target(%dma_start3A_198 : memref<128x64xf32, #tpu.memory_space<vmem>>) offsets(%dma_start3A_201 : memref<128xi32, #tpu.memory_space<vmem>>) semaphore(%arg12 : memref<!tpu.dma_semaphore, #tpu.memory_space<semaphore_mem>>)
      %dma_start3A_205 = arith.constant 0 : i32
      %dma_start3A_206 = arith.constant 1 : i32
      %dma_start3A_207 = arith.constant 1 : i32
      %dma_start3A_208 = arith.constant 0 : i32
      %dma_start3A_209 = arith.constant 0 : i32
      %dma_start3A_210 = tpu.memref_slice %arg9[%dma_start3A_207, %dma_start3A_208, %dma_start3A_209] : memref<4x128x64xf32, #tpu.memory_space<vmem>> -> memref<1x128x64xf32, #tpu.memory_space<vmem>>
      %dma_start3A_211 = tpu.memref_squeeze %dma_start3A_210 : memref<1x128x64xf32, #tpu.memory_space<vmem>> -> memref<128x64xf32, #tpu.memory_space<vmem>>
      %dma_start3A_212 = arith.constant 0 : i32
      %dma_start3A_213 = tpu.memref_slice %arg7[%dma_start3A_205, %dma_start3A_206, %dma_start3A_212] : memref<4x2x128xi32, #tpu.memory_space<vmem>> -> memref<1x1x128xi32, #tpu.memory_space<vmem>>
      %dma_start3A_214 = tpu.memref_squeeze %dma_start3A_213 : memref<1x1x128xi32, #tpu.memory_space<vmem>> -> memref<128xi32, #tpu.memory_space<vmem>>
      %dma_start3A_215 = arith.constant 0 : i32
      %dma_start3A_216 = arith.constant 0 : i32
      %dma_start3A_217 = tpu.memref_slice %arg10[%dma_start3A_215, %dma_start3A_216] : memref<10000x64xf32, #tpu.memory_space<vmem_shared>> -> memref<10000x64xf32, #tpu.memory_space<vmem_shared>>
      tpu.enqueue_indirect_dma source(%dma_start3A_217 : memref<10000x64xf32, #tpu.memory_space<vmem_shared>>) target(%dma_start3A_211 : memref<128x64xf32, #tpu.memory_space<vmem>>) offsets(%dma_start3A_214 : memref<128xi32, #tpu.memory_space<vmem>>) semaphore(%arg12 : memref<!tpu.dma_semaphore, #tpu.memory_space<semaphore_mem>>)
      %dma_wait3A_218 = arith.constant 0 : i32
      %dma_wait3A_219 = arith.constant 0 : i32
      %dma_wait3A_220 = arith.constant 0 : i32
      %dma_wait3A_221 = arith.constant 0 : i32
      %dma_wait3A_222 = arith.constant 0 : i32
      %dma_wait3A_223 = tpu.memref_slice %arg9[%dma_wait3A_220, %dma_wait3A_221, %dma_wait3A_222] : memref<4x128x64xf32, #tpu.memory_space<vmem>> -> memref<1x128x64xf32, #tpu.memory_space<vmem>>
      %dma_wait3A_224 = tpu.memref_squeeze %dma_wait3A_223 : memref<1x128x64xf32, #tpu.memory_space<vmem>> -> memref<128x64xf32, #tpu.memory_space<vmem>>
      %dma_wait3A_225 = arith.constant 0 : i32
      %dma_wait3A_226 = tpu.memref_slice %arg7[%dma_wait3A_218, %dma_wait3A_219, %dma_wait3A_225] : memref<4x2x128xi32, #tpu.memory_space<vmem>> -> memref<1x1x128xi32, #tpu.memory_space<vmem>>
      %dma_wait3A_227 = tpu.memref_squeeze %dma_wait3A_226 : memref<1x1x128xi32, #tpu.memory_space<vmem>> -> memref<128xi32, #tpu.memory_space<vmem>>
      %dma_wait3A_228 = arith.constant 0 : i32
      %dma_wait3A_229 = arith.constant 0 : i32
      %dma_wait3A_230 = tpu.memref_slice %arg10[%dma_wait3A_228, %dma_wait3A_229] : memref<10000x64xf32, #tpu.memory_space<vmem_shared>> -> memref<10000x64xf32, #tpu.memory_space<vmem_shared>>
      tpu.wait_indirect_dma semaphore(%arg12 : memref<!tpu.dma_semaphore, #tpu.memory_space<semaphore_mem>>) src(%dma_wait3A_230 : memref<10000x64xf32, #tpu.memory_space<vmem_shared>>) dst(%dma_wait3A_224 : memref<128x64xf32, #tpu.memory_space<vmem>>)
      %dma_start3A_231 = arith.constant 0 : i32
      %dma_start3A_232 = arith.constant 0 : i32
      %dma_start3A_233 = arith.constant 0 : i32
      %dma_start3A_234 = arith.constant 0 : i32
      %dma_start3A_235 = arith.constant 0 : i32
      %dma_start3A_236 = tpu.memref_slice %arg9[%dma_start3A_231, %dma_start3A_234, %dma_start3A_235] : memref<4x128x64xf32, #tpu.memory_space<vmem>> -> memref<1x128x64xf32, #tpu.memory_space<vmem>>
      %dma_start3A_237 = tpu.memref_squeeze %dma_start3A_236 : memref<1x128x64xf32, #tpu.memory_space<vmem>> -> memref<128x64xf32, #tpu.memory_space<vmem>>
      %dma_start3A_238 = arith.constant 0 : i32
      %dma_start3A_239 = tpu.memref_slice %arg8[%dma_start3A_232, %dma_start3A_233, %dma_start3A_238] : memref<4x2x128xi32, #tpu.memory_space<vmem>> -> memref<1x1x128xi32, #tpu.memory_space<vmem>>
      %dma_start3A_240 = tpu.memref_squeeze %dma_start3A_239 : memref<1x1x128xi32, #tpu.memory_space<vmem>> -> memref<128xi32, #tpu.memory_space<vmem>>
      %dma_start3A_241 = arith.constant 0 : i32
      %dma_start3A_242 = arith.constant 0 : i32
      %dma_start3A_243 = tpu.memref_slice %arg11[%dma_start3A_241, %dma_start3A_242] : memref<10112x64xf32, #tpu.memory_space<vmem_shared>> -> memref<10112x64xf32, #tpu.memory_space<vmem_shared>>
      tpu.enqueue_indirect_dma source(%dma_start3A_237 : memref<128x64xf32, #tpu.memory_space<vmem>>) target(%dma_start3A_243 : memref<10112x64xf32, #tpu.memory_space<vmem_shared>>) offsets(%dma_start3A_240 : memref<128xi32, #tpu.memory_space<vmem>>) semaphore(%arg13 : memref<!tpu.dma_semaphore, #tpu.memory_space<semaphore_mem>>) {add = true}
      %dma_wait3A_244 = arith.constant 0 : i32
      %dma_wait3A_245 = arith.constant 1 : i32
      %dma_wait3A_246 = arith.constant 1 : i32
      %dma_wait3A_247 = arith.constant 0 : i32
      %dma_wait3A_248 = arith.constant 0 : i32
      %dma_wait3A_249 = tpu.memref_slice %arg9[%dma_wait3A_246, %dma_wait3A_247, %dma_wait3A_248] : memref<4x128x64xf32, #tpu.memory_space<vmem>> -> memref<1x128x64xf32, #tpu.memory_space<vmem>>
      %dma_wait3A_250 = tpu.memref_squeeze %dma_wait3A_249 : memref<1x128x64xf32, #tpu.memory_space<vmem>> -> memref<128x64xf32, #tpu.memory_space<vmem>>
      %dma_wait3A_251 = arith.constant 0 : i32
      %dma_wait3A_252 = tpu.memref_slice %arg7[%dma_wait3A_244, %dma_wait3A_245, %dma_wait3A_251] : memref<4x2x128xi32, #tpu.memory_space<vmem>> -> memref<1x1x128xi32, #tpu.memory_space<vmem>>
      %dma_wait3A_253 = tpu.memref_squeeze %dma_wait3A_252 : memref<1x1x128xi32, #tpu.memory_space<vmem>> -> memref<128xi32, #tpu.memory_space<vmem>>
      %dma_wait3A_254 = arith.constant 0 : i32
      %dma_wait3A_255 = arith.constant 0 : i32
      %dma_wait3A_256 = tpu.memref_slice %arg10[%dma_wait3A_254, %dma_wait3A_255] : memref<10000x64xf32, #tpu.memory_space<vmem_shared>> -> memref<10000x64xf32, #tpu.memory_space<vmem_shared>>
      tpu.wait_indirect_dma semaphore(%arg12 : memref<!tpu.dma_semaphore, #tpu.memory_space<semaphore_mem>>) src(%dma_wait3A_256 : memref<10000x64xf32, #tpu.memory_space<vmem_shared>>) dst(%dma_wait3A_250 : memref<128x64xf32, #tpu.memory_space<vmem>>)
      %dma_start3A_257 = arith.constant 1 : i32
      %dma_start3A_258 = arith.constant 0 : i32
      %dma_start3A_259 = arith.constant 1 : i32
      %dma_start3A_260 = arith.constant 0 : i32
      %dma_start3A_261 = arith.constant 0 : i32
      %dma_start3A_262 = tpu.memref_slice %arg9[%dma_start3A_257, %dma_start3A_260, %dma_start3A_261] : memref<4x128x64xf32, #tpu.memory_space<vmem>> -> memref<1x128x64xf32, #tpu.memory_space<vmem>>
      %dma_start3A_263 = tpu.memref_squeeze %dma_start3A_262 : memref<1x128x64xf32, #tpu.memory_space<vmem>> -> memref<128x64xf32, #tpu.memory_space<vmem>>
      %dma_start3A_264 = arith.constant 0 : i32
      %dma_start3A_265 = tpu.memref_slice %arg8[%dma_start3A_258, %dma_start3A_259, %dma_start3A_264] : memref<4x2x128xi32, #tpu.memory_space<vmem>> -> memref<1x1x128xi32, #tpu.memory_space<vmem>>
      %dma_start3A_266 = tpu.memref_squeeze %dma_start3A_265 : memref<1x1x128xi32, #tpu.memory_space<vmem>> -> memref<128xi32, #tpu.memory_space<vmem>>
      %dma_start3A_267 = arith.constant 0 : i32
      %dma_start3A_268 = arith.constant 0 : i32
      %dma_start3A_269 = tpu.memref_slice %arg11[%dma_start3A_267, %dma_start3A_268] : memref<10112x64xf32, #tpu.memory_space<vmem_shared>> -> memref<10112x64xf32, #tpu.memory_space<vmem_shared>>
      tpu.enqueue_indirect_dma source(%dma_start3A_263 : memref<128x64xf32, #tpu.memory_space<vmem>>) target(%dma_start3A_269 : memref<10112x64xf32, #tpu.memory_space<vmem_shared>>) offsets(%dma_start3A_266 : memref<128xi32, #tpu.memory_space<vmem>>) semaphore(%arg13 : memref<!tpu.dma_semaphore, #tpu.memory_space<semaphore_mem>>) {add = true}
      %add3A_270 = arith.constant 1 : i32
      %add3A_271 = arith.addi %add3A_147, %add3A_270 : i32
      %ge3A_272 = arith.constant 2 : i32
      %ge3A_273 = arith.cmpi sge, %add3A_271, %ge3A_272 : i32
      %convert_element_type3A_274 = arith.extui %ge3A_273 : i1 to i32
      %cond3A_275 = arith.constant 0 : i32
      %cond3A_276 = arith.cmpi ne, %convert_element_type3A_274, %cond3A_275 : i32
      scf.if %cond3A_276 {
        %dma_wait3A_648 = arith.constant 2 : i32
        %dma_wait3A_649 = arith.constant 1 : i32
        %dma_wait3A_650 = arith.constant 0 : i32
        %dma_wait3A_651 = arith.constant 0 : i32
        %dma_wait3A_652 = arith.constant 0 : i32
        %dma_wait3A_653 = tpu.memref_slice %arg9[%dma_wait3A_648, %dma_wait3A_651, %dma_wait3A_652] : memref<4x128x64xf32, #tpu.memory_space<vmem>> -> memref<1x128x64xf32, #tpu.memory_space<vmem>>
        %dma_wait3A_654 = tpu.memref_squeeze %dma_wait3A_653 : memref<1x128x64xf32, #tpu.memory_space<vmem>> -> memref<128x64xf32, #tpu.memory_space<vmem>>
        %dma_wait3A_655 = arith.constant 0 : i32
        %dma_wait3A_656 = tpu.memref_slice %arg8[%dma_wait3A_649, %dma_wait3A_650, %dma_wait3A_655] : memref<4x2x128xi32, #tpu.memory_space<vmem>> -> memref<1x1x128xi32, #tpu.memory_space<vmem>>
        %dma_wait3A_657 = tpu.memref_squeeze %dma_wait3A_656 : memref<1x1x128xi32, #tpu.memory_space<vmem>> -> memref<128xi32, #tpu.memory_space<vmem>>
        %dma_wait3A_658 = arith.constant 0 : i32
        %dma_wait3A_659 = arith.constant 0 : i32
        %dma_wait3A_660 = tpu.memref_slice %arg11[%dma_wait3A_658, %dma_wait3A_659] : memref<10112x64xf32, #tpu.memory_space<vmem_shared>> -> memref<10112x64xf32, #tpu.memory_space<vmem_shared>>
        tpu.wait_indirect_dma semaphore(%arg13 : memref<!tpu.dma_semaphore, #tpu.memory_space<semaphore_mem>>) src(%dma_wait3A_654 : memref<128x64xf32, #tpu.memory_space<vmem>>) dst(%dma_wait3A_660 : memref<10112x64xf32, #tpu.memory_space<vmem_shared>>)
        %dma_wait3A_661 = arith.constant 3 : i32
        %dma_wait3A_662 = arith.constant 1 : i32
        %dma_wait3A_663 = arith.constant 1 : i32
        %dma_wait3A_664 = arith.constant 0 : i32
        %dma_wait3A_665 = arith.constant 0 : i32
        %dma_wait3A_666 = tpu.memref_slice %arg9[%dma_wait3A_661, %dma_wait3A_664, %dma_wait3A_665] : memref<4x128x64xf32, #tpu.memory_space<vmem>> -> memref<1x128x64xf32, #tpu.memory_space<vmem>>
        %dma_wait3A_667 = tpu.memref_squeeze %dma_wait3A_666 : memref<1x128x64xf32, #tpu.memory_space<vmem>> -> memref<128x64xf32, #tpu.memory_space<vmem>>
        %dma_wait3A_668 = arith.constant 0 : i32
        %dma_wait3A_669 = tpu.memref_slice %arg8[%dma_wait3A_662, %dma_wait3A_663, %dma_wait3A_668] : memref<4x2x128xi32, #tpu.memory_space<vmem>> -> memref<1x1x128xi32, #tpu.memory_space<vmem>>
        %dma_wait3A_670 = tpu.memref_squeeze %dma_wait3A_669 : memref<1x1x128xi32, #tpu.memory_space<vmem>> -> memref<128xi32, #tpu.memory_space<vmem>>
        %dma_wait3A_671 = arith.constant 0 : i32
        %dma_wait3A_672 = arith.constant 0 : i32
        %dma_wait3A_673 = tpu.memref_slice %arg11[%dma_wait3A_671, %dma_wait3A_672] : memref<10112x64xf32, #tpu.memory_space<vmem_shared>> -> memref<10112x64xf32, #tpu.memory_space<vmem_shared>>
        tpu.wait_indirect_dma semaphore(%arg13 : memref<!tpu.dma_semaphore, #tpu.memory_space<semaphore_mem>>) src(%dma_wait3A_667 : memref<128x64xf32, #tpu.memory_space<vmem>>) dst(%dma_wait3A_673 : memref<10112x64xf32, #tpu.memory_space<vmem_shared>>)
      } else {
      }
      %add3A_277 = arith.constant 2 : i32
      %add3A_278 = arith.addi %add3A_271, %add3A_277 : i32
      %lt3A_279 = arith.constant 80 : i32
      %lt3A_280 = arith.cmpi slt, %add3A_278, %lt3A_279 : i32
      %convert_element_type3A_281 = arith.extui %lt3A_280 : i1 to i32
      %cond3A_282 = arith.constant 0 : i32
      %cond3A_283 = arith.cmpi ne, %convert_element_type3A_281, %cond3A_282 : i32
      scf.if %cond3A_283 {
        %add3A_648 = arith.constant 2 : i32
        %add3A_649 = arith.addi %add3A_271, %add3A_648 : i32
        %mul3A_650 = arith.constant 2 : i32
        %mul3A_651 = arith.muli %add3A_649, %mul3A_650 : i32
        %dma_start3A_652 = arith.constant 3 : i32
        %dma_start3A_653 = arith.constant 0 : i32
        %dma_start3A_654 = arith.constant 0 : i32
        %dma_start3A_655 = tpu.memref_slice %arg7[%dma_start3A_652, %dma_start3A_653, %dma_start3A_654] : memref<4x2x128xi32, #tpu.memory_space<vmem>> -> memref<1x2x128xi32, #tpu.memory_space<vmem>>
        %dma_start3A_656 = tpu.memref_squeeze %dma_start3A_655 : memref<1x2x128xi32, #tpu.memory_space<vmem>> -> memref<2x128xi32, #tpu.memory_space<vmem>>
        %dma_start3A_657 = arith.constant 0 : i32
        %dma_start3A_658 = tpu.memref_slice %arg3[%arg1, %mul3A_651, %dma_start3A_657] : memref<16x160x128xi32, #tpu.memory_space<hbm>> -> memref<1x2x128xi32, #tpu.memory_space<hbm>>
        %dma_start3A_659 = tpu.memref_squeeze %dma_start3A_658 : memref<1x2x128xi32, #tpu.memory_space<hbm>> -> memref<2x128xi32, #tpu.memory_space<hbm>>
        %dma_start3A_660 = arith.constant 0 : i32
        %dma_start3A_661 = arith.constant 0 : i32
        %dma_start3A_662 = tpu.memref_slice %arg7[%dma_start3A_652, %dma_start3A_660, %dma_start3A_661] : memref<4x2x128xi32, #tpu.memory_space<vmem>> -> memref<1x2x128xi32, #tpu.memory_space<vmem>>
        %dma_start3A_663 = tpu.memref_squeeze %dma_start3A_662 : memref<1x2x128xi32, #tpu.memory_space<vmem>> -> memref<2x128xi32, #tpu.memory_space<vmem>>
        %dma_start3A_664 = arith.constant 0 : i32
        %dma_start3A_665 = tpu.memref_slice %arg3[%arg1, %mul3A_651, %dma_start3A_664] : memref<16x160x128xi32, #tpu.memory_space<hbm>> -> memref<1x2x128xi32, #tpu.memory_space<hbm>>
        %dma_start3A_666 = tpu.memref_squeeze %dma_start3A_665 : memref<1x2x128xi32, #tpu.memory_space<hbm>> -> memref<2x128xi32, #tpu.memory_space<hbm>>
        tpu.enqueue_dma source(%dma_start3A_666 : memref<2x128xi32, #tpu.memory_space<hbm>>) target(%dma_start3A_663 : memref<2x128xi32, #tpu.memory_space<vmem>>) target_semaphore(%arg14 : memref<!tpu.dma_semaphore, #tpu.memory_space<semaphore_mem>>)
        %add3A_667 = arith.constant 2 : i32
        %add3A_668 = arith.addi %add3A_271, %add3A_667 : i32
        %mul3A_669 = arith.constant 2 : i32
        %mul3A_670 = arith.muli %add3A_668, %mul3A_669 : i32
        %dma_start3A_671 = arith.constant 3 : i32
        %dma_start3A_672 = arith.constant 0 : i32
        %dma_start3A_673 = arith.constant 0 : i32
        %dma_start3A_674 = tpu.memref_slice %arg8[%dma_start3A_671, %dma_start3A_672, %dma_start3A_673] : memref<4x2x128xi32, #tpu.memory_space<vmem>> -> memref<1x2x128xi32, #tpu.memory_space<vmem>>
        %dma_start3A_675 = tpu.memref_squeeze %dma_start3A_674 : memref<1x2x128xi32, #tpu.memory_space<vmem>> -> memref<2x128xi32, #tpu.memory_space<vmem>>
        %dma_start3A_676 = arith.constant 0 : i32
        %dma_start3A_677 = tpu.memref_slice %arg4[%arg1, %mul3A_670, %dma_start3A_676] : memref<16x160x128xi32, #tpu.memory_space<hbm>> -> memref<1x2x128xi32, #tpu.memory_space<hbm>>
        %dma_start3A_678 = tpu.memref_squeeze %dma_start3A_677 : memref<1x2x128xi32, #tpu.memory_space<hbm>> -> memref<2x128xi32, #tpu.memory_space<hbm>>
        %dma_start3A_679 = arith.constant 0 : i32
        %dma_start3A_680 = arith.constant 0 : i32
        %dma_start3A_681 = tpu.memref_slice %arg8[%dma_start3A_671, %dma_start3A_679, %dma_start3A_680] : memref<4x2x128xi32, #tpu.memory_space<vmem>> -> memref<1x2x128xi32, #tpu.memory_space<vmem>>
        %dma_start3A_682 = tpu.memref_squeeze %dma_start3A_681 : memref<1x2x128xi32, #tpu.memory_space<vmem>> -> memref<2x128xi32, #tpu.memory_space<vmem>>
        %dma_start3A_683 = arith.constant 0 : i32
        %dma_start3A_684 = tpu.memref_slice %arg4[%arg1, %mul3A_670, %dma_start3A_683] : memref<16x160x128xi32, #tpu.memory_space<hbm>> -> memref<1x2x128xi32, #tpu.memory_space<hbm>>
        %dma_start3A_685 = tpu.memref_squeeze %dma_start3A_684 : memref<1x2x128xi32, #tpu.memory_space<hbm>> -> memref<2x128xi32, #tpu.memory_space<hbm>>
        tpu.enqueue_dma source(%dma_start3A_685 : memref<2x128xi32, #tpu.memory_space<hbm>>) target(%dma_start3A_682 : memref<2x128xi32, #tpu.memory_space<vmem>>) target_semaphore(%arg14 : memref<!tpu.dma_semaphore, #tpu.memory_space<semaphore_mem>>)
      } else {
      }
      %mul3A_284 = arith.constant 2 : i32
      %mul3A_285 = arith.muli %add3A_271, %mul3A_284 : i32
      %dma_wait3A_286 = arith.constant 1 : i32
      %dma_wait3A_287 = arith.constant 0 : i32
      %dma_wait3A_288 = arith.constant 0 : i32
      %dma_wait3A_289 = tpu.memref_slice %arg7[%dma_wait3A_286, %dma_wait3A_287, %dma_wait3A_288] : memref<4x2x128xi32, #tpu.memory_space<vmem>> -> memref<1x2x128xi32, #tpu.memory_space<vmem>>
      %dma_wait3A_290 = tpu.memref_squeeze %dma_wait3A_289 : memref<1x2x128xi32, #tpu.memory_space<vmem>> -> memref<2x128xi32, #tpu.memory_space<vmem>>
      %dma_wait3A_291 = arith.constant 0 : i32
      %dma_wait3A_292 = tpu.memref_slice %arg3[%arg1, %mul3A_285, %dma_wait3A_291] : memref<16x160x128xi32, #tpu.memory_space<hbm>> -> memref<1x2x128xi32, #tpu.memory_space<hbm>>
      %dma_wait3A_293 = tpu.memref_squeeze %dma_wait3A_292 : memref<1x2x128xi32, #tpu.memory_space<hbm>> -> memref<2x128xi32, #tpu.memory_space<hbm>>
      %dma_wait3A_294 = arith.constant 0 : i32
      %dma_wait3A_295 = arith.constant 0 : i32
      %dma_wait3A_296 = tpu.memref_slice %arg7[%dma_wait3A_286, %dma_wait3A_294, %dma_wait3A_295] : memref<4x2x128xi32, #tpu.memory_space<vmem>> -> memref<1x2x128xi32, #tpu.memory_space<vmem>>
      %dma_wait3A_297 = tpu.memref_squeeze %dma_wait3A_296 : memref<1x2x128xi32, #tpu.memory_space<vmem>> -> memref<2x128xi32, #tpu.memory_space<vmem>>
      %dma_wait3A_298 = arith.constant 0 : i32
      %dma_wait3A_299 = tpu.memref_slice %arg3[%arg1, %mul3A_285, %dma_wait3A_298] : memref<16x160x128xi32, #tpu.memory_space<hbm>> -> memref<1x2x128xi32, #tpu.memory_space<hbm>>
      %dma_wait3A_300 = tpu.memref_squeeze %dma_wait3A_299 : memref<1x2x128xi32, #tpu.memory_space<hbm>> -> memref<2x128xi32, #tpu.memory_space<hbm>>
      tpu.wait_dma2 semaphore(%arg14 : memref<!tpu.dma_semaphore, #tpu.memory_space<semaphore_mem>>) src(%dma_wait3A_300 : memref<2x128xi32, #tpu.memory_space<hbm>>) dst(%dma_wait3A_297 : memref<2x128xi32, #tpu.memory_space<vmem>>)
      %mul3A_301 = arith.constant 2 : i32
      %mul3A_302 = arith.muli %add3A_271, %mul3A_301 : i32
      %dma_wait3A_303 = arith.constant 1 : i32
      %dma_wait3A_304 = arith.constant 0 : i32
      %dma_wait3A_305 = arith.constant 0 : i32
      %dma_wait3A_306 = tpu.memref_slice %arg8[%dma_wait3A_303, %dma_wait3A_304, %dma_wait3A_305] : memref<4x2x128xi32, #tpu.memory_space<vmem>> -> memref<1x2x128xi32, #tpu.memory_space<vmem>>
      %dma_wait3A_307 = tpu.memref_squeeze %dma_wait3A_306 : memref<1x2x128xi32, #tpu.memory_space<vmem>> -> memref<2x128xi32, #tpu.memory_space<vmem>>
      %dma_wait3A_308 = arith.constant 0 : i32
      %dma_wait3A_309 = tpu.memref_slice %arg4[%arg1, %mul3A_302, %dma_wait3A_308] : memref<16x160x128xi32, #tpu.memory_space<hbm>> -> memref<1x2x128xi32, #tpu.memory_space<hbm>>
      %dma_wait3A_310 = tpu.memref_squeeze %dma_wait3A_309 : memref<1x2x128xi32, #tpu.memory_space<hbm>> -> memref<2x128xi32, #tpu.memory_space<hbm>>
      %dma_wait3A_311 = arith.constant 0 : i32
      %dma_wait3A_312 = arith.constant 0 : i32
      %dma_wait3A_313 = tpu.memref_slice %arg8[%dma_wait3A_303, %dma_wait3A_311, %dma_wait3A_312] : memref<4x2x128xi32, #tpu.memory_space<vmem>> -> memref<1x2x128xi32, #tpu.memory_space<vmem>>
      %dma_wait3A_314 = tpu.memref_squeeze %dma_wait3A_313 : memref<1x2x128xi32, #tpu.memory_space<vmem>> -> memref<2x128xi32, #tpu.memory_space<vmem>>
      %dma_wait3A_315 = arith.constant 0 : i32
      %dma_wait3A_316 = tpu.memref_slice %arg4[%arg1, %mul3A_302, %dma_wait3A_315] : memref<16x160x128xi32, #tpu.memory_space<hbm>> -> memref<1x2x128xi32, #tpu.memory_space<hbm>>
      %dma_wait3A_317 = tpu.memref_squeeze %dma_wait3A_316 : memref<1x2x128xi32, #tpu.memory_space<hbm>> -> memref<2x128xi32, #tpu.memory_space<hbm>>
      tpu.wait_dma2 semaphore(%arg14 : memref<!tpu.dma_semaphore, #tpu.memory_space<semaphore_mem>>) src(%dma_wait3A_317 : memref<2x128xi32, #tpu.memory_space<hbm>>) dst(%dma_wait3A_314 : memref<2x128xi32, #tpu.memory_space<vmem>>)
      %dma_start3A_318 = arith.constant 1 : i32
      %dma_start3A_319 = arith.constant 0 : i32
      %dma_start3A_320 = arith.constant 2 : i32
      %dma_start3A_321 = arith.constant 0 : i32
      %dma_start3A_322 = arith.constant 0 : i32
      %dma_start3A_323 = tpu.memref_slice %arg9[%dma_start3A_320, %dma_start3A_321, %dma_start3A_322] : memref<4x128x64xf32, #tpu.memory_space<vmem>> -> memref<1x128x64xf32, #tpu.memory_space<vmem>>
      %dma_start3A_324 = tpu.memref_squeeze %dma_start3A_323 : memref<1x128x64xf32, #tpu.memory_space<vmem>> -> memref<128x64xf32, #tpu.memory_space<vmem>>
      %dma_start3A_325 = arith.constant 0 : i32
      %dma_start3A_326 = tpu.memref_slice %arg7[%dma_start3A_318, %dma_start3A_319, %dma_start3A_325] : memref<4x2x128xi32, #tpu.memory_space<vmem>> -> memref<1x1x128xi32, #tpu.memory_space<vmem>>
      %dma_start3A_327 = tpu.memref_squeeze %dma_start3A_326 : memref<1x1x128xi32, #tpu.memory_space<vmem>> -> memref<128xi32, #tpu.memory_space<vmem>>
      %dma_start3A_328 = arith.constant 0 : i32
      %dma_start3A_329 = arith.constant 0 : i32
      %dma_start3A_330 = tpu.memref_slice %arg10[%dma_start3A_328, %dma_start3A_329] : memref<10000x64xf32, #tpu.memory_space<vmem_shared>> -> memref<10000x64xf32, #tpu.memory_space<vmem_shared>>
      tpu.enqueue_indirect_dma source(%dma_start3A_330 : memref<10000x64xf32, #tpu.memory_space<vmem_shared>>) target(%dma_start3A_324 : memref<128x64xf32, #tpu.memory_space<vmem>>) offsets(%dma_start3A_327 : memref<128xi32, #tpu.memory_space<vmem>>) semaphore(%arg12 : memref<!tpu.dma_semaphore, #tpu.memory_space<semaphore_mem>>)
      %dma_start3A_331 = arith.constant 1 : i32
      %dma_start3A_332 = arith.constant 1 : i32
      %dma_start3A_333 = arith.constant 3 : i32
      %dma_start3A_334 = arith.constant 0 : i32
      %dma_start3A_335 = arith.constant 0 : i32
      %dma_start3A_336 = tpu.memref_slice %arg9[%dma_start3A_333, %dma_start3A_334, %dma_start3A_335] : memref<4x128x64xf32, #tpu.memory_space<vmem>> -> memref<1x128x64xf32, #tpu.memory_space<vmem>>
      %dma_start3A_337 = tpu.memref_squeeze %dma_start3A_336 : memref<1x128x64xf32, #tpu.memory_space<vmem>> -> memref<128x64xf32, #tpu.memory_space<vmem>>
      %dma_start3A_338 = arith.constant 0 : i32
      %dma_start3A_339 = tpu.memref_slice %arg7[%dma_start3A_331, %dma_start3A_332, %dma_start3A_338] : memref<4x2x128xi32, #tpu.memory_space<vmem>> -> memref<1x1x128xi32, #tpu.memory_space<vmem>>
      %dma_start3A_340 = tpu.memref_squeeze %dma_start3A_339 : memref<1x1x128xi32, #tpu.memory_space<vmem>> -> memref<128xi32, #tpu.memory_space<vmem>>
      %dma_start3A_341 = arith.constant 0 : i32
      %dma_start3A_342 = arith.constant 0 : i32
      %dma_start3A_343 = tpu.memref_slice %arg10[%dma_start3A_341, %dma_start3A_342] : memref<10000x64xf32, #tpu.memory_space<vmem_shared>> -> memref<10000x64xf32, #tpu.memory_space<vmem_shared>>
      tpu.enqueue_indirect_dma source(%dma_start3A_343 : memref<10000x64xf32, #tpu.memory_space<vmem_shared>>) target(%dma_start3A_337 : memref<128x64xf32, #tpu.memory_space<vmem>>) offsets(%dma_start3A_340 : memref<128xi32, #tpu.memory_space<vmem>>) semaphore(%arg12 : memref<!tpu.dma_semaphore, #tpu.memory_space<semaphore_mem>>)
      %dma_wait3A_344 = arith.constant 1 : i32
      %dma_wait3A_345 = arith.constant 0 : i32
      %dma_wait3A_346 = arith.constant 2 : i32
      %dma_wait3A_347 = arith.constant 0 : i32
      %dma_wait3A_348 = arith.constant 0 : i32
      %dma_wait3A_349 = tpu.memref_slice %arg9[%dma_wait3A_346, %dma_wait3A_347, %dma_wait3A_348] : memref<4x128x64xf32, #tpu.memory_space<vmem>> -> memref<1x128x64xf32, #tpu.memory_space<vmem>>
      %dma_wait3A_350 = tpu.memref_squeeze %dma_wait3A_349 : memref<1x128x64xf32, #tpu.memory_space<vmem>> -> memref<128x64xf32, #tpu.memory_space<vmem>>
      %dma_wait3A_351 = arith.constant 0 : i32
      %dma_wait3A_352 = tpu.memref_slice %arg7[%dma_wait3A_344, %dma_wait3A_345, %dma_wait3A_351] : memref<4x2x128xi32, #tpu.memory_space<vmem>> -> memref<1x1x128xi32, #tpu.memory_space<vmem>>
      %dma_wait3A_353 = tpu.memref_squeeze %dma_wait3A_352 : memref<1x1x128xi32, #tpu.memory_space<vmem>> -> memref<128xi32, #tpu.memory_space<vmem>>
      %dma_wait3A_354 = arith.constant 0 : i32
      %dma_wait3A_355 = arith.constant 0 : i32
      %dma_wait3A_356 = tpu.memref_slice %arg10[%dma_wait3A_354, %dma_wait3A_355] : memref<10000x64xf32, #tpu.memory_space<vmem_shared>> -> memref<10000x64xf32, #tpu.memory_space<vmem_shared>>
      tpu.wait_indirect_dma semaphore(%arg12 : memref<!tpu.dma_semaphore, #tpu.memory_space<semaphore_mem>>) src(%dma_wait3A_356 : memref<10000x64xf32, #tpu.memory_space<vmem_shared>>) dst(%dma_wait3A_350 : memref<128x64xf32, #tpu.memory_space<vmem>>)
      %dma_start3A_357 = arith.constant 2 : i32
      %dma_start3A_358 = arith.constant 1 : i32
      %dma_start3A_359 = arith.constant 0 : i32
      %dma_start3A_360 = arith.constant 0 : i32
      %dma_start3A_361 = arith.constant 0 : i32
      %dma_start3A_362 = tpu.memref_slice %arg9[%dma_start3A_357, %dma_start3A_360, %dma_start3A_361] : memref<4x128x64xf32, #tpu.memory_space<vmem>> -> memref<1x128x64xf32, #tpu.memory_space<vmem>>
      %dma_start3A_363 = tpu.memref_squeeze %dma_start3A_362 : memref<1x128x64xf32, #tpu.memory_space<vmem>> -> memref<128x64xf32, #tpu.memory_space<vmem>>
      %dma_start3A_364 = arith.constant 0 : i32
      %dma_start3A_365 = tpu.memref_slice %arg8[%dma_start3A_358, %dma_start3A_359, %dma_start3A_364] : memref<4x2x128xi32, #tpu.memory_space<vmem>> -> memref<1x1x128xi32, #tpu.memory_space<vmem>>
      %dma_start3A_366 = tpu.memref_squeeze %dma_start3A_365 : memref<1x1x128xi32, #tpu.memory_space<vmem>> -> memref<128xi32, #tpu.memory_space<vmem>>
      %dma_start3A_367 = arith.constant 0 : i32
      %dma_start3A_368 = arith.constant 0 : i32
      %dma_start3A_369 = tpu.memref_slice %arg11[%dma_start3A_367, %dma_start3A_368] : memref<10112x64xf32, #tpu.memory_space<vmem_shared>> -> memref<10112x64xf32, #tpu.memory_space<vmem_shared>>
      tpu.enqueue_indirect_dma source(%dma_start3A_363 : memref<128x64xf32, #tpu.memory_space<vmem>>) target(%dma_start3A_369 : memref<10112x64xf32, #tpu.memory_space<vmem_shared>>) offsets(%dma_start3A_366 : memref<128xi32, #tpu.memory_space<vmem>>) semaphore(%arg13 : memref<!tpu.dma_semaphore, #tpu.memory_space<semaphore_mem>>) {add = true}
      %dma_wait3A_370 = arith.constant 1 : i32
      %dma_wait3A_371 = arith.constant 1 : i32
      %dma_wait3A_372 = arith.constant 3 : i32
      %dma_wait3A_373 = arith.constant 0 : i32
      %dma_wait3A_374 = arith.constant 0 : i32
      %dma_wait3A_375 = tpu.memref_slice %arg9[%dma_wait3A_372, %dma_wait3A_373, %dma_wait3A_374] : memref<4x128x64xf32, #tpu.memory_space<vmem>> -> memref<1x128x64xf32, #tpu.memory_space<vmem>>
      %dma_wait3A_376 = tpu.memref_squeeze %dma_wait3A_375 : memref<1x128x64xf32, #tpu.memory_space<vmem>> -> memref<128x64xf32, #tpu.memory_space<vmem>>
      %dma_wait3A_377 = arith.constant 0 : i32
      %dma_wait3A_378 = tpu.memref_slice %arg7[%dma_wait3A_370, %dma_wait3A_371, %dma_wait3A_377] : memref<4x2x128xi32, #tpu.memory_space<vmem>> -> memref<1x1x128xi32, #tpu.memory_space<vmem>>
      %dma_wait3A_379 = tpu.memref_squeeze %dma_wait3A_378 : memref<1x1x128xi32, #tpu.memory_space<vmem>> -> memref<128xi32, #tpu.memory_space<vmem>>
      %dma_wait3A_380 = arith.constant 0 : i32
      %dma_wait3A_381 = arith.constant 0 : i32
      %dma_wait3A_382 = tpu.memref_slice %arg10[%dma_wait3A_380, %dma_wait3A_381] : memref<10000x64xf32, #tpu.memory_space<vmem_shared>> -> memref<10000x64xf32, #tpu.memory_space<vmem_shared>>
      tpu.wait_indirect_dma semaphore(%arg12 : memref<!tpu.dma_semaphore, #tpu.memory_space<semaphore_mem>>) src(%dma_wait3A_382 : memref<10000x64xf32, #tpu.memory_space<vmem_shared>>) dst(%dma_wait3A_376 : memref<128x64xf32, #tpu.memory_space<vmem>>)
      %dma_start3A_383 = arith.constant 3 : i32
      %dma_start3A_384 = arith.constant 1 : i32
      %dma_start3A_385 = arith.constant 1 : i32
      %dma_start3A_386 = arith.constant 0 : i32
      %dma_start3A_387 = arith.constant 0 : i32
      %dma_start3A_388 = tpu.memref_slice %arg9[%dma_start3A_383, %dma_start3A_386, %dma_start3A_387] : memref<4x128x64xf32, #tpu.memory_space<vmem>> -> memref<1x128x64xf32, #tpu.memory_space<vmem>>
      %dma_start3A_389 = tpu.memref_squeeze %dma_start3A_388 : memref<1x128x64xf32, #tpu.memory_space<vmem>> -> memref<128x64xf32, #tpu.memory_space<vmem>>
      %dma_start3A_390 = arith.constant 0 : i32
      %dma_start3A_391 = tpu.memref_slice %arg8[%dma_start3A_384, %dma_start3A_385, %dma_start3A_390] : memref<4x2x128xi32, #tpu.memory_space<vmem>> -> memref<1x1x128xi32, #tpu.memory_space<vmem>>
      %dma_start3A_392 = tpu.memref_squeeze %dma_start3A_391 : memref<1x1x128xi32, #tpu.memory_space<vmem>> -> memref<128xi32, #tpu.memory_space<vmem>>
      %dma_start3A_393 = arith.constant 0 : i32
      %dma_start3A_394 = arith.constant 0 : i32
      %dma_start3A_395 = tpu.memref_slice %arg11[%dma_start3A_393, %dma_start3A_394] : memref<10112x64xf32, #tpu.memory_space<vmem_shared>> -> memref<10112x64xf32, #tpu.memory_space<vmem_shared>>
      tpu.enqueue_indirect_dma source(%dma_start3A_389 : memref<128x64xf32, #tpu.memory_space<vmem>>) target(%dma_start3A_395 : memref<10112x64xf32, #tpu.memory_space<vmem_shared>>) offsets(%dma_start3A_392 : memref<128xi32, #tpu.memory_space<vmem>>) semaphore(%arg13 : memref<!tpu.dma_semaphore, #tpu.memory_space<semaphore_mem>>) {add = true}
      %add3A_396 = arith.constant 2 : i32
      %add3A_397 = arith.addi %add3A_147, %add3A_396 : i32
      %ge3A_398 = arith.constant 2 : i32
      %ge3A_399 = arith.cmpi sge, %add3A_397, %ge3A_398 : i32
      %convert_element_type3A_400 = arith.extui %ge3A_399 : i1 to i32
      %cond3A_401 = arith.constant 0 : i32
      %cond3A_402 = arith.cmpi ne, %convert_element_type3A_400, %cond3A_401 : i32
      scf.if %cond3A_402 {
        %dma_wait3A_648 = arith.constant 0 : i32
        %dma_wait3A_649 = arith.constant 2 : i32
        %dma_wait3A_650 = arith.constant 0 : i32
        %dma_wait3A_651 = arith.constant 0 : i32
        %dma_wait3A_652 = arith.constant 0 : i32
        %dma_wait3A_653 = tpu.memref_slice %arg9[%dma_wait3A_648, %dma_wait3A_651, %dma_wait3A_652] : memref<4x128x64xf32, #tpu.memory_space<vmem>> -> memref<1x128x64xf32, #tpu.memory_space<vmem>>
        %dma_wait3A_654 = tpu.memref_squeeze %dma_wait3A_653 : memref<1x128x64xf32, #tpu.memory_space<vmem>> -> memref<128x64xf32, #tpu.memory_space<vmem>>
        %dma_wait3A_655 = arith.constant 0 : i32
        %dma_wait3A_656 = tpu.memref_slice %arg8[%dma_wait3A_649, %dma_wait3A_650, %dma_wait3A_655] : memref<4x2x128xi32, #tpu.memory_space<vmem>> -> memref<1x1x128xi32, #tpu.memory_space<vmem>>
        %dma_wait3A_657 = tpu.memref_squeeze %dma_wait3A_656 : memref<1x1x128xi32, #tpu.memory_space<vmem>> -> memref<128xi32, #tpu.memory_space<vmem>>
        %dma_wait3A_658 = arith.constant 0 : i32
        %dma_wait3A_659 = arith.constant 0 : i32
        %dma_wait3A_660 = tpu.memref_slice %arg11[%dma_wait3A_658, %dma_wait3A_659] : memref<10112x64xf32, #tpu.memory_space<vmem_shared>> -> memref<10112x64xf32, #tpu.memory_space<vmem_shared>>
        tpu.wait_indirect_dma semaphore(%arg13 : memref<!tpu.dma_semaphore, #tpu.memory_space<semaphore_mem>>) src(%dma_wait3A_654 : memref<128x64xf32, #tpu.memory_space<vmem>>) dst(%dma_wait3A_660 : memref<10112x64xf32, #tpu.memory_space<vmem_shared>>)
        %dma_wait3A_661 = arith.constant 1 : i32
        %dma_wait3A_662 = arith.constant 2 : i32
        %dma_wait3A_663 = arith.constant 1 : i32
        %dma_wait3A_664 = arith.constant 0 : i32
        %dma_wait3A_665 = arith.constant 0 : i32
        %dma_wait3A_666 = tpu.memref_slice %arg9[%dma_wait3A_661, %dma_wait3A_664, %dma_wait3A_665] : memref<4x128x64xf32, #tpu.memory_space<vmem>> -> memref<1x128x64xf32, #tpu.memory_space<vmem>>
        %dma_wait3A_667 = tpu.memref_squeeze %dma_wait3A_666 : memref<1x128x64xf32, #tpu.memory_space<vmem>> -> memref<128x64xf32, #tpu.memory_space<vmem>>
        %dma_wait3A_668 = arith.constant 0 : i32
        %dma_wait3A_669 = tpu.memref_slice %arg8[%dma_wait3A_662, %dma_wait3A_663, %dma_wait3A_668] : memref<4x2x128xi32, #tpu.memory_space<vmem>> -> memref<1x1x128xi32, #tpu.memory_space<vmem>>
        %dma_wait3A_670 = tpu.memref_squeeze %dma_wait3A_669 : memref<1x1x128xi32, #tpu.memory_space<vmem>> -> memref<128xi32, #tpu.memory_space<vmem>>
        %dma_wait3A_671 = arith.constant 0 : i32
        %dma_wait3A_672 = arith.constant 0 : i32
        %dma_wait3A_673 = tpu.memref_slice %arg11[%dma_wait3A_671, %dma_wait3A_672] : memref<10112x64xf32, #tpu.memory_space<vmem_shared>> -> memref<10112x64xf32, #tpu.memory_space<vmem_shared>>
        tpu.wait_indirect_dma semaphore(%arg13 : memref<!tpu.dma_semaphore, #tpu.memory_space<semaphore_mem>>) src(%dma_wait3A_667 : memref<128x64xf32, #tpu.memory_space<vmem>>) dst(%dma_wait3A_673 : memref<10112x64xf32, #tpu.memory_space<vmem_shared>>)
      } else {
      }
      %add3A_403 = arith.constant 2 : i32
      %add3A_404 = arith.addi %add3A_397, %add3A_403 : i32
      %lt3A_405 = arith.constant 80 : i32
      %lt3A_406 = arith.cmpi slt, %add3A_404, %lt3A_405 : i32
      %convert_element_type3A_407 = arith.extui %lt3A_406 : i1 to i32
      %cond3A_408 = arith.constant 0 : i32
      %cond3A_409 = arith.cmpi ne, %convert_element_type3A_407, %cond3A_408 : i32
      scf.if %cond3A_409 {
        %add3A_648 = arith.constant 2 : i32
        %add3A_649 = arith.addi %add3A_397, %add3A_648 : i32
        %mul3A_650 = arith.constant 2 : i32
        %mul3A_651 = arith.muli %add3A_649, %mul3A_650 : i32
        %dma_start3A_652 = arith.constant 0 : i32
        %dma_start3A_653 = arith.constant 0 : i32
        %dma_start3A_654 = arith.constant 0 : i32
        %dma_start3A_655 = tpu.memref_slice %arg7[%dma_start3A_652, %dma_start3A_653, %dma_start3A_654] : memref<4x2x128xi32, #tpu.memory_space<vmem>> -> memref<1x2x128xi32, #tpu.memory_space<vmem>>
        %dma_start3A_656 = tpu.memref_squeeze %dma_start3A_655 : memref<1x2x128xi32, #tpu.memory_space<vmem>> -> memref<2x128xi32, #tpu.memory_space<vmem>>
        %dma_start3A_657 = arith.constant 0 : i32
        %dma_start3A_658 = tpu.memref_slice %arg3[%arg1, %mul3A_651, %dma_start3A_657] : memref<16x160x128xi32, #tpu.memory_space<hbm>> -> memref<1x2x128xi32, #tpu.memory_space<hbm>>
        %dma_start3A_659 = tpu.memref_squeeze %dma_start3A_658 : memref<1x2x128xi32, #tpu.memory_space<hbm>> -> memref<2x128xi32, #tpu.memory_space<hbm>>
        %dma_start3A_660 = arith.constant 0 : i32
        %dma_start3A_661 = arith.constant 0 : i32
        %dma_start3A_662 = tpu.memref_slice %arg7[%dma_start3A_652, %dma_start3A_660, %dma_start3A_661] : memref<4x2x128xi32, #tpu.memory_space<vmem>> -> memref<1x2x128xi32, #tpu.memory_space<vmem>>
        %dma_start3A_663 = tpu.memref_squeeze %dma_start3A_662 : memref<1x2x128xi32, #tpu.memory_space<vmem>> -> memref<2x128xi32, #tpu.memory_space<vmem>>
        %dma_start3A_664 = arith.constant 0 : i32
        %dma_start3A_665 = tpu.memref_slice %arg3[%arg1, %mul3A_651, %dma_start3A_664] : memref<16x160x128xi32, #tpu.memory_space<hbm>> -> memref<1x2x128xi32, #tpu.memory_space<hbm>>
        %dma_start3A_666 = tpu.memref_squeeze %dma_start3A_665 : memref<1x2x128xi32, #tpu.memory_space<hbm>> -> memref<2x128xi32, #tpu.memory_space<hbm>>
        tpu.enqueue_dma source(%dma_start3A_666 : memref<2x128xi32, #tpu.memory_space<hbm>>) target(%dma_start3A_663 : memref<2x128xi32, #tpu.memory_space<vmem>>) target_semaphore(%arg14 : memref<!tpu.dma_semaphore, #tpu.memory_space<semaphore_mem>>)
        %add3A_667 = arith.constant 2 : i32
        %add3A_668 = arith.addi %add3A_397, %add3A_667 : i32
        %mul3A_669 = arith.constant 2 : i32
        %mul3A_670 = arith.muli %add3A_668, %mul3A_669 : i32
        %dma_start3A_671 = arith.constant 0 : i32
        %dma_start3A_672 = arith.constant 0 : i32
        %dma_start3A_673 = arith.constant 0 : i32
        %dma_start3A_674 = tpu.memref_slice %arg8[%dma_start3A_671, %dma_start3A_672, %dma_start3A_673] : memref<4x2x128xi32, #tpu.memory_space<vmem>> -> memref<1x2x128xi32, #tpu.memory_space<vmem>>
        %dma_start3A_675 = tpu.memref_squeeze %dma_start3A_674 : memref<1x2x128xi32, #tpu.memory_space<vmem>> -> memref<2x128xi32, #tpu.memory_space<vmem>>
        %dma_start3A_676 = arith.constant 0 : i32
        %dma_start3A_677 = tpu.memref_slice %arg4[%arg1, %mul3A_670, %dma_start3A_676] : memref<16x160x128xi32, #tpu.memory_space<hbm>> -> memref<1x2x128xi32, #tpu.memory_space<hbm>>
        %dma_start3A_678 = tpu.memref_squeeze %dma_start3A_677 : memref<1x2x128xi32, #tpu.memory_space<hbm>> -> memref<2x128xi32, #tpu.memory_space<hbm>>
        %dma_start3A_679 = arith.constant 0 : i32
        %dma_start3A_680 = arith.constant 0 : i32
        %dma_start3A_681 = tpu.memref_slice %arg8[%dma_start3A_671, %dma_start3A_679, %dma_start3A_680] : memref<4x2x128xi32, #tpu.memory_space<vmem>> -> memref<1x2x128xi32, #tpu.memory_space<vmem>>
        %dma_start3A_682 = tpu.memref_squeeze %dma_start3A_681 : memref<1x2x128xi32, #tpu.memory_space<vmem>> -> memref<2x128xi32, #tpu.memory_space<vmem>>
        %dma_start3A_683 = arith.constant 0 : i32
        %dma_start3A_684 = tpu.memref_slice %arg4[%arg1, %mul3A_670, %dma_start3A_683] : memref<16x160x128xi32, #tpu.memory_space<hbm>> -> memref<1x2x128xi32, #tpu.memory_space<hbm>>
        %dma_start3A_685 = tpu.memref_squeeze %dma_start3A_684 : memref<1x2x128xi32, #tpu.memory_space<hbm>> -> memref<2x128xi32, #tpu.memory_space<hbm>>
        tpu.enqueue_dma source(%dma_start3A_685 : memref<2x128xi32, #tpu.memory_space<hbm>>) target(%dma_start3A_682 : memref<2x128xi32, #tpu.memory_space<vmem>>) target_semaphore(%arg14 : memref<!tpu.dma_semaphore, #tpu.memory_space<semaphore_mem>>)
      } else {
      }
      %mul3A_410 = arith.constant 2 : i32
      %mul3A_411 = arith.muli %add3A_397, %mul3A_410 : i32
      %dma_wait3A_412 = arith.constant 2 : i32
      %dma_wait3A_413 = arith.constant 0 : i32
      %dma_wait3A_414 = arith.constant 0 : i32
      %dma_wait3A_415 = tpu.memref_slice %arg7[%dma_wait3A_412, %dma_wait3A_413, %dma_wait3A_414] : memref<4x2x128xi32, #tpu.memory_space<vmem>> -> memref<1x2x128xi32, #tpu.memory_space<vmem>>
      %dma_wait3A_416 = tpu.memref_squeeze %dma_wait3A_415 : memref<1x2x128xi32, #tpu.memory_space<vmem>> -> memref<2x128xi32, #tpu.memory_space<vmem>>
      %dma_wait3A_417 = arith.constant 0 : i32
      %dma_wait3A_418 = tpu.memref_slice %arg3[%arg1, %mul3A_411, %dma_wait3A_417] : memref<16x160x128xi32, #tpu.memory_space<hbm>> -> memref<1x2x128xi32, #tpu.memory_space<hbm>>
      %dma_wait3A_419 = tpu.memref_squeeze %dma_wait3A_418 : memref<1x2x128xi32, #tpu.memory_space<hbm>> -> memref<2x128xi32, #tpu.memory_space<hbm>>
      %dma_wait3A_420 = arith.constant 0 : i32
      %dma_wait3A_421 = arith.constant 0 : i32
      %dma_wait3A_422 = tpu.memref_slice %arg7[%dma_wait3A_412, %dma_wait3A_420, %dma_wait3A_421] : memref<4x2x128xi32, #tpu.memory_space<vmem>> -> memref<1x2x128xi32, #tpu.memory_space<vmem>>
      %dma_wait3A_423 = tpu.memref_squeeze %dma_wait3A_422 : memref<1x2x128xi32, #tpu.memory_space<vmem>> -> memref<2x128xi32, #tpu.memory_space<vmem>>
      %dma_wait3A_424 = arith.constant 0 : i32
      %dma_wait3A_425 = tpu.memref_slice %arg3[%arg1, %mul3A_411, %dma_wait3A_424] : memref<16x160x128xi32, #tpu.memory_space<hbm>> -> memref<1x2x128xi32, #tpu.memory_space<hbm>>
      %dma_wait3A_426 = tpu.memref_squeeze %dma_wait3A_425 : memref<1x2x128xi32, #tpu.memory_space<hbm>> -> memref<2x128xi32, #tpu.memory_space<hbm>>
      tpu.wait_dma2 semaphore(%arg14 : memref<!tpu.dma_semaphore, #tpu.memory_space<semaphore_mem>>) src(%dma_wait3A_426 : memref<2x128xi32, #tpu.memory_space<hbm>>) dst(%dma_wait3A_423 : memref<2x128xi32, #tpu.memory_space<vmem>>)
      %mul3A_427 = arith.constant 2 : i32
      %mul3A_428 = arith.muli %add3A_397, %mul3A_427 : i32
      %dma_wait3A_429 = arith.constant 2 : i32
      %dma_wait3A_430 = arith.constant 0 : i32
      %dma_wait3A_431 = arith.constant 0 : i32
      %dma_wait3A_432 = tpu.memref_slice %arg8[%dma_wait3A_429, %dma_wait3A_430, %dma_wait3A_431] : memref<4x2x128xi32, #tpu.memory_space<vmem>> -> memref<1x2x128xi32, #tpu.memory_space<vmem>>
      %dma_wait3A_433 = tpu.memref_squeeze %dma_wait3A_432 : memref<1x2x128xi32, #tpu.memory_space<vmem>> -> memref<2x128xi32, #tpu.memory_space<vmem>>
      %dma_wait3A_434 = arith.constant 0 : i32
      %dma_wait3A_435 = tpu.memref_slice %arg4[%arg1, %mul3A_428, %dma_wait3A_434] : memref<16x160x128xi32, #tpu.memory_space<hbm>> -> memref<1x2x128xi32, #tpu.memory_space<hbm>>
      %dma_wait3A_436 = tpu.memref_squeeze %dma_wait3A_435 : memref<1x2x128xi32, #tpu.memory_space<hbm>> -> memref<2x128xi32, #tpu.memory_space<hbm>>
      %dma_wait3A_437 = arith.constant 0 : i32
      %dma_wait3A_438 = arith.constant 0 : i32
      %dma_wait3A_439 = tpu.memref_slice %arg8[%dma_wait3A_429, %dma_wait3A_437, %dma_wait3A_438] : memref<4x2x128xi32, #tpu.memory_space<vmem>> -> memref<1x2x128xi32, #tpu.memory_space<vmem>>
      %dma_wait3A_440 = tpu.memref_squeeze %dma_wait3A_439 : memref<1x2x128xi32, #tpu.memory_space<vmem>> -> memref<2x128xi32, #tpu.memory_space<vmem>>
      %dma_wait3A_441 = arith.constant 0 : i32
      %dma_wait3A_442 = tpu.memref_slice %arg4[%arg1, %mul3A_428, %dma_wait3A_441] : memref<16x160x128xi32, #tpu.memory_space<hbm>> -> memref<1x2x128xi32, #tpu.memory_space<hbm>>
      %dma_wait3A_443 = tpu.memref_squeeze %dma_wait3A_442 : memref<1x2x128xi32, #tpu.memory_space<hbm>> -> memref<2x128xi32, #tpu.memory_space<hbm>>
      tpu.wait_dma2 semaphore(%arg14 : memref<!tpu.dma_semaphore, #tpu.memory_space<semaphore_mem>>) src(%dma_wait3A_443 : memref<2x128xi32, #tpu.memory_space<hbm>>) dst(%dma_wait3A_440 : memref<2x128xi32, #tpu.memory_space<vmem>>)
      %dma_start3A_444 = arith.constant 2 : i32
      %dma_start3A_445 = arith.constant 0 : i32
      %dma_start3A_446 = arith.constant 0 : i32
      %dma_start3A_447 = arith.constant 0 : i32
      %dma_start3A_448 = arith.constant 0 : i32
      %dma_start3A_449 = tpu.memref_slice %arg9[%dma_start3A_446, %dma_start3A_447, %dma_start3A_448] : memref<4x128x64xf32, #tpu.memory_space<vmem>> -> memref<1x128x64xf32, #tpu.memory_space<vmem>>
      %dma_start3A_450 = tpu.memref_squeeze %dma_start3A_449 : memref<1x128x64xf32, #tpu.memory_space<vmem>> -> memref<128x64xf32, #tpu.memory_space<vmem>>
      %dma_start3A_451 = arith.constant 0 : i32
      %dma_start3A_452 = tpu.memref_slice %arg7[%dma_start3A_444, %dma_start3A_445, %dma_start3A_451] : memref<4x2x128xi32, #tpu.memory_space<vmem>> -> memref<1x1x128xi32, #tpu.memory_space<vmem>>
      %dma_start3A_453 = tpu.memref_squeeze %dma_start3A_452 : memref<1x1x128xi32, #tpu.memory_space<vmem>> -> memref<128xi32, #tpu.memory_space<vmem>>
      %dma_start3A_454 = arith.constant 0 : i32
      %dma_start3A_455 = arith.constant 0 : i32
      %dma_start3A_456 = tpu.memref_slice %arg10[%dma_start3A_454, %dma_start3A_455] : memref<10000x64xf32, #tpu.memory_space<vmem_shared>> -> memref<10000x64xf32, #tpu.memory_space<vmem_shared>>
      tpu.enqueue_indirect_dma source(%dma_start3A_456 : memref<10000x64xf32, #tpu.memory_space<vmem_shared>>) target(%dma_start3A_450 : memref<128x64xf32, #tpu.memory_space<vmem>>) offsets(%dma_start3A_453 : memref<128xi32, #tpu.memory_space<vmem>>) semaphore(%arg12 : memref<!tpu.dma_semaphore, #tpu.memory_space<semaphore_mem>>)
      %dma_start3A_457 = arith.constant 2 : i32
      %dma_start3A_458 = arith.constant 1 : i32
      %dma_start3A_459 = arith.constant 1 : i32
      %dma_start3A_460 = arith.constant 0 : i32
      %dma_start3A_461 = arith.constant 0 : i32
      %dma_start3A_462 = tpu.memref_slice %arg9[%dma_start3A_459, %dma_start3A_460, %dma_start3A_461] : memref<4x128x64xf32, #tpu.memory_space<vmem>> -> memref<1x128x64xf32, #tpu.memory_space<vmem>>
      %dma_start3A_463 = tpu.memref_squeeze %dma_start3A_462 : memref<1x128x64xf32, #tpu.memory_space<vmem>> -> memref<128x64xf32, #tpu.memory_space<vmem>>
      %dma_start3A_464 = arith.constant 0 : i32
      %dma_start3A_465 = tpu.memref_slice %arg7[%dma_start3A_457, %dma_start3A_458, %dma_start3A_464] : memref<4x2x128xi32, #tpu.memory_space<vmem>> -> memref<1x1x128xi32, #tpu.memory_space<vmem>>
      %dma_start3A_466 = tpu.memref_squeeze %dma_start3A_465 : memref<1x1x128xi32, #tpu.memory_space<vmem>> -> memref<128xi32, #tpu.memory_space<vmem>>
      %dma_start3A_467 = arith.constant 0 : i32
      %dma_start3A_468 = arith.constant 0 : i32
      %dma_start3A_469 = tpu.memref_slice %arg10[%dma_start3A_467, %dma_start3A_468] : memref<10000x64xf32, #tpu.memory_space<vmem_shared>> -> memref<10000x64xf32, #tpu.memory_space<vmem_shared>>
      tpu.enqueue_indirect_dma source(%dma_start3A_469 : memref<10000x64xf32, #tpu.memory_space<vmem_shared>>) target(%dma_start3A_463 : memref<128x64xf32, #tpu.memory_space<vmem>>) offsets(%dma_start3A_466 : memref<128xi32, #tpu.memory_space<vmem>>) semaphore(%arg12 : memref<!tpu.dma_semaphore, #tpu.memory_space<semaphore_mem>>)
      %dma_wait3A_470 = arith.constant 2 : i32
      %dma_wait3A_471 = arith.constant 0 : i32
      %dma_wait3A_472 = arith.constant 0 : i32
      %dma_wait3A_473 = arith.constant 0 : i32
      %dma_wait3A_474 = arith.constant 0 : i32
      %dma_wait3A_475 = tpu.memref_slice %arg9[%dma_wait3A_472, %dma_wait3A_473, %dma_wait3A_474] : memref<4x128x64xf32, #tpu.memory_space<vmem>> -> memref<1x128x64xf32, #tpu.memory_space<vmem>>
      %dma_wait3A_476 = tpu.memref_squeeze %dma_wait3A_475 : memref<1x128x64xf32, #tpu.memory_space<vmem>> -> memref<128x64xf32, #tpu.memory_space<vmem>>
      %dma_wait3A_477 = arith.constant 0 : i32
      %dma_wait3A_478 = tpu.memref_slice %arg7[%dma_wait3A_470, %dma_wait3A_471, %dma_wait3A_477] : memref<4x2x128xi32, #tpu.memory_space<vmem>> -> memref<1x1x128xi32, #tpu.memory_space<vmem>>
      %dma_wait3A_479 = tpu.memref_squeeze %dma_wait3A_478 : memref<1x1x128xi32, #tpu.memory_space<vmem>> -> memref<128xi32, #tpu.memory_space<vmem>>
      %dma_wait3A_480 = arith.constant 0 : i32
      %dma_wait3A_481 = arith.constant 0 : i32
      %dma_wait3A_482 = tpu.memref_slice %arg10[%dma_wait3A_480, %dma_wait3A_481] : memref<10000x64xf32, #tpu.memory_space<vmem_shared>> -> memref<10000x64xf32, #tpu.memory_space<vmem_shared>>
      tpu.wait_indirect_dma semaphore(%arg12 : memref<!tpu.dma_semaphore, #tpu.memory_space<semaphore_mem>>) src(%dma_wait3A_482 : memref<10000x64xf32, #tpu.memory_space<vmem_shared>>) dst(%dma_wait3A_476 : memref<128x64xf32, #tpu.memory_space<vmem>>)
      %dma_start3A_483 = arith.constant 0 : i32
      %dma_start3A_484 = arith.constant 2 : i32
      %dma_start3A_485 = arith.constant 0 : i32
      %dma_start3A_486 = arith.constant 0 : i32
      %dma_start3A_487 = arith.constant 0 : i32
      %dma_start3A_488 = tpu.memref_slice %arg9[%dma_start3A_483, %dma_start3A_486, %dma_start3A_487] : memref<4x128x64xf32, #tpu.memory_space<vmem>> -> memref<1x128x64xf32, #tpu.memory_space<vmem>>
      %dma_start3A_489 = tpu.memref_squeeze %dma_start3A_488 : memref<1x128x64xf32, #tpu.memory_space<vmem>> -> memref<128x64xf32, #tpu.memory_space<vmem>>
      %dma_start3A_490 = arith.constant 0 : i32
      %dma_start3A_491 = tpu.memref_slice %arg8[%dma_start3A_484, %dma_start3A_485, %dma_start3A_490] : memref<4x2x128xi32, #tpu.memory_space<vmem>> -> memref<1x1x128xi32, #tpu.memory_space<vmem>>
      %dma_start3A_492 = tpu.memref_squeeze %dma_start3A_491 : memref<1x1x128xi32, #tpu.memory_space<vmem>> -> memref<128xi32, #tpu.memory_space<vmem>>
      %dma_start3A_493 = arith.constant 0 : i32
      %dma_start3A_494 = arith.constant 0 : i32
      %dma_start3A_495 = tpu.memref_slice %arg11[%dma_start3A_493, %dma_start3A_494] : memref<10112x64xf32, #tpu.memory_space<vmem_shared>> -> memref<10112x64xf32, #tpu.memory_space<vmem_shared>>
      tpu.enqueue_indirect_dma source(%dma_start3A_489 : memref<128x64xf32, #tpu.memory_space<vmem>>) target(%dma_start3A_495 : memref<10112x64xf32, #tpu.memory_space<vmem_shared>>) offsets(%dma_start3A_492 : memref<128xi32, #tpu.memory_space<vmem>>) semaphore(%arg13 : memref<!tpu.dma_semaphore, #tpu.memory_space<semaphore_mem>>) {add = true}
      %dma_wait3A_496 = arith.constant 2 : i32
      %dma_wait3A_497 = arith.constant 1 : i32
      %dma_wait3A_498 = arith.constant 1 : i32
      %dma_wait3A_499 = arith.constant 0 : i32
      %dma_wait3A_500 = arith.constant 0 : i32
      %dma_wait3A_501 = tpu.memref_slice %arg9[%dma_wait3A_498, %dma_wait3A_499, %dma_wait3A_500] : memref<4x128x64xf32, #tpu.memory_space<vmem>> -> memref<1x128x64xf32, #tpu.memory_space<vmem>>
      %dma_wait3A_502 = tpu.memref_squeeze %dma_wait3A_501 : memref<1x128x64xf32, #tpu.memory_space<vmem>> -> memref<128x64xf32, #tpu.memory_space<vmem>>
      %dma_wait3A_503 = arith.constant 0 : i32
      %dma_wait3A_504 = tpu.memref_slice %arg7[%dma_wait3A_496, %dma_wait3A_497, %dma_wait3A_503] : memref<4x2x128xi32, #tpu.memory_space<vmem>> -> memref<1x1x128xi32, #tpu.memory_space<vmem>>
      %dma_wait3A_505 = tpu.memref_squeeze %dma_wait3A_504 : memref<1x1x128xi32, #tpu.memory_space<vmem>> -> memref<128xi32, #tpu.memory_space<vmem>>
      %dma_wait3A_506 = arith.constant 0 : i32
      %dma_wait3A_507 = arith.constant 0 : i32
      %dma_wait3A_508 = tpu.memref_slice %arg10[%dma_wait3A_506, %dma_wait3A_507] : memref<10000x64xf32, #tpu.memory_space<vmem_shared>> -> memref<10000x64xf32, #tpu.memory_space<vmem_shared>>
      tpu.wait_indirect_dma semaphore(%arg12 : memref<!tpu.dma_semaphore, #tpu.memory_space<semaphore_mem>>) src(%dma_wait3A_508 : memref<10000x64xf32, #tpu.memory_space<vmem_shared>>) dst(%dma_wait3A_502 : memref<128x64xf32, #tpu.memory_space<vmem>>)
      %dma_start3A_509 = arith.constant 1 : i32
      %dma_start3A_510 = arith.constant 2 : i32
      %dma_start3A_511 = arith.constant 1 : i32
      %dma_start3A_512 = arith.constant 0 : i32
      %dma_start3A_513 = arith.constant 0 : i32
      %dma_start3A_514 = tpu.memref_slice %arg9[%dma_start3A_509, %dma_start3A_512, %dma_start3A_513] : memref<4x128x64xf32, #tpu.memory_space<vmem>> -> memref<1x128x64xf32, #tpu.memory_space<vmem>>
      %dma_start3A_515 = tpu.memref_squeeze %dma_start3A_514 : memref<1x128x64xf32, #tpu.memory_space<vmem>> -> memref<128x64xf32, #tpu.memory_space<vmem>>
      %dma_start3A_516 = arith.constant 0 : i32
      %dma_start3A_517 = tpu.memref_slice %arg8[%dma_start3A_510, %dma_start3A_511, %dma_start3A_516] : memref<4x2x128xi32, #tpu.memory_space<vmem>> -> memref<1x1x128xi32, #tpu.memory_space<vmem>>
      %dma_start3A_518 = tpu.memref_squeeze %dma_start3A_517 : memref<1x1x128xi32, #tpu.memory_space<vmem>> -> memref<128xi32, #tpu.memory_space<vmem>>
      %dma_start3A_519 = arith.constant 0 : i32
      %dma_start3A_520 = arith.constant 0 : i32
      %dma_start3A_521 = tpu.memref_slice %arg11[%dma_start3A_519, %dma_start3A_520] : memref<10112x64xf32, #tpu.memory_space<vmem_shared>> -> memref<10112x64xf32, #tpu.memory_space<vmem_shared>>
      tpu.enqueue_indirect_dma source(%dma_start3A_515 : memref<128x64xf32, #tpu.memory_space<vmem>>) target(%dma_start3A_521 : memref<10112x64xf32, #tpu.memory_space<vmem_shared>>) offsets(%dma_start3A_518 : memref<128xi32, #tpu.memory_space<vmem>>) semaphore(%arg13 : memref<!tpu.dma_semaphore, #tpu.memory_space<semaphore_mem>>) {add = true}
      %add3A_522 = arith.constant 3 : i32
      %add3A_523 = arith.addi %add3A_147, %add3A_522 : i32
      %ge3A_524 = arith.constant 2 : i32
      %ge3A_525 = arith.cmpi sge, %add3A_523, %ge3A_524 : i32
      %convert_element_type3A_526 = arith.extui %ge3A_525 : i1 to i32
      %cond3A_527 = arith.constant 0 : i32
      %cond3A_528 = arith.cmpi ne, %convert_element_type3A_526, %cond3A_527 : i32
      scf.if %cond3A_528 {
        %dma_wait3A_648 = arith.constant 2 : i32
        %dma_wait3A_649 = arith.constant 3 : i32
        %dma_wait3A_650 = arith.constant 0 : i32
        %dma_wait3A_651 = arith.constant 0 : i32
        %dma_wait3A_652 = arith.constant 0 : i32
        %dma_wait3A_653 = tpu.memref_slice %arg9[%dma_wait3A_648, %dma_wait3A_651, %dma_wait3A_652] : memref<4x128x64xf32, #tpu.memory_space<vmem>> -> memref<1x128x64xf32, #tpu.memory_space<vmem>>
        %dma_wait3A_654 = tpu.memref_squeeze %dma_wait3A_653 : memref<1x128x64xf32, #tpu.memory_space<vmem>> -> memref<128x64xf32, #tpu.memory_space<vmem>>
        %dma_wait3A_655 = arith.constant 0 : i32
        %dma_wait3A_656 = tpu.memref_slice %arg8[%dma_wait3A_649, %dma_wait3A_650, %dma_wait3A_655] : memref<4x2x128xi32, #tpu.memory_space<vmem>> -> memref<1x1x128xi32, #tpu.memory_space<vmem>>
        %dma_wait3A_657 = tpu.memref_squeeze %dma_wait3A_656 : memref<1x1x128xi32, #tpu.memory_space<vmem>> -> memref<128xi32, #tpu.memory_space<vmem>>
        %dma_wait3A_658 = arith.constant 0 : i32
        %dma_wait3A_659 = arith.constant 0 : i32
        %dma_wait3A_660 = tpu.memref_slice %arg11[%dma_wait3A_658, %dma_wait3A_659] : memref<10112x64xf32, #tpu.memory_space<vmem_shared>> -> memref<10112x64xf32, #tpu.memory_space<vmem_shared>>
        tpu.wait_indirect_dma semaphore(%arg13 : memref<!tpu.dma_semaphore, #tpu.memory_space<semaphore_mem>>) src(%dma_wait3A_654 : memref<128x64xf32, #tpu.memory_space<vmem>>) dst(%dma_wait3A_660 : memref<10112x64xf32, #tpu.memory_space<vmem_shared>>)
        %dma_wait3A_661 = arith.constant 3 : i32
        %dma_wait3A_662 = arith.constant 3 : i32
        %dma_wait3A_663 = arith.constant 1 : i32
        %dma_wait3A_664 = arith.constant 0 : i32
        %dma_wait3A_665 = arith.constant 0 : i32
        %dma_wait3A_666 = tpu.memref_slice %arg9[%dma_wait3A_661, %dma_wait3A_664, %dma_wait3A_665] : memref<4x128x64xf32, #tpu.memory_space<vmem>> -> memref<1x128x64xf32, #tpu.memory_space<vmem>>
        %dma_wait3A_667 = tpu.memref_squeeze %dma_wait3A_666 : memref<1x128x64xf32, #tpu.memory_space<vmem>> -> memref<128x64xf32, #tpu.memory_space<vmem>>
        %dma_wait3A_668 = arith.constant 0 : i32
        %dma_wait3A_669 = tpu.memref_slice %arg8[%dma_wait3A_662, %dma_wait3A_663, %dma_wait3A_668] : memref<4x2x128xi32, #tpu.memory_space<vmem>> -> memref<1x1x128xi32, #tpu.memory_space<vmem>>
        %dma_wait3A_670 = tpu.memref_squeeze %dma_wait3A_669 : memref<1x1x128xi32, #tpu.memory_space<vmem>> -> memref<128xi32, #tpu.memory_space<vmem>>
        %dma_wait3A_671 = arith.constant 0 : i32
        %dma_wait3A_672 = arith.constant 0 : i32
        %dma_wait3A_673 = tpu.memref_slice %arg11[%dma_wait3A_671, %dma_wait3A_672] : memref<10112x64xf32, #tpu.memory_space<vmem_shared>> -> memref<10112x64xf32, #tpu.memory_space<vmem_shared>>
        tpu.wait_indirect_dma semaphore(%arg13 : memref<!tpu.dma_semaphore, #tpu.memory_space<semaphore_mem>>) src(%dma_wait3A_667 : memref<128x64xf32, #tpu.memory_space<vmem>>) dst(%dma_wait3A_673 : memref<10112x64xf32, #tpu.memory_space<vmem_shared>>)
      } else {
      }
      %add3A_529 = arith.constant 2 : i32
      %add3A_530 = arith.addi %add3A_523, %add3A_529 : i32
      %lt3A_531 = arith.constant 80 : i32
      %lt3A_532 = arith.cmpi slt, %add3A_530, %lt3A_531 : i32
      %convert_element_type3A_533 = arith.extui %lt3A_532 : i1 to i32
      %cond3A_534 = arith.constant 0 : i32
      %cond3A_535 = arith.cmpi ne, %convert_element_type3A_533, %cond3A_534 : i32
      scf.if %cond3A_535 {
        %add3A_648 = arith.constant 2 : i32
        %add3A_649 = arith.addi %add3A_523, %add3A_648 : i32
        %mul3A_650 = arith.constant 2 : i32
        %mul3A_651 = arith.muli %add3A_649, %mul3A_650 : i32
        %dma_start3A_652 = arith.constant 1 : i32
        %dma_start3A_653 = arith.constant 0 : i32
        %dma_start3A_654 = arith.constant 0 : i32
        %dma_start3A_655 = tpu.memref_slice %arg7[%dma_start3A_652, %dma_start3A_653, %dma_start3A_654] : memref<4x2x128xi32, #tpu.memory_space<vmem>> -> memref<1x2x128xi32, #tpu.memory_space<vmem>>
        %dma_start3A_656 = tpu.memref_squeeze %dma_start3A_655 : memref<1x2x128xi32, #tpu.memory_space<vmem>> -> memref<2x128xi32, #tpu.memory_space<vmem>>
        %dma_start3A_657 = arith.constant 0 : i32
        %dma_start3A_658 = tpu.memref_slice %arg3[%arg1, %mul3A_651, %dma_start3A_657] : memref<16x160x128xi32, #tpu.memory_space<hbm>> -> memref<1x2x128xi32, #tpu.memory_space<hbm>>
        %dma_start3A_659 = tpu.memref_squeeze %dma_start3A_658 : memref<1x2x128xi32, #tpu.memory_space<hbm>> -> memref<2x128xi32, #tpu.memory_space<hbm>>
        %dma_start3A_660 = arith.constant 0 : i32
        %dma_start3A_661 = arith.constant 0 : i32
        %dma_start3A_662 = tpu.memref_slice %arg7[%dma_start3A_652, %dma_start3A_660, %dma_start3A_661] : memref<4x2x128xi32, #tpu.memory_space<vmem>> -> memref<1x2x128xi32, #tpu.memory_space<vmem>>
        %dma_start3A_663 = tpu.memref_squeeze %dma_start3A_662 : memref<1x2x128xi32, #tpu.memory_space<vmem>> -> memref<2x128xi32, #tpu.memory_space<vmem>>
        %dma_start3A_664 = arith.constant 0 : i32
        %dma_start3A_665 = tpu.memref_slice %arg3[%arg1, %mul3A_651, %dma_start3A_664] : memref<16x160x128xi32, #tpu.memory_space<hbm>> -> memref<1x2x128xi32, #tpu.memory_space<hbm>>
        %dma_start3A_666 = tpu.memref_squeeze %dma_start3A_665 : memref<1x2x128xi32, #tpu.memory_space<hbm>> -> memref<2x128xi32, #tpu.memory_space<hbm>>
        tpu.enqueue_dma source(%dma_start3A_666 : memref<2x128xi32, #tpu.memory_space<hbm>>) target(%dma_start3A_663 : memref<2x128xi32, #tpu.memory_space<vmem>>) target_semaphore(%arg14 : memref<!tpu.dma_semaphore, #tpu.memory_space<semaphore_mem>>)
        %add3A_667 = arith.constant 2 : i32
        %add3A_668 = arith.addi %add3A_523, %add3A_667 : i32
        %mul3A_669 = arith.constant 2 : i32
        %mul3A_670 = arith.muli %add3A_668, %mul3A_669 : i32
        %dma_start3A_671 = arith.constant 1 : i32
        %dma_start3A_672 = arith.constant 0 : i32
        %dma_start3A_673 = arith.constant 0 : i32
        %dma_start3A_674 = tpu.memref_slice %arg8[%dma_start3A_671, %dma_start3A_672, %dma_start3A_673] : memref<4x2x128xi32, #tpu.memory_space<vmem>> -> memref<1x2x128xi32, #tpu.memory_space<vmem>>
        %dma_start3A_675 = tpu.memref_squeeze %dma_start3A_674 : memref<1x2x128xi32, #tpu.memory_space<vmem>> -> memref<2x128xi32, #tpu.memory_space<vmem>>
        %dma_start3A_676 = arith.constant 0 : i32
        %dma_start3A_677 = tpu.memref_slice %arg4[%arg1, %mul3A_670, %dma_start3A_676] : memref<16x160x128xi32, #tpu.memory_space<hbm>> -> memref<1x2x128xi32, #tpu.memory_space<hbm>>
        %dma_start3A_678 = tpu.memref_squeeze %dma_start3A_677 : memref<1x2x128xi32, #tpu.memory_space<hbm>> -> memref<2x128xi32, #tpu.memory_space<hbm>>
        %dma_start3A_679 = arith.constant 0 : i32
        %dma_start3A_680 = arith.constant 0 : i32
        %dma_start3A_681 = tpu.memref_slice %arg8[%dma_start3A_671, %dma_start3A_679, %dma_start3A_680] : memref<4x2x128xi32, #tpu.memory_space<vmem>> -> memref<1x2x128xi32, #tpu.memory_space<vmem>>
        %dma_start3A_682 = tpu.memref_squeeze %dma_start3A_681 : memref<1x2x128xi32, #tpu.memory_space<vmem>> -> memref<2x128xi32, #tpu.memory_space<vmem>>
        %dma_start3A_683 = arith.constant 0 : i32
        %dma_start3A_684 = tpu.memref_slice %arg4[%arg1, %mul3A_670, %dma_start3A_683] : memref<16x160x128xi32, #tpu.memory_space<hbm>> -> memref<1x2x128xi32, #tpu.memory_space<hbm>>
        %dma_start3A_685 = tpu.memref_squeeze %dma_start3A_684 : memref<1x2x128xi32, #tpu.memory_space<hbm>> -> memref<2x128xi32, #tpu.memory_space<hbm>>
        tpu.enqueue_dma source(%dma_start3A_685 : memref<2x128xi32, #tpu.memory_space<hbm>>) target(%dma_start3A_682 : memref<2x128xi32, #tpu.memory_space<vmem>>) target_semaphore(%arg14 : memref<!tpu.dma_semaphore, #tpu.memory_space<semaphore_mem>>)
      } else {
      }
      %mul3A_536 = arith.constant 2 : i32
      %mul3A_537 = arith.muli %add3A_523, %mul3A_536 : i32
      %dma_wait3A_538 = arith.constant 3 : i32
      %dma_wait3A_539 = arith.constant 0 : i32
      %dma_wait3A_540 = arith.constant 0 : i32
      %dma_wait3A_541 = tpu.memref_slice %arg7[%dma_wait3A_538, %dma_wait3A_539, %dma_wait3A_540] : memref<4x2x128xi32, #tpu.memory_space<vmem>> -> memref<1x2x128xi32, #tpu.memory_space<vmem>>
      %dma_wait3A_542 = tpu.memref_squeeze %dma_wait3A_541 : memref<1x2x128xi32, #tpu.memory_space<vmem>> -> memref<2x128xi32, #tpu.memory_space<vmem>>
      %dma_wait3A_543 = arith.constant 0 : i32
      %dma_wait3A_544 = tpu.memref_slice %arg3[%arg1, %mul3A_537, %dma_wait3A_543] : memref<16x160x128xi32, #tpu.memory_space<hbm>> -> memref<1x2x128xi32, #tpu.memory_space<hbm>>
      %dma_wait3A_545 = tpu.memref_squeeze %dma_wait3A_544 : memref<1x2x128xi32, #tpu.memory_space<hbm>> -> memref<2x128xi32, #tpu.memory_space<hbm>>
      %dma_wait3A_546 = arith.constant 0 : i32
      %dma_wait3A_547 = arith.constant 0 : i32
      %dma_wait3A_548 = tpu.memref_slice %arg7[%dma_wait3A_538, %dma_wait3A_546, %dma_wait3A_547] : memref<4x2x128xi32, #tpu.memory_space<vmem>> -> memref<1x2x128xi32, #tpu.memory_space<vmem>>
      %dma_wait3A_549 = tpu.memref_squeeze %dma_wait3A_548 : memref<1x2x128xi32, #tpu.memory_space<vmem>> -> memref<2x128xi32, #tpu.memory_space<vmem>>
      %dma_wait3A_550 = arith.constant 0 : i32
      %dma_wait3A_551 = tpu.memref_slice %arg3[%arg1, %mul3A_537, %dma_wait3A_550] : memref<16x160x128xi32, #tpu.memory_space<hbm>> -> memref<1x2x128xi32, #tpu.memory_space<hbm>>
      %dma_wait3A_552 = tpu.memref_squeeze %dma_wait3A_551 : memref<1x2x128xi32, #tpu.memory_space<hbm>> -> memref<2x128xi32, #tpu.memory_space<hbm>>
      tpu.wait_dma2 semaphore(%arg14 : memref<!tpu.dma_semaphore, #tpu.memory_space<semaphore_mem>>) src(%dma_wait3A_552 : memref<2x128xi32, #tpu.memory_space<hbm>>) dst(%dma_wait3A_549 : memref<2x128xi32, #tpu.memory_space<vmem>>)
      %mul3A_553 = arith.constant 2 : i32
      %mul3A_554 = arith.muli %add3A_523, %mul3A_553 : i32
      %dma_wait3A_555 = arith.constant 3 : i32
      %dma_wait3A_556 = arith.constant 0 : i32
      %dma_wait3A_557 = arith.constant 0 : i32
      %dma_wait3A_558 = tpu.memref_slice %arg8[%dma_wait3A_555, %dma_wait3A_556, %dma_wait3A_557] : memref<4x2x128xi32, #tpu.memory_space<vmem>> -> memref<1x2x128xi32, #tpu.memory_space<vmem>>
      %dma_wait3A_559 = tpu.memref_squeeze %dma_wait3A_558 : memref<1x2x128xi32, #tpu.memory_space<vmem>> -> memref<2x128xi32, #tpu.memory_space<vmem>>
      %dma_wait3A_560 = arith.constant 0 : i32
      %dma_wait3A_561 = tpu.memref_slice %arg4[%arg1, %mul3A_554, %dma_wait3A_560] : memref<16x160x128xi32, #tpu.memory_space<hbm>> -> memref<1x2x128xi32, #tpu.memory_space<hbm>>
      %dma_wait3A_562 = tpu.memref_squeeze %dma_wait3A_561 : memref<1x2x128xi32, #tpu.memory_space<hbm>> -> memref<2x128xi32, #tpu.memory_space<hbm>>
      %dma_wait3A_563 = arith.constant 0 : i32
      %dma_wait3A_564 = arith.constant 0 : i32
      %dma_wait3A_565 = tpu.memref_slice %arg8[%dma_wait3A_555, %dma_wait3A_563, %dma_wait3A_564] : memref<4x2x128xi32, #tpu.memory_space<vmem>> -> memref<1x2x128xi32, #tpu.memory_space<vmem>>
      %dma_wait3A_566 = tpu.memref_squeeze %dma_wait3A_565 : memref<1x2x128xi32, #tpu.memory_space<vmem>> -> memref<2x128xi32, #tpu.memory_space<vmem>>
      %dma_wait3A_567 = arith.constant 0 : i32
      %dma_wait3A_568 = tpu.memref_slice %arg4[%arg1, %mul3A_554, %dma_wait3A_567] : memref<16x160x128xi32, #tpu.memory_space<hbm>> -> memref<1x2x128xi32, #tpu.memory_space<hbm>>
      %dma_wait3A_569 = tpu.memref_squeeze %dma_wait3A_568 : memref<1x2x128xi32, #tpu.memory_space<hbm>> -> memref<2x128xi32, #tpu.memory_space<hbm>>
      tpu.wait_dma2 semaphore(%arg14 : memref<!tpu.dma_semaphore, #tpu.memory_space<semaphore_mem>>) src(%dma_wait3A_569 : memref<2x128xi32, #tpu.memory_space<hbm>>) dst(%dma_wait3A_566 : memref<2x128xi32, #tpu.memory_space<vmem>>)
      %dma_start3A_570 = arith.constant 3 : i32
      %dma_start3A_571 = arith.constant 0 : i32
      %dma_start3A_572 = arith.constant 2 : i32
      %dma_start3A_573 = arith.constant 0 : i32
      %dma_start3A_574 = arith.constant 0 : i32
      %dma_start3A_575 = tpu.memref_slice %arg9[%dma_start3A_572, %dma_start3A_573, %dma_start3A_574] : memref<4x128x64xf32, #tpu.memory_space<vmem>> -> memref<1x128x64xf32, #tpu.memory_space<vmem>>
      %dma_start3A_576 = tpu.memref_squeeze %dma_start3A_575 : memref<1x128x64xf32, #tpu.memory_space<vmem>> -> memref<128x64xf32, #tpu.memory_space<vmem>>
      %dma_start3A_577 = arith.constant 0 : i32
      %dma_start3A_578 = tpu.memref_slice %arg7[%dma_start3A_570, %dma_start3A_571, %dma_start3A_577] : memref<4x2x128xi32, #tpu.memory_space<vmem>> -> memref<1x1x128xi32, #tpu.memory_space<vmem>>
      %dma_start3A_579 = tpu.memref_squeeze %dma_start3A_578 : memref<1x1x128xi32, #tpu.memory_space<vmem>> -> memref<128xi32, #tpu.memory_space<vmem>>
      %dma_start3A_580 = arith.constant 0 : i32
      %dma_start3A_581 = arith.constant 0 : i32
      %dma_start3A_582 = tpu.memref_slice %arg10[%dma_start3A_580, %dma_start3A_581] : memref<10000x64xf32, #tpu.memory_space<vmem_shared>> -> memref<10000x64xf32, #tpu.memory_space<vmem_shared>>
      tpu.enqueue_indirect_dma source(%dma_start3A_582 : memref<10000x64xf32, #tpu.memory_space<vmem_shared>>) target(%dma_start3A_576 : memref<128x64xf32, #tpu.memory_space<vmem>>) offsets(%dma_start3A_579 : memref<128xi32, #tpu.memory_space<vmem>>) semaphore(%arg12 : memref<!tpu.dma_semaphore, #tpu.memory_space<semaphore_mem>>)
      %dma_start3A_583 = arith.constant 3 : i32
      %dma_start3A_584 = arith.constant 1 : i32
      %dma_start3A_585 = arith.constant 3 : i32
      %dma_start3A_586 = arith.constant 0 : i32
      %dma_start3A_587 = arith.constant 0 : i32
      %dma_start3A_588 = tpu.memref_slice %arg9[%dma_start3A_585, %dma_start3A_586, %dma_start3A_587] : memref<4x128x64xf32, #tpu.memory_space<vmem>> -> memref<1x128x64xf32, #tpu.memory_space<vmem>>
      %dma_start3A_589 = tpu.memref_squeeze %dma_start3A_588 : memref<1x128x64xf32, #tpu.memory_space<vmem>> -> memref<128x64xf32, #tpu.memory_space<vmem>>
      %dma_start3A_590 = arith.constant 0 : i32
      %dma_start3A_591 = tpu.memref_slice %arg7[%dma_start3A_583, %dma_start3A_584, %dma_start3A_590] : memref<4x2x128xi32, #tpu.memory_space<vmem>> -> memref<1x1x128xi32, #tpu.memory_space<vmem>>
      %dma_start3A_592 = tpu.memref_squeeze %dma_start3A_591 : memref<1x1x128xi32, #tpu.memory_space<vmem>> -> memref<128xi32, #tpu.memory_space<vmem>>
      %dma_start3A_593 = arith.constant 0 : i32
      %dma_start3A_594 = arith.constant 0 : i32
      %dma_start3A_595 = tpu.memref_slice %arg10[%dma_start3A_593, %dma_start3A_594] : memref<10000x64xf32, #tpu.memory_space<vmem_shared>> -> memref<10000x64xf32, #tpu.memory_space<vmem_shared>>
      tpu.enqueue_indirect_dma source(%dma_start3A_595 : memref<10000x64xf32, #tpu.memory_space<vmem_shared>>) target(%dma_start3A_589 : memref<128x64xf32, #tpu.memory_space<vmem>>) offsets(%dma_start3A_592 : memref<128xi32, #tpu.memory_space<vmem>>) semaphore(%arg12 : memref<!tpu.dma_semaphore, #tpu.memory_space<semaphore_mem>>)
      %dma_wait3A_596 = arith.constant 3 : i32
      %dma_wait3A_597 = arith.constant 0 : i32
      %dma_wait3A_598 = arith.constant 2 : i32
      %dma_wait3A_599 = arith.constant 0 : i32
      %dma_wait3A_600 = arith.constant 0 : i32
      %dma_wait3A_601 = tpu.memref_slice %arg9[%dma_wait3A_598, %dma_wait3A_599, %dma_wait3A_600] : memref<4x128x64xf32, #tpu.memory_space<vmem>> -> memref<1x128x64xf32, #tpu.memory_space<vmem>>
      %dma_wait3A_602 = tpu.memref_squeeze %dma_wait3A_601 : memref<1x128x64xf32, #tpu.memory_space<vmem>> -> memref<128x64xf32, #tpu.memory_space<vmem>>
      %dma_wait3A_603 = arith.constant 0 : i32
      %dma_wait3A_604 = tpu.memref_slice %arg7[%dma_wait3A_596, %dma_wait3A_597, %dma_wait3A_603] : memref<4x2x128xi32, #tpu.memory_space<vmem>> -> memref<1x1x128xi32, #tpu.memory_space<vmem>>
      %dma_wait3A_605 = tpu.memref_squeeze %dma_wait3A_604 : memref<1x1x128xi32, #tpu.memory_space<vmem>> -> memref<128xi32, #tpu.memory_space<vmem>>
      %dma_wait3A_606 = arith.constant 0 : i32
      %dma_wait3A_607 = arith.constant 0 : i32
      %dma_wait3A_608 = tpu.memref_slice %arg10[%dma_wait3A_606, %dma_wait3A_607] : memref<10000x64xf32, #tpu.memory_space<vmem_shared>> -> memref<10000x64xf32, #tpu.memory_space<vmem_shared>>
      tpu.wait_indirect_dma semaphore(%arg12 : memref<!tpu.dma_semaphore, #tpu.memory_space<semaphore_mem>>) src(%dma_wait3A_608 : memref<10000x64xf32, #tpu.memory_space<vmem_shared>>) dst(%dma_wait3A_602 : memref<128x64xf32, #tpu.memory_space<vmem>>)
      %dma_start3A_609 = arith.constant 2 : i32
      %dma_start3A_610 = arith.constant 3 : i32
      %dma_start3A_611 = arith.constant 0 : i32
      %dma_start3A_612 = arith.constant 0 : i32
      %dma_start3A_613 = arith.constant 0 : i32
      %dma_start3A_614 = tpu.memref_slice %arg9[%dma_start3A_609, %dma_start3A_612, %dma_start3A_613] : memref<4x128x64xf32, #tpu.memory_space<vmem>> -> memref<1x128x64xf32, #tpu.memory_space<vmem>>
      %dma_start3A_615 = tpu.memref_squeeze %dma_start3A_614 : memref<1x128x64xf32, #tpu.memory_space<vmem>> -> memref<128x64xf32, #tpu.memory_space<vmem>>
      %dma_start3A_616 = arith.constant 0 : i32
      %dma_start3A_617 = tpu.memref_slice %arg8[%dma_start3A_610, %dma_start3A_611, %dma_start3A_616] : memref<4x2x128xi32, #tpu.memory_space<vmem>> -> memref<1x1x128xi32, #tpu.memory_space<vmem>>
      %dma_start3A_618 = tpu.memref_squeeze %dma_start3A_617 : memref<1x1x128xi32, #tpu.memory_space<vmem>> -> memref<128xi32, #tpu.memory_space<vmem>>
      %dma_start3A_619 = arith.constant 0 : i32
      %dma_start3A_620 = arith.constant 0 : i32
      %dma_start3A_621 = tpu.memref_slice %arg11[%dma_start3A_619, %dma_start3A_620] : memref<10112x64xf32, #tpu.memory_space<vmem_shared>> -> memref<10112x64xf32, #tpu.memory_space<vmem_shared>>
      tpu.enqueue_indirect_dma source(%dma_start3A_615 : memref<128x64xf32, #tpu.memory_space<vmem>>) target(%dma_start3A_621 : memref<10112x64xf32, #tpu.memory_space<vmem_shared>>) offsets(%dma_start3A_618 : memref<128xi32, #tpu.memory_space<vmem>>) semaphore(%arg13 : memref<!tpu.dma_semaphore, #tpu.memory_space<semaphore_mem>>) {add = true}
      %dma_wait3A_622 = arith.constant 3 : i32
      %dma_wait3A_623 = arith.constant 1 : i32
      %dma_wait3A_624 = arith.constant 3 : i32
      %dma_wait3A_625 = arith.constant 0 : i32
      %dma_wait3A_626 = arith.constant 0 : i32
      %dma_wait3A_627 = tpu.memref_slice %arg9[%dma_wait3A_624, %dma_wait3A_625, %dma_wait3A_626] : memref<4x128x64xf32, #tpu.memory_space<vmem>> -> memref<1x128x64xf32, #tpu.memory_space<vmem>>
      %dma_wait3A_628 = tpu.memref_squeeze %dma_wait3A_627 : memref<1x128x64xf32, #tpu.memory_space<vmem>> -> memref<128x64xf32, #tpu.memory_space<vmem>>
      %dma_wait3A_629 = arith.constant 0 : i32
      %dma_wait3A_630 = tpu.memref_slice %arg7[%dma_wait3A_622, %dma_wait3A_623, %dma_wait3A_629] : memref<4x2x128xi32, #tpu.memory_space<vmem>> -> memref<1x1x128xi32, #tpu.memory_space<vmem>>
      %dma_wait3A_631 = tpu.memref_squeeze %dma_wait3A_630 : memref<1x1x128xi32, #tpu.memory_space<vmem>> -> memref<128xi32, #tpu.memory_space<vmem>>
      %dma_wait3A_632 = arith.constant 0 : i32
      %dma_wait3A_633 = arith.constant 0 : i32
      %dma_wait3A_634 = tpu.memref_slice %arg10[%dma_wait3A_632, %dma_wait3A_633] : memref<10000x64xf32, #tpu.memory_space<vmem_shared>> -> memref<10000x64xf32, #tpu.memory_space<vmem_shared>>
      tpu.wait_indirect_dma semaphore(%arg12 : memref<!tpu.dma_semaphore, #tpu.memory_space<semaphore_mem>>) src(%dma_wait3A_634 : memref<10000x64xf32, #tpu.memory_space<vmem_shared>>) dst(%dma_wait3A_628 : memref<128x64xf32, #tpu.memory_space<vmem>>)
      %dma_start3A_635 = arith.constant 3 : i32
      %dma_start3A_636 = arith.constant 3 : i32
      %dma_start3A_637 = arith.constant 1 : i32
      %dma_start3A_638 = arith.constant 0 : i32
      %dma_start3A_639 = arith.constant 0 : i32
      %dma_start3A_640 = tpu.memref_slice %arg9[%dma_start3A_635, %dma_start3A_638, %dma_start3A_639] : memref<4x128x64xf32, #tpu.memory_space<vmem>> -> memref<1x128x64xf32, #tpu.memory_space<vmem>>
      %dma_start3A_641 = tpu.memref_squeeze %dma_start3A_640 : memref<1x128x64xf32, #tpu.memory_space<vmem>> -> memref<128x64xf32, #tpu.memory_space<vmem>>
      %dma_start3A_642 = arith.constant 0 : i32
      %dma_start3A_643 = tpu.memref_slice %arg8[%dma_start3A_636, %dma_start3A_637, %dma_start3A_642] : memref<4x2x128xi32, #tpu.memory_space<vmem>> -> memref<1x1x128xi32, #tpu.memory_space<vmem>>
      %dma_start3A_644 = tpu.memref_squeeze %dma_start3A_643 : memref<1x1x128xi32, #tpu.memory_space<vmem>> -> memref<128xi32, #tpu.memory_space<vmem>>
      %dma_start3A_645 = arith.constant 0 : i32
      %dma_start3A_646 = arith.constant 0 : i32
      %dma_start3A_647 = tpu.memref_slice %arg11[%dma_start3A_645, %dma_start3A_646] : memref<10112x64xf32, #tpu.memory_space<vmem_shared>> -> memref<10112x64xf32, #tpu.memory_space<vmem_shared>>
      tpu.enqueue_indirect_dma source(%dma_start3A_641 : memref<128x64xf32, #tpu.memory_space<vmem>>) target(%dma_start3A_647 : memref<10112x64xf32, #tpu.memory_space<vmem_shared>>) offsets(%dma_start3A_644 : memref<128xi32, #tpu.memory_space<vmem>>) semaphore(%arg13 : memref<!tpu.dma_semaphore, #tpu.memory_space<semaphore_mem>>) {add = true}
    }
    %scan3A_90 = arith.constant 20 : i32
    %dma_wait3A_91 = arith.constant 0 : i32
    %dma_wait3A_92 = arith.constant 0 : i32
    %dma_wait3A_93 = arith.constant 0 : i32
    %dma_wait3A_94 = arith.constant 0 : i32
    %dma_wait3A_95 = arith.constant 0 : i32
    %dma_wait3A_96 = tpu.memref_slice %arg9[%dma_wait3A_91, %dma_wait3A_94, %dma_wait3A_95] : memref<4x128x64xf32, #tpu.memory_space<vmem>> -> memref<1x128x64xf32, #tpu.memory_space<vmem>>
    %dma_wait3A_97 = tpu.memref_squeeze %dma_wait3A_96 : memref<1x128x64xf32, #tpu.memory_space<vmem>> -> memref<128x64xf32, #tpu.memory_space<vmem>>
    %dma_wait3A_98 = arith.constant 0 : i32
    %dma_wait3A_99 = tpu.memref_slice %arg8[%dma_wait3A_92, %dma_wait3A_93, %dma_wait3A_98] : memref<4x2x128xi32, #tpu.memory_space<vmem>> -> memref<1x1x128xi32, #tpu.memory_space<vmem>>
    %dma_wait3A_100 = tpu.memref_squeeze %dma_wait3A_99 : memref<1x1x128xi32, #tpu.memory_space<vmem>> -> memref<128xi32, #tpu.memory_space<vmem>>
    %dma_wait3A_101 = arith.constant 0 : i32
    %dma_wait3A_102 = arith.constant 0 : i32
    %dma_wait3A_103 = tpu.memref_slice %arg11[%dma_wait3A_101, %dma_wait3A_102] : memref<10112x64xf32, #tpu.memory_space<vmem_shared>> -> memref<10112x64xf32, #tpu.memory_space<vmem_shared>>
    tpu.wait_indirect_dma semaphore(%arg13 : memref<!tpu.dma_semaphore, #tpu.memory_space<semaphore_mem>>) src(%dma_wait3A_97 : memref<128x64xf32, #tpu.memory_space<vmem>>) dst(%dma_wait3A_103 : memref<10112x64xf32, #tpu.memory_space<vmem_shared>>)
    %dma_wait3A_104 = arith.constant 1 : i32
    %dma_wait3A_105 = arith.constant 0 : i32
    %dma_wait3A_106 = arith.constant 1 : i32
    %dma_wait3A_107 = arith.constant 0 : i32
    %dma_wait3A_108 = arith.constant 0 : i32
    %dma_wait3A_109 = tpu.memref_slice %arg9[%dma_wait3A_104, %dma_wait3A_107, %dma_wait3A_108] : memref<4x128x64xf32, #tpu.memory_space<vmem>> -> memref<1x128x64xf32, #tpu.memory_space<vmem>>
    %dma_wait3A_110 = tpu.memref_squeeze %dma_wait3A_109 : memref<1x128x64xf32, #tpu.memory_space<vmem>> -> memref<128x64xf32, #tpu.memory_space<vmem>>
    %dma_wait3A_111 = arith.constant 0 : i32
    %dma_wait3A_112 = tpu.memref_slice %arg8[%dma_wait3A_105, %dma_wait3A_106, %dma_wait3A_111] : memref<4x2x128xi32, #tpu.memory_space<vmem>> -> memref<1x1x128xi32, #tpu.memory_space<vmem>>
    %dma_wait3A_113 = tpu.memref_squeeze %dma_wait3A_112 : memref<1x1x128xi32, #tpu.memory_space<vmem>> -> memref<128xi32, #tpu.memory_space<vmem>>
    %dma_wait3A_114 = arith.constant 0 : i32
    %dma_wait3A_115 = arith.constant 0 : i32
    %dma_wait3A_116 = tpu.memref_slice %arg11[%dma_wait3A_114, %dma_wait3A_115] : memref<10112x64xf32, #tpu.memory_space<vmem_shared>> -> memref<10112x64xf32, #tpu.memory_space<vmem_shared>>
    tpu.wait_indirect_dma semaphore(%arg13 : memref<!tpu.dma_semaphore, #tpu.memory_space<semaphore_mem>>) src(%dma_wait3A_110 : memref<128x64xf32, #tpu.memory_space<vmem>>) dst(%dma_wait3A_116 : memref<10112x64xf32, #tpu.memory_space<vmem_shared>>)
    %dma_wait3A_117 = arith.constant 0 : i32
    %dma_wait3A_118 = arith.constant 0 : i32
    %dma_wait3A_119 = arith.constant 0 : i32
    %dma_wait3A_120 = arith.constant 0 : i32
    %dma_wait3A_121 = arith.constant 0 : i32
    %dma_wait3A_122 = tpu.memref_slice %arg9[%dma_wait3A_117, %dma_wait3A_120, %dma_wait3A_121] : memref<4x128x64xf32, #tpu.memory_space<vmem>> -> memref<1x128x64xf32, #tpu.memory_space<vmem>>
    %dma_wait3A_123 = tpu.memref_squeeze %dma_wait3A_122 : memref<1x128x64xf32, #tpu.memory_space<vmem>> -> memref<128x64xf32, #tpu.memory_space<vmem>>
    %dma_wait3A_124 = arith.constant 0 : i32
    %dma_wait3A_125 = tpu.memref_slice %arg8[%dma_wait3A_118, %dma_wait3A_119, %dma_wait3A_124] : memref<4x2x128xi32, #tpu.memory_space<vmem>> -> memref<1x1x128xi32, #tpu.memory_space<vmem>>
    %dma_wait3A_126 = tpu.memref_squeeze %dma_wait3A_125 : memref<1x1x128xi32, #tpu.memory_space<vmem>> -> memref<128xi32, #tpu.memory_space<vmem>>
    %dma_wait3A_127 = arith.constant 0 : i32
    %dma_wait3A_128 = arith.constant 0 : i32
    %dma_wait3A_129 = tpu.memref_slice %arg11[%dma_wait3A_127, %dma_wait3A_128] : memref<10112x64xf32, #tpu.memory_space<vmem_shared>> -> memref<10112x64xf32, #tpu.memory_space<vmem_shared>>
    tpu.wait_indirect_dma semaphore(%arg13 : memref<!tpu.dma_semaphore, #tpu.memory_space<semaphore_mem>>) src(%dma_wait3A_123 : memref<128x64xf32, #tpu.memory_space<vmem>>) dst(%dma_wait3A_129 : memref<10112x64xf32, #tpu.memory_space<vmem_shared>>)
    %dma_wait3A_130 = arith.constant 1 : i32
    %dma_wait3A_131 = arith.constant 0 : i32
    %dma_wait3A_132 = arith.constant 1 : i32
    %dma_wait3A_133 = arith.constant 0 : i32
    %dma_wait3A_134 = arith.constant 0 : i32
    %dma_wait3A_135 = tpu.memref_slice %arg9[%dma_wait3A_130, %dma_wait3A_133, %dma_wait3A_134] : memref<4x128x64xf32, #tpu.memory_space<vmem>> -> memref<1x128x64xf32, #tpu.memory_space<vmem>>
    %dma_wait3A_136 = tpu.memref_squeeze %dma_wait3A_135 : memref<1x128x64xf32, #tpu.memory_space<vmem>> -> memref<128x64xf32, #tpu.memory_space<vmem>>
    %dma_wait3A_137 = arith.constant 0 : i32
    %dma_wait3A_138 = tpu.memref_slice %arg8[%dma_wait3A_131, %dma_wait3A_132, %dma_wait3A_137] : memref<4x2x128xi32, #tpu.memory_space<vmem>> -> memref<1x1x128xi32, #tpu.memory_space<vmem>>
    %dma_wait3A_139 = tpu.memref_squeeze %dma_wait3A_138 : memref<1x1x128xi32, #tpu.memory_space<vmem>> -> memref<128xi32, #tpu.memory_space<vmem>>
    %dma_wait3A_140 = arith.constant 0 : i32
    %dma_wait3A_141 = arith.constant 0 : i32
    %dma_wait3A_142 = tpu.memref_slice %arg11[%dma_wait3A_140, %dma_wait3A_141] : memref<10112x64xf32, #tpu.memory_space<vmem_shared>> -> memref<10112x64xf32, #tpu.memory_space<vmem_shared>>
    tpu.wait_indirect_dma semaphore(%arg13 : memref<!tpu.dma_semaphore, #tpu.memory_space<semaphore_mem>>) src(%dma_wait3A_136 : memref<128x64xf32, #tpu.memory_space<vmem>>) dst(%dma_wait3A_142 : memref<10112x64xf32, #tpu.memory_space<vmem_shared>>)
    %barrier3A_143 = arith.constant 0 : index
    tpu.barrier barrier_id(%barrier3A_143)
    "tpu.region"() ({
      %run_scoped3A = tpu.sem_alloc : memref<!tpu.dma_semaphore, #tpu.memory_space<semaphore_mem>>
      %dma_start3A_144 = arith.constant 0 : i32
      %dma_start3A_145 = tpu.memref_slice %arg6[%arg0, %mul3A_0, %dma_start3A_144] : memref<2x10112x64xf32, #tpu.memory_space<hbm>> -> memref<1x632x64xf32, #tpu.memory_space<hbm>>
      %dma_start3A_146 = tpu.memref_squeeze %dma_start3A_145 : memref<1x632x64xf32, #tpu.memory_space<hbm>> -> memref<632x64xf32, #tpu.memory_space<hbm>>
      %dma_start3A_147 = arith.constant 0 : i32
      %dma_start3A_148 = tpu.memref_slice %arg11[%mul3A_0, %dma_start3A_147] : memref<10112x64xf32, #tpu.memory_space<vmem_shared>> -> memref<632x64xf32, #tpu.memory_space<vmem_shared>>
      tpu.enqueue_dma source(%dma_start3A_148 : memref<632x64xf32, #tpu.memory_space<vmem_shared>>) target(%dma_start3A_146 : memref<632x64xf32, #tpu.memory_space<hbm>>) target_semaphore(%run_scoped3A : memref<!tpu.dma_semaphore, #tpu.memory_space<semaphore_mem>>)
      %dma_wait3A_149 = arith.constant 0 : i32
      %dma_wait3A_150 = tpu.memref_slice %arg6[%arg0, %mul3A_0, %dma_wait3A_149] : memref<2x10112x64xf32, #tpu.memory_space<hbm>> -> memref<1x632x64xf32, #tpu.memory_space<hbm>>
      %dma_wait3A_151 = tpu.memref_squeeze %dma_wait3A_150 : memref<1x632x64xf32, #tpu.memory_space<hbm>> -> memref<632x64xf32, #tpu.memory_space<hbm>>
      %dma_wait3A_152 = arith.constant 0 : i32
      %dma_wait3A_153 = tpu.memref_slice %arg11[%mul3A_0, %dma_wait3A_152] : memref<10112x64xf32, #tpu.memory_space<vmem_shared>> -> memref<632x64xf32, #tpu.memory_space<vmem_shared>>
      tpu.wait_dma2 semaphore(%run_scoped3A : memref<!tpu.dma_semaphore, #tpu.memory_space<semaphore_mem>>) src(%dma_wait3A_153 : memref<632x64xf32, #tpu.memory_space<vmem_shared>>) dst(%dma_wait3A_151 : memref<632x64xf32, #tpu.memory_space<hbm>>)
      tpu.yield
    }) : () -> ()
    return
  }
}

module attributes {stable_mosaic.version = 14 : i64} {
  func.func @_tc_mm(%arg0: i32, %arg1: memref<1264x128xf32, #tpu.memory_space<vmem>>, %arg2: memref<128x128xf32, #tpu.memory_space<vmem>>, %arg3: memref<1264x128xf32, #tpu.memory_space<vmem>>) attributes {dimension_semantics = [#tpu.dimension_semantics<arbitrary>], iteration_bounds = array<i64: 8>, scalar_prefetch = 0 : i64, scratch_operands = 0 : i64, tpu.core_type = #tpu.core_type<tc>, window_params = [{transform_indices = @transform_0, window_bounds = array<i64: 1264, 128>}, {pipeline_mode = #tpu.pipeline_mode<synchronous>, transform_indices = @transform_1, window_bounds = array<i64: 128, 128>}, {transform_indices = @transform_2, window_bounds = array<i64: 1264, 128>}]} {
    %get3A = arith.constant 0 : index
    %get3A_0 = arith.constant 0 : index
    %get3A_1 = vector.load %arg1[%get3A, %get3A_0] : memref<1264x128xf32, #tpu.memory_space<vmem>>, vector<1264x128xf32>
    %get3A_2 = arith.constant 0 : index
    %get3A_3 = arith.constant 0 : index
    %get3A_4 = vector.load %arg2[%get3A_2, %get3A_3] : memref<128x128xf32, #tpu.memory_space<vmem>>, vector<128x128xf32>
    %dot_general3A = arith.constant dense<0.000000e+00> : vector<1264x128xf32>
    %dot_general3A_5 = tpu.matmul %get3A_1, %get3A_4, %dot_general3A {dimension_numbers = #tpu.dot_dimension_numbers<[1], [0], [0], [1], [0, 0, 1, 1], [], []>, precision = #tpu.contract_precision<fp32>, transpose_lhs_hint = false} : vector<1264x128xf32>, vector<128x128xf32>, vector<1264x128xf32> -> vector<1264x128xf32>
    %swap3A = arith.constant 0 : index
    %swap3A_6 = arith.constant 0 : index
    %swap3A_7 = vector.load %arg3[%swap3A, %swap3A_6] : memref<1264x128xf32, #tpu.memory_space<vmem>>, vector<1264x128xf32>
    tpu.vector_store %arg3[%swap3A, %swap3A_6], %dot_general3A_5 {strides = array<i32>} : memref<1264x128xf32, #tpu.memory_space<vmem>>, vector<1264x128xf32>,
    return
  }
  func.func @transform_0(%arg0: i32) -> (i32, i32) {
    %c0_i32 = arith.constant 0 : i32
    %c0_i32_0 = arith.constant 0 : i32
    return %arg0, %c0_i32 : i32, i32
  }
  func.func @transform_1(%arg0: i32) -> (i32, i32) {
    %c0_i32 = arith.constant 0 : i32
    %c0_i32_0 = arith.constant 0 : i32
    %c0_i32_1 = arith.constant 0 : i32
    return %c0_i32, %c0_i32_0 : i32, i32
  }
  func.func @transform_2(%arg0: i32) -> (i32, i32) {
    %c0_i32 = arith.constant 0 : i32
    %c0_i32_0 = arith.constant 0 : i32
    return %arg0, %c0_i32 : i32, i32
  }
}

module attributes {stable_mosaic.version = 14 : i64} {
  func.func @_tc_pre(%arg0: i32, %arg1: memref<1264x128xf32, #tpu.memory_space<vmem>>, %arg2: memref<2x1264x16xf32, #tpu.memory_space<vmem>>, %arg3: memref<2x1264x16xf32, #tpu.memory_space<vmem>>, %arg4: memref<2x1264x64xf32, #tpu.memory_space<vmem>>, %arg5: memref<1264x16xf32, #tpu.memory_space<vmem>>, %arg6: memref<1264x16xf32, #tpu.memory_space<vmem>>) attributes {dimension_semantics = [#tpu.dimension_semantics<arbitrary>], iteration_bounds = array<i64: 8>, scalar_prefetch = 0 : i64, scratch_operands = 0 : i64, tpu.core_type = #tpu.core_type<tc>, window_params = [{transform_indices = @transform_0, window_bounds = array<i64: 1264, 128>}, {transform_indices = @transform_1, window_bounds = array<i64: 2, 1264, 16>}, {transform_indices = @transform_2, window_bounds = array<i64: 2, 1264, 16>}, {transform_indices = @transform_3, window_bounds = array<i64: 2, 1264, 64>}, {transform_indices = @transform_4, window_bounds = array<i64: 1264, 16>}, {transform_indices = @transform_5, window_bounds = array<i64: 1264, 16>}]} {
    %get3A = arith.constant 0 : index
    %get3A_0 = arith.constant 0 : index
    %get3A_1 = arith.constant 0 : index
    %get3A_2 = vector.load %arg2[%get3A, %get3A_0, %get3A_1] : memref<2x1264x16xf32, #tpu.memory_space<vmem>>, vector<2x1264x16xf32>
    %slice3A = vector.extract_strided_slice %get3A_2 {offsets = [0, 0, 0], sizes = [1, 1264, 16], strides = [1, 1, 1]} : vector<2x1264x16xf32> to vector<1x1264x16xf32>
    %squeeze3A = vector.shape_cast %slice3A : vector<1x1264x16xf32> to vector<1264x16xf32>
    %slice3A_3 = vector.extract_strided_slice %get3A_2 {offsets = [1, 0, 0], sizes = [1, 1264, 16], strides = [1, 1, 1]} : vector<2x1264x16xf32> to vector<1x1264x16xf32>
    %squeeze3A_4 = vector.shape_cast %slice3A_3 : vector<1x1264x16xf32> to vector<1264x16xf32>
    %add3A = arith.addf %squeeze3A, %squeeze3A_4 : vector<1264x16xf32>
    %iota3A = tpu.iota {dimensions = array<i32: 0>} : vector<1264x16xi32>
    %lt3A = arith.constant 96 : i32
    %lt3A_5 = vector.broadcast %lt3A : i32 to vector<1264x16xi32>
    %lt3A_6 = arith.cmpi slt, %iota3A, %lt3A_5 : vector<1264x16xi32>
    %eq3A = arith.constant 0 : i32
    %eq3A_7 = arith.cmpi eq, %arg0, %eq3A : i32
    %and3A = vector.broadcast %eq3A_7 : i1 to vector<1264x16xi1>
    %and3A_8 = arith.andi %lt3A_6, %and3A : vector<1264x16xi1>
    %jit3A = arith.constant 8.000000e+01 : f32
    %jit3A_9 = arith.constant 0.000000e+00 : f32
    %broadcast_in_dim3A = vector.broadcast %jit3A : f32 to vector<1264x16xf32>
    %broadcast_in_dim3A_10 = vector.broadcast %jit3A_9 : f32 to vector<1264x16xf32>
    %select_n3A = arith.select %and3A_8, %broadcast_in_dim3A, %broadcast_in_dim3A_10 : vector<1264x16xi1>, vector<1264x16xf32>
    %sub3A = arith.subf %add3A, %select_n3A : vector<1264x16xf32>
    %gt3A = arith.constant 0.000000e+00 : f32
    %gt3A_11 = vector.broadcast %gt3A : f32 to vector<1264x16xf32>
    %gt3A_12 = arith.cmpf ogt, %sub3A, %gt3A_11 : vector<1264x16xf32>
    %max3A = arith.constant 1.000000e+00 : f32
    %max3A_13 = vector.broadcast %max3A : f32 to vector<1264x16xf32>
    %max3A_14 = arith.maximumf %sub3A, %max3A_13 : vector<1264x16xf32>
    %rsqrt3A = math.rsqrt %max3A_14 : vector<1264x16xf32>
    %jit3A_15 = arith.constant 0.000000e+00 : f32
    %broadcast_in_dim3A_16 = vector.broadcast %jit3A_15 : f32 to vector<1264x16xf32>
    %select_n3A_17 = arith.select %gt3A_12, %rsqrt3A, %broadcast_in_dim3A_16 : vector<1264x16xi1>, vector<1264x16xf32>
    %get3A_18 = arith.constant 0 : index
    %get3A_19 = arith.constant 0 : index
    %get3A_20 = arith.constant 0 : index
    %get3A_21 = vector.load %arg3[%get3A_18, %get3A_19, %get3A_20] : memref<2x1264x16xf32, #tpu.memory_space<vmem>>, vector<2x1264x16xf32>
    %slice3A_22 = vector.extract_strided_slice %get3A_21 {offsets = [0, 0, 0], sizes = [1, 1264, 16], strides = [1, 1, 1]} : vector<2x1264x16xf32> to vector<1x1264x16xf32>
    %squeeze3A_23 = vector.shape_cast %slice3A_22 : vector<1x1264x16xf32> to vector<1264x16xf32>
    %slice3A_24 = vector.extract_strided_slice %get3A_21 {offsets = [1, 0, 0], sizes = [1, 1264, 16], strides = [1, 1, 1]} : vector<2x1264x16xf32> to vector<1x1264x16xf32>
    %squeeze3A_25 = vector.shape_cast %slice3A_24 : vector<1x1264x16xf32> to vector<1264x16xf32>
    %add3A_26 = arith.addf %squeeze3A_23, %squeeze3A_25 : vector<1264x16xf32>
    %gt3A_27 = arith.constant 0.000000e+00 : f32
    %gt3A_28 = vector.broadcast %gt3A_27 : f32 to vector<1264x16xf32>
    %gt3A_29 = arith.cmpf ogt, %add3A_26, %gt3A_28 : vector<1264x16xf32>
    %max3A_30 = arith.constant 1.000000e+00 : f32
    %max3A_31 = vector.broadcast %max3A_30 : f32 to vector<1264x16xf32>
    %max3A_32 = arith.maximumf %add3A_26, %max3A_31 : vector<1264x16xf32>
    %rsqrt3A_33 = math.rsqrt %max3A_32 : vector<1264x16xf32>
    %jit3A_34 = arith.constant 0.000000e+00 : f32
    %broadcast_in_dim3A_35 = vector.broadcast %jit3A_34 : f32 to vector<1264x16xf32>
    %select_n3A_36 = arith.select %gt3A_29, %rsqrt3A_33, %broadcast_in_dim3A_35 : vector<1264x16xi1>, vector<1264x16xf32>
    %swap3A = arith.constant 0 : index
    %swap3A_37 = arith.constant 0 : index
    %swap3A_38 = vector.load %arg5[%swap3A, %swap3A_37] : memref<1264x16xf32, #tpu.memory_space<vmem>>, vector<1264x16xf32>
    tpu.vector_store %arg5[%swap3A, %swap3A_37], %select_n3A_17 {strides = array<i32>} : memref<1264x16xf32, #tpu.memory_space<vmem>>, vector<1264x16xf32>,
    %swap3A_39 = arith.constant 0 : index
    %swap3A_40 = arith.constant 0 : index
    %swap3A_41 = vector.load %arg6[%swap3A_39, %swap3A_40] : memref<1264x16xf32, #tpu.memory_space<vmem>>, vector<1264x16xf32>
    tpu.vector_store %arg6[%swap3A_39, %swap3A_40], %select_n3A_36 {strides = array<i32>} : memref<1264x16xf32, #tpu.memory_space<vmem>>, vector<1264x16xf32>,
    %get3A_42 = arith.constant 0 : index
    %get3A_43 = arith.constant 0 : index
    %get3A_44 = vector.load %arg1[%get3A_42, %get3A_43] : memref<1264x128xf32, #tpu.memory_space<vmem>>, vector<1264x128xf32>
    %slice3A_45 = vector.extract_strided_slice %select_n3A_17 {offsets = [0, 0], sizes = [1264, 1], strides = [1, 1]} : vector<1264x16xf32> to vector<1264x1xf32>
    %mul3A = vector.broadcast %slice3A_45 : vector<1264x1xf32> to vector<1264x128xf32>
    %mul3A_46 = arith.mulf %get3A_44, %mul3A : vector<1264x128xf32>
    %slice3A_47 = vector.extract_strided_slice %mul3A_46 {offsets = [0, 0], sizes = [1264, 64], strides = [1, 1]} : vector<1264x128xf32> to vector<1264x64xf32>
    %slice3A_48 = vector.extract_strided_slice %mul3A_46 {offsets = [0, 64], sizes = [1264, 64], strides = [1, 1]} : vector<1264x128xf32> to vector<1264x64xf32>
    %stack3A = vector.shape_cast %slice3A_47 : vector<1264x64xf32> to vector<1x1264x64xf32>
    %stack3A_49 = vector.shape_cast %slice3A_48 : vector<1264x64xf32> to vector<1x1264x64xf32>
    %stack3A_50 = tpu.concatenate %stack3A, %stack3A_49 in 0 : vector<1x1264x64xf32>, vector<1x1264x64xf32> -> vector<2x1264x64xf32>
    %swap3A_51 = arith.constant 0 : index
    %swap3A_52 = arith.constant 0 : index
    %swap3A_53 = arith.constant 0 : index
    %swap3A_54 = vector.load %arg4[%swap3A_51, %swap3A_52, %swap3A_53] : memref<2x1264x64xf32, #tpu.memory_space<vmem>>, vector<2x1264x64xf32>
    tpu.vector_store %arg4[%swap3A_51, %swap3A_52, %swap3A_53], %stack3A_50 {strides = array<i32>} : memref<2x1264x64xf32, #tpu.memory_space<vmem>>, vector<2x1264x64xf32>,
    return
  }
  func.func @transform_0(%arg0: i32) -> (i32, i32) {
    %c0_i32 = arith.constant 0 : i32
    %c0_i32_0 = arith.constant 0 : i32
    return %arg0, %c0_i32 : i32, i32
  }
  func.func @transform_1(%arg0: i32) -> (i32, i32, i32) {
    %c0_i32 = arith.constant 0 : i32
    %c0_i32_0 = arith.constant 0 : i32
    %c0_i32_1 = arith.constant 0 : i32
    return %c0_i32, %arg0, %c0_i32_0 : i32, i32, i32
  }
  func.func @transform_2(%arg0: i32) -> (i32, i32, i32) {
    %c0_i32 = arith.constant 0 : i32
    %c0_i32_0 = arith.constant 0 : i32
    %c0_i32_1 = arith.constant 0 : i32
    return %c0_i32, %arg0, %c0_i32_0 : i32, i32, i32
  }
  func.func @transform_3(%arg0: i32) -> (i32, i32, i32) {
    %c0_i32 = arith.constant 0 : i32
    %c0_i32_0 = arith.constant 0 : i32
    %c0_i32_1 = arith.constant 0 : i32
    return %c0_i32, %arg0, %c0_i32_0 : i32, i32, i32
  }
  func.func @transform_4(%arg0: i32) -> (i32, i32) {
    %c0_i32 = arith.constant 0 : i32
    %c0_i32_0 = arith.constant 0 : i32
    return %arg0, %c0_i32 : i32, i32
  }
  func.func @transform_5(%arg0: i32) -> (i32, i32) {
    %c0_i32 = arith.constant 0 : i32
    %c0_i32_0 = arith.constant 0 : i32
    return %arg0, %c0_i32 : i32, i32
  }
}

module attributes {stable_mosaic.version = 14 : i64} {
  func.func @_tc_mid(%arg0: i32, %arg1: memref<2x1264x64xf32, #tpu.memory_space<vmem>>, %arg2: memref<1264x16xf32, #tpu.memory_space<vmem>>, %arg3: memref<1264x16xf32, #tpu.memory_space<vmem>>, %arg4: memref<1x128xf32, #tpu.memory_space<vmem>>, %arg5: memref<128x128xf32, #tpu.memory_space<vmem>>, %arg6: memref<2x1264x64xf32, #tpu.memory_space<vmem>>) attributes {dimension_semantics = [#tpu.dimension_semantics<arbitrary>], iteration_bounds = array<i64: 8>, scalar_prefetch = 0 : i64, scratch_operands = 0 : i64, tpu.core_type = #tpu.core_type<tc>, window_params = [{transform_indices = @transform_0, window_bounds = array<i64: 2, 1264, 64>}, {transform_indices = @transform_1, window_bounds = array<i64: 1264, 16>}, {transform_indices = @transform_2, window_bounds = array<i64: 1264, 16>}, {pipeline_mode = #tpu.pipeline_mode<synchronous>, transform_indices = @transform_3, window_bounds = array<i64: 1, 128>}, {pipeline_mode = #tpu.pipeline_mode<synchronous>, transform_indices = @transform_4, window_bounds = array<i64: 128, 128>}, {transform_indices = @transform_5, window_bounds = array<i64: 2, 1264, 64>}]} {
    %get3A = arith.constant 0 : index
    %get3A_0 = arith.constant 0 : index
    %get3A_1 = arith.constant 0 : index
    %get3A_2 = vector.load %arg1[%get3A, %get3A_0, %get3A_1] : memref<2x1264x64xf32, #tpu.memory_space<vmem>>, vector<1x1264x64xf32>
    %get3A_3 = vector.shape_cast %get3A_2 : vector<1x1264x64xf32> to vector<1264x64xf32>
    %get3A_4 = arith.constant 1 : index
    %get3A_5 = arith.constant 0 : index
    %get3A_6 = arith.constant 0 : index
    %get3A_7 = vector.load %arg1[%get3A_4, %get3A_5, %get3A_6] : memref<2x1264x64xf32, #tpu.memory_space<vmem>>, vector<1x1264x64xf32>
    %get3A_8 = vector.shape_cast %get3A_7 : vector<1x1264x64xf32> to vector<1264x64xf32>
    %concatenate3A = tpu.concatenate %get3A_3, %get3A_8 in 1 : vector<1264x64xf32>, vector<1264x64xf32> -> vector<1264x128xf32>
    %get3A_9 = arith.constant 0 : index
    %get3A_10 = arith.constant 0 : index
    %get3A_11 = vector.load %arg3[%get3A_9, %get3A_10] : memref<1264x16xf32, #tpu.memory_space<vmem>>, vector<1264x1xf32>
    %mul3A = vector.broadcast %get3A_11 : vector<1264x1xf32> to vector<1264x128xf32>
    %mul3A_12 = arith.mulf %concatenate3A, %mul3A : vector<1264x128xf32>
    %get3A_13 = arith.constant 0 : index
    %get3A_14 = arith.constant 0 : index
    %get3A_15 = vector.load %arg4[%get3A_13, %get3A_14] : memref<1x128xf32, #tpu.memory_space<vmem>>, vector<1x128xf32>
    %add3A = vector.broadcast %get3A_15 : vector<1x128xf32> to vector<1264x128xf32>
    %add3A_16 = arith.addf %mul3A_12, %add3A : vector<1264x128xf32>
    %gt3A = arith.constant 0.000000e+00 : f32
    %gt3A_17 = vector.broadcast %gt3A : f32 to vector<1264x128xf32>
    %gt3A_18 = arith.cmpf ogt, %add3A_16, %gt3A_17 : vector<1264x128xf32>
    %exp3A = math.exp %add3A_16 : vector<1264x128xf32>
    %sub3A = arith.constant 1.000000e+00 : f32
    %sub3A_19 = vector.broadcast %sub3A : f32 to vector<1264x128xf32>
    %sub3A_20 = arith.subf %exp3A, %sub3A_19 : vector<1264x128xf32>
    %select_n3A = arith.select %gt3A_18, %add3A_16, %sub3A_20 : vector<1264x128xi1>, vector<1264x128xf32>
    %get3A_21 = arith.constant 0 : index
    %get3A_22 = arith.constant 0 : index
    %get3A_23 = vector.load %arg5[%get3A_21, %get3A_22] : memref<128x128xf32, #tpu.memory_space<vmem>>, vector<128x128xf32>
    %dot_general3A = arith.constant dense<0.000000e+00> : vector<1264x128xf32>
    %dot_general3A_24 = tpu.matmul %select_n3A, %get3A_23, %dot_general3A {dimension_numbers = #tpu.dot_dimension_numbers<[1], [0], [0], [1], [0, 0, 1, 1], [], []>, precision = #tpu.contract_precision<fp32>, transpose_lhs_hint = false} : vector<1264x128xf32>, vector<128x128xf32>, vector<1264x128xf32> -> vector<1264x128xf32>
    %get3A_25 = arith.constant 0 : index
    %get3A_26 = arith.constant 0 : index
    %get3A_27 = vector.load %arg2[%get3A_25, %get3A_26] : memref<1264x16xf32, #tpu.memory_space<vmem>>, vector<1264x1xf32>
    %mul3A_28 = vector.broadcast %get3A_27 : vector<1264x1xf32> to vector<1264x128xf32>
    %mul3A_29 = arith.mulf %dot_general3A_24, %mul3A_28 : vector<1264x128xf32>
    %slice3A = vector.extract_strided_slice %mul3A_29 {offsets = [0, 0], sizes = [1264, 64], strides = [1, 1]} : vector<1264x128xf32> to vector<1264x64xf32>
    %slice3A_30 = vector.extract_strided_slice %mul3A_29 {offsets = [0, 64], sizes = [1264, 64], strides = [1, 1]} : vector<1264x128xf32> to vector<1264x64xf32>
    %stack3A = vector.shape_cast %slice3A : vector<1264x64xf32> to vector<1x1264x64xf32>
    %stack3A_31 = vector.shape_cast %slice3A_30 : vector<1264x64xf32> to vector<1x1264x64xf32>
    %stack3A_32 = tpu.concatenate %stack3A, %stack3A_31 in 0 : vector<1x1264x64xf32>, vector<1x1264x64xf32> -> vector<2x1264x64xf32>
    %swap3A = arith.constant 0 : index
    %swap3A_33 = arith.constant 0 : index
    %swap3A_34 = arith.constant 0 : index
    %swap3A_35 = vector.load %arg6[%swap3A, %swap3A_33, %swap3A_34] : memref<2x1264x64xf32, #tpu.memory_space<vmem>>, vector<2x1264x64xf32>
    tpu.vector_store %arg6[%swap3A, %swap3A_33, %swap3A_34], %stack3A_32 {strides = array<i32>} : memref<2x1264x64xf32, #tpu.memory_space<vmem>>, vector<2x1264x64xf32>,
    return
  }
  func.func @transform_0(%arg0: i32) -> (i32, i32, i32) {
    %c0_i32 = arith.constant 0 : i32
    %c0_i32_0 = arith.constant 0 : i32
    %c0_i32_1 = arith.constant 0 : i32
    return %c0_i32, %arg0, %c0_i32_0 : i32, i32, i32
  }
  func.func @transform_1(%arg0: i32) -> (i32, i32) {
    %c0_i32 = arith.constant 0 : i32
    %c0_i32_0 = arith.constant 0 : i32
    return %arg0, %c0_i32 : i32, i32
  }
  func.func @transform_2(%arg0: i32) -> (i32, i32) {
    %c0_i32 = arith.constant 0 : i32
    %c0_i32_0 = arith.constant 0 : i32
    return %arg0, %c0_i32 : i32, i32
  }
  func.func @transform_3(%arg0: i32) -> (i32, i32) {
    %c0_i32 = arith.constant 0 : i32
    %c0_i32_0 = arith.constant 0 : i32
    %c0_i32_1 = arith.constant 0 : i32
    return %c0_i32, %c0_i32_0 : i32, i32
  }
  func.func @transform_4(%arg0: i32) -> (i32, i32) {
    %c0_i32 = arith.constant 0 : i32
    %c0_i32_0 = arith.constant 0 : i32
    %c0_i32_1 = arith.constant 0 : i32
    return %c0_i32, %c0_i32_0 : i32, i32
  }
  func.func @transform_5(%arg0: i32) -> (i32, i32, i32) {
    %c0_i32 = arith.constant 0 : i32
    %c0_i32_0 = arith.constant 0 : i32
    %c0_i32_1 = arith.constant 0 : i32
    return %c0_i32, %arg0, %c0_i32_0 : i32, i32, i32
  }
}

module attributes {stable_mosaic.version = 14 : i64} {
  func.func @_tc_post(%arg0: i32, %arg1: memref<2x1264x64xf32, #tpu.memory_space<vmem>>, %arg2: memref<1264x16xf32, #tpu.memory_space<vmem>>, %arg3: memref<1x128xf32, #tpu.memory_space<vmem>>, %arg4: memref<1264x128xf32, #tpu.memory_space<vmem>>) attributes {dimension_semantics = [#tpu.dimension_semantics<arbitrary>], iteration_bounds = array<i64: 8>, scalar_prefetch = 0 : i64, scratch_operands = 0 : i64, tpu.core_type = #tpu.core_type<tc>, window_params = [{transform_indices = @transform_0, window_bounds = array<i64: 2, 1264, 64>}, {transform_indices = @transform_1, window_bounds = array<i64: 1264, 16>}, {pipeline_mode = #tpu.pipeline_mode<synchronous>, transform_indices = @transform_2, window_bounds = array<i64: 1, 128>}, {transform_indices = @transform_3, window_bounds = array<i64: 1264, 128>}]} {
    %get3A = arith.constant 0 : index
    %get3A_0 = arith.constant 0 : index
    %get3A_1 = arith.constant 0 : index
    %get3A_2 = vector.load %arg1[%get3A, %get3A_0, %get3A_1] : memref<2x1264x64xf32, #tpu.memory_space<vmem>>, vector<1x1264x64xf32>
    %get3A_3 = vector.shape_cast %get3A_2 : vector<1x1264x64xf32> to vector<1264x64xf32>
    %get3A_4 = arith.constant 1 : index
    %get3A_5 = arith.constant 0 : index
    %get3A_6 = arith.constant 0 : index
    %get3A_7 = vector.load %arg1[%get3A_4, %get3A_5, %get3A_6] : memref<2x1264x64xf32, #tpu.memory_space<vmem>>, vector<1x1264x64xf32>
    %get3A_8 = vector.shape_cast %get3A_7 : vector<1x1264x64xf32> to vector<1264x64xf32>
    %concatenate3A = tpu.concatenate %get3A_3, %get3A_8 in 1 : vector<1264x64xf32>, vector<1264x64xf32> -> vector<1264x128xf32>
    %get3A_9 = arith.constant 0 : index
    %get3A_10 = arith.constant 0 : index
    %get3A_11 = vector.load %arg2[%get3A_9, %get3A_10] : memref<1264x16xf32, #tpu.memory_space<vmem>>, vector<1264x1xf32>
    %mul3A = vector.broadcast %get3A_11 : vector<1264x1xf32> to vector<1264x128xf32>
    %mul3A_12 = arith.mulf %concatenate3A, %mul3A : vector<1264x128xf32>
    %get3A_13 = arith.constant 0 : index
    %get3A_14 = arith.constant 0 : index
    %get3A_15 = vector.load %arg3[%get3A_13, %get3A_14] : memref<1x128xf32, #tpu.memory_space<vmem>>, vector<1x128xf32>
    %add3A = vector.broadcast %get3A_15 : vector<1x128xf32> to vector<1264x128xf32>
    %add3A_16 = arith.addf %mul3A_12, %add3A : vector<1264x128xf32>
    %gt3A = arith.constant 0.000000e+00 : f32
    %gt3A_17 = vector.broadcast %gt3A : f32 to vector<1264x128xf32>
    %gt3A_18 = arith.cmpf ogt, %add3A_16, %gt3A_17 : vector<1264x128xf32>
    %exp3A = math.exp %add3A_16 : vector<1264x128xf32>
    %sub3A = arith.constant 1.000000e+00 : f32
    %sub3A_19 = vector.broadcast %sub3A : f32 to vector<1264x128xf32>
    %sub3A_20 = arith.subf %exp3A, %sub3A_19 : vector<1264x128xf32>
    %select_n3A = arith.select %gt3A_18, %add3A_16, %sub3A_20 : vector<1264x128xi1>, vector<1264x128xf32>
    %swap3A = arith.constant 0 : index
    %swap3A_21 = arith.constant 0 : index
    %swap3A_22 = vector.load %arg4[%swap3A, %swap3A_21] : memref<1264x128xf32, #tpu.memory_space<vmem>>, vector<1264x128xf32>
    tpu.vector_store %arg4[%swap3A, %swap3A_21], %select_n3A {strides = array<i32>} : memref<1264x128xf32, #tpu.memory_space<vmem>>, vector<1264x128xf32>,
    return
  }
  func.func @transform_0(%arg0: i32) -> (i32, i32, i32) {
    %c0_i32 = arith.constant 0 : i32
    %c0_i32_0 = arith.constant 0 : i32
    %c0_i32_1 = arith.constant 0 : i32
    return %c0_i32, %arg0, %c0_i32_0 : i32, i32, i32
  }
  func.func @transform_1(%arg0: i32) -> (i32, i32) {
    %c0_i32 = arith.constant 0 : i32
    %c0_i32_0 = arith.constant 0 : i32
    return %arg0, %c0_i32 : i32, i32
  }
  func.func @transform_2(%arg0: i32) -> (i32, i32) {
    %c0_i32 = arith.constant 0 : i32
    %c0_i32_0 = arith.constant 0 : i32
    %c0_i32_1 = arith.constant 0 : i32
    return %c0_i32, %c0_i32_0 : i32, i32
  }
  func.func @transform_3(%arg0: i32) -> (i32, i32) {
    %c0_i32 = arith.constant 0 : i32
    %c0_i32_0 = arith.constant 0 : i32
    return %arg0, %c0_i32 : i32, i32
  }
}

</mosaic_0001>

<sc_bundles>
// kernel: kernel.12.cloned.1.call-start
scs
__scs_entry_jumppad:
0x0: {  	(pc) =	sbr.rel $0x88, $3  }
0x1: {  	(tag) =	ssettag $0x0;
	lr =	simm.s32 $0x1  }
0x2: {  	[smem:$0x3F9B] =	sst lr;
	_ =	strace $0xD0000000  }
0x3: {  	_ = 	snop  }
0x4: {  	_ = 	snop  }
0x5: {  	_ = 	snop  }
0x6: {  	_ = 	snop  }
0x7: {  	_ = 	snop  }
__scs_overlays_trampoline_lowered:
0x8: {  	[smem:$0x3FAA] =	sst s0  }
0x9: {  	[smem:$0x3FAB] =	sst s1  }
0xa: {  	[smem:$0x3FAC] =	sst s2  }
0xb: {  	[smem:$0x3FAD] =	sst s3  }
0xc: {  	[smem:$0x3FAE] =	sst s4  }
0xd: {  	[smem:$0x3FAF] =	sst s5  }
0xe: {  	[smem:$0x3FB0] =	sst s6  }
0xf: {  	[smem:$0x3FB1] =	sst s7  }
0x10: {  	[smem:$0x3FB2] =	sst s8  }
0x11: {  	[smem:$0x3FB3] =	sst s9;
	s0 =	simm.s32 @!p0 $0x0  }
0x12: {  	s1 =	sld [smem:$0x3F99];
	s0 =	simm.s32 @p0 $0x1  }
0x13: {  	[smem:$0x3FB4] =	sst s0;
	s0 =	simm.s32 @!p1 $0x0  }
0x14: {  	s2 =	sld [smem:$0x3F98];
	s0 =	simm.s32 @p1 $0x1  }
0x15: {  	[smem:$0x3FB5] =	sst s0;
	s0 =	simm.s32 @!p2 $0x0  }
0x16: {  	s3 =	sld [smem:$0x3FDB];
	s0 =	simm.s32 @p2 $0x1  }
0x17: {  	s4 =	simm.s32 $0x1BF5;
	[smem:$0x3FB7] =	sst s0  }
0x18: {  	s0 =	sld [smem:$0x3F9A];
	_ =	swait.ge [sflag:s4], $0x0  }
0x19: {  	s7 =	sld [smem:$0x3F9B]  }
0x1a: {  	s8 =	sadd.s32 $0xFFFFE003, lr  }
0x1b: {  	s9 =	sadd.s32 $0xFFFFFEF7, lr;
	s5 =	simm.s32 $0xFFFFFFFF;
	p2 =	slt.u32 s8, $0xFFFFF086  }
0x1c: {  	p1 =	slt.u32 s9, $0xF7A;
	s5 =	simm.s32 @!p2 $0x0  }
0x1d: {  	s5 =	simm.s32 @p1 $0x1;
	p0 =	seq.s32 s7, s2  }
0x1e: {  	s7 =	smul.u32 @!p0 $0xF7A, s2;
	p2 =	seq.s32 @!p0 s5, $0x0  }
0x1f: {  	s9 =	smul.u32 $0xF7A, s1;
	s8 =	simm.s32 @!p0 $0x1BF5;
	p2 =	por !p2, p0  }
0x20: {  	[sflag:s8] =	ssyncset.s32 @!p0 $0xFFFFF086;
	s6 =	sadd.s32 @!p0 s3, s7;
	s7 =	simm.s32 @!p0 $0x108  }
0x21: {  	s3 =	sadd.s32 s3, s9;
	s6 =	sadd.s32 @!p0 $0x88, s6;
	s7 =	simm.s32 @p2 $0x1082  }
0x22: {  	[simem:s7], [sflag:s8] =	dma.local @!p0 [hbm:s6], $0xF7A  }
0x23: {  	s9 =	sor.u32 $0xD0000000, s2;
	s6 =	simm.s32 $0x108;
	_ =	swait.ge @!p0 [sflag:s8], $0x0  }
0x24: {  	s3 =	sadd.s32 $0x88, s3;
	s6 =	simm.s32 @!p1 $0x1082;
	[sflag:s4] =	ssyncset.s32 $0xFFFFF086  }
0x25: {  	[simem:s6], [sflag:s4] =	dma.local [hbm:s3], $0xF7A  }
0x26: {  	[smem:$0x3F9B] =	sst s1;
	(tag) =	ssettag s2;
	_ =	strace s9  }
0x27: {  	s1 =	sld [smem:$0x3FAB]  }
0x28: {  	s2 =	sld [smem:$0x3FAC]  }
0x29: {  	s4 =	sld [smem:$0x3FAE]  }
0x2a: {  	p0 =	seq.s32 s5, $0x0;
	s5 =	sld [smem:$0x3FAF]  }
0x2b: {  	s6 =	sld [smem:$0x3FB0]  }
0x2c: {  	s7 =	sld [smem:$0x3FB1]  }
0x2d: {  	s3 =	simm.s32 $0x108;
	s8 =	sld [smem:$0x3FB2]  }
0x2e: {  	s3 =	simm.s32 @!p0 $0x1082;
	s9 =	sld [smem:$0x3FB3]  }
0x2f: {  	lr =	sadd.s32 s0, s3;
	s0 =	sld [smem:$0x3FAA]  }
0x30: {  	s3 =	sld [smem:$0x3FAD]  }
0x31: {  	[smem:$0x3FB6] =	sst s10  }
0x32: {  	s10 =	sld [smem:$0x3FB4];
	_ =	sdelay $0x3  }
0x33: {  	p0 =	seq.s32 s10, $0x1;
	s10 =	sld [smem:$0x3FB6];
	_ =	sdelay $0x3  }
0x34: {  	[smem:$0x3FB6] =	sst s10  }
0x35: {  	s10 =	sld [smem:$0x3FB5];
	_ =	sdelay $0x3  }
0x36: {  	p1 =	seq.s32 s10, $0x1;
	s10 =	sld [smem:$0x3FB6];
	_ =	sdelay $0x3  }
0x37: {  	[smem:$0x3FB6] =	sst s10  }
0x38: {  	s10 =	sld [smem:$0x3FB7]  }
0x39: {  	_ = 	snop;
	(pc) =	sbr.ind lr, $3  }
0x3a: {  	_ = 	snop  }
0x3b: {  	_ = 	snop  }
0x3c: {  	p2 =	seq.s32 s10, $0x1;
	s10 =	sld [smem:$0x3FB6]  }
0x3d: {  	_ =	shalt  }
0x3e: {  	_ =	shalt  }
0x3f: {  	_ =	shalt  }
0x40: {  	_ =	shalt  }
0x41: {  	_ =	shalt  }
0x42: {  	_ =	shalt  }
0x43: {  	_ =	shalt  }
0x44: {  	_ =	shalt  }
0x45: {  	_ =	shalt  }
0x46: {  	_ =	shalt  }
0x47: {  	_ =	shalt  }
0x48: {  	_ =	shalt  }
0x49: {  	_ =	shalt  }
0x4a: {  	_ =	shalt  }
0x4b: {  	_ =	shalt  }
0x4c: {  	_ =	shalt  }
0x4d: {  	_ =	shalt  }
0x4e: {  	_ =	shalt  }
0x4f: {  	_ =	shalt  }
0x50: {  	_ =	shalt  }
0x51: {  	_ =	shalt  }
0x52: {  	_ =	shalt  }
0x53: {  	_ =	shalt  }
0x54: {  	_ =	shalt  }
0x55: {  	_ =	shalt  }
0x56: {  	_ =	shalt  }
0x57: {  	_ =	shalt  }
0x58: {  	_ =	shalt  }
0x59: {  	_ =	shalt  }
0x5a: {  	_ =	shalt  }
0x5b: {  	_ =	shalt  }
0x5c: {  	_ =	shalt  }
0x5d: {  	_ =	shalt  }
0x5e: {  	_ =	shalt  }
0x5f: {  	_ =	shalt  }
0x60: {  	_ =	shalt  }
0x61: {  	_ =	shalt  }
0x62: {  	_ =	shalt  }
0x63: {  	_ =	shalt  }
0x64: {  	_ =	shalt  }
0x65: {  	_ =	shalt  }
0x66: {  	_ =	shalt  }
0x67: {  	_ =	shalt  }
0x68: {  	_ =	shalt  }
0x69: {  	_ =	shalt  }
0x6a: {  	_ =	shalt  }
0x6b: {  	_ =	shalt  }
0x6c: {  	_ =	shalt  }
0x6d: {  	_ =	shalt  }
0x6e: {  	_ =	shalt  }
0x6f: {  	_ =	shalt  }
0x70: {  	_ =	shalt  }
0x71: {  	_ =	shalt  }
0x72: {  	_ =	shalt  }
0x73: {  	_ =	shalt  }
0x74: {  	_ =	shalt  }
0x75: {  	_ =	shalt  }
0x76: {  	_ =	shalt  }
0x77: {  	_ =	shalt  }
0x78: {  	_ =	shalt  }
0x79: {  	_ =	shalt  }
0x7a: {  	_ =	shalt  }
0x7b: {  	_ =	shalt  }
0x7c: {  	_ =	shalt  }
0x7d: {  	_ =	shalt  }
0x7e: {  	_ =	shalt  }
0x7f: {  	_ =	shalt  }
0x80: {  	_ =	shalt  }
0x81: {  	_ =	shalt  }
0x82: {  	_ =	shalt  }
0x83: {  	_ =	shalt  }
0x84: {  	_ =	shalt  }
0x85: {  	_ =	shalt  }
0x86: {  	_ =	shalt  }
0x87: {  	_ =	shalt  }
.Lfunc_end0:
.L_simem_size_0:
called_computation.1_lowered:
.L_overlay_start_0:
0x88: {  	s2 =	sld [smem:$0x3FD9]  }
0x89: {  	s3 =	sld [smem:$0x3FFE];
	_ =	sdelay $0x1  }
0x8a: {  	s1 =	srdreg.scid  }
0x8b: {  	s0 =	sand.u32 $0x1, s1  }
0x8c: {  	s17 =	sshll.u32 s0, $0xA;
	s2 =	sadd.s32 s3, s2  }
0x8d: {  	s2 =	sadd.s32 s2, s17  }
0x8e: {  	[smem:$0x3FC2] =	sst s2  }
0x8f: {  	_ = 	snop  }
0x90: {  	s2 =	sld [smem:$0x3FD0];
	(tm) =	ssettm $0x1  }
0x91: {  	s18 =	sld [smem:$0x3FFB];
	_ =	sdelay $0x3  }
0x92: {  	_ =	strace s18  }
0x93: {  	s3 =	sld [smem:$0x3FFC];
	_ =	sdelay $0x3  }
0x94: {  	_ =	strace s3  }
0x95: {  	s3 =	sld [smem:$0x3FFD];
	_ =	sdelay $0x3  }
0x96: {  	_ =	strace s3  }
0x97: {  	_ =	strace $0x8FFFFFFF  }
0x98: {  	s19 =	sld [smem:$0x3FDB];
	_ =	sdelay $0x1  }
0x99: {  	s4 =	simm.s32 $_scs_section_size  }
0x9a: {  	s5 =	simm.s32 $_size__tile_overlayer_lowered;
	s6 =	simm.s32 $_tile_overlayer_lowered  }
0x9b: {  	s22 =	simm.s32 $0x1BFF;
	s21 =	sshll.u32 s6, $0x1;
	s3 =	sadd.s32 s4, s19  }
0x9c: {  	s7 =	simm.s32 $0x0;
	s20 =	sshll.u32 s5, $0x1;
	s5 =	sadd.s32 s21, s3  }
0x9d: {  	[timem:s7], [sflag:s22] =	dma.local [hbm:s5], s20  }
0x9e: {  	_ =	swait.ge [sflag:s22], s20  }
0x9f: {  	s4 =	ssub.s32 $0x0, s20;
	[sflag:s22] =	ssyncset.done $0x0  }
0xa0: {  	[sflag:s22] =	ssyncadd.s32 s4;
	_ =	sdelay $0x1  }
0xa1: {  	s23 =	simm.s32 $0x1B8B  }
0xa2: {  	_ =	swait.ge [sflag:s23], $0x1  }
0xa3: {  	[sflag:s23] =	ssyncset.done $0x0  }
0xa4: {  	s25 =	simm.s32 $0x1B8E;
	s24 =	sld [smem:$0x3FFE];
	[sflag:s23] =	ssyncadd.s32 $0xFFFFFFFF  }
0xa5: {  	s26 =	simm.s32 $execute0_lowered;
	[smem:$0x3FD2] =	sst s25  }
0xa6: {  	s5 =	sshll.u32 s26, $0x1;
	_ =	strace $0x80000049;
	[dreg:$0x1] =	wrdreg $0xFFFFFFFF  }
0xa7: {  	s28 =	simm.s32 $_size_execute0_lowered;
	s3 =	sadd.s32 s3, s5;
	[dreg:$0x0] =	wrdreg $0x0  }
0xa8: {  	s5 =	sshll.u32 s28, $0x1;
	[dreg:$0x2] =	wrdreg s3  }
0xa9: {  	[dreg:$0x3] =	wrdreg s5  }
0xaa: {  	[dreg:$0x4] =	wrdreg $0xC0  }
0xab: {  	_ =	task [dreg:s7], $0x5FFFF  }
0xac: {  	[dreg:$0x1] =	wrdreg $0xFFFFFFFF  }
0xad: {  	[dreg:$0x0] =	wrdreg $0x60  }
0xae: {  	[dreg:$0x2] =	wrdreg s24  }
0xaf: {  	[dreg:$0x3] =	wrdreg s2  }
0xb0: {  	[dreg:$0x4] =	wrdreg $0x124400  }
0xb1: {  	[dreg:$0x5] =	wrdreg $0x88000  }
0xb2: {  	[dreg:$0x6] =	wrdreg $0x9  }
0xb3: {  	_ =	task.clear_ibuf [dreg:s7], $0x7FFFF;
	_ =	strace $0x90000049  }
0xb4: {  	s29 =	simm.s32 $0x9;
	_ =	strace $0x8000004B  }
0xb5: {  	_ =	swait.ge [sflag:s29], $0x1  }
0xb6: {  	[sflag:s29] =	ssyncadd.s32 $0xFFFFFFFF  }
0xb7: {  	_ =	strace $0x9000004B  }
0xb8: {  	_ =	sfence  }
0xb9: {  	s30 =	sld [smem:$0x0];
	_ =	sdelay $0x2  }
0xba: {  	s31 =	sshll.u32 s1, $0xD;
	s1 =	sshrl.u32 s1, $0x2  }
0xbb: {  	s3 =	sand.u32 $0x4000, s31;
	s1 =	sadd.s32 s1, s30  }
0xbc: {  	s0 =	sor.u32 s3, s0;
	s1 =	sshll.u32 s1, $0x11  }
0xbd: {  	s0 =	sor.u32 s1, s0  }
0xbe: {  	s0 =	sadd.s32 $0x8F2B, s0  }
0xbf: {  	[sflag:s0] =	ssyncadd.remote.s32 $0x1  }
0xc0: {  	_ =	sfence.sel $0xFFFF  }
0xc1: {  	[dreg:$0x0] =	wrdreg $0xFFFFFFFF;
	(pc) =	sbr.abs _section_cstart, $3  }
0xc2: {  	[dreg:$0x1] =	wrdreg $0xFFFFFFFF  }
0xc3: {  	_ =	task.clear_ibuf [dreg:s7], $0x2FFFF;
	_ =	strace $0x9FFFFFFF  }
0xc4: {  	(tm) =	ssettm $0x7FFFFFFF  }
0xc5: {  	_ =	shalt  }
tec
execute0_lowered:
.L_overlay_start_1:
0x0: {  	(tag) =	ssettag $0x1  }
0x1: {  	s0 =	rddreg [dreg:$0x0]  }
0x2: {  	s1 =	srdreg.scid;
	s6 =	rddreg [dreg:$0x1]  }
0x3: {  	s14 =	stileid.u32;
	s2 =	rddreg [dreg:$0x2]  }
0x4: {  	s3 =	rddreg [dreg:$0x3];
	s4 =	simm.s32 $0x0;
	s20 =	simm.s32 $0x480  }
0x5: {  	s21 =	simm.s32 $0x180;
	s22 =	simm.s32 $0x580;
	s28 =	simm.s32 $0x800  }
0x6: {  	s29 =	simm.s32 $0x2800;
	s30 =	simm.s32 $0x300;
	s31 =	simm.s32 $0x700  }
0x7: {  	s1 =	sand.u32 $0x1, s1;
	s8 =	smul.u32 $0x9C40, s14;
	[smem:$0x7FF] =	sst s4  }
0x8: {  	s9 =	smul.u32 $0x9E00, s14;
	s11 =	sadd.s32 $0xBC00, s0;
	s25 =	sshll.u32 s14, $0x6  }
0x9: {  	s13 =	smul.u32 $0x5000, s14;
	_ =	strace $0x8000004A;
	[dreg:$0xc] =	wrdreg s25  }
0xa: {  	s12 =	sadd.s32 $0x1C00, s0;
	s14 =	smul.u32 $0xA00, s14;
	[dreg:$0x5] =	wrdreg s20  }
0xb: {  	s5 =	smul.u32 $0x9E000, s1;
	s1 =	ssub.s32 $0x2, s1;
	[dreg:$0x6] =	wrdreg s21  }
0xc: {  	s20 =	simm.s32 $0x400;
	s21 =	simm.s32 $0x100;
	[dreg:$0x7] =	wrdreg s22  }
0xd: {  	s22 =	simm.s32 $0x500;
	s23 =	sshrl.u32 s1, $0x1;
	s17 =	sadd.s32 s9, s2  }
0xe: {  	s24 =	sshrl.u32 s9, $0x3;
	s26 =	sshrl.u32 s13, $0x3;
	s7 =	sadd.s32 s8, s5  }
0xf: {  	s5 =	sadd.s32 s9, s5;
	s1 =	ssub.s32 s1, s23;
	s6 =	sadd.s32 s6, s24  }
0x10: {  	s8 =	sadd.s32 s8, s3;
	s13 =	sadd.s32 s12, s26;
	s17 =	sshrl.u32 s17, $0x3  }
0x11: {  	s23 =	simm.s32 $0x280;
	s24 =	simm.s32 $0x680;
	[dreg:$0xd] =	wrdreg s6  }
0x12: {  	s7 =	sshrl.u32 s7, $0x3;
	s5 =	sshrl.u32 s5, $0x3;
	[dreg:$0x10] =	wrdreg s13  }
0x13: {  	s6 =	sor.u32 $0x20, s26;
	s18 =	smax.u32 s1, $0x1;
	[dreg:$0x8] =	wrdreg s23  }
0x14: {  	s19 =	sshrl.u32 s8, $0x3;
	s23 =	simm.s32 $0x200;
	[dreg:$0x9] =	wrdreg s24  }
0x15: {  	s24 =	simm.s32 $0x600;
	s1 =	simm.s32 $0x4800;
	[dreg:$0x14] =	wrdreg s18  }
0x16: {  	s8 =	simm.s32 $0x4;
	s15 =	sadd.s32 s11, s6;
	[dreg:$0x15] =	wrdreg s19  }
0x17: {  	s10 =	sadd.s32 s7, s0;
	s16 =	sadd.s32 s12, s6;
	[dreg:$0x11] =	wrdreg s15  }
0x18: {  	s7 =	sor.u32 $0x1C01, s25;
	s25 =	simm.s32 $0x380;
	[dreg:$0x12] =	wrdreg s16  }
0x19: {  	s0 =	sadd.s32 s5, s0;
	s9 =	sadd.s32 $0x15C00, s10;
	[dreg:$0xa] =	wrdreg s25  }
0x1a: {  	s19 =	simm.s32 $0x1;
	s10 =	sadd.s32 s11, s26;
	[dreg:$0xe] =	wrdreg s9  }
0x1b: {  	s6 =	simm.s32 $0x2;
	s0 =	sadd.s32 $0x3D400, s0;
	[dreg:$0xf] =	wrdreg s10  }
0x1c: {  	s15 =	sadd.s32 s14, s12;
	s26 =	simm.s32 $0x780;
	[dreg:$0x13] =	wrdreg s0  }
0x1d: {  	s16 =	sadd.s32 s14, s11;
	s25 =	simm.s32 $0x3;
	[dreg:$0xb] =	wrdreg s26  }
0x1e: {  	s26 =	simm.s32 $0x80;
	s0 =	simm.s32 $0x6800;
	s9 =	simm.s32 $0x0  }
.LBB2_1:
0x1f: {  	s5 =	rddreg [dreg:$0xd]  }
0x20: {  	[spmem:s17], [sflag:s7] =	dma.local [hbm:s5], $0x13C0  }
0x21: {  	s5 =	rddreg [dreg:$0xe]  }
0x22: {  	s10 =	rddreg [dreg:$0x15]  }
0x23: {  	[spmem:s10], [sflag:s7] =	dma.local [hbm:s5], $0x1388  }
0x24: {  	_ =	swait.ge [sflag:s19], $0x13C0  }
0x25: {  	[sflag:s19] =	ssyncset.done $0x0  }
0x26: {  	[sflag:s19] =	ssyncadd.s32 $0xFFFFEC40  }
0x27: {  	_ =	swait.ge [sflag:s19], $0x1388  }
0x28: {  	[sflag:s19] =	ssyncset.done $0x0  }
0x29: {  	s11 =	rddreg [dreg:$0xf];
	[sflag:s19] =	ssyncadd.s32 $0xFFFFEC78  }
0x2a: {  	[tilespmem:s4], [sflag:$0x3] =	stream.linear.gather [hbm4b:s11+s4], $0x100, $0x38;
	[tilespmem:$0x1C240] =	vst v63  }
0x2b: {  	s12 =	rddreg [dreg:$0x10]  }
0x2c: {  	[tilespmem:s20], [sflag:$0x3] =	stream.linear.gather [hbm4b:s12+s4], $0x100, $0x38;
	[tilespmem:$0x1C240] =	vst v63  }
0x2d: {  	p0 =	por $0x1, $0x1;
	s13 =	rddreg [dreg:$0x11]  }
0x2e: {  	[tilespmem:s21], [sflag:$0x3] =	stream.linear.gather [hbm4b:s13+s4], $0x100, $0x38;
	[tilespmem:$0x1C240] =	vst v63  }
0x2f: {  	p0 =	por p0, p0;
	s14 =	rddreg [dreg:$0x12]  }
0x30: {  	[tilespmem:s22], [sflag:$0x3] =	stream.linear.gather [hbm4b:s14+s4], $0x100, $0x38;
	[tilespmem:$0x1C240] =	vst v63  }
0x31: {  	s10 =	simm.s32 @!p0 $0x2;
	[bflag:$0x0] =	sbarrier.arrive $0xFFFF  }
0x32: {  	_ =	swait.ge @!p0 [sflag:s10], $0x2000  }
0x33: {  	[sflag:s10] =	ssyncset.done @!p0 $0x0  }
0x34: {  	[sflag:s10] =	ssyncadd.s32 @!p0 $0xFFFFE000  }
0x35: {  	_ =	swait.ge @!p0 [sflag:s10], $0x2000  }
0x36: {  	s11 =	sadd.s32 $0x0, s16;
	[sflag:s10] =	ssyncset.done @!p0 $0x0  }
0x37: {  	s12 =	sadd.s32 $0x40, s11;
	s13 =	sadd.s32 $0x0, s15;
	[sflag:s10] =	ssyncadd.s32 @!p0 $0xFFFFE000  }
0x38: {  	[tilespmem:s23], [sflag:$0x3] =	stream.linear.gather [hbm4b:s12+s4], $0x100, $0x38;
	[tilespmem:$0x1C240] =	vst v63  }
0x39: {  	s18 =	sadd.s32 $0x40, s13  }
0x3a: {  	[tilespmem:s24], [sflag:$0x3] =	stream.linear.gather [hbm4b:s18+s4], $0x100, $0x38;
	[tilespmem:$0x1C240] =	vst v63  }
0x3b: {  	_ =	swait.ge [sflag:s25], $0x100  }
0x3c: {  	[sflag:s25] =	ssyncset.done $0x0  }
0x3d: {  	[sflag:s25] =	ssyncadd.s32 $0xFFFFFF00  }
0x3e: {  	_ =	swait.ge [sflag:s25], $0x100  }
0x3f: {  	[sflag:s25] =	ssyncset.done $0x0  }
0x40: {  	[sflag:s25] =	ssyncadd.s32 $0xFFFFFF00  }
0x41: {  	[tilespmem:s28], [sflag:$0x1] =	stream.indirect.gather [spmem:s3], $0x40, s4, s26, $0xb8;
	[tilespmem:$0x1C240] =	vst v63  }
0x42: {  	_ = 	snop  }
0x43: {  	[tilespmem:s29], [sflag:$0x1] =	stream.indirect.gather [spmem:s3], $0x40, s26, s26, $0xb8;
	[tilespmem:$0x1C240] =	vst v63  }
0x44: {  	_ =	swait.ge [sflag:s19], $0x2000  }
0x45: {  	[sflag:s19] =	ssyncset.done $0x0  }
0x46: {  	[sflag:s19] =	ssyncadd.s32 $0xFFFFE000  }
0x47: {  	[spmem:s2] =	stream.indirect.scatter.add.f32 [tilespmem:s28], [sflag:$0x2], $0x40, s20, s26, $0xb8;
	[tilespmem:$0x1C240] =	vst v63  }
0x48: {  	_ =	swait.ge [sflag:s19], $0x2000  }
0x49: {  	[sflag:s19] =	ssyncset.done $0x0  }
0x4a: {  	s5 =	rddreg [dreg:$0x5];
	[sflag:s19] =	ssyncadd.s32 $0xFFFFE000  }
0x4b: {  	[spmem:s2] =	stream.indirect.scatter.add.f32 [tilespmem:s29], [sflag:$0x2], $0x40, s5, s26, $0xb8;
	[tilespmem:$0x1C240] =	vst v63  }
0x4c: {  	_ =	swait.ge @!p0 [sflag:s10], $0x2000  }
0x4d: {  	[sflag:s10] =	ssyncset.done @!p0 $0x0  }
0x4e: {  	[sflag:s10] =	ssyncadd.s32 @!p0 $0xFFFFE000  }
0x4f: {  	_ =	swait.ge @!p0 [sflag:s10], $0x2000  }
0x50: {  	[sflag:s10] =	ssyncset.done @!p0 $0x0  }
0x51: {  	s12 =	sadd.s32 $0x60, s11;
	[sflag:s10] =	ssyncadd.s32 @!p0 $0xFFFFE000  }
0x52: {  	[tilespmem:s30], [sflag:$0x3] =	stream.linear.gather [hbm4b:s12+s4], $0x100, $0x38;
	[tilespmem:$0x1C240] =	vst v63  }
0x53: {  	s13 =	sadd.s32 $0x60, s13  }
0x54: {  	[tilespmem:s31], [sflag:$0x3] =	stream.linear.gather [hbm4b:s13+s4], $0x100, $0x38;
	[tilespmem:$0x1C240] =	vst v63  }
0x55: {  	_ =	swait.ge [sflag:s25], $0x100  }
0x56: {  	[sflag:s25] =	ssyncset.done $0x0  }
0x57: {  	[sflag:s25] =	ssyncadd.s32 $0xFFFFFF00  }
0x58: {  	_ =	swait.ge [sflag:s25], $0x100  }
0x59: {  	[sflag:s25] =	ssyncset.done $0x0  }
0x5a: {  	[sflag:s25] =	ssyncadd.s32 $0xFFFFFF00  }
0x5b: {  	[tilespmem:s1], [sflag:$0x1] =	stream.indirect.gather [spmem:s3], $0x40, s21, s26, $0xb8;
	[tilespmem:$0x1C240] =	vst v63  }
0x5c: {  	s14 =	rddreg [dreg:$0x6]  }
0x5d: {  	[tilespmem:s0], [sflag:$0x1] =	stream.indirect.gather [spmem:s3], $0x40, s14, s26, $0xb8;
	[tilespmem:$0x1C240] =	vst v63  }
0x5e: {  	_ =	swait.ge [sflag:s19], $0x2000  }
0x5f: {  	[sflag:s19] =	ssyncset.done $0x0  }
0x60: {  	[sflag:s19] =	ssyncadd.s32 $0xFFFFE000  }
0x61: {  	[spmem:s2] =	stream.indirect.scatter.add.f32 [tilespmem:s1], [sflag:$0x2], $0x40, s22, s26, $0xb8;
	[tilespmem:$0x1C240] =	vst v63  }
0x62: {  	_ =	swait.ge [sflag:s19], $0x2000  }
0x63: {  	[sflag:s19] =	ssyncset.done $0x0  }
0x64: {  	s18 =	rddreg [dreg:$0x7];
	[sflag:s19] =	ssyncadd.s32 $0xFFFFE000  }
0x65: {  	[spmem:s2] =	stream.indirect.scatter.add.f32 [tilespmem:s0], [sflag:$0x2], $0x40, s18, s26, $0xb8;
	[tilespmem:$0x1C240] =	vst v63  }
0x66: {  	_ =	swait.ge [sflag:s6], $0x2000  }
0x67: {  	[sflag:s6] =	ssyncset.done $0x0  }
0x68: {  	[sflag:s6] =	ssyncadd.s32 $0xFFFFE000  }
0x69: {  	p0 =	por $0x0, $0x0;
	_ =	swait.ge [sflag:s6], $0x2000  }
0x6a: {  	s10 =	sadd.s32 @!p0 $0x0, s16;
	s11 =	sadd.s32 @!p0 $0x0, s15;
	[sflag:s6] =	ssyncset.done $0x0  }
0x6b: {  	s12 =	sadd.s32 @!p0 $0x80, s10;
	s13 =	simm.s32 @!p0 $0x0;
	[sflag:s6] =	ssyncadd.s32 $0xFFFFE000  }
0x6c: {  	[tilespmem:s13], [sflag:$0x3] =	stream.linear.gather @!p0 [hbm4b:s12+s13], $0x100, $0x38;
	[tilespmem:$0x1C240] =	vst v63  }
0x6d: {  	s14 =	simm.s32 @!p0 $0x400;
	s12 =	sadd.s32 @!p0 $0x80, s11  }
0x6e: {  	[tilespmem:s14], [sflag:$0x3] =	stream.linear.gather @!p0 [hbm4b:s12+s13], $0x100, $0x38;
	[tilespmem:$0x1C240] =	vst v63  }
0x6f: {  	_ =	swait.ge [sflag:s25], $0x100  }
0x70: {  	[sflag:s25] =	ssyncset.done $0x0  }
0x71: {  	[sflag:s25] =	ssyncadd.s32 $0xFFFFFF00  }
0x72: {  	_ =	swait.ge [sflag:s25], $0x100  }
0x73: {  	[sflag:s25] =	ssyncset.done $0x0  }
0x74: {  	[sflag:s25] =	ssyncadd.s32 $0xFFFFFF00  }
0x75: {  	[tilespmem:s28], [sflag:$0x1] =	stream.indirect.gather [spmem:s3], $0x40, s23, s26, $0xb8;
	[tilespmem:$0x1C240] =	vst v63  }
0x76: {  	s5 =	rddreg [dreg:$0x8]  }
0x77: {  	[tilespmem:s29], [sflag:$0x1] =	stream.indirect.gather [spmem:s3], $0x40, s5, s26, $0xb8;
	[tilespmem:$0x1C240] =	vst v63  }
0x78: {  	_ =	swait.ge [sflag:s19], $0x2000  }
0x79: {  	[sflag:s19] =	ssyncset.done $0x0  }
0x7a: {  	[sflag:s19] =	ssyncadd.s32 $0xFFFFE000  }
0x7b: {  	[spmem:s2] =	stream.indirect.scatter.add.f32 [tilespmem:s28], [sflag:$0x2], $0x40, s24, s26, $0xb8;
	[tilespmem:$0x1C240] =	vst v63  }
0x7c: {  	_ =	swait.ge [sflag:s19], $0x2000  }
0x7d: {  	[sflag:s19] =	ssyncset.done $0x0  }
0x7e: {  	s14 =	rddreg [dreg:$0x9];
	[sflag:s19] =	ssyncadd.s32 $0xFFFFE000  }
0x7f: {  	[spmem:s2] =	stream.indirect.scatter.add.f32 [tilespmem:s29], [sflag:$0x2], $0x40, s14, s26, $0xb8;
	[tilespmem:$0x1C240] =	vst v63  }
0x80: {  	_ =	swait.ge [sflag:s6], $0x2000  }
0x81: {  	[sflag:s6] =	ssyncset.done $0x0  }
0x82: {  	[sflag:s6] =	ssyncadd.s32 $0xFFFFE000  }
0x83: {  	_ =	swait.ge [sflag:s6], $0x2000  }
0x84: {  	[sflag:s6] =	ssyncset.done $0x0  }
0x85: {  	s10 =	sadd.s32 @!p0 $0xA0, s10;
	s12 =	simm.s32 @!p0 $0x100;
	[sflag:s6] =	ssyncadd.s32 $0xFFFFE000  }
0x86: {  	[tilespmem:s12], [sflag:$0x3] =	stream.linear.gather @!p0 [hbm4b:s10+s13], $0x100, $0x38;
	[tilespmem:$0x1C240] =	vst v63  }
0x87: {  	s10 =	sadd.s32 @!p0 $0xA0, s11;
	s11 =	simm.s32 @!p0 $0x500  }
0x88: {  	[tilespmem:s11], [sflag:$0x3] =	stream.linear.gather @!p0 [hbm4b:s10+s13], $0x100, $0x38;
	[tilespmem:$0x1C240] =	vst v63  }
0x89: {  	_ =	swait.ge [sflag:s25], $0x100  }
0x8a: {  	[sflag:s25] =	ssyncset.done $0x0  }
0x8b: {  	[sflag:s25] =	ssyncadd.s32 $0xFFFFFF00  }
0x8c: {  	_ =	swait.ge [sflag:s25], $0x100  }
0x8d: {  	[sflag:s25] =	ssyncset.done $0x0  }
0x8e: {  	[sflag:s25] =	ssyncadd.s32 $0xFFFFFF00  }
0x8f: {  	[tilespmem:s1], [sflag:$0x1] =	stream.indirect.gather [spmem:s3], $0x40, s30, s26, $0xb8;
	[tilespmem:$0x1C240] =	vst v63  }
0x90: {  	s18 =	rddreg [dreg:$0xa]  }
0x91: {  	[tilespmem:s0], [sflag:$0x1] =	stream.indirect.gather [spmem:s3], $0x40, s18, s26, $0xb8;
	[tilespmem:$0x1C240] =	vst v63  }
0x92: {  	_ =	swait.ge [sflag:s19], $0x2000  }
0x93: {  	[sflag:s19] =	ssyncset.done $0x0  }
0x94: {  	[sflag:s19] =	ssyncadd.s32 $0xFFFFE000  }
0x95: {  	[spmem:s2] =	stream.indirect.scatter.add.f32 [tilespmem:s1], [sflag:$0x2], $0x40, s31, s26, $0xb8;
	[tilespmem:$0x1C240] =	vst v63  }
0x96: {  	p6 =	por $0x0, $0x0;
	_ =	swait.ge [sflag:s19], $0x2000  }
0x97: {  	s10 =	simm.s32 $0x80;
	s11 =	simm.s32 $0x100;
	[sflag:s19] =	ssyncset.done $0x0  }
0x98: {  	p0 =	por p6, p6;
	s12 =	rddreg [dreg:$0xb];
	[sflag:s19] =	ssyncadd.s32 $0xFFFFE000  }
.LBB2_2:
0x99: {  	[spmem:s2] =	stream.indirect.scatter.add.f32 [tilespmem:s0], [sflag:$0x2], $0x40, s12, s26, $0xb8;
	[tilespmem:$0x1C240] =	vst v63  }
0x9a: {  	s13 =	simm.s32 @!p0 $0x2  }
0x9b: {  	_ =	swait.ge @!p0 [sflag:s13], $0x2000  }
0x9c: {  	[sflag:s13] =	ssyncset.done @!p0 $0x0  }
0x9d: {  	[sflag:s13] =	ssyncadd.s32 @!p0 $0xFFFFE000  }
0x9e: {  	_ =	swait.ge @!p0 [sflag:s13], $0x2000  }
0x9f: {  	s14 =	sadd.s32 s10, s16;
	[sflag:s13] =	ssyncset.done @!p0 $0x0  }
0xa0: {  	s5 =	sadd.s32 s10, s15;
	s18 =	sadd.s32 $0x40, s14;
	[sflag:s13] =	ssyncadd.s32 @!p0 $0xFFFFE000  }
0xa1: {  	[tilespmem:s23], [sflag:$0x3] =	stream.linear.gather [hbm4b:s18+s4], $0x100, $0x38;
	[tilespmem:$0x1C240] =	vst v63  }
0xa2: {  	s18 =	sadd.s32 $0x40, s5  }
0xa3: {  	[tilespmem:s24], [sflag:$0x3] =	stream.linear.gather [hbm4b:s18+s4], $0x100, $0x38;
	[tilespmem:$0x1C240] =	vst v63  }
0xa4: {  	_ =	swait.ge [sflag:s25], $0x100  }
0xa5: {  	[sflag:s25] =	ssyncset.done $0x0  }
0xa6: {  	[sflag:s25] =	ssyncadd.s32 $0xFFFFFF00  }
0xa7: {  	_ =	swait.ge [sflag:s25], $0x100  }
0xa8: {  	[sflag:s25] =	ssyncset.done $0x0  }
0xa9: {  	[sflag:s25] =	ssyncadd.s32 $0xFFFFFF00  }
0xaa: {  	[tilespmem:s28], [sflag:$0x1] =	stream.indirect.gather [spmem:s3], $0x40, s4, s26, $0xb8;
	[tilespmem:$0x1C240] =	vst v63  }
0xab: {  	_ = 	snop  }
0xac: {  	[tilespmem:s29], [sflag:$0x1] =	stream.indirect.gather [spmem:s3], $0x40, s26, s26, $0xb8;
	[tilespmem:$0x1C240] =	vst v63  }
0xad: {  	_ =	swait.ge [sflag:s19], $0x2000  }
0xae: {  	[sflag:s19] =	ssyncset.done $0x0  }
0xaf: {  	[sflag:s19] =	ssyncadd.s32 $0xFFFFE000  }
0xb0: {  	[spmem:s2] =	stream.indirect.scatter.add.f32 [tilespmem:s28], [sflag:$0x2], $0x40, s20, s26, $0xb8;
	[tilespmem:$0x1C240] =	vst v63  }
0xb1: {  	_ =	swait.ge [sflag:s19], $0x2000  }
0xb2: {  	[sflag:s19] =	ssyncset.done $0x0  }
0xb3: {  	s18 =	rddreg [dreg:$0x5];
	[sflag:s19] =	ssyncadd.s32 $0xFFFFE000  }
0xb4: {  	[spmem:s2] =	stream.indirect.scatter.add.f32 [tilespmem:s29], [sflag:$0x2], $0x40, s18, s26, $0xb8;
	[tilespmem:$0x1C240] =	vst v63  }
0xb5: {  	_ =	swait.ge @!p0 [sflag:s13], $0x2000  }
0xb6: {  	[sflag:s13] =	ssyncset.done @!p0 $0x0  }
0xb7: {  	[sflag:s13] =	ssyncadd.s32 @!p0 $0xFFFFE000  }
0xb8: {  	_ =	swait.ge @!p0 [sflag:s13], $0x2000  }
0xb9: {  	[sflag:s13] =	ssyncset.done @!p0 $0x0  }
0xba: {  	s18 =	sadd.s32 $0x60, s14;
	[sflag:s13] =	ssyncadd.s32 @!p0 $0xFFFFE000  }
0xbb: {  	[tilespmem:s30], [sflag:$0x3] =	stream.linear.gather [hbm4b:s18+s4], $0x100, $0x38;
	[tilespmem:$0x1C240] =	vst v63  }
0xbc: {  	s5 =	sadd.s32 $0x60, s5  }
0xbd: {  	[tilespmem:s31], [sflag:$0x3] =	stream.linear.gather [hbm4b:s5+s4], $0x100, $0x38;
	[tilespmem:$0x1C240] =	vst v63  }
0xbe: {  	_ =	swait.ge [sflag:s25], $0x100  }
0xbf: {  	[sflag:s25] =	ssyncset.done $0x0  }
0xc0: {  	[sflag:s25] =	ssyncadd.s32 $0xFFFFFF00  }
0xc1: {  	_ =	swait.ge [sflag:s25], $0x100  }
0xc2: {  	[sflag:s25] =	ssyncset.done $0x0  }
0xc3: {  	[sflag:s25] =	ssyncadd.s32 $0xFFFFFF00  }
0xc4: {  	[tilespmem:s1], [sflag:$0x1] =	stream.indirect.gather [spmem:s3], $0x40, s21, s26, $0xb8;
	[tilespmem:$0x1C240] =	vst v63  }
0xc5: {  	s13 =	rddreg [dreg:$0x6]  }
0xc6: {  	[tilespmem:s0], [sflag:$0x1] =	stream.indirect.gather [spmem:s3], $0x40, s13, s26, $0xb8;
	[tilespmem:$0x1C240] =	vst v63  }
0xc7: {  	_ =	swait.ge [sflag:s19], $0x2000  }
0xc8: {  	[sflag:s19] =	ssyncset.done $0x0  }
0xc9: {  	[sflag:s19] =	ssyncadd.s32 $0xFFFFE000  }
0xca: {  	[spmem:s2] =	stream.indirect.scatter.add.f32 [tilespmem:s1], [sflag:$0x2], $0x40, s22, s26, $0xb8;
	[tilespmem:$0x1C240] =	vst v63  }
0xcb: {  	_ =	swait.ge [sflag:s19], $0x2000  }
0xcc: {  	[sflag:s19] =	ssyncset.done $0x0  }
0xcd: {  	s14 =	rddreg [dreg:$0x7];
	[sflag:s19] =	ssyncadd.s32 $0xFFFFE000  }
0xce: {  	[spmem:s2] =	stream.indirect.scatter.add.f32 [tilespmem:s0], [sflag:$0x2], $0x40, s14, s26, $0xb8;
	[tilespmem:$0x1C240] =	vst v63  }
0xcf: {  	_ =	swait.ge [sflag:s6], $0x2000  }
0xd0: {  	s12 =	smov.u32 s11;
	[sflag:s6] =	ssyncset.done $0x0  }
0xd1: {  	p2 =	seq.s32 s12, $0x0;
	[sflag:s6] =	ssyncadd.s32 $0xFFFFE000  }
0xd2: {  	p0 =	por p2, p2;
	p2 =	seq.s32 s10, $0x980;
	_ =	swait.ge [sflag:s6], $0x2000  }
0xd3: {  	s5 =	sadd.s32 @!p2 s10, s16;
	s10 =	sadd.s32 @!p2 s10, s15;
	[sflag:s6] =	ssyncset.done $0x0  }
0xd4: {  	s13 =	simm.s32 @!p2 $0x0;
	s14 =	sadd.s32 @!p2 $0x80, s5;
	[sflag:s6] =	ssyncadd.s32 $0xFFFFE000  }
0xd5: {  	[tilespmem:s13], [sflag:$0x3] =	stream.linear.gather @!p2 [hbm4b:s14+s13], $0x100, $0x38;
	[tilespmem:$0x1C240] =	vst v63  }
0xd6: {  	s18 =	simm.s32 @!p2 $0x400;
	s14 =	sadd.s32 @!p2 $0x80, s10  }
0xd7: {  	[tilespmem:s18], [sflag:$0x3] =	stream.linear.gather @!p2 [hbm4b:s14+s13], $0x100, $0x38;
	[tilespmem:$0x1C240] =	vst v63  }
0xd8: {  	_ =	swait.ge [sflag:s25], $0x100  }
0xd9: {  	[sflag:s25] =	ssyncset.done $0x0  }
0xda: {  	[sflag:s25] =	ssyncadd.s32 $0xFFFFFF00  }
0xdb: {  	_ =	swait.ge [sflag:s25], $0x100  }
0xdc: {  	[sflag:s25] =	ssyncset.done $0x0  }
0xdd: {  	[sflag:s25] =	ssyncadd.s32 $0xFFFFFF00  }
0xde: {  	[tilespmem:s28], [sflag:$0x1] =	stream.indirect.gather [spmem:s3], $0x40, s23, s26, $0xb8;
	[tilespmem:$0x1C240] =	vst v63  }
0xdf: {  	s18 =	rddreg [dreg:$0x8]  }
0xe0: {  	[tilespmem:s29], [sflag:$0x1] =	stream.indirect.gather [spmem:s3], $0x40, s18, s26, $0xb8;
	[tilespmem:$0x1C240] =	vst v63  }
0xe1: {  	_ =	swait.ge [sflag:s19], $0x2000  }
0xe2: {  	[sflag:s19] =	ssyncset.done $0x0  }
0xe3: {  	[sflag:s19] =	ssyncadd.s32 $0xFFFFE000  }
0xe4: {  	[spmem:s2] =	stream.indirect.scatter.add.f32 [tilespmem:s28], [sflag:$0x2], $0x40, s24, s26, $0xb8;
	[tilespmem:$0x1C240] =	vst v63  }
0xe5: {  	_ =	swait.ge [sflag:s19], $0x2000  }
0xe6: {  	[sflag:s19] =	ssyncset.done $0x0  }
0xe7: {  	s18 =	rddreg [dreg:$0x9];
	[sflag:s19] =	ssyncadd.s32 $0xFFFFE000  }
0xe8: {  	[spmem:s2] =	stream.indirect.scatter.add.f32 [tilespmem:s29], [sflag:$0x2], $0x40, s18, s26, $0xb8;
	[tilespmem:$0x1C240] =	vst v63  }
0xe9: {  	_ =	swait.ge [sflag:s6], $0x2000  }
0xea: {  	[sflag:s6] =	ssyncset.done $0x0  }
0xeb: {  	[sflag:s6] =	ssyncadd.s32 $0xFFFFE000  }
0xec: {  	_ =	swait.ge [sflag:s6], $0x2000  }
0xed: {  	s5 =	sadd.s32 @!p2 $0xA0, s5;
	s14 =	sadd.s32 @!p2 $0xA0, s10;
	[sflag:s6] =	ssyncset.done $0x0  }
0xee: {  	s10 =	smov.u32 s12;
	s12 =	simm.s32 @!p2 $0x100;
	[sflag:s6] =	ssyncadd.s32 $0xFFFFE000  }
0xef: {  	[tilespmem:s12], [sflag:$0x3] =	stream.linear.gather @!p2 [hbm4b:s5+s13], $0x100, $0x38;
	[tilespmem:$0x1C240] =	vst v63  }
0xf0: {  	s5 =	simm.s32 @!p2 $0x500  }
0xf1: {  	[tilespmem:s5], [sflag:$0x3] =	stream.linear.gather @!p2 [hbm4b:s14+s13], $0x100, $0x38;
	[tilespmem:$0x1C240] =	vst v63  }
0xf2: {  	_ =	swait.ge [sflag:s25], $0x100  }
0xf3: {  	[sflag:s25] =	ssyncset.done $0x0  }
0xf4: {  	[sflag:s25] =	ssyncadd.s32 $0xFFFFFF00  }
0xf5: {  	_ =	swait.ge [sflag:s25], $0x100  }
0xf6: {  	[sflag:s25] =	ssyncset.done $0x0  }
0xf7: {  	[sflag:s25] =	ssyncadd.s32 $0xFFFFFF00  }
0xf8: {  	[tilespmem:s1], [sflag:$0x1] =	stream.indirect.gather [spmem:s3], $0x40, s30, s26, $0xb8;
	[tilespmem:$0x1C240] =	vst v63  }
0xf9: {  	s18 =	rddreg [dreg:$0xa]  }
0xfa: {  	[tilespmem:s0], [sflag:$0x1] =	stream.indirect.gather [spmem:s3], $0x40, s18, s26, $0xb8;
	[tilespmem:$0x1C240] =	vst v63  }
0xfb: {  	s11 =	sadd.s32 $0x80, s11;
	_ =	swait.ge [sflag:s19], $0x2000  }
0xfc: {  	p1 =	sne.s32 s11, $0xA00;
	[sflag:s19] =	ssyncset.done $0x0  }
.Ltmp0:
0xfd: {  	[sflag:s19] =	ssyncadd.s32 $0xFFFFE000;
	(pc) =	sbr.rel @p1 .LBB2_2-.Ltmp0, $4  }
0xfe: {  	[spmem:s2] =	stream.indirect.scatter.add.f32 [tilespmem:s1], [sflag:$0x2], $0x40, s31, s26, $0xb8;
	[tilespmem:$0x1C240] =	vst v63  }
0xff: {  	_ =	swait.ge [sflag:s19], $0x2000  }
0x100: {  	[sflag:s19] =	ssyncset.done $0x0  }
0x101: {  	s12 =	rddreg [dreg:$0xb];
	[sflag:s19] =	ssyncadd.s32 $0xFFFFE000  }
0x102: {  	[spmem:s2] =	stream.indirect.scatter.add.f32 [tilespmem:s0], [sflag:$0x2], $0x40, s12, s26, $0xb8;
	[tilespmem:$0x1C240] =	vst v63  }
0x103: {  	s5 =	simm.s32 @!p0 $0x2  }
0x104: {  	_ =	swait.ge @!p0 [sflag:s5], $0x2000  }
0x105: {  	[sflag:s5] =	ssyncset.done @!p0 $0x0  }
0x106: {  	[sflag:s5] =	ssyncadd.s32 @!p0 $0xFFFFE000  }
0x107: {  	_ =	swait.ge @!p0 [sflag:s5], $0x2000  }
0x108: {  	s11 =	sadd.s32 s10, s16;
	[sflag:s5] =	ssyncset.done @!p0 $0x0  }
0x109: {  	s13 =	sadd.s32 s10, s15;
	s14 =	sadd.s32 $0x40, s11;
	[sflag:s5] =	ssyncadd.s32 @!p0 $0xFFFFE000  }
0x10a: {  	[tilespmem:s23], [sflag:$0x3] =	stream.linear.gather [hbm4b:s14+s4], $0x100, $0x38;
	[tilespmem:$0x1C240] =	vst v63  }
0x10b: {  	s18 =	sadd.s32 $0x40, s13  }
0x10c: {  	[tilespmem:s24], [sflag:$0x3] =	stream.linear.gather [hbm4b:s18+s4], $0x100, $0x38;
	[tilespmem:$0x1C240] =	vst v63  }
0x10d: {  	_ =	swait.ge [sflag:s25], $0x100  }
0x10e: {  	[sflag:s25] =	ssyncset.done $0x0  }
0x10f: {  	[sflag:s25] =	ssyncadd.s32 $0xFFFFFF00  }
0x110: {  	_ =	swait.ge [sflag:s25], $0x100  }
0x111: {  	[sflag:s25] =	ssyncset.done $0x0  }
0x112: {  	[sflag:s25] =	ssyncadd.s32 $0xFFFFFF00  }
0x113: {  	[tilespmem:s28], [sflag:$0x1] =	stream.indirect.gather [spmem:s3], $0x40, s4, s26, $0xb8;
	[tilespmem:$0x1C240] =	vst v63  }
0x114: {  	_ = 	snop  }
0x115: {  	[tilespmem:s29], [sflag:$0x1] =	stream.indirect.gather [spmem:s3], $0x40, s26, s26, $0xb8;
	[tilespmem:$0x1C240] =	vst v63  }
0x116: {  	_ =	swait.ge [sflag:s19], $0x2000  }
0x117: {  	[sflag:s19] =	ssyncset.done $0x0  }
0x118: {  	[sflag:s19] =	ssyncadd.s32 $0xFFFFE000  }
0x119: {  	[spmem:s2] =	stream.indirect.scatter.add.f32 [tilespmem:s28], [sflag:$0x2], $0x40, s20, s26, $0xb8;
	[tilespmem:$0x1C240] =	vst v63  }
0x11a: {  	_ =	swait.ge [sflag:s19], $0x2000  }
0x11b: {  	[sflag:s19] =	ssyncset.done $0x0  }
0x11c: {  	s14 =	rddreg [dreg:$0x5];
	[sflag:s19] =	ssyncadd.s32 $0xFFFFE000  }
0x11d: {  	[spmem:s2] =	stream.indirect.scatter.add.f32 [tilespmem:s29], [sflag:$0x2], $0x40, s14, s26, $0xb8;
	[tilespmem:$0x1C240] =	vst v63  }
0x11e: {  	_ =	swait.ge @!p0 [sflag:s5], $0x2000  }
0x11f: {  	[sflag:s5] =	ssyncset.done @!p0 $0x0  }
0x120: {  	[sflag:s5] =	ssyncadd.s32 @!p0 $0xFFFFE000  }
0x121: {  	_ =	swait.ge @!p0 [sflag:s5], $0x2000  }
0x122: {  	[sflag:s5] =	ssyncset.done @!p0 $0x0  }
0x123: {  	s18 =	sadd.s32 $0x60, s11;
	[sflag:s5] =	ssyncadd.s32 @!p0 $0xFFFFE000  }
0x124: {  	[tilespmem:s30], [sflag:$0x3] =	stream.linear.gather [hbm4b:s18+s4], $0x100, $0x38;
	[tilespmem:$0x1C240] =	vst v63  }
0x125: {  	s11 =	sadd.s32 $0x60, s13  }
0x126: {  	[tilespmem:s31], [sflag:$0x3] =	stream.linear.gather [hbm4b:s11+s4], $0x100, $0x38;
	[tilespmem:$0x1C240] =	vst v63  }
0x127: {  	_ =	swait.ge [sflag:s25], $0x100  }
0x128: {  	[sflag:s25] =	ssyncset.done $0x0  }
0x129: {  	[sflag:s25] =	ssyncadd.s32 $0xFFFFFF00  }
0x12a: {  	_ =	swait.ge [sflag:s25], $0x100  }
0x12b: {  	[sflag:s25] =	ssyncset.done $0x0  }
0x12c: {  	[sflag:s25] =	ssyncadd.s32 $0xFFFFFF00  }
0x12d: {  	[tilespmem:s1], [sflag:$0x1] =	stream.indirect.gather [spmem:s3], $0x40, s21, s26, $0xb8;
	[tilespmem:$0x1C240] =	vst v63  }
0x12e: {  	s12 =	rddreg [dreg:$0x6]  }
0x12f: {  	[tilespmem:s0], [sflag:$0x1] =	stream.indirect.gather [spmem:s3], $0x40, s12, s26, $0xb8;
	[tilespmem:$0x1C240] =	vst v63  }
0x130: {  	_ =	swait.ge [sflag:s19], $0x2000  }
0x131: {  	[sflag:s19] =	ssyncset.done $0x0  }
0x132: {  	[sflag:s19] =	ssyncadd.s32 $0xFFFFE000  }
0x133: {  	[spmem:s2] =	stream.indirect.scatter.add.f32 [tilespmem:s1], [sflag:$0x2], $0x40, s22, s26, $0xb8;
	[tilespmem:$0x1C240] =	vst v63  }
0x134: {  	_ =	swait.ge [sflag:s19], $0x2000  }
0x135: {  	[sflag:s19] =	ssyncset.done $0x0  }
0x136: {  	s13 =	rddreg [dreg:$0x7];
	[sflag:s19] =	ssyncadd.s32 $0xFFFFE000  }
0x137: {  	[spmem:s2] =	stream.indirect.scatter.add.f32 [tilespmem:s0], [sflag:$0x2], $0x40, s13, s26, $0xb8;
	[tilespmem:$0x1C240] =	vst v63  }
0x138: {  	_ =	swait.ge [sflag:s6], $0x2000  }
0x139: {  	[sflag:s6] =	ssyncset.done $0x0  }
0x13a: {  	[sflag:s6] =	ssyncadd.s32 $0xFFFFE000  }
0x13b: {  	p0 =	seq.s32 s10, $0x980;
	_ =	swait.ge [sflag:s6], $0x2000  }
0x13c: {  	s5 =	sadd.s32 @!p0 s10, s16;
	s10 =	sadd.s32 @!p0 s10, s15;
	[sflag:s6] =	ssyncset.done $0x0  }
0x13d: {  	s11 =	sadd.s32 @!p0 $0x80, s5;
	s12 =	simm.s32 @!p0 $0x0;
	[sflag:s6] =	ssyncadd.s32 $0xFFFFE000  }
0x13e: {  	[tilespmem:s12], [sflag:$0x3] =	stream.linear.gather @!p0 [hbm4b:s11+s12], $0x100, $0x38;
	[tilespmem:$0x1C240] =	vst v63  }
0x13f: {  	s13 =	simm.s32 @!p0 $0x400;
	s11 =	sadd.s32 @!p0 $0x80, s10  }
0x140: {  	[tilespmem:s13], [sflag:$0x3] =	stream.linear.gather @!p0 [hbm4b:s11+s12], $0x100, $0x38;
	[tilespmem:$0x1C240] =	vst v63  }
0x141: {  	_ =	swait.ge [sflag:s25], $0x100  }
0x142: {  	[sflag:s25] =	ssyncset.done $0x0  }
0x143: {  	[sflag:s25] =	ssyncadd.s32 $0xFFFFFF00  }
0x144: {  	_ =	swait.ge [sflag:s25], $0x100  }
0x145: {  	[sflag:s25] =	ssyncset.done $0x0  }
0x146: {  	[sflag:s25] =	ssyncadd.s32 $0xFFFFFF00  }
0x147: {  	[tilespmem:s28], [sflag:$0x1] =	stream.indirect.gather [spmem:s3], $0x40, s23, s26, $0xb8;
	[tilespmem:$0x1C240] =	vst v63  }
0x148: {  	s14 =	rddreg [dreg:$0x8]  }
0x149: {  	[tilespmem:s29], [sflag:$0x1] =	stream.indirect.gather [spmem:s3], $0x40, s14, s26, $0xb8;
	[tilespmem:$0x1C240] =	vst v63  }
0x14a: {  	_ =	swait.ge [sflag:s19], $0x2000  }
0x14b: {  	[sflag:s19] =	ssyncset.done $0x0  }
0x14c: {  	[sflag:s19] =	ssyncadd.s32 $0xFFFFE000  }
0x14d: {  	[spmem:s2] =	stream.indirect.scatter.add.f32 [tilespmem:s28], [sflag:$0x2], $0x40, s24, s26, $0xb8;
	[tilespmem:$0x1C240] =	vst v63  }
0x14e: {  	_ =	swait.ge [sflag:s19], $0x2000  }
0x14f: {  	[sflag:s19] =	ssyncset.done $0x0  }
0x150: {  	s18 =	rddreg [dreg:$0x9];
	[sflag:s19] =	ssyncadd.s32 $0xFFFFE000  }
0x151: {  	[spmem:s2] =	stream.indirect.scatter.add.f32 [tilespmem:s29], [sflag:$0x2], $0x40, s18, s26, $0xb8;
	[tilespmem:$0x1C240] =	vst v63  }
0x152: {  	_ =	swait.ge [sflag:s6], $0x2000  }
0x153: {  	[sflag:s6] =	ssyncset.done $0x0  }
0x154: {  	[sflag:s6] =	ssyncadd.s32 $0xFFFFE000  }
0x155: {  	_ =	swait.ge [sflag:s6], $0x2000  }
0x156: {  	[sflag:s6] =	ssyncset.done $0x0  }
0x157: {  	s5 =	sadd.s32 @!p0 $0xA0, s5;
	s11 =	simm.s32 @!p0 $0x100;
	[sflag:s6] =	ssyncadd.s32 $0xFFFFE000  }
0x158: {  	[tilespmem:s11], [sflag:$0x3] =	stream.linear.gather @!p0 [hbm4b:s5+s12], $0x100, $0x38;
	[tilespmem:$0x1C240] =	vst v63  }
0x159: {  	s5 =	sadd.s32 @!p0 $0xA0, s10;
	s10 =	simm.s32 @!p0 $0x500  }
0x15a: {  	[tilespmem:s10], [sflag:$0x3] =	stream.linear.gather @!p0 [hbm4b:s5+s12], $0x100, $0x38;
	[tilespmem:$0x1C240] =	vst v63  }
0x15b: {  	_ =	swait.ge [sflag:s25], $0x100  }
0x15c: {  	[sflag:s25] =	ssyncset.done $0x0  }
0x15d: {  	[sflag:s25] =	ssyncadd.s32 $0xFFFFFF00  }
0x15e: {  	_ =	swait.ge [sflag:s25], $0x100  }
0x15f: {  	[sflag:s25] =	ssyncset.done $0x0  }
0x160: {  	[sflag:s25] =	ssyncadd.s32 $0xFFFFFF00  }
0x161: {  	[tilespmem:s1], [sflag:$0x1] =	stream.indirect.gather [spmem:s3], $0x40, s30, s26, $0xb8;
	[tilespmem:$0x1C240] =	vst v63  }
0x162: {  	s11 =	rddreg [dreg:$0xa]  }
0x163: {  	[tilespmem:s0], [sflag:$0x1] =	stream.indirect.gather [spmem:s3], $0x40, s11, s26, $0xb8;
	[tilespmem:$0x1C240] =	vst v63  }
0x164: {  	_ =	swait.ge [sflag:s19], $0x2000  }
0x165: {  	[sflag:s19] =	ssyncset.done $0x0  }
0x166: {  	[sflag:s19] =	ssyncadd.s32 $0xFFFFE000  }
0x167: {  	[spmem:s2] =	stream.indirect.scatter.add.f32 [tilespmem:s1], [sflag:$0x2], $0x40, s31, s26, $0xb8;
	[tilespmem:$0x1C240] =	vst v63  }
0x168: {  	_ =	swait.ge [sflag:s19], $0x2000  }
0x169: {  	[sflag:s19] =	ssyncset.done $0x0  }
0x16a: {  	s12 =	rddreg [dreg:$0xb];
	[sflag:s19] =	ssyncadd.s32 $0xFFFFE000  }
0x16b: {  	[spmem:s2] =	stream.indirect.scatter.add.f32 [tilespmem:s0], [sflag:$0x2], $0x40, s12, s26, $0xb8;
	[tilespmem:$0x1C240] =	vst v63  }
0x16c: {  	_ =	swait.ge [sflag:s6], $0x2000  }
0x16d: {  	[sflag:s6] =	ssyncset.done $0x0  }
0x16e: {  	[sflag:s6] =	ssyncadd.s32 $0xFFFFE000  }
0x16f: {  	_ =	swait.ge [sflag:s6], $0x2000  }
0x170: {  	[sflag:s6] =	ssyncset.done $0x0  }
0x171: {  	[sflag:s6] =	ssyncadd.s32 $0xFFFFE000  }
0x172: {  	_ =	swait.ge [sflag:s6], $0x2000  }
0x173: {  	[sflag:s6] =	ssyncset.done $0x0  }
0x174: {  	[sflag:s6] =	ssyncadd.s32 $0xFFFFE000  }
0x175: {  	_ =	swait.ge [sflag:s6], $0x2000  }
0x176: {  	[sflag:s6] =	ssyncset.done $0x0  }
0x177: {  	[sflag:s6] =	ssyncadd.s32 $0xFFFFE000  }
0x178: {  	[bflag:$0x0] =	sbarrier.arrive $0xFFFF  }
0x179: {  	s13 =	rddreg [dreg:$0xc]  }
0x17a: {  	s14 =	rddreg [dreg:$0x13];
	s5 =	sor.u32 $0x1C04, s13  }
0x17b: {  	[hbm:s14], [sflag:s5] =	dma.local [spmem:s17], $0x13C0  }
0x17c: {  	_ =	swait.ge [sflag:s8], $0x13C0  }
0x17d: {  	s9 =	sadd.s32 $0x1, s9;
	s18 =	rddreg [dreg:$0x14]  }
0x17e: {  	p0 =	sne.s32 s9, s18  }
.Ltmp1:
0x17f: {  	_ = 	snop;
	(pc) =	sbr.rel @p0 .LBB2_1-.Ltmp1, $3  }
0x180: {  	_ =	sdelay $0x1  }
0x181: {  	[sflag:s8] =	ssyncset.done $0x0  }
0x182: {  	[sflag:s8] =	ssyncadd.s32 $0xFFFFEC40  }
0x183: {  	_ =	sfence.sel $0x180000  }
0x184: {  	[bflag:$0x0] =	sbarrier.arrive $0xFFFF  }
0x185: {  	_ =	strace $0x9000004A  }
0x186: {  	s0 =	stileid.u32;
	[bflag:$0x2] =	sbarrier.arrive $0xFFFF  }
0x187: {  	p0 =	sne.s32 s0, $0x0;
	s0 =	rddreg [dreg:$0x4]  }
0x188: {  	s0 =	sadd.s32 @!p0 $0x100000, s0  }
0x189: {  	[sflag:s0] =	ssyncadd.tile.s32 @!p0 $0x1;
	_ =	shalt  }
.Lfunc_end2:
_tile_overlayer_lowered:
.L_overlay_start_2:
0x18a: {  	(tag) =	ssettag $0x2  }
0x18b: {  	s0 =	rddreg [dreg:$0x0];
	s2 =	stileid.u32  }
0x18c: {  	s1 =	rddreg [dreg:$0x1];
	p0 =	sne.s32 s2, $0x0  }
0x18d: {  	s3 =	rddreg [dreg:$0x2];
	[bflag:$0x3] =	sbarrier.arrive $0xFFFF;
	s2 =	simm.s32 @!p0 $0x1C04  }
0x18e: {  	[timem:s3], [sflag:s2] =	dma.local @!p0 [hbm:s0], s1  }
0x18f: {  	s0 =	simm.s32 @!p0 $0x4  }
0x190: {  	_ =	swait.ge @!p0 [sflag:s0], s1  }
0x191: {  	s1 =	ssub.s32 @!p0 $0x0, s1;
	[sflag:s0] =	ssyncset.done @!p0 $0x0  }
0x192: {  	[sflag:s0] =	ssyncadd.s32 @!p0 s1  }
0x193: {  	[bflag:$0x3] =	sbarrier.arrive $0xFFFF  }
0x194: {  	_ =	shalt  }

// kernel: kernel.15.cloned.1.call-start
scs
__scs_entry_jumppad:
0x0: {  	(pc) =	sbr.rel $0x88, $3  }
0x1: {  	(tag) =	ssettag $0x0;
	lr =	simm.s32 $0x1  }
0x2: {  	[smem:$0x3F9B] =	sst lr;
	_ =	strace $0xD0000000  }
0x3: {  	_ = 	snop  }
0x4: {  	_ = 	snop  }
0x5: {  	_ = 	snop  }
0x6: {  	_ = 	snop  }
0x7: {  	_ = 	snop  }
__scs_overlays_trampoline_lowered:
0x8: {  	[smem:$0x3FAA] =	sst s0  }
0x9: {  	[smem:$0x3FAB] =	sst s1  }
0xa: {  	[smem:$0x3FAC] =	sst s2  }
0xb: {  	[smem:$0x3FAD] =	sst s3  }
0xc: {  	[smem:$0x3FAE] =	sst s4  }
0xd: {  	[smem:$0x3FAF] =	sst s5  }
0xe: {  	[smem:$0x3FB0] =	sst s6  }
0xf: {  	[smem:$0x3FB1] =	sst s7  }
0x10: {  	[smem:$0x3FB2] =	sst s8  }
0x11: {  	[smem:$0x3FB3] =	sst s9;
	s0 =	simm.s32 @!p0 $0x0  }
0x12: {  	s1 =	sld [smem:$0x3F99];
	s0 =	simm.s32 @p0 $0x1  }
0x13: {  	[smem:$0x3FB4] =	sst s0;
	s0 =	simm.s32 @!p1 $0x0  }
0x14: {  	s2 =	sld [smem:$0x3F98];
	s0 =	simm.s32 @p1 $0x1  }
0x15: {  	[smem:$0x3FB5] =	sst s0;
	s0 =	simm.s32 @!p2 $0x0  }
0x16: {  	s3 =	sld [smem:$0x3FDB];
	s0 =	simm.s32 @p2 $0x1  }
0x17: {  	s4 =	simm.s32 $0x1BF5;
	[smem:$0x3FB7] =	sst s0  }
0x18: {  	s0 =	sld [smem:$0x3F9A];
	_ =	swait.ge [sflag:s4], $0x0  }
0x19: {  	s7 =	sld [smem:$0x3F9B]  }
0x1a: {  	s8 =	sadd.s32 $0xFFFFE003, lr  }
0x1b: {  	s9 =	sadd.s32 $0xFFFFFEF7, lr;
	s5 =	simm.s32 $0xFFFFFFFF;
	p2 =	slt.u32 s8, $0xFFFFF086  }
0x1c: {  	p1 =	slt.u32 s9, $0xF7A;
	s5 =	simm.s32 @!p2 $0x0  }
0x1d: {  	s5 =	simm.s32 @p1 $0x1;
	p0 =	seq.s32 s7, s2  }
0x1e: {  	s7 =	smul.u32 @!p0 $0xF7A, s2;
	p2 =	seq.s32 @!p0 s5, $0x0  }
0x1f: {  	s9 =	smul.u32 $0xF7A, s1;
	s8 =	simm.s32 @!p0 $0x1BF5;
	p2 =	por !p2, p0  }
0x20: {  	[sflag:s8] =	ssyncset.s32 @!p0 $0xFFFFF086;
	s6 =	sadd.s32 @!p0 s3, s7;
	s7 =	simm.s32 @!p0 $0x108  }
0x21: {  	s3 =	sadd.s32 s3, s9;
	s6 =	sadd.s32 @!p0 $0x88, s6;
	s7 =	simm.s32 @p2 $0x1082  }
0x22: {  	[simem:s7], [sflag:s8] =	dma.local @!p0 [hbm:s6], $0xF7A  }
0x23: {  	s9 =	sor.u32 $0xD0000000, s2;
	s6 =	simm.s32 $0x108;
	_ =	swait.ge @!p0 [sflag:s8], $0x0  }
0x24: {  	s3 =	sadd.s32 $0x88, s3;
	s6 =	simm.s32 @!p1 $0x1082;
	[sflag:s4] =	ssyncset.s32 $0xFFFFF086  }
0x25: {  	[simem:s6], [sflag:s4] =	dma.local [hbm:s3], $0xF7A  }
0x26: {  	[smem:$0x3F9B] =	sst s1;
	(tag) =	ssettag s2;
	_ =	strace s9  }
0x27: {  	s1 =	sld [smem:$0x3FAB]  }
0x28: {  	s2 =	sld [smem:$0x3FAC]  }
0x29: {  	s4 =	sld [smem:$0x3FAE]  }
0x2a: {  	p0 =	seq.s32 s5, $0x0;
	s5 =	sld [smem:$0x3FAF]  }
0x2b: {  	s6 =	sld [smem:$0x3FB0]  }
0x2c: {  	s7 =	sld [smem:$0x3FB1]  }
0x2d: {  	s3 =	simm.s32 $0x108;
	s8 =	sld [smem:$0x3FB2]  }
0x2e: {  	s3 =	simm.s32 @!p0 $0x1082;
	s9 =	sld [smem:$0x3FB3]  }
0x2f: {  	lr =	sadd.s32 s0, s3;
	s0 =	sld [smem:$0x3FAA]  }
0x30: {  	s3 =	sld [smem:$0x3FAD]  }
0x31: {  	[smem:$0x3FB6] =	sst s10  }
0x32: {  	s10 =	sld [smem:$0x3FB4];
	_ =	sdelay $0x3  }
0x33: {  	p0 =	seq.s32 s10, $0x1;
	s10 =	sld [smem:$0x3FB6];
	_ =	sdelay $0x3  }
0x34: {  	[smem:$0x3FB6] =	sst s10  }
0x35: {  	s10 =	sld [smem:$0x3FB5];
	_ =	sdelay $0x3  }
0x36: {  	p1 =	seq.s32 s10, $0x1;
	s10 =	sld [smem:$0x3FB6];
	_ =	sdelay $0x3  }
0x37: {  	[smem:$0x3FB6] =	sst s10  }
0x38: {  	s10 =	sld [smem:$0x3FB7]  }
0x39: {  	_ = 	snop;
	(pc) =	sbr.ind lr, $3  }
0x3a: {  	_ = 	snop  }
0x3b: {  	_ = 	snop  }
0x3c: {  	p2 =	seq.s32 s10, $0x1;
	s10 =	sld [smem:$0x3FB6]  }
0x3d: {  	_ =	shalt  }
0x3e: {  	_ =	shalt  }
0x3f: {  	_ =	shalt  }
0x40: {  	_ =	shalt  }
0x41: {  	_ =	shalt  }
0x42: {  	_ =	shalt  }
0x43: {  	_ =	shalt  }
0x44: {  	_ =	shalt  }
0x45: {  	_ =	shalt  }
0x46: {  	_ =	shalt  }
0x47: {  	_ =	shalt  }
0x48: {  	_ =	shalt  }
0x49: {  	_ =	shalt  }
0x4a: {  	_ =	shalt  }
0x4b: {  	_ =	shalt  }
0x4c: {  	_ =	shalt  }
0x4d: {  	_ =	shalt  }
0x4e: {  	_ =	shalt  }
0x4f: {  	_ =	shalt  }
0x50: {  	_ =	shalt  }
0x51: {  	_ =	shalt  }
0x52: {  	_ =	shalt  }
0x53: {  	_ =	shalt  }
0x54: {  	_ =	shalt  }
0x55: {  	_ =	shalt  }
0x56: {  	_ =	shalt  }
0x57: {  	_ =	shalt  }
0x58: {  	_ =	shalt  }
0x59: {  	_ =	shalt  }
0x5a: {  	_ =	shalt  }
0x5b: {  	_ =	shalt  }
0x5c: {  	_ =	shalt  }
0x5d: {  	_ =	shalt  }
0x5e: {  	_ =	shalt  }
0x5f: {  	_ =	shalt  }
0x60: {  	_ =	shalt  }
0x61: {  	_ =	shalt  }
0x62: {  	_ =	shalt  }
0x63: {  	_ =	shalt  }
0x64: {  	_ =	shalt  }
0x65: {  	_ =	shalt  }
0x66: {  	_ =	shalt  }
0x67: {  	_ =	shalt  }
0x68: {  	_ =	shalt  }
0x69: {  	_ =	shalt  }
0x6a: {  	_ =	shalt  }
0x6b: {  	_ =	shalt  }
0x6c: {  	_ =	shalt  }
0x6d: {  	_ =	shalt  }
0x6e: {  	_ =	shalt  }
0x6f: {  	_ =	shalt  }
0x70: {  	_ =	shalt  }
0x71: {  	_ =	shalt  }
0x72: {  	_ =	shalt  }
0x73: {  	_ =	shalt  }
0x74: {  	_ =	shalt  }
0x75: {  	_ =	shalt  }
0x76: {  	_ =	shalt  }
0x77: {  	_ =	shalt  }
0x78: {  	_ =	shalt  }
0x79: {  	_ =	shalt  }
0x7a: {  	_ =	shalt  }
0x7b: {  	_ =	shalt  }
0x7c: {  	_ =	shalt  }
0x7d: {  	_ =	shalt  }
0x7e: {  	_ =	shalt  }
0x7f: {  	_ =	shalt  }
0x80: {  	_ =	shalt  }
0x81: {  	_ =	shalt  }
0x82: {  	_ =	shalt  }
0x83: {  	_ =	shalt  }
0x84: {  	_ =	shalt  }
0x85: {  	_ =	shalt  }
0x86: {  	_ =	shalt  }
0x87: {  	_ =	shalt  }
.Lfunc_end0:
.L_simem_size_0:
called_computation.2_lowered:
.L_overlay_start_0:
0x88: {  	s2 =	sld [smem:$0x3FD9]  }
0x89: {  	s3 =	sld [smem:$0x3FFE];
	_ =	sdelay $0x1  }
0x8a: {  	s1 =	srdreg.scid  }
0x8b: {  	s0 =	sand.u32 $0x1, s1  }
0x8c: {  	s17 =	sshll.u32 s0, $0xA;
	s2 =	sadd.s32 s3, s2  }
0x8d: {  	s2 =	sadd.s32 s2, s17  }
0x8e: {  	[smem:$0x3FC2] =	sst s2  }
0x8f: {  	_ = 	snop  }
0x90: {  	s2 =	sld [smem:$0x3FD0];
	(tm) =	ssettm $0x1  }
0x91: {  	s18 =	sld [smem:$0x3FFB];
	_ =	sdelay $0x3  }
0x92: {  	_ =	strace s18  }
0x93: {  	s3 =	sld [smem:$0x3FFC];
	_ =	sdelay $0x3  }
0x94: {  	_ =	strace s3  }
0x95: {  	s3 =	sld [smem:$0x3FFD];
	_ =	sdelay $0x3  }
0x96: {  	_ =	strace s3  }
0x97: {  	_ =	strace $0x8FFFFFFF  }
0x98: {  	s19 =	sld [smem:$0x3FDB];
	_ =	sdelay $0x1  }
0x99: {  	s4 =	simm.s32 $_scs_section_size  }
0x9a: {  	s5 =	simm.s32 $_size__tile_overlayer_lowered;
	s6 =	simm.s32 $_tile_overlayer_lowered  }
0x9b: {  	s22 =	simm.s32 $0x1BFF;
	s21 =	sshll.u32 s6, $0x1;
	s3 =	sadd.s32 s4, s19  }
0x9c: {  	s7 =	simm.s32 $0x0;
	s20 =	sshll.u32 s5, $0x1;
	s5 =	sadd.s32 s21, s3  }
0x9d: {  	[timem:s7], [sflag:s22] =	dma.local [hbm:s5], s20  }
0x9e: {  	_ =	swait.ge [sflag:s22], s20  }
0x9f: {  	s4 =	ssub.s32 $0x0, s20;
	[sflag:s22] =	ssyncset.done $0x0  }
0xa0: {  	[sflag:s22] =	ssyncadd.s32 s4;
	_ =	sdelay $0x1  }
0xa1: {  	s23 =	simm.s32 $0x1B8B  }
0xa2: {  	_ =	swait.ge [sflag:s23], $0x1  }
0xa3: {  	[sflag:s23] =	ssyncset.done $0x0  }
0xa4: {  	s25 =	simm.s32 $0x1B8E;
	s24 =	sld [smem:$0x3FFE];
	[sflag:s23] =	ssyncadd.s32 $0xFFFFFFFF  }
0xa5: {  	s26 =	simm.s32 $execute0_lowered;
	[smem:$0x3FD2] =	sst s25  }
0xa6: {  	s5 =	sshll.u32 s26, $0x1;
	_ =	strace $0x8000004C;
	[dreg:$0x1] =	wrdreg $0xFFFFFFFF  }
0xa7: {  	s28 =	simm.s32 $_size_execute0_lowered;
	s3 =	sadd.s32 s3, s5;
	[dreg:$0x0] =	wrdreg $0x0  }
0xa8: {  	s5 =	sshll.u32 s28, $0x1;
	[dreg:$0x2] =	wrdreg s3  }
0xa9: {  	[dreg:$0x3] =	wrdreg s5  }
0xaa: {  	[dreg:$0x4] =	wrdreg $0xC0  }
0xab: {  	_ =	task [dreg:s7], $0x5FFFF  }
0xac: {  	[dreg:$0x1] =	wrdreg $0xFFFFFFFF  }
0xad: {  	[dreg:$0x0] =	wrdreg $0x60  }
0xae: {  	[dreg:$0x2] =	wrdreg s24  }
0xaf: {  	[dreg:$0x3] =	wrdreg s2  }
0xb0: {  	[dreg:$0x4] =	wrdreg $0x124400  }
0xb1: {  	[dreg:$0x5] =	wrdreg $0x88000  }
0xb2: {  	[dreg:$0x6] =	wrdreg $0x9  }
0xb3: {  	_ =	task.clear_ibuf [dreg:s7], $0x7FFFF;
	_ =	strace $0x9000004C  }
0xb4: {  	s29 =	simm.s32 $0x9;
	_ =	strace $0x8000004E  }
0xb5: {  	_ =	swait.ge [sflag:s29], $0x1  }
0xb6: {  	[sflag:s29] =	ssyncadd.s32 $0xFFFFFFFF  }
0xb7: {  	_ =	strace $0x9000004E  }
0xb8: {  	_ =	sfence  }
0xb9: {  	s30 =	sld [smem:$0x0];
	_ =	sdelay $0x2  }
0xba: {  	s31 =	sshll.u32 s1, $0xD;
	s1 =	sshrl.u32 s1, $0x2  }
0xbb: {  	s3 =	sand.u32 $0x4000, s31;
	s1 =	sadd.s32 s1, s30  }
0xbc: {  	s0 =	sor.u32 s3, s0;
	s1 =	sshll.u32 s1, $0x11  }
0xbd: {  	s0 =	sor.u32 s1, s0  }
0xbe: {  	s0 =	sadd.s32 $0x8F2B, s0  }
0xbf: {  	[sflag:s0] =	ssyncadd.remote.s32 $0x1  }
0xc0: {  	_ =	sfence.sel $0xFFFF  }
0xc1: {  	[dreg:$0x0] =	wrdreg $0xFFFFFFFF;
	(pc) =	sbr.abs _section_cstart, $3  }
0xc2: {  	[dreg:$0x1] =	wrdreg $0xFFFFFFFF  }
0xc3: {  	_ =	task.clear_ibuf [dreg:s7], $0x2FFFF;
	_ =	strace $0x9FFFFFFF  }
0xc4: {  	(tm) =	ssettm $0x7FFFFFFF  }
0xc5: {  	_ =	shalt  }
tec
execute0_lowered:
.L_overlay_start_1:
0x0: {  	(tag) =	ssettag $0x1  }
0x1: {  	s0 =	rddreg [dreg:$0x0]  }
0x2: {  	s1 =	srdreg.scid;
	s6 =	rddreg [dreg:$0x1]  }
0x3: {  	s14 =	stileid.u32;
	s2 =	rddreg [dreg:$0x2]  }
0x4: {  	s3 =	rddreg [dreg:$0x3];
	s4 =	simm.s32 $0x0;
	s20 =	simm.s32 $0x480  }
0x5: {  	s21 =	simm.s32 $0x180;
	s22 =	simm.s32 $0x580;
	s28 =	simm.s32 $0x800  }
0x6: {  	s29 =	simm.s32 $0x2800;
	s30 =	simm.s32 $0x300;
	s31 =	simm.s32 $0x700  }
0x7: {  	s1 =	sand.u32 $0x1, s1;
	s8 =	smul.u32 $0x9C40, s14;
	[smem:$0x7FF] =	sst s4  }
0x8: {  	s9 =	smul.u32 $0x9E00, s14;
	s11 =	sadd.s32 $0xBC00, s0;
	s25 =	sshll.u32 s14, $0x6  }
0x9: {  	s13 =	smul.u32 $0x5000, s14;
	_ =	strace $0x8000004D;
	[dreg:$0xc] =	wrdreg s25  }
0xa: {  	s12 =	sadd.s32 $0x1C00, s0;
	s14 =	smul.u32 $0xA00, s14;
	[dreg:$0x5] =	wrdreg s20  }
0xb: {  	s5 =	smul.u32 $0x9E000, s1;
	s1 =	ssub.s32 $0x2, s1;
	[dreg:$0x6] =	wrdreg s21  }
0xc: {  	s20 =	simm.s32 $0x400;
	s21 =	simm.s32 $0x100;
	[dreg:$0x7] =	wrdreg s22  }
0xd: {  	s22 =	simm.s32 $0x500;
	s23 =	sshrl.u32 s1, $0x1;
	s17 =	sadd.s32 s9, s2  }
0xe: {  	s24 =	sshrl.u32 s9, $0x3;
	s26 =	sshrl.u32 s13, $0x3;
	s7 =	sadd.s32 s8, s5  }
0xf: {  	s5 =	sadd.s32 s9, s5;
	s1 =	ssub.s32 s1, s23;
	s6 =	sadd.s32 s6, s24  }
0x10: {  	s8 =	sadd.s32 s8, s3;
	s13 =	sadd.s32 s12, s26;
	s17 =	sshrl.u32 s17, $0x3  }
0x11: {  	s23 =	simm.s32 $0x280;
	s24 =	simm.s32 $0x680;
	[dreg:$0xd] =	wrdreg s6  }
0x12: {  	s7 =	sshrl.u32 s7, $0x3;
	s5 =	sshrl.u32 s5, $0x3;
	[dreg:$0x10] =	wrdreg s13  }
0x13: {  	s6 =	sor.u32 $0x20, s26;
	s18 =	smax.u32 s1, $0x1;
	[dreg:$0x8] =	wrdreg s23  }
0x14: {  	s19 =	sshrl.u32 s8, $0x3;
	s23 =	simm.s32 $0x200;
	[dreg:$0x9] =	wrdreg s24  }
0x15: {  	s24 =	simm.s32 $0x600;
	s1 =	simm.s32 $0x4800;
	[dreg:$0x14] =	wrdreg s18  }
0x16: {  	s8 =	simm.s32 $0x4;
	s15 =	sadd.s32 s11, s6;
	[dreg:$0x15] =	wrdreg s19  }
0x17: {  	s10 =	sadd.s32 s7, s0;
	s16 =	sadd.s32 s12, s6;
	[dreg:$0x11] =	wrdreg s15  }
0x18: {  	s7 =	sor.u32 $0x1C01, s25;
	s25 =	simm.s32 $0x380;
	[dreg:$0x12] =	wrdreg s16  }
0x19: {  	s0 =	sadd.s32 s5, s0;
	s9 =	sadd.s32 $0x15C00, s10;
	[dreg:$0xa] =	wrdreg s25  }
0x1a: {  	s19 =	simm.s32 $0x1;
	s10 =	sadd.s32 s11, s26;
	[dreg:$0xe] =	wrdreg s9  }
0x1b: {  	s6 =	simm.s32 $0x2;
	s0 =	sadd.s32 $0x3D400, s0;
	[dreg:$0xf] =	wrdreg s10  }
0x1c: {  	s15 =	sadd.s32 s14, s12;
	s26 =	simm.s32 $0x780;
	[dreg:$0x13] =	wrdreg s0  }
0x1d: {  	s16 =	sadd.s32 s14, s11;
	s25 =	simm.s32 $0x3;
	[dreg:$0xb] =	wrdreg s26  }
0x1e: {  	s26 =	simm.s32 $0x80;
	s0 =	simm.s32 $0x6800;
	s9 =	simm.s32 $0x0  }
.LBB2_1:
0x1f: {  	s5 =	rddreg [dreg:$0xd]  }
0x20: {  	[spmem:s17], [sflag:s7] =	dma.local [hbm:s5], $0x13C0  }
0x21: {  	s5 =	rddreg [dreg:$0xe]  }
0x22: {  	s10 =	rddreg [dreg:$0x15]  }
0x23: {  	[spmem:s10], [sflag:s7] =	dma.local [hbm:s5], $0x1388  }
0x24: {  	_ =	swait.ge [sflag:s19], $0x13C0  }
0x25: {  	[sflag:s19] =	ssyncset.done $0x0  }
0x26: {  	[sflag:s19] =	ssyncadd.s32 $0xFFFFEC40  }
0x27: {  	_ =	swait.ge [sflag:s19], $0x1388  }
0x28: {  	[sflag:s19] =	ssyncset.done $0x0  }
0x29: {  	s11 =	rddreg [dreg:$0xf];
	[sflag:s19] =	ssyncadd.s32 $0xFFFFEC78  }
0x2a: {  	[tilespmem:s4], [sflag:$0x3] =	stream.linear.gather [hbm4b:s11+s4], $0x100, $0x38;
	[tilespmem:$0x1C240] =	vst v63  }
0x2b: {  	s12 =	rddreg [dreg:$0x10]  }
0x2c: {  	[tilespmem:s20], [sflag:$0x3] =	stream.linear.gather [hbm4b:s12+s4], $0x100, $0x38;
	[tilespmem:$0x1C240] =	vst v63  }
0x2d: {  	p0 =	por $0x1, $0x1;
	s13 =	rddreg [dreg:$0x11]  }
0x2e: {  	[tilespmem:s21], [sflag:$0x3] =	stream.linear.gather [hbm4b:s13+s4], $0x100, $0x38;
	[tilespmem:$0x1C240] =	vst v63  }
0x2f: {  	p0 =	por p0, p0;
	s14 =	rddreg [dreg:$0x12]  }
0x30: {  	[tilespmem:s22], [sflag:$0x3] =	stream.linear.gather [hbm4b:s14+s4], $0x100, $0x38;
	[tilespmem:$0x1C240] =	vst v63  }
0x31: {  	s10 =	simm.s32 @!p0 $0x2;
	[bflag:$0x0] =	sbarrier.arrive $0xFFFF  }
0x32: {  	_ =	swait.ge @!p0 [sflag:s10], $0x2000  }
0x33: {  	[sflag:s10] =	ssyncset.done @!p0 $0x0  }
0x34: {  	[sflag:s10] =	ssyncadd.s32 @!p0 $0xFFFFE000  }
0x35: {  	_ =	swait.ge @!p0 [sflag:s10], $0x2000  }
0x36: {  	s11 =	sadd.s32 $0x0, s16;
	[sflag:s10] =	ssyncset.done @!p0 $0x0  }
0x37: {  	s12 =	sadd.s32 $0x40, s11;
	s13 =	sadd.s32 $0x0, s15;
	[sflag:s10] =	ssyncadd.s32 @!p0 $0xFFFFE000  }
0x38: {  	[tilespmem:s23], [sflag:$0x3] =	stream.linear.gather [hbm4b:s12+s4], $0x100, $0x38;
	[tilespmem:$0x1C240] =	vst v63  }
0x39: {  	s18 =	sadd.s32 $0x40, s13  }
0x3a: {  	[tilespmem:s24], [sflag:$0x3] =	stream.linear.gather [hbm4b:s18+s4], $0x100, $0x38;
	[tilespmem:$0x1C240] =	vst v63  }
0x3b: {  	_ =	swait.ge [sflag:s25], $0x100  }
0x3c: {  	[sflag:s25] =	ssyncset.done $0x0  }
0x3d: {  	[sflag:s25] =	ssyncadd.s32 $0xFFFFFF00  }
0x3e: {  	_ =	swait.ge [sflag:s25], $0x100  }
0x3f: {  	[sflag:s25] =	ssyncset.done $0x0  }
0x40: {  	[sflag:s25] =	ssyncadd.s32 $0xFFFFFF00  }
0x41: {  	[tilespmem:s28], [sflag:$0x1] =	stream.indirect.gather [spmem:s3], $0x40, s4, s26, $0xb8;
	[tilespmem:$0x1C240] =	vst v63  }
0x42: {  	_ = 	snop  }
0x43: {  	[tilespmem:s29], [sflag:$0x1] =	stream.indirect.gather [spmem:s3], $0x40, s26, s26, $0xb8;
	[tilespmem:$0x1C240] =	vst v63  }
0x44: {  	_ =	swait.ge [sflag:s19], $0x2000  }
0x45: {  	[sflag:s19] =	ssyncset.done $0x0  }
0x46: {  	[sflag:s19] =	ssyncadd.s32 $0xFFFFE000  }
0x47: {  	[spmem:s2] =	stream.indirect.scatter.add.f32 [tilespmem:s28], [sflag:$0x2], $0x40, s20, s26, $0xb8;
	[tilespmem:$0x1C240] =	vst v63  }
0x48: {  	_ =	swait.ge [sflag:s19], $0x2000  }
0x49: {  	[sflag:s19] =	ssyncset.done $0x0  }
0x4a: {  	s5 =	rddreg [dreg:$0x5];
	[sflag:s19] =	ssyncadd.s32 $0xFFFFE000  }
0x4b: {  	[spmem:s2] =	stream.indirect.scatter.add.f32 [tilespmem:s29], [sflag:$0x2], $0x40, s5, s26, $0xb8;
	[tilespmem:$0x1C240] =	vst v63  }
0x4c: {  	_ =	swait.ge @!p0 [sflag:s10], $0x2000  }
0x4d: {  	[sflag:s10] =	ssyncset.done @!p0 $0x0  }
0x4e: {  	[sflag:s10] =	ssyncadd.s32 @!p0 $0xFFFFE000  }
0x4f: {  	_ =	swait.ge @!p0 [sflag:s10], $0x2000  }
0x50: {  	[sflag:s10] =	ssyncset.done @!p0 $0x0  }
0x51: {  	s12 =	sadd.s32 $0x60, s11;
	[sflag:s10] =	ssyncadd.s32 @!p0 $0xFFFFE000  }
0x52: {  	[tilespmem:s30], [sflag:$0x3] =	stream.linear.gather [hbm4b:s12+s4], $0x100, $0x38;
	[tilespmem:$0x1C240] =	vst v63  }
0x53: {  	s13 =	sadd.s32 $0x60, s13  }
0x54: {  	[tilespmem:s31], [sflag:$0x3] =	stream.linear.gather [hbm4b:s13+s4], $0x100, $0x38;
	[tilespmem:$0x1C240] =	vst v63  }
0x55: {  	_ =	swait.ge [sflag:s25], $0x100  }
0x56: {  	[sflag:s25] =	ssyncset.done $0x0  }
0x57: {  	[sflag:s25] =	ssyncadd.s32 $0xFFFFFF00  }
0x58: {  	_ =	swait.ge [sflag:s25], $0x100  }
0x59: {  	[sflag:s25] =	ssyncset.done $0x0  }
0x5a: {  	[sflag:s25] =	ssyncadd.s32 $0xFFFFFF00  }
0x5b: {  	[tilespmem:s1], [sflag:$0x1] =	stream.indirect.gather [spmem:s3], $0x40, s21, s26, $0xb8;
	[tilespmem:$0x1C240] =	vst v63  }
0x5c: {  	s14 =	rddreg [dreg:$0x6]  }
0x5d: {  	[tilespmem:s0], [sflag:$0x1] =	stream.indirect.gather [spmem:s3], $0x40, s14, s26, $0xb8;
	[tilespmem:$0x1C240] =	vst v63  }
0x5e: {  	_ =	swait.ge [sflag:s19], $0x2000  }
0x5f: {  	[sflag:s19] =	ssyncset.done $0x0  }
0x60: {  	[sflag:s19] =	ssyncadd.s32 $0xFFFFE000  }
0x61: {  	[spmem:s2] =	stream.indirect.scatter.add.f32 [tilespmem:s1], [sflag:$0x2], $0x40, s22, s26, $0xb8;
	[tilespmem:$0x1C240] =	vst v63  }
0x62: {  	_ =	swait.ge [sflag:s19], $0x2000  }
0x63: {  	[sflag:s19] =	ssyncset.done $0x0  }
0x64: {  	s18 =	rddreg [dreg:$0x7];
	[sflag:s19] =	ssyncadd.s32 $0xFFFFE000  }
0x65: {  	[spmem:s2] =	stream.indirect.scatter.add.f32 [tilespmem:s0], [sflag:$0x2], $0x40, s18, s26, $0xb8;
	[tilespmem:$0x1C240] =	vst v63  }
0x66: {  	_ =	swait.ge [sflag:s6], $0x2000  }
0x67: {  	[sflag:s6] =	ssyncset.done $0x0  }
0x68: {  	[sflag:s6] =	ssyncadd.s32 $0xFFFFE000  }
0x69: {  	p0 =	por $0x0, $0x0;
	_ =	swait.ge [sflag:s6], $0x2000  }
0x6a: {  	s10 =	sadd.s32 @!p0 $0x0, s16;
	s11 =	sadd.s32 @!p0 $0x0, s15;
	[sflag:s6] =	ssyncset.done $0x0  }
0x6b: {  	s12 =	sadd.s32 @!p0 $0x80, s10;
	s13 =	simm.s32 @!p0 $0x0;
	[sflag:s6] =	ssyncadd.s32 $0xFFFFE000  }
0x6c: {  	[tilespmem:s13], [sflag:$0x3] =	stream.linear.gather @!p0 [hbm4b:s12+s13], $0x100, $0x38;
	[tilespmem:$0x1C240] =	vst v63  }
0x6d: {  	s14 =	simm.s32 @!p0 $0x400;
	s12 =	sadd.s32 @!p0 $0x80, s11  }
0x6e: {  	[tilespmem:s14], [sflag:$0x3] =	stream.linear.gather @!p0 [hbm4b:s12+s13], $0x100, $0x38;
	[tilespmem:$0x1C240] =	vst v63  }
0x6f: {  	_ =	swait.ge [sflag:s25], $0x100  }
0x70: {  	[sflag:s25] =	ssyncset.done $0x0  }
0x71: {  	[sflag:s25] =	ssyncadd.s32 $0xFFFFFF00  }
0x72: {  	_ =	swait.ge [sflag:s25], $0x100  }
0x73: {  	[sflag:s25] =	ssyncset.done $0x0  }
0x74: {  	[sflag:s25] =	ssyncadd.s32 $0xFFFFFF00  }
0x75: {  	[tilespmem:s28], [sflag:$0x1] =	stream.indirect.gather [spmem:s3], $0x40, s23, s26, $0xb8;
	[tilespmem:$0x1C240] =	vst v63  }
0x76: {  	s5 =	rddreg [dreg:$0x8]  }
0x77: {  	[tilespmem:s29], [sflag:$0x1] =	stream.indirect.gather [spmem:s3], $0x40, s5, s26, $0xb8;
	[tilespmem:$0x1C240] =	vst v63  }
0x78: {  	_ =	swait.ge [sflag:s19], $0x2000  }
0x79: {  	[sflag:s19] =	ssyncset.done $0x0  }
0x7a: {  	[sflag:s19] =	ssyncadd.s32 $0xFFFFE000  }
0x7b: {  	[spmem:s2] =	stream.indirect.scatter.add.f32 [tilespmem:s28], [sflag:$0x2], $0x40, s24, s26, $0xb8;
	[tilespmem:$0x1C240] =	vst v63  }
0x7c: {  	_ =	swait.ge [sflag:s19], $0x2000  }
0x7d: {  	[sflag:s19] =	ssyncset.done $0x0  }
0x7e: {  	s14 =	rddreg [dreg:$0x9];
	[sflag:s19] =	ssyncadd.s32 $0xFFFFE000  }
0x7f: {  	[spmem:s2] =	stream.indirect.scatter.add.f32 [tilespmem:s29], [sflag:$0x2], $0x40, s14, s26, $0xb8;
	[tilespmem:$0x1C240] =	vst v63  }
0x80: {  	_ =	swait.ge [sflag:s6], $0x2000  }
0x81: {  	[sflag:s6] =	ssyncset.done $0x0  }
0x82: {  	[sflag:s6] =	ssyncadd.s32 $0xFFFFE000  }
0x83: {  	_ =	swait.ge [sflag:s6], $0x2000  }
0x84: {  	[sflag:s6] =	ssyncset.done $0x0  }
0x85: {  	s10 =	sadd.s32 @!p0 $0xA0, s10;
	s12 =	simm.s32 @!p0 $0x100;
	[sflag:s6] =	ssyncadd.s32 $0xFFFFE000  }
0x86: {  	[tilespmem:s12], [sflag:$0x3] =	stream.linear.gather @!p0 [hbm4b:s10+s13], $0x100, $0x38;
	[tilespmem:$0x1C240] =	vst v63  }
0x87: {  	s10 =	sadd.s32 @!p0 $0xA0, s11;
	s11 =	simm.s32 @!p0 $0x500  }
0x88: {  	[tilespmem:s11], [sflag:$0x3] =	stream.linear.gather @!p0 [hbm4b:s10+s13], $0x100, $0x38;
	[tilespmem:$0x1C240] =	vst v63  }
0x89: {  	_ =	swait.ge [sflag:s25], $0x100  }
0x8a: {  	[sflag:s25] =	ssyncset.done $0x0  }
0x8b: {  	[sflag:s25] =	ssyncadd.s32 $0xFFFFFF00  }
0x8c: {  	_ =	swait.ge [sflag:s25], $0x100  }
0x8d: {  	[sflag:s25] =	ssyncset.done $0x0  }
0x8e: {  	[sflag:s25] =	ssyncadd.s32 $0xFFFFFF00  }
0x8f: {  	[tilespmem:s1], [sflag:$0x1] =	stream.indirect.gather [spmem:s3], $0x40, s30, s26, $0xb8;
	[tilespmem:$0x1C240] =	vst v63  }
0x90: {  	s18 =	rddreg [dreg:$0xa]  }
0x91: {  	[tilespmem:s0], [sflag:$0x1] =	stream.indirect.gather [spmem:s3], $0x40, s18, s26, $0xb8;
	[tilespmem:$0x1C240] =	vst v63  }
0x92: {  	_ =	swait.ge [sflag:s19], $0x2000  }
0x93: {  	[sflag:s19] =	ssyncset.done $0x0  }
0x94: {  	[sflag:s19] =	ssyncadd.s32 $0xFFFFE000  }
0x95: {  	[spmem:s2] =	stream.indirect.scatter.add.f32 [tilespmem:s1], [sflag:$0x2], $0x40, s31, s26, $0xb8;
	[tilespmem:$0x1C240] =	vst v63  }
0x96: {  	p6 =	por $0x0, $0x0;
	_ =	swait.ge [sflag:s19], $0x2000  }
0x97: {  	s10 =	simm.s32 $0x80;
	s11 =	simm.s32 $0x100;
	[sflag:s19] =	ssyncset.done $0x0  }
0x98: {  	p0 =	por p6, p6;
	s12 =	rddreg [dreg:$0xb];
	[sflag:s19] =	ssyncadd.s32 $0xFFFFE000  }
.LBB2_2:
0x99: {  	[spmem:s2] =	stream.indirect.scatter.add.f32 [tilespmem:s0], [sflag:$0x2], $0x40, s12, s26, $0xb8;
	[tilespmem:$0x1C240] =	vst v63  }
0x9a: {  	s13 =	simm.s32 @!p0 $0x2  }
0x9b: {  	_ =	swait.ge @!p0 [sflag:s13], $0x2000  }
0x9c: {  	[sflag:s13] =	ssyncset.done @!p0 $0x0  }
0x9d: {  	[sflag:s13] =	ssyncadd.s32 @!p0 $0xFFFFE000  }
0x9e: {  	_ =	swait.ge @!p0 [sflag:s13], $0x2000  }
0x9f: {  	s14 =	sadd.s32 s10, s16;
	[sflag:s13] =	ssyncset.done @!p0 $0x0  }
0xa0: {  	s5 =	sadd.s32 s10, s15;
	s18 =	sadd.s32 $0x40, s14;
	[sflag:s13] =	ssyncadd.s32 @!p0 $0xFFFFE000  }
0xa1: {  	[tilespmem:s23], [sflag:$0x3] =	stream.linear.gather [hbm4b:s18+s4], $0x100, $0x38;
	[tilespmem:$0x1C240] =	vst v63  }
0xa2: {  	s18 =	sadd.s32 $0x40, s5  }
0xa3: {  	[tilespmem:s24], [sflag:$0x3] =	stream.linear.gather [hbm4b:s18+s4], $0x100, $0x38;
	[tilespmem:$0x1C240] =	vst v63  }
0xa4: {  	_ =	swait.ge [sflag:s25], $0x100  }
0xa5: {  	[sflag:s25] =	ssyncset.done $0x0  }
0xa6: {  	[sflag:s25] =	ssyncadd.s32 $0xFFFFFF00  }
0xa7: {  	_ =	swait.ge [sflag:s25], $0x100  }
0xa8: {  	[sflag:s25] =	ssyncset.done $0x0  }
0xa9: {  	[sflag:s25] =	ssyncadd.s32 $0xFFFFFF00  }
0xaa: {  	[tilespmem:s28], [sflag:$0x1] =	stream.indirect.gather [spmem:s3], $0x40, s4, s26, $0xb8;
	[tilespmem:$0x1C240] =	vst v63  }
0xab: {  	_ = 	snop  }
0xac: {  	[tilespmem:s29], [sflag:$0x1] =	stream.indirect.gather [spmem:s3], $0x40, s26, s26, $0xb8;
	[tilespmem:$0x1C240] =	vst v63  }
0xad: {  	_ =	swait.ge [sflag:s19], $0x2000  }
0xae: {  	[sflag:s19] =	ssyncset.done $0x0  }
0xaf: {  	[sflag:s19] =	ssyncadd.s32 $0xFFFFE000  }
0xb0: {  	[spmem:s2] =	stream.indirect.scatter.add.f32 [tilespmem:s28], [sflag:$0x2], $0x40, s20, s26, $0xb8;
	[tilespmem:$0x1C240] =	vst v63  }
0xb1: {  	_ =	swait.ge [sflag:s19], $0x2000  }
0xb2: {  	[sflag:s19] =	ssyncset.done $0x0  }
0xb3: {  	s18 =	rddreg [dreg:$0x5];
	[sflag:s19] =	ssyncadd.s32 $0xFFFFE000  }
0xb4: {  	[spmem:s2] =	stream.indirect.scatter.add.f32 [tilespmem:s29], [sflag:$0x2], $0x40, s18, s26, $0xb8;
	[tilespmem:$0x1C240] =	vst v63  }
0xb5: {  	_ =	swait.ge @!p0 [sflag:s13], $0x2000  }
0xb6: {  	[sflag:s13] =	ssyncset.done @!p0 $0x0  }
0xb7: {  	[sflag:s13] =	ssyncadd.s32 @!p0 $0xFFFFE000  }
0xb8: {  	_ =	swait.ge @!p0 [sflag:s13], $0x2000  }
0xb9: {  	[sflag:s13] =	ssyncset.done @!p0 $0x0  }
0xba: {  	s18 =	sadd.s32 $0x60, s14;
	[sflag:s13] =	ssyncadd.s32 @!p0 $0xFFFFE000  }
0xbb: {  	[tilespmem:s30], [sflag:$0x3] =	stream.linear.gather [hbm4b:s18+s4], $0x100, $0x38;
	[tilespmem:$0x1C240] =	vst v63  }
0xbc: {  	s5 =	sadd.s32 $0x60, s5  }
0xbd: {  	[tilespmem:s31], [sflag:$0x3] =	stream.linear.gather [hbm4b:s5+s4], $0x100, $0x38;
	[tilespmem:$0x1C240] =	vst v63  }
0xbe: {  	_ =	swait.ge [sflag:s25], $0x100  }
0xbf: {  	[sflag:s25] =	ssyncset.done $0x0  }
0xc0: {  	[sflag:s25] =	ssyncadd.s32 $0xFFFFFF00  }
0xc1: {  	_ =	swait.ge [sflag:s25], $0x100  }
0xc2: {  	[sflag:s25] =	ssyncset.done $0x0  }
0xc3: {  	[sflag:s25] =	ssyncadd.s32 $0xFFFFFF00  }
0xc4: {  	[tilespmem:s1], [sflag:$0x1] =	stream.indirect.gather [spmem:s3], $0x40, s21, s26, $0xb8;
	[tilespmem:$0x1C240] =	vst v63  }
0xc5: {  	s13 =	rddreg [dreg:$0x6]  }
0xc6: {  	[tilespmem:s0], [sflag:$0x1] =	stream.indirect.gather [spmem:s3], $0x40, s13, s26, $0xb8;
	[tilespmem:$0x1C240] =	vst v63  }
0xc7: {  	_ =	swait.ge [sflag:s19], $0x2000  }
0xc8: {  	[sflag:s19] =	ssyncset.done $0x0  }
0xc9: {  	[sflag:s19] =	ssyncadd.s32 $0xFFFFE000  }
0xca: {  	[spmem:s2] =	stream.indirect.scatter.add.f32 [tilespmem:s1], [sflag:$0x2], $0x40, s22, s26, $0xb8;
	[tilespmem:$0x1C240] =	vst v63  }
0xcb: {  	_ =	swait.ge [sflag:s19], $0x2000  }
0xcc: {  	[sflag:s19] =	ssyncset.done $0x0  }
0xcd: {  	s14 =	rddreg [dreg:$0x7];
	[sflag:s19] =	ssyncadd.s32 $0xFFFFE000  }
0xce: {  	[spmem:s2] =	stream.indirect.scatter.add.f32 [tilespmem:s0], [sflag:$0x2], $0x40, s14, s26, $0xb8;
	[tilespmem:$0x1C240] =	vst v63  }
0xcf: {  	_ =	swait.ge [sflag:s6], $0x2000  }
0xd0: {  	s12 =	smov.u32 s11;
	[sflag:s6] =	ssyncset.done $0x0  }
0xd1: {  	p2 =	seq.s32 s12, $0x0;
	[sflag:s6] =	ssyncadd.s32 $0xFFFFE000  }
0xd2: {  	p0 =	por p2, p2;
	p2 =	seq.s32 s10, $0x980;
	_ =	swait.ge [sflag:s6], $0x2000  }
0xd3: {  	s5 =	sadd.s32 @!p2 s10, s16;
	s10 =	sadd.s32 @!p2 s10, s15;
	[sflag:s6] =	ssyncset.done $0x0  }
0xd4: {  	s13 =	simm.s32 @!p2 $0x0;
	s14 =	sadd.s32 @!p2 $0x80, s5;
	[sflag:s6] =	ssyncadd.s32 $0xFFFFE000  }
0xd5: {  	[tilespmem:s13], [sflag:$0x3] =	stream.linear.gather @!p2 [hbm4b:s14+s13], $0x100, $0x38;
	[tilespmem:$0x1C240] =	vst v63  }
0xd6: {  	s18 =	simm.s32 @!p2 $0x400;
	s14 =	sadd.s32 @!p2 $0x80, s10  }
0xd7: {  	[tilespmem:s18], [sflag:$0x3] =	stream.linear.gather @!p2 [hbm4b:s14+s13], $0x100, $0x38;
	[tilespmem:$0x1C240] =	vst v63  }
0xd8: {  	_ =	swait.ge [sflag:s25], $0x100  }
0xd9: {  	[sflag:s25] =	ssyncset.done $0x0  }
0xda: {  	[sflag:s25] =	ssyncadd.s32 $0xFFFFFF00  }
0xdb: {  	_ =	swait.ge [sflag:s25], $0x100  }
0xdc: {  	[sflag:s25] =	ssyncset.done $0x0  }
0xdd: {  	[sflag:s25] =	ssyncadd.s32 $0xFFFFFF00  }
0xde: {  	[tilespmem:s28], [sflag:$0x1] =	stream.indirect.gather [spmem:s3], $0x40, s23, s26, $0xb8;
	[tilespmem:$0x1C240] =	vst v63  }
0xdf: {  	s18 =	rddreg [dreg:$0x8]  }
0xe0: {  	[tilespmem:s29], [sflag:$0x1] =	stream.indirect.gather [spmem:s3], $0x40, s18, s26, $0xb8;
	[tilespmem:$0x1C240] =	vst v63  }
0xe1: {  	_ =	swait.ge [sflag:s19], $0x2000  }
0xe2: {  	[sflag:s19] =	ssyncset.done $0x0  }
0xe3: {  	[sflag:s19] =	ssyncadd.s32 $0xFFFFE000  }
0xe4: {  	[spmem:s2] =	stream.indirect.scatter.add.f32 [tilespmem:s28], [sflag:$0x2], $0x40, s24, s26, $0xb8;
	[tilespmem:$0x1C240] =	vst v63  }
0xe5: {  	_ =	swait.ge [sflag:s19], $0x2000  }
0xe6: {  	[sflag:s19] =	ssyncset.done $0x0  }
0xe7: {  	s18 =	rddreg [dreg:$0x9];
	[sflag:s19] =	ssyncadd.s32 $0xFFFFE000  }
0xe8: {  	[spmem:s2] =	stream.indirect.scatter.add.f32 [tilespmem:s29], [sflag:$0x2], $0x40, s18, s26, $0xb8;
	[tilespmem:$0x1C240] =	vst v63  }
0xe9: {  	_ =	swait.ge [sflag:s6], $0x2000  }
0xea: {  	[sflag:s6] =	ssyncset.done $0x0  }
0xeb: {  	[sflag:s6] =	ssyncadd.s32 $0xFFFFE000  }
0xec: {  	_ =	swait.ge [sflag:s6], $0x2000  }
0xed: {  	s5 =	sadd.s32 @!p2 $0xA0, s5;
	s14 =	sadd.s32 @!p2 $0xA0, s10;
	[sflag:s6] =	ssyncset.done $0x0  }
0xee: {  	s10 =	smov.u32 s12;
	s12 =	simm.s32 @!p2 $0x100;
	[sflag:s6] =	ssyncadd.s32 $0xFFFFE000  }
0xef: {  	[tilespmem:s12], [sflag:$0x3] =	stream.linear.gather @!p2 [hbm4b:s5+s13], $0x100, $0x38;
	[tilespmem:$0x1C240] =	vst v63  }
0xf0: {  	s5 =	simm.s32 @!p2 $0x500  }
0xf1: {  	[tilespmem:s5], [sflag:$0x3] =	stream.linear.gather @!p2 [hbm4b:s14+s13], $0x100, $0x38;
	[tilespmem:$0x1C240] =	vst v63  }
0xf2: {  	_ =	swait.ge [sflag:s25], $0x100  }
0xf3: {  	[sflag:s25] =	ssyncset.done $0x0  }
0xf4: {  	[sflag:s25] =	ssyncadd.s32 $0xFFFFFF00  }
0xf5: {  	_ =	swait.ge [sflag:s25], $0x100  }
0xf6: {  	[sflag:s25] =	ssyncset.done $0x0  }
0xf7: {  	[sflag:s25] =	ssyncadd.s32 $0xFFFFFF00  }
0xf8: {  	[tilespmem:s1], [sflag:$0x1] =	stream.indirect.gather [spmem:s3], $0x40, s30, s26, $0xb8;
	[tilespmem:$0x1C240] =	vst v63  }
0xf9: {  	s18 =	rddreg [dreg:$0xa]  }
0xfa: {  	[tilespmem:s0], [sflag:$0x1] =	stream.indirect.gather [spmem:s3], $0x40, s18, s26, $0xb8;
	[tilespmem:$0x1C240] =	vst v63  }
0xfb: {  	s11 =	sadd.s32 $0x80, s11;
	_ =	swait.ge [sflag:s19], $0x2000  }
0xfc: {  	p1 =	sne.s32 s11, $0xA00;
	[sflag:s19] =	ssyncset.done $0x0  }
.Ltmp0:
0xfd: {  	[sflag:s19] =	ssyncadd.s32 $0xFFFFE000;
	(pc) =	sbr.rel @p1 .LBB2_2-.Ltmp0, $4  }
0xfe: {  	[spmem:s2] =	stream.indirect.scatter.add.f32 [tilespmem:s1], [sflag:$0x2], $0x40, s31, s26, $0xb8;
	[tilespmem:$0x1C240] =	vst v63  }
0xff: {  	_ =	swait.ge [sflag:s19], $0x2000  }
0x100: {  	[sflag:s19] =	ssyncset.done $0x0  }
0x101: {  	s12 =	rddreg [dreg:$0xb];
	[sflag:s19] =	ssyncadd.s32 $0xFFFFE000  }
0x102: {  	[spmem:s2] =	stream.indirect.scatter.add.f32 [tilespmem:s0], [sflag:$0x2], $0x40, s12, s26, $0xb8;
	[tilespmem:$0x1C240] =	vst v63  }
0x103: {  	s5 =	simm.s32 @!p0 $0x2  }
0x104: {  	_ =	swait.ge @!p0 [sflag:s5], $0x2000  }
0x105: {  	[sflag:s5] =	ssyncset.done @!p0 $0x0  }
0x106: {  	[sflag:s5] =	ssyncadd.s32 @!p0 $0xFFFFE000  }
0x107: {  	_ =	swait.ge @!p0 [sflag:s5], $0x2000  }
0x108: {  	s11 =	sadd.s32 s10, s16;
	[sflag:s5] =	ssyncset.done @!p0 $0x0  }
0x109: {  	s13 =	sadd.s32 s10, s15;
	s14 =	sadd.s32 $0x40, s11;
	[sflag:s5] =	ssyncadd.s32 @!p0 $0xFFFFE000  }
0x10a: {  	[tilespmem:s23], [sflag:$0x3] =	stream.linear.gather [hbm4b:s14+s4], $0x100, $0x38;
	[tilespmem:$0x1C240] =	vst v63  }
0x10b: {  	s18 =	sadd.s32 $0x40, s13  }
0x10c: {  	[tilespmem:s24], [sflag:$0x3] =	stream.linear.gather [hbm4b:s18+s4], $0x100, $0x38;
	[tilespmem:$0x1C240] =	vst v63  }
0x10d: {  	_ =	swait.ge [sflag:s25], $0x100  }
0x10e: {  	[sflag:s25] =	ssyncset.done $0x0  }
0x10f: {  	[sflag:s25] =	ssyncadd.s32 $0xFFFFFF00  }
0x110: {  	_ =	swait.ge [sflag:s25], $0x100  }
0x111: {  	[sflag:s25] =	ssyncset.done $0x0  }
0x112: {  	[sflag:s25] =	ssyncadd.s32 $0xFFFFFF00  }
0x113: {  	[tilespmem:s28], [sflag:$0x1] =	stream.indirect.gather [spmem:s3], $0x40, s4, s26, $0xb8;
	[tilespmem:$0x1C240] =	vst v63  }
0x114: {  	_ = 	snop  }
0x115: {  	[tilespmem:s29], [sflag:$0x1] =	stream.indirect.gather [spmem:s3], $0x40, s26, s26, $0xb8;
	[tilespmem:$0x1C240] =	vst v63  }
0x116: {  	_ =	swait.ge [sflag:s19], $0x2000  }
0x117: {  	[sflag:s19] =	ssyncset.done $0x0  }
0x118: {  	[sflag:s19] =	ssyncadd.s32 $0xFFFFE000  }
0x119: {  	[spmem:s2] =	stream.indirect.scatter.add.f32 [tilespmem:s28], [sflag:$0x2], $0x40, s20, s26, $0xb8;
	[tilespmem:$0x1C240] =	vst v63  }
0x11a: {  	_ =	swait.ge [sflag:s19], $0x2000  }
0x11b: {  	[sflag:s19] =	ssyncset.done $0x0  }
0x11c: {  	s14 =	rddreg [dreg:$0x5];
	[sflag:s19] =	ssyncadd.s32 $0xFFFFE000  }
0x11d: {  	[spmem:s2] =	stream.indirect.scatter.add.f32 [tilespmem:s29], [sflag:$0x2], $0x40, s14, s26, $0xb8;
	[tilespmem:$0x1C240] =	vst v63  }
0x11e: {  	_ =	swait.ge @!p0 [sflag:s5], $0x2000  }
0x11f: {  	[sflag:s5] =	ssyncset.done @!p0 $0x0  }
0x120: {  	[sflag:s5] =	ssyncadd.s32 @!p0 $0xFFFFE000  }
0x121: {  	_ =	swait.ge @!p0 [sflag:s5], $0x2000  }
0x122: {  	[sflag:s5] =	ssyncset.done @!p0 $0x0  }
0x123: {  	s18 =	sadd.s32 $0x60, s11;
	[sflag:s5] =	ssyncadd.s32 @!p0 $0xFFFFE000  }
0x124: {  	[tilespmem:s30], [sflag:$0x3] =	stream.linear.gather [hbm4b:s18+s4], $0x100, $0x38;
	[tilespmem:$0x1C240] =	vst v63  }
0x125: {  	s11 =	sadd.s32 $0x60, s13  }
0x126: {  	[tilespmem:s31], [sflag:$0x3] =	stream.linear.gather [hbm4b:s11+s4], $0x100, $0x38;
	[tilespmem:$0x1C240] =	vst v63  }
0x127: {  	_ =	swait.ge [sflag:s25], $0x100  }
0x128: {  	[sflag:s25] =	ssyncset.done $0x0  }
0x129: {  	[sflag:s25] =	ssyncadd.s32 $0xFFFFFF00  }
0x12a: {  	_ =	swait.ge [sflag:s25], $0x100  }
0x12b: {  	[sflag:s25] =	ssyncset.done $0x0  }
0x12c: {  	[sflag:s25] =	ssyncadd.s32 $0xFFFFFF00  }
0x12d: {  	[tilespmem:s1], [sflag:$0x1] =	stream.indirect.gather [spmem:s3], $0x40, s21, s26, $0xb8;
	[tilespmem:$0x1C240] =	vst v63  }
0x12e: {  	s12 =	rddreg [dreg:$0x6]  }
0x12f: {  	[tilespmem:s0], [sflag:$0x1] =	stream.indirect.gather [spmem:s3], $0x40, s12, s26, $0xb8;
	[tilespmem:$0x1C240] =	vst v63  }
0x130: {  	_ =	swait.ge [sflag:s19], $0x2000  }
0x131: {  	[sflag:s19] =	ssyncset.done $0x0  }
0x132: {  	[sflag:s19] =	ssyncadd.s32 $0xFFFFE000  }
0x133: {  	[spmem:s2] =	stream.indirect.scatter.add.f32 [tilespmem:s1], [sflag:$0x2], $0x40, s22, s26, $0xb8;
	[tilespmem:$0x1C240] =	vst v63  }
0x134: {  	_ =	swait.ge [sflag:s19], $0x2000  }
0x135: {  	[sflag:s19] =	ssyncset.done $0x0  }
0x136: {  	s13 =	rddreg [dreg:$0x7];
	[sflag:s19] =	ssyncadd.s32 $0xFFFFE000  }
0x137: {  	[spmem:s2] =	stream.indirect.scatter.add.f32 [tilespmem:s0], [sflag:$0x2], $0x40, s13, s26, $0xb8;
	[tilespmem:$0x1C240] =	vst v63  }
0x138: {  	_ =	swait.ge [sflag:s6], $0x2000  }
0x139: {  	[sflag:s6] =	ssyncset.done $0x0  }
0x13a: {  	[sflag:s6] =	ssyncadd.s32 $0xFFFFE000  }
0x13b: {  	p0 =	seq.s32 s10, $0x980;
	_ =	swait.ge [sflag:s6], $0x2000  }
0x13c: {  	s5 =	sadd.s32 @!p0 s10, s16;
	s10 =	sadd.s32 @!p0 s10, s15;
	[sflag:s6] =	ssyncset.done $0x0  }
0x13d: {  	s11 =	sadd.s32 @!p0 $0x80, s5;
	s12 =	simm.s32 @!p0 $0x0;
	[sflag:s6] =	ssyncadd.s32 $0xFFFFE000  }
0x13e: {  	[tilespmem:s12], [sflag:$0x3] =	stream.linear.gather @!p0 [hbm4b:s11+s12], $0x100, $0x38;
	[tilespmem:$0x1C240] =	vst v63  }
0x13f: {  	s13 =	simm.s32 @!p0 $0x400;
	s11 =	sadd.s32 @!p0 $0x80, s10  }
0x140: {  	[tilespmem:s13], [sflag:$0x3] =	stream.linear.gather @!p0 [hbm4b:s11+s12], $0x100, $0x38;
	[tilespmem:$0x1C240] =	vst v63  }
0x141: {  	_ =	swait.ge [sflag:s25], $0x100  }
0x142: {  	[sflag:s25] =	ssyncset.done $0x0  }
0x143: {  	[sflag:s25] =	ssyncadd.s32 $0xFFFFFF00  }
0x144: {  	_ =	swait.ge [sflag:s25], $0x100  }
0x145: {  	[sflag:s25] =	ssyncset.done $0x0  }
0x146: {  	[sflag:s25] =	ssyncadd.s32 $0xFFFFFF00  }
0x147: {  	[tilespmem:s28], [sflag:$0x1] =	stream.indirect.gather [spmem:s3], $0x40, s23, s26, $0xb8;
	[tilespmem:$0x1C240] =	vst v63  }
0x148: {  	s14 =	rddreg [dreg:$0x8]  }
0x149: {  	[tilespmem:s29], [sflag:$0x1] =	stream.indirect.gather [spmem:s3], $0x40, s14, s26, $0xb8;
	[tilespmem:$0x1C240] =	vst v63  }
0x14a: {  	_ =	swait.ge [sflag:s19], $0x2000  }
0x14b: {  	[sflag:s19] =	ssyncset.done $0x0  }
0x14c: {  	[sflag:s19] =	ssyncadd.s32 $0xFFFFE000  }
0x14d: {  	[spmem:s2] =	stream.indirect.scatter.add.f32 [tilespmem:s28], [sflag:$0x2], $0x40, s24, s26, $0xb8;
	[tilespmem:$0x1C240] =	vst v63  }
0x14e: {  	_ =	swait.ge [sflag:s19], $0x2000  }
0x14f: {  	[sflag:s19] =	ssyncset.done $0x0  }
0x150: {  	s18 =	rddreg [dreg:$0x9];
	[sflag:s19] =	ssyncadd.s32 $0xFFFFE000  }
0x151: {  	[spmem:s2] =	stream.indirect.scatter.add.f32 [tilespmem:s29], [sflag:$0x2], $0x40, s18, s26, $0xb8;
	[tilespmem:$0x1C240] =	vst v63  }
0x152: {  	_ =	swait.ge [sflag:s6], $0x2000  }
0x153: {  	[sflag:s6] =	ssyncset.done $0x0  }
0x154: {  	[sflag:s6] =	ssyncadd.s32 $0xFFFFE000  }
0x155: {  	_ =	swait.ge [sflag:s6], $0x2000  }
0x156: {  	[sflag:s6] =	ssyncset.done $0x0  }
0x157: {  	s5 =	sadd.s32 @!p0 $0xA0, s5;
	s11 =	simm.s32 @!p0 $0x100;
	[sflag:s6] =	ssyncadd.s32 $0xFFFFE000  }
0x158: {  	[tilespmem:s11], [sflag:$0x3] =	stream.linear.gather @!p0 [hbm4b:s5+s12], $0x100, $0x38;
	[tilespmem:$0x1C240] =	vst v63  }
0x159: {  	s5 =	sadd.s32 @!p0 $0xA0, s10;
	s10 =	simm.s32 @!p0 $0x500  }
0x15a: {  	[tilespmem:s10], [sflag:$0x3] =	stream.linear.gather @!p0 [hbm4b:s5+s12], $0x100, $0x38;
	[tilespmem:$0x1C240] =	vst v63  }
0x15b: {  	_ =	swait.ge [sflag:s25], $0x100  }
0x15c: {  	[sflag:s25] =	ssyncset.done $0x0  }
0x15d: {  	[sflag:s25] =	ssyncadd.s32 $0xFFFFFF00  }
0x15e: {  	_ =	swait.ge [sflag:s25], $0x100  }
0x15f: {  	[sflag:s25] =	ssyncset.done $0x0  }
0x160: {  	[sflag:s25] =	ssyncadd.s32 $0xFFFFFF00  }
0x161: {  	[tilespmem:s1], [sflag:$0x1] =	stream.indirect.gather [spmem:s3], $0x40, s30, s26, $0xb8;
	[tilespmem:$0x1C240] =	vst v63  }
0x162: {  	s11 =	rddreg [dreg:$0xa]  }
0x163: {  	[tilespmem:s0], [sflag:$0x1] =	stream.indirect.gather [spmem:s3], $0x40, s11, s26, $0xb8;
	[tilespmem:$0x1C240] =	vst v63  }
0x164: {  	_ =	swait.ge [sflag:s19], $0x2000  }
0x165: {  	[sflag:s19] =	ssyncset.done $0x0  }
0x166: {  	[sflag:s19] =	ssyncadd.s32 $0xFFFFE000  }
0x167: {  	[spmem:s2] =	stream.indirect.scatter.add.f32 [tilespmem:s1], [sflag:$0x2], $0x40, s31, s26, $0xb8;
	[tilespmem:$0x1C240] =	vst v63  }
0x168: {  	_ =	swait.ge [sflag:s19], $0x2000  }
0x169: {  	[sflag:s19] =	ssyncset.done $0x0  }
0x16a: {  	s12 =	rddreg [dreg:$0xb];
	[sflag:s19] =	ssyncadd.s32 $0xFFFFE000  }
0x16b: {  	[spmem:s2] =	stream.indirect.scatter.add.f32 [tilespmem:s0], [sflag:$0x2], $0x40, s12, s26, $0xb8;
	[tilespmem:$0x1C240] =	vst v63  }
0x16c: {  	_ =	swait.ge [sflag:s6], $0x2000  }
0x16d: {  	[sflag:s6] =	ssyncset.done $0x0  }
0x16e: {  	[sflag:s6] =	ssyncadd.s32 $0xFFFFE000  }
0x16f: {  	_ =	swait.ge [sflag:s6], $0x2000  }
0x170: {  	[sflag:s6] =	ssyncset.done $0x0  }
0x171: {  	[sflag:s6] =	ssyncadd.s32 $0xFFFFE000  }
0x172: {  	_ =	swait.ge [sflag:s6], $0x2000  }
0x173: {  	[sflag:s6] =	ssyncset.done $0x0  }
0x174: {  	[sflag:s6] =	ssyncadd.s32 $0xFFFFE000  }
0x175: {  	_ =	swait.ge [sflag:s6], $0x2000  }
0x176: {  	[sflag:s6] =	ssyncset.done $0x0  }
0x177: {  	[sflag:s6] =	ssyncadd.s32 $0xFFFFE000  }
0x178: {  	[bflag:$0x0] =	sbarrier.arrive $0xFFFF  }
0x179: {  	s13 =	rddreg [dreg:$0xc]  }
0x17a: {  	s14 =	rddreg [dreg:$0x13];
	s5 =	sor.u32 $0x1C04, s13  }
0x17b: {  	[hbm:s14], [sflag:s5] =	dma.local [spmem:s17], $0x13C0  }
0x17c: {  	_ =	swait.ge [sflag:s8], $0x13C0  }
0x17d: {  	s9 =	sadd.s32 $0x1, s9;
	s18 =	rddreg [dreg:$0x14]  }
0x17e: {  	p0 =	sne.s32 s9, s18  }
.Ltmp1:
0x17f: {  	_ = 	snop;
	(pc) =	sbr.rel @p0 .LBB2_1-.Ltmp1, $3  }
0x180: {  	_ =	sdelay $0x1  }
0x181: {  	[sflag:s8] =	ssyncset.done $0x0  }
0x182: {  	[sflag:s8] =	ssyncadd.s32 $0xFFFFEC40  }
0x183: {  	_ =	sfence.sel $0x180000  }
0x184: {  	[bflag:$0x0] =	sbarrier.arrive $0xFFFF  }
0x185: {  	_ =	strace $0x9000004D  }
0x186: {  	s0 =	stileid.u32;
	[bflag:$0x2] =	sbarrier.arrive $0xFFFF  }
0x187: {  	p0 =	sne.s32 s0, $0x0;
	s0 =	rddreg [dreg:$0x4]  }
0x188: {  	s0 =	sadd.s32 @!p0 $0x100000, s0  }
0x189: {  	[sflag:s0] =	ssyncadd.tile.s32 @!p0 $0x1;
	_ =	shalt  }
.Lfunc_end2:
_tile_overlayer_lowered:
.L_overlay_start_2:
0x18a: {  	(tag) =	ssettag $0x2  }
0x18b: {  	s0 =	rddreg [dreg:$0x0];
	s2 =	stileid.u32  }
0x18c: {  	s1 =	rddreg [dreg:$0x1];
	p0 =	sne.s32 s2, $0x0  }
0x18d: {  	s3 =	rddreg [dreg:$0x2];
	[bflag:$0x3] =	sbarrier.arrive $0xFFFF;
	s2 =	simm.s32 @!p0 $0x1C04  }
0x18e: {  	[timem:s3], [sflag:s2] =	dma.local @!p0 [hbm:s0], s1  }
0x18f: {  	s0 =	simm.s32 @!p0 $0x4  }
0x190: {  	_ =	swait.ge @!p0 [sflag:s0], s1  }
0x191: {  	s1 =	ssub.s32 @!p0 $0x0, s1;
	[sflag:s0] =	ssyncset.done @!p0 $0x0  }
0x192: {  	[sflag:s0] =	ssyncadd.s32 @!p0 s1  }
0x193: {  	[bflag:$0x3] =	sbarrier.arrive $0xFFFF  }
0x194: {  	_ =	shalt  }

// kernel: kernel.9.cloned.1.call-start
scs
__scs_entry_jumppad:
0x0: {  	(pc) =	sbr.rel $0x88, $3  }
0x1: {  	(tag) =	ssettag $0x0;
	lr =	simm.s32 $0x1  }
0x2: {  	[smem:$0x3F9B] =	sst lr;
	_ =	strace $0xD0000000  }
0x3: {  	_ = 	snop  }
0x4: {  	_ = 	snop  }
0x5: {  	_ = 	snop  }
0x6: {  	_ = 	snop  }
0x7: {  	_ = 	snop  }
__scs_overlays_trampoline_lowered:
0x8: {  	[smem:$0x3FAA] =	sst s0  }
0x9: {  	[smem:$0x3FAB] =	sst s1  }
0xa: {  	[smem:$0x3FAC] =	sst s2  }
0xb: {  	[smem:$0x3FAD] =	sst s3  }
0xc: {  	[smem:$0x3FAE] =	sst s4  }
0xd: {  	[smem:$0x3FAF] =	sst s5  }
0xe: {  	[smem:$0x3FB0] =	sst s6  }
0xf: {  	[smem:$0x3FB1] =	sst s7  }
0x10: {  	[smem:$0x3FB2] =	sst s8  }
0x11: {  	[smem:$0x3FB3] =	sst s9;
	s0 =	simm.s32 @!p0 $0x0  }
0x12: {  	s1 =	sld [smem:$0x3F99];
	s0 =	simm.s32 @p0 $0x1  }
0x13: {  	[smem:$0x3FB4] =	sst s0;
	s0 =	simm.s32 @!p1 $0x0  }
0x14: {  	s2 =	sld [smem:$0x3F98];
	s0 =	simm.s32 @p1 $0x1  }
0x15: {  	[smem:$0x3FB5] =	sst s0;
	s0 =	simm.s32 @!p2 $0x0  }
0x16: {  	s3 =	sld [smem:$0x3FDB];
	s0 =	simm.s32 @p2 $0x1  }
0x17: {  	s4 =	simm.s32 $0x1BF5;
	[smem:$0x3FB7] =	sst s0  }
0x18: {  	s0 =	sld [smem:$0x3F9A];
	_ =	swait.ge [sflag:s4], $0x0  }
0x19: {  	s7 =	sld [smem:$0x3F9B]  }
0x1a: {  	s8 =	sadd.s32 $0xFFFFE003, lr  }
0x1b: {  	s9 =	sadd.s32 $0xFFFFFEF7, lr;
	s5 =	simm.s32 $0xFFFFFFFF;
	p2 =	slt.u32 s8, $0xFFFFF086  }
0x1c: {  	p1 =	slt.u32 s9, $0xF7A;
	s5 =	simm.s32 @!p2 $0x0  }
0x1d: {  	s5 =	simm.s32 @p1 $0x1;
	p0 =	seq.s32 s7, s2  }
0x1e: {  	s7 =	smul.u32 @!p0 $0xF7A, s2;
	p2 =	seq.s32 @!p0 s5, $0x0  }
0x1f: {  	s9 =	smul.u32 $0xF7A, s1;
	s8 =	simm.s32 @!p0 $0x1BF5;
	p2 =	por !p2, p0  }
0x20: {  	[sflag:s8] =	ssyncset.s32 @!p0 $0xFFFFF086;
	s6 =	sadd.s32 @!p0 s3, s7;
	s7 =	simm.s32 @!p0 $0x108  }
0x21: {  	s3 =	sadd.s32 s3, s9;
	s6 =	sadd.s32 @!p0 $0x88, s6;
	s7 =	simm.s32 @p2 $0x1082  }
0x22: {  	[simem:s7], [sflag:s8] =	dma.local @!p0 [hbm:s6], $0xF7A  }
0x23: {  	s9 =	sor.u32 $0xD0000000, s2;
	s6 =	simm.s32 $0x108;
	_ =	swait.ge @!p0 [sflag:s8], $0x0  }
0x24: {  	s3 =	sadd.s32 $0x88, s3;
	s6 =	simm.s32 @!p1 $0x1082;
	[sflag:s4] =	ssyncset.s32 $0xFFFFF086  }
0x25: {  	[simem:s6], [sflag:s4] =	dma.local [hbm:s3], $0xF7A  }
0x26: {  	[smem:$0x3F9B] =	sst s1;
	(tag) =	ssettag s2;
	_ =	strace s9  }
0x27: {  	s1 =	sld [smem:$0x3FAB]  }
0x28: {  	s2 =	sld [smem:$0x3FAC]  }
0x29: {  	s4 =	sld [smem:$0x3FAE]  }
0x2a: {  	p0 =	seq.s32 s5, $0x0;
	s5 =	sld [smem:$0x3FAF]  }
0x2b: {  	s6 =	sld [smem:$0x3FB0]  }
0x2c: {  	s7 =	sld [smem:$0x3FB1]  }
0x2d: {  	s3 =	simm.s32 $0x108;
	s8 =	sld [smem:$0x3FB2]  }
0x2e: {  	s3 =	simm.s32 @!p0 $0x1082;
	s9 =	sld [smem:$0x3FB3]  }
0x2f: {  	lr =	sadd.s32 s0, s3;
	s0 =	sld [smem:$0x3FAA]  }
0x30: {  	s3 =	sld [smem:$0x3FAD]  }
0x31: {  	[smem:$0x3FB6] =	sst s10  }
0x32: {  	s10 =	sld [smem:$0x3FB4];
	_ =	sdelay $0x3  }
0x33: {  	p0 =	seq.s32 s10, $0x1;
	s10 =	sld [smem:$0x3FB6];
	_ =	sdelay $0x3  }
0x34: {  	[smem:$0x3FB6] =	sst s10  }
0x35: {  	s10 =	sld [smem:$0x3FB5];
	_ =	sdelay $0x3  }
0x36: {  	p1 =	seq.s32 s10, $0x1;
	s10 =	sld [smem:$0x3FB6];
	_ =	sdelay $0x3  }
0x37: {  	[smem:$0x3FB6] =	sst s10  }
0x38: {  	s10 =	sld [smem:$0x3FB7]  }
0x39: {  	_ = 	snop;
	(pc) =	sbr.ind lr, $3  }
0x3a: {  	_ = 	snop  }
0x3b: {  	_ = 	snop  }
0x3c: {  	p2 =	seq.s32 s10, $0x1;
	s10 =	sld [smem:$0x3FB6]  }
0x3d: {  	_ =	shalt  }
0x3e: {  	_ =	shalt  }
0x3f: {  	_ =	shalt  }
0x40: {  	_ =	shalt  }
0x41: {  	_ =	shalt  }
0x42: {  	_ =	shalt  }
0x43: {  	_ =	shalt  }
0x44: {  	_ =	shalt  }
0x45: {  	_ =	shalt  }
0x46: {  	_ =	shalt  }
0x47: {  	_ =	shalt  }
0x48: {  	_ =	shalt  }
0x49: {  	_ =	shalt  }
0x4a: {  	_ =	shalt  }
0x4b: {  	_ =	shalt  }
0x4c: {  	_ =	shalt  }
0x4d: {  	_ =	shalt  }
0x4e: {  	_ =	shalt  }
0x4f: {  	_ =	shalt  }
0x50: {  	_ =	shalt  }
0x51: {  	_ =	shalt  }
0x52: {  	_ =	shalt  }
0x53: {  	_ =	shalt  }
0x54: {  	_ =	shalt  }
0x55: {  	_ =	shalt  }
0x56: {  	_ =	shalt  }
0x57: {  	_ =	shalt  }
0x58: {  	_ =	shalt  }
0x59: {  	_ =	shalt  }
0x5a: {  	_ =	shalt  }
0x5b: {  	_ =	shalt  }
0x5c: {  	_ =	shalt  }
0x5d: {  	_ =	shalt  }
0x5e: {  	_ =	shalt  }
0x5f: {  	_ =	shalt  }
0x60: {  	_ =	shalt  }
0x61: {  	_ =	shalt  }
0x62: {  	_ =	shalt  }
0x63: {  	_ =	shalt  }
0x64: {  	_ =	shalt  }
0x65: {  	_ =	shalt  }
0x66: {  	_ =	shalt  }
0x67: {  	_ =	shalt  }
0x68: {  	_ =	shalt  }
0x69: {  	_ =	shalt  }
0x6a: {  	_ =	shalt  }
0x6b: {  	_ =	shalt  }
0x6c: {  	_ =	shalt  }
0x6d: {  	_ =	shalt  }
0x6e: {  	_ =	shalt  }
0x6f: {  	_ =	shalt  }
0x70: {  	_ =	shalt  }
0x71: {  	_ =	shalt  }
0x72: {  	_ =	shalt  }
0x73: {  	_ =	shalt  }
0x74: {  	_ =	shalt  }
0x75: {  	_ =	shalt  }
0x76: {  	_ =	shalt  }
0x77: {  	_ =	shalt  }
0x78: {  	_ =	shalt  }
0x79: {  	_ =	shalt  }
0x7a: {  	_ =	shalt  }
0x7b: {  	_ =	shalt  }
0x7c: {  	_ =	shalt  }
0x7d: {  	_ =	shalt  }
0x7e: {  	_ =	shalt  }
0x7f: {  	_ =	shalt  }
0x80: {  	_ =	shalt  }
0x81: {  	_ =	shalt  }
0x82: {  	_ =	shalt  }
0x83: {  	_ =	shalt  }
0x84: {  	_ =	shalt  }
0x85: {  	_ =	shalt  }
0x86: {  	_ =	shalt  }
0x87: {  	_ =	shalt  }
.Lfunc_end0:
.L_simem_size_0:
called_computation_lowered:
.L_overlay_start_0:
0x88: {  	s2 =	sld [smem:$0x3FD9]  }
0x89: {  	s3 =	sld [smem:$0x3FFE];
	_ =	sdelay $0x1  }
0x8a: {  	s1 =	srdreg.scid  }
0x8b: {  	s0 =	sand.u32 $0x1, s1  }
0x8c: {  	s17 =	sshll.u32 s0, $0xA;
	s2 =	sadd.s32 s3, s2  }
0x8d: {  	s2 =	sadd.s32 s2, s17  }
0x8e: {  	[smem:$0x3FC2] =	sst s2  }
0x8f: {  	_ = 	snop  }
0x90: {  	s2 =	sld [smem:$0x3FD0];
	(tm) =	ssettm $0x1  }
0x91: {  	s18 =	sld [smem:$0x3FFB];
	_ =	sdelay $0x3  }
0x92: {  	_ =	strace s18  }
0x93: {  	s3 =	sld [smem:$0x3FFC];
	_ =	sdelay $0x3  }
0x94: {  	_ =	strace s3  }
0x95: {  	s3 =	sld [smem:$0x3FFD];
	_ =	sdelay $0x3  }
0x96: {  	_ =	strace s3  }
0x97: {  	_ =	strace $0x8FFFFFFF  }
0x98: {  	s19 =	sld [smem:$0x3FDB];
	_ =	sdelay $0x1  }
0x99: {  	s4 =	simm.s32 $_scs_section_size  }
0x9a: {  	s5 =	simm.s32 $_size__tile_overlayer_lowered;
	s6 =	simm.s32 $_tile_overlayer_lowered  }
0x9b: {  	s22 =	simm.s32 $0x1BFF;
	s21 =	sshll.u32 s6, $0x1;
	s3 =	sadd.s32 s4, s19  }
0x9c: {  	s7 =	simm.s32 $0x0;
	s20 =	sshll.u32 s5, $0x1;
	s5 =	sadd.s32 s21, s3  }
0x9d: {  	[timem:s7], [sflag:s22] =	dma.local [hbm:s5], s20  }
0x9e: {  	_ =	swait.ge [sflag:s22], s20  }
0x9f: {  	s4 =	ssub.s32 $0x0, s20;
	[sflag:s22] =	ssyncset.done $0x0  }
0xa0: {  	[sflag:s22] =	ssyncadd.s32 s4;
	_ =	sdelay $0x1  }
0xa1: {  	s23 =	simm.s32 $0x1B8B  }
0xa2: {  	_ =	swait.ge [sflag:s23], $0x1  }
0xa3: {  	[sflag:s23] =	ssyncset.done $0x0  }
0xa4: {  	s25 =	simm.s32 $0x1B8E;
	s24 =	sld [smem:$0x3FFE];
	[sflag:s23] =	ssyncadd.s32 $0xFFFFFFFF  }
0xa5: {  	s26 =	simm.s32 $execute0_lowered;
	[smem:$0x3FD2] =	sst s25  }
0xa6: {  	s5 =	sshll.u32 s26, $0x1;
	_ =	strace $0x80000046;
	[dreg:$0x1] =	wrdreg $0xFFFFFFFF  }
0xa7: {  	s28 =	simm.s32 $_size_execute0_lowered;
	s3 =	sadd.s32 s3, s5;
	[dreg:$0x0] =	wrdreg $0x0  }
0xa8: {  	s5 =	sshll.u32 s28, $0x1;
	[dreg:$0x2] =	wrdreg s3  }
0xa9: {  	[dreg:$0x3] =	wrdreg s5  }
0xaa: {  	[dreg:$0x4] =	wrdreg $0xC0  }
0xab: {  	_ =	task [dreg:s7], $0x5FFFF  }
0xac: {  	[dreg:$0x1] =	wrdreg $0xFFFFFFFF  }
0xad: {  	[dreg:$0x0] =	wrdreg $0x60  }
0xae: {  	[dreg:$0x2] =	wrdreg s24  }
0xaf: {  	[dreg:$0x3] =	wrdreg s2  }
0xb0: {  	[dreg:$0x4] =	wrdreg $0x58000  }
0xb1: {  	[dreg:$0x5] =	wrdreg $0x7F800  }
0xb2: {  	[dreg:$0x6] =	wrdreg $0x9  }
0xb3: {  	_ =	task.clear_ibuf [dreg:s7], $0x7FFFF;
	_ =	strace $0x90000046  }
0xb4: {  	s29 =	simm.s32 $0x9;
	_ =	strace $0x80000048  }
0xb5: {  	_ =	swait.ge [sflag:s29], $0x1  }
0xb6: {  	[sflag:s29] =	ssyncadd.s32 $0xFFFFFFFF  }
0xb7: {  	_ =	strace $0x90000048  }
0xb8: {  	_ =	sfence  }
0xb9: {  	s30 =	sld [smem:$0x0];
	_ =	sdelay $0x2  }
0xba: {  	s31 =	sshll.u32 s1, $0xD;
	s1 =	sshrl.u32 s1, $0x2  }
0xbb: {  	s3 =	sand.u32 $0x4000, s31;
	s1 =	sadd.s32 s1, s30  }
0xbc: {  	s0 =	sor.u32 s3, s0;
	s1 =	sshll.u32 s1, $0x11  }
0xbd: {  	s0 =	sor.u32 s1, s0  }
0xbe: {  	s0 =	sadd.s32 $0x8F2B, s0  }
0xbf: {  	[sflag:s0] =	ssyncadd.remote.s32 $0x1  }
0xc0: {  	_ =	sfence.sel $0xFFFF  }
0xc1: {  	[dreg:$0x0] =	wrdreg $0xFFFFFFFF;
	(pc) =	sbr.abs _section_cstart, $3  }
0xc2: {  	[dreg:$0x1] =	wrdreg $0xFFFFFFFF  }
0xc3: {  	_ =	task.clear_ibuf [dreg:s7], $0x2FFFF;
	_ =	strace $0x9FFFFFFF  }
0xc4: {  	(tm) =	ssettm $0x7FFFFFFF  }
0xc5: {  	_ =	shalt  }
tec
execute0_lowered:
.L_overlay_start_1:
0x0: {  	(tag) =	ssettag $0x1  }
0x1: {  	s5 =	rddreg [dreg:$0x0]  }
0x2: {  	s8 =	rddreg [dreg:$0x1]  }
0x3: {  	s1 =	srdreg.scid;
	s2 =	rddreg [dreg:$0x2]  }
0x4: {  	s0 =	stileid.u32;
	s3 =	rddreg [dreg:$0x3]  }
0x5: {  	s4 =	simm.s32 $0x0;
	s16 =	simm.s32 $0x80;
	s17 =	simm.s32 $0x5000  }
0x6: {  	s19 =	simm.s32 $0x2;
	s20 =	simm.s32 $0x0;
	s7 =	smul.u32 $0x5000, s0  }
0x7: {  	s6 =	sand.u32 $0x1, s1;
	s1 =	rddreg [dreg:$0x4];
	s31 =	smul.u32 $0x2780, s0  }
0x8: {  	[smem:$0x7FF] =	sst s4;
	s18 =	sshll.u32 s0, $0x6;
	s9 =	smul.u32 $0x2800, s6  }
0x9: {  	s10 =	smul.u32 $0x27800, s6;
	_ =	strace $0x80000047;
	s6 =	ssub.s32 $0x2, s6  }
0xa: {  	s11 =	sshrl.u32 s31, $0x3;
	s12 =	sshrl.u32 s6, $0x1;
	s14 =	sadd.s32 s31, s2  }
0xb: {  	s15 =	sadd.s32 s31, s3;
	s7 =	sadd.s32 s9, s7;
	s10 =	sadd.s32 s31, s10  }
0xc: {  	s11 =	sadd.s32 s11, s5;
	s12 =	ssub.s32 s6, s12;
	s14 =	sshrl.u32 s14, $0x3  }
0xd: {  	s15 =	sshrl.u32 s15, $0x3;
	s7 =	sshrl.u32 s7, $0x3;
	s10 =	sshrl.u32 s10, $0x3  }
0xe: {  	s7 =	sadd.s32 s7, s5;
	s13 =	sadd.s32 s10, s5;
	s8 =	sadd.s32 s8, s10  }
0xf: {  	s10 =	smax.u32 s12, $0x1;
	s12 =	simm.s32 $0x2800;
	s5 =	sadd.s32 $0xBC00, s7  }
0x10: {  	s6 =	sadd.s32 $0x1C00, s7;
	s7 =	sadd.s32 $0x15C00, s11;
	s9 =	sadd.s32 $0x1AC00, s13  }
0x11: {  	v0 =	vimm.f32 $1.000000000e+00;
	s11 =	simm.s32 $0x1;
	s13 =	sor.u32 $0x1C01, s18;
	s18 =	sor.u32 $0x1C02, s18  }
.LBB2_1:
0x12: {  	[tilespmem:s4], [sflag:$0x1] =	stream.linear.gather [hbm4b:s5+s4], $0x2800, $0x38;
	[tilespmem:$0xA700] =	vst v63  }
0x13: {  	_ =	swait.ge [sflag:s11], $0x2800  }
0x14: {  	[sflag:s11] =	ssyncset.done $0x0  }
0x15: {  	[sflag:s11] =	ssyncadd.s32 $0xFFFFD800  }
0x16: {  	[tilespmem:s12], [sflag:$0x1] =	stream.linear.gather [hbm4b:s6+s4], $0x2800, $0x38;
	[tilespmem:$0xA700] =	vst v63  }
0x17: {  	_ =	swait.ge [sflag:s11], $0x2800  }
0x18: {  	[sflag:s11] =	ssyncset.done $0x0  }
0x19: {  	s21 =	simm.s32 $0x40;
	s22 =	simm.s32 $0x0;
	[sflag:s11] =	ssyncadd.s32 $0xFFFFD800  }
.LBB2_2:
0x1a: {  	p0 =	sne.s32 s21, $0x1FC0;
	[tilespmem:s22+$0x5000] =	vst v0;
	s22 =	smov.u32 s21;
	s21 =	sadd.s32 $0x40, s21  }
.Ltmp0:
0x1b: {  	(pc) =	sbr.rel @p0 .LBB2_2-.Ltmp0, $2  }
0x1c: {  	_ =	sdelay $0x2  }
0x1d: {  	s22 =	sshra.s32 s22, $0x2  }
0x1e: {  	[tilespmem:s22+$0x5000] =	vst v0  }
0x1f: {  	[spmem:s14], [sflag:s13] =	dma.local [hbm:s7], $0x4F0  }
0x20: {  	[spmem:s15], [sflag:s13] =	dma.local [hbm:s7], $0x4F0  }
0x21: {  	_ =	swait.ge [sflag:s11], $0x4F0  }
0x22: {  	[sflag:s11] =	ssyncset.done $0x0  }
0x23: {  	[sflag:s11] =	ssyncadd.s32 $0xFFFFFB10  }
0x24: {  	_ =	swait.ge [sflag:s11], $0x4F0  }
0x25: {  	[sflag:s11] =	ssyncset.done $0x0  }
0x26: {  	[sflag:s11] =	ssyncadd.s32 $0xFFFFFB10  }
0x27: {  	s21 =	simm.s32 $0x0;
	[bflag:$0x0] =	sbarrier.arrive $0xFFFF  }
0x28: {  	[spmem:s2] =	stream.indirect.scatter.add.f32 [tilespmem:s17], [sflag:$0x1], $0x10, s21, s16, $0xb8;
	[tilespmem:$0xA700] =	vst v63  }
0x29: {  	s24 =	simm.s32 $0x2800  }
0x2a: {  	[spmem:s3] =	stream.indirect.scatter.add.f32 [tilespmem:s17], [sflag:$0x1], $0x10, s24, s16, $0xb8;
	[tilespmem:$0xA700] =	vst v63  }
0x2b: {  	s25 =	simm.s32 $0x80  }
0x2c: {  	[spmem:s2] =	stream.indirect.scatter.add.f32 [tilespmem:s17], [sflag:$0x1], $0x10, s25, s16, $0xb8;
	[tilespmem:$0xA700] =	vst v63  }
0x2d: {  	s26 =	simm.s32 $0x2880  }
0x2e: {  	[spmem:s3] =	stream.indirect.scatter.add.f32 [tilespmem:s17], [sflag:$0x1], $0x10, s26, s16, $0xb8;
	[tilespmem:$0xA700] =	vst v63  }
0x2f: {  	s28 =	simm.s32 $0x100  }
0x30: {  	[spmem:s2] =	stream.indirect.scatter.add.f32 [tilespmem:s17], [sflag:$0x1], $0x10, s28, s16, $0xb8;
	[tilespmem:$0xA700] =	vst v63  }
0x31: {  	s29 =	simm.s32 $0x2900  }
0x32: {  	[spmem:s3] =	stream.indirect.scatter.add.f32 [tilespmem:s17], [sflag:$0x1], $0x10, s29, s16, $0xb8;
	[tilespmem:$0xA700] =	vst v63  }
0x33: {  	s30 =	simm.s32 $0x180  }
0x34: {  	[spmem:s2] =	stream.indirect.scatter.add.f32 [tilespmem:s17], [sflag:$0x1], $0x10, s30, s16, $0xb8;
	[tilespmem:$0xA700] =	vst v63  }
0x35: {  	s31 =	simm.s32 $0x2980  }
0x36: {  	[spmem:s3] =	stream.indirect.scatter.add.f32 [tilespmem:s17], [sflag:$0x1], $0x10, s31, s16, $0xb8;
	[tilespmem:$0xA700] =	vst v63  }
0x37: {  	_ =	swait.ge [sflag:s11], $0x800  }
0x38: {  	[sflag:s11] =	ssyncset.done $0x0  }
0x39: {  	[sflag:s11] =	ssyncadd.s32 $0xFFFFF800  }
0x3a: {  	_ =	swait.ge [sflag:s11], $0x800  }
0x3b: {  	[sflag:s11] =	ssyncset.done $0x0  }
0x3c: {  	[sflag:s11] =	ssyncadd.s32 $0xFFFFF800  }
0x3d: {  	_ =	swait.ge [sflag:s11], $0x800  }
0x3e: {  	[sflag:s11] =	ssyncset.done $0x0  }
0x3f: {  	[sflag:s11] =	ssyncadd.s32 $0xFFFFF800  }
0x40: {  	_ =	swait.ge [sflag:s11], $0x800  }
0x41: {  	[sflag:s11] =	ssyncset.done $0x0  }
0x42: {  	[sflag:s11] =	ssyncadd.s32 $0xFFFFF800  }
0x43: {  	_ =	swait.ge [sflag:s11], $0x800  }
0x44: {  	[sflag:s11] =	ssyncset.done $0x0  }
0x45: {  	[sflag:s11] =	ssyncadd.s32 $0xFFFFF800  }
0x46: {  	_ =	swait.ge [sflag:s11], $0x800  }
0x47: {  	[sflag:s11] =	ssyncset.done $0x0  }
0x48: {  	[sflag:s11] =	ssyncadd.s32 $0xFFFFF800  }
0x49: {  	_ =	swait.ge [sflag:s11], $0x800  }
0x4a: {  	[sflag:s11] =	ssyncset.done $0x0  }
0x4b: {  	[sflag:s11] =	ssyncadd.s32 $0xFFFFF800  }
0x4c: {  	_ =	swait.ge [sflag:s11], $0x800  }
0x4d: {  	s23 =	simm.s32 $0x1000;
	s21 =	simm.s32 $0x800;
	[sflag:s11] =	ssyncset.done $0x0  }
.LBB2_4:
0x4e: {  	s24 =	sshra.s32 s21, $0x2  }
0x4f: {  	[sflag:s11] =	ssyncadd.s32 $0xFFFFF800;
	s21 =	smov.u32 s23;
	s22 =	sadd.s32 $0x800, s23  }
0x50: {  	[spmem:s2] =	stream.indirect.scatter.add.f32 [tilespmem:s17], [sflag:$0x1], $0x10, s24, s16, $0xb8;
	[tilespmem:$0xA700] =	vst v63  }
0x51: {  	p0 =	sne.s32 s23, $0x9800;
	s23 =	sadd.s32 $0x2800, s24  }
0x52: {  	[spmem:s3] =	stream.indirect.scatter.add.f32 [tilespmem:s17], [sflag:$0x1], $0x10, s23, s16, $0xb8;
	[tilespmem:$0xA700] =	vst v63  }
0x53: {  	s23 =	sadd.s32 $0x80, s24  }
0x54: {  	[spmem:s2] =	stream.indirect.scatter.add.f32 [tilespmem:s17], [sflag:$0x1], $0x10, s23, s16, $0xb8;
	[tilespmem:$0xA700] =	vst v63  }
0x55: {  	s23 =	sadd.s32 $0x2880, s24  }
0x56: {  	[spmem:s3] =	stream.indirect.scatter.add.f32 [tilespmem:s17], [sflag:$0x1], $0x10, s23, s16, $0xb8;
	[tilespmem:$0xA700] =	vst v63  }
0x57: {  	s23 =	sadd.s32 $0x100, s24  }
0x58: {  	[spmem:s2] =	stream.indirect.scatter.add.f32 [tilespmem:s17], [sflag:$0x1], $0x10, s23, s16, $0xb8;
	[tilespmem:$0xA700] =	vst v63  }
0x59: {  	s23 =	sadd.s32 $0x2900, s24  }
0x5a: {  	[spmem:s3] =	stream.indirect.scatter.add.f32 [tilespmem:s17], [sflag:$0x1], $0x10, s23, s16, $0xb8;
	[tilespmem:$0xA700] =	vst v63  }
0x5b: {  	s23 =	sadd.s32 $0x180, s24  }
0x5c: {  	[spmem:s2] =	stream.indirect.scatter.add.f32 [tilespmem:s17], [sflag:$0x1], $0x10, s23, s16, $0xb8;
	[tilespmem:$0xA700] =	vst v63  }
0x5d: {  	s23 =	sadd.s32 $0x2980, s24  }
0x5e: {  	[spmem:s3] =	stream.indirect.scatter.add.f32 [tilespmem:s17], [sflag:$0x1], $0x10, s23, s16, $0xb8;
	[tilespmem:$0xA700] =	vst v63  }
0x5f: {  	_ =	swait.ge [sflag:s11], $0x800  }
0x60: {  	[sflag:s11] =	ssyncset.done $0x0  }
0x61: {  	[sflag:s11] =	ssyncadd.s32 $0xFFFFF800  }
0x62: {  	_ =	swait.ge [sflag:s11], $0x800  }
0x63: {  	[sflag:s11] =	ssyncset.done $0x0  }
0x64: {  	[sflag:s11] =	ssyncadd.s32 $0xFFFFF800  }
0x65: {  	_ =	swait.ge [sflag:s11], $0x800  }
0x66: {  	[sflag:s11] =	ssyncset.done $0x0  }
0x67: {  	[sflag:s11] =	ssyncadd.s32 $0xFFFFF800  }
0x68: {  	_ =	swait.ge [sflag:s11], $0x800  }
0x69: {  	[sflag:s11] =	ssyncset.done $0x0  }
0x6a: {  	[sflag:s11] =	ssyncadd.s32 $0xFFFFF800  }
0x6b: {  	_ =	swait.ge [sflag:s11], $0x800  }
0x6c: {  	[sflag:s11] =	ssyncset.done $0x0  }
0x6d: {  	[sflag:s11] =	ssyncadd.s32 $0xFFFFF800  }
0x6e: {  	_ =	swait.ge [sflag:s11], $0x800  }
0x6f: {  	[sflag:s11] =	ssyncset.done $0x0  }
0x70: {  	[sflag:s11] =	ssyncadd.s32 $0xFFFFF800  }
.Ltmp1:
0x71: {  	_ =	swait.ge [sflag:s11], $0x800;
	(pc) =	sbr.rel @p0 .LBB2_4-.Ltmp1, $4  }
0x72: {  	[sflag:s11] =	ssyncset.done $0x0  }
0x73: {  	[sflag:s11] =	ssyncadd.s32 $0xFFFFF800  }
0x74: {  	_ =	swait.ge [sflag:s11], $0x800  }
0x75: {  	s23 =	smov.u32 s22;
	[sflag:s11] =	ssyncset.done $0x0  }
0x76: {  	s21 =	sshra.s32 s21, $0x2;
	[sflag:s11] =	ssyncadd.s32 $0xFFFFF800  }
0x77: {  	[spmem:s2] =	stream.indirect.scatter.add.f32 [tilespmem:s17], [sflag:$0x1], $0x10, s21, s16, $0xb8;
	[tilespmem:$0xA700] =	vst v63  }
0x78: {  	s22 =	sadd.s32 $0x2800, s21  }
0x79: {  	[spmem:s3] =	stream.indirect.scatter.add.f32 [tilespmem:s17], [sflag:$0x1], $0x10, s22, s16, $0xb8;
	[tilespmem:$0xA700] =	vst v63  }
0x7a: {  	s26 =	sadd.s32 $0x80, s21  }
0x7b: {  	[spmem:s2] =	stream.indirect.scatter.add.f32 [tilespmem:s17], [sflag:$0x1], $0x10, s26, s16, $0xb8;
	[tilespmem:$0xA700] =	vst v63  }
0x7c: {  	s28 =	sadd.s32 $0x2880, s21  }
0x7d: {  	[spmem:s3] =	stream.indirect.scatter.add.f32 [tilespmem:s17], [sflag:$0x1], $0x10, s28, s16, $0xb8;
	[tilespmem:$0xA700] =	vst v63  }
0x7e: {  	s29 =	sadd.s32 $0x100, s21  }
0x7f: {  	[spmem:s2] =	stream.indirect.scatter.add.f32 [tilespmem:s17], [sflag:$0x1], $0x10, s29, s16, $0xb8;
	[tilespmem:$0xA700] =	vst v63  }
0x80: {  	s30 =	sadd.s32 $0x2900, s21  }
0x81: {  	[spmem:s3] =	stream.indirect.scatter.add.f32 [tilespmem:s17], [sflag:$0x1], $0x10, s30, s16, $0xb8;
	[tilespmem:$0xA700] =	vst v63  }
0x82: {  	s31 =	sadd.s32 $0x180, s21  }
0x83: {  	[spmem:s2] =	stream.indirect.scatter.add.f32 [tilespmem:s17], [sflag:$0x1], $0x10, s31, s16, $0xb8;
	[tilespmem:$0xA700] =	vst v63  }
0x84: {  	s21 =	sadd.s32 $0x2980, s21  }
0x85: {  	[spmem:s3] =	stream.indirect.scatter.add.f32 [tilespmem:s17], [sflag:$0x1], $0x10, s21, s16, $0xb8;
	[tilespmem:$0xA700] =	vst v63  }
0x86: {  	_ =	swait.ge [sflag:s11], $0x800  }
0x87: {  	[sflag:s11] =	ssyncset.done $0x0  }
0x88: {  	[sflag:s11] =	ssyncadd.s32 $0xFFFFF800  }
0x89: {  	_ =	swait.ge [sflag:s11], $0x800  }
0x8a: {  	[sflag:s11] =	ssyncset.done $0x0  }
0x8b: {  	[sflag:s11] =	ssyncadd.s32 $0xFFFFF800  }
0x8c: {  	_ =	swait.ge [sflag:s11], $0x800  }
0x8d: {  	[sflag:s11] =	ssyncset.done $0x0  }
0x8e: {  	[sflag:s11] =	ssyncadd.s32 $0xFFFFF800  }
0x8f: {  	_ =	swait.ge [sflag:s11], $0x800  }
0x90: {  	[sflag:s11] =	ssyncset.done $0x0  }
0x91: {  	[sflag:s11] =	ssyncadd.s32 $0xFFFFF800  }
0x92: {  	_ =	swait.ge [sflag:s11], $0x800  }
0x93: {  	[sflag:s11] =	ssyncset.done $0x0  }
0x94: {  	[sflag:s11] =	ssyncadd.s32 $0xFFFFF800  }
0x95: {  	_ =	swait.ge [sflag:s11], $0x800  }
0x96: {  	[sflag:s11] =	ssyncset.done $0x0  }
0x97: {  	[sflag:s11] =	ssyncadd.s32 $0xFFFFF800  }
0x98: {  	_ =	swait.ge [sflag:s11], $0x800  }
0x99: {  	[sflag:s11] =	ssyncset.done $0x0  }
0x9a: {  	[sflag:s11] =	ssyncadd.s32 $0xFFFFF800  }
0x9b: {  	_ =	swait.ge [sflag:s11], $0x800  }
0x9c: {  	[sflag:s11] =	ssyncset.done $0x0  }
0x9d: {  	[sflag:s11] =	ssyncadd.s32 $0xFFFFF800  }
0x9e: {  	[bflag:$0x0] =	sbarrier.arrive $0xFFFF  }
0x9f: {  	[hbm:s8], [sflag:s18] =	dma.local [spmem:s14], $0x4F0  }
0xa0: {  	s20 =	sadd.s32 $0x1, s20;
	_ =	swait.ge [sflag:s19], $0x4F0  }
0xa1: {  	p0 =	sne.s32 s20, s10;
	[sflag:s19] =	ssyncset.done $0x0  }
.Ltmp2:
0xa2: {  	[sflag:s19] =	ssyncadd.s32 $0xFFFFFB10;
	(pc) =	sbr.rel @p0 .LBB2_1-.Ltmp2, $4  }
0xa3: {  	[hbm:s9], [sflag:s18] =	dma.local [spmem:s15], $0x4F0  }
0xa4: {  	_ =	swait.ge [sflag:s19], $0x4F0  }
0xa5: {  	[sflag:s19] =	ssyncset.done $0x0  }
0xa6: {  	[sflag:s19] =	ssyncadd.s32 $0xFFFFFB10  }
0xa7: {  	_ =	sfence.sel $0x180000  }
0xa8: {  	[bflag:$0x0] =	sbarrier.arrive $0xFFFF  }
0xa9: {  	p0 =	sne.s32 s0, $0x0;
	_ =	strace $0x90000047  }
0xaa: {  	s0 =	sadd.s32 @!p0 $0x100000, s1;
	[bflag:$0x2] =	sbarrier.arrive $0xFFFF  }
0xab: {  	[sflag:s0] =	ssyncadd.tile.s32 @!p0 $0x1;
	_ =	shalt  }
.Lfunc_end2:
_tile_overlayer_lowered:
.L_overlay_start_2:
0xac: {  	(tag) =	ssettag $0x2  }
0xad: {  	s0 =	rddreg [dreg:$0x0];
	s2 =	stileid.u32  }
0xae: {  	s1 =	rddreg [dreg:$0x1];
	p0 =	sne.s32 s2, $0x0  }
0xaf: {  	s3 =	rddreg [dreg:$0x2];
	[bflag:$0x3] =	sbarrier.arrive $0xFFFF;
	s2 =	simm.s32 @!p0 $0x1C02  }
0xb0: {  	[timem:s3], [sflag:s2] =	dma.local @!p0 [hbm:s0], s1  }
0xb1: {  	s0 =	simm.s32 @!p0 $0x2  }
0xb2: {  	_ =	swait.ge @!p0 [sflag:s0], s1  }
0xb3: {  	s1 =	ssub.s32 @!p0 $0x0, s1;
	[sflag:s0] =	ssyncset.done @!p0 $0x0  }
0xb4: {  	[sflag:s0] =	ssyncadd.s32 @!p0 s1  }
0xb5: {  	[bflag:$0x3] =	sbarrier.arrive $0xFFFF  }
0xb6: {  	_ =	shalt  }

</sc_bundles>
